<compile_context>
chip_gen: v7x
topology: tpu7x:2x2x1
jax: 0.10.2.dev20260603
libtpu: 0.0.44.dev20260713+nightly
codegen_flags: <defaults>
</compile_context>

<pallas_src>
import functools

import jax
import jax.numpy as jnp
from jax import lax
from jax.experimental import pallas as pl
from jax.experimental.pallas import tpu as pltpu
from jax.experimental.pallas import tpu_sc as plsc

_N = 10000
_NP = 10240
_D = 128
_DH = 64
_C = 40
_E = 320000
_EP = 327680
_CHUNK = 128
_SLABS = 16
_CPS = _EP // _SLABS // _CHUNK
_RPT = _NP // 16
_BLK = 256
_GRID = _NP // _BLK


def _zero_vmem(ref, nrows, ncols):
    zero = jnp.zeros((16,), jnp.float32)

    def body(i, _):
        for j in range(ncols // 16):
            ref[i, pl.ds(j * 16, 16)] = zero
        return 0

    lax.fori_loop(0, nrows, body, 0)


def _sc_deg_body(dst_hbm, out_hbm, idx_d, ones_v, bounce, acc):
    c = lax.axis_index("c")
    s = lax.axis_index("s")

    pltpu.sync_copy(dst_hbm.at[s].at[pl.ds(c * (_CPS // 2), _CPS // 2)], idx_d)

    one = jnp.ones((16,), jnp.float32)

    def fill(i, _):
        ones_v[i, :] = one
        return 0

    lax.fori_loop(0, _CHUNK, fill, 0)
    _zero_vmem(bounce, 128, 16)
    for r in range(_RPT // 128):
        pltpu.sync_copy(bounce, acc.at[pl.ds(s * _RPT + r * 128, 128)])
    plsc.subcore_barrier()

    def body(j, _):
        pltpu.sync_copy(ones_v, acc.at[idx_d.at[j]], add=True)
        return 0

    lax.fori_loop(0, _CPS // 2, body, 0)
    plsc.subcore_barrier()

    for r in range(_RPT // 128):
        rows = pl.ds(s * _RPT + r * 128, 128)
        pltpu.sync_copy(acc.at[rows], bounce)
        pltpu.sync_copy(bounce, out_hbm.at[c].at[rows])


def _sc_deg(dst3):
    return pl.kernel(
        _sc_deg_body,
        out_type=jax.ShapeDtypeStruct((2, _NP, 16), jnp.float32),
        mesh=plsc.VectorSubcoreMesh(core_axis_name="c", subcore_axis_name="s"),
        scratch_types=[
            pltpu.VMEM((_CPS // 2, _CHUNK), jnp.int32),
            pltpu.VMEM((_CHUNK, 16), jnp.float32),
            pltpu.VMEM((128, 16), jnp.float32),
            pltpu.VMEM_SHARED((_NP, 16), jnp.float32),
        ],
    )(dst3)


def _sc_agg_body(src_hbm, dst_hbm, ga_hbm, gb_hbm, out_hbm,
                 idx_s, idx_d, r0, r1, r2, r3, acc, g0, g1):
    c = lax.axis_index("c")
    s = lax.axis_index("s")
    rows_v = (r0, r1, r2, r3)
    gsem = (g0, g1)

    pltpu.sync_copy(src_hbm.at[s], idx_s.at[pl.ds(0, _CPS)])
    pltpu.sync_copy(dst_hbm.at[s], idx_d)

    zero_i = jnp.zeros((16,), jnp.int32)

    def ztail(i, _):
        for j in range(_CHUNK // 16):
            idx_s[_CPS + i, pl.ds(j * 16, 16)] = zero_i
        return 0

    lax.fori_loop(0, 2, ztail, 0)

    _zero_vmem(r0, _CHUNK, _DH)
    for r in range(_RPT // _CHUNK):
        pltpu.sync_copy(r0, acc.at[pl.ds(s * _RPT + r * _CHUNK, _CHUNK)])
    plsc.subcore_barrier()

    def run(g_hbm):
        def gat(j, b):
            pltpu.async_copy(g_hbm.at[idx_s.at[j]], rows_v[b], gsem[b // 2])

        def gat_wait(j, b):
            pltpu.make_async_copy(
                g_hbm.at[idx_s.at[j]], rows_v[b], gsem[b // 2]).wait()

        def scat(j, b):
            pltpu.sync_copy(rows_v[b], acc.at[idx_d.at[j]], add=True)

        for k in range(2):
            gat(k, k)

        def body(jj, _):
            j0 = jj * 4
            for k in range(2):
                gat(j0 + 2 + k, 2 + k)
            for k in range(2):
                gat_wait(j0 + k, k)
            for k in range(2):
                scat(j0 + k, k)
            for k in range(2):
                gat(j0 + 4 + k, k)
            for k in range(2):
                gat_wait(j0 + 2 + k, 2 + k)
            for k in range(2):
                scat(j0 + 2 + k, 2 + k)
            return 0

        lax.fori_loop(0, _CPS // 4, body, 0)
        for k in range(2):
            gat_wait(_CPS + k, k)

    @pl.when(c == 0)
    def _():
        run(ga_hbm)

    @pl.when(c == 1)
    def _():
        run(gb_hbm)

    plsc.subcore_barrier()

    for r in range(_RPT // _CHUNK):
        rows = pl.ds(s * _RPT + r * _CHUNK, _CHUNK)
        pltpu.sync_copy(acc.at[rows], r0)
        pltpu.sync_copy(r0, out_hbm.at[c].at[rows])


def _sc_agg(src3, dst3, ga, gb):
    return pl.kernel(
        _sc_agg_body,
        out_type=jax.ShapeDtypeStruct((2, _NP, _DH), jnp.float32),
        mesh=plsc.VectorSubcoreMesh(core_axis_name="c", subcore_axis_name="s"),
        compiler_params=pltpu.CompilerParams(use_tc_tiling_on_sc=False),
        scratch_types=[
            pltpu.VMEM((_CPS + 2, _CHUNK), jnp.int32),
            pltpu.VMEM((_CPS, _CHUNK), jnp.int32),
            pltpu.VMEM((_CHUNK, _DH), jnp.float32),
            pltpu.VMEM((_CHUNK, _DH), jnp.float32),
            pltpu.VMEM((_CHUNK, _DH), jnp.float32),
            pltpu.VMEM((_CHUNK, _DH), jnp.float32),
            pltpu.VMEM_SHARED((_NP, _DH), jnp.float32),
            pltpu.SemaphoreType.DMA,
            pltpu.SemaphoreType.DMA,
        ],
    )(src3, dst3, ga, gb)


def _tc1_body(degp_ref, x_ref, w1_ref, g1_ref, dinv_ref):
    i = pl.program_id(0)
    deg = degp_ref[0, :, 0:1] + degp_ref[1, :, 0:1] + 1.0
    dinv = lax.rsqrt(deg)
    rows = i * _BLK + lax.broadcasted_iota(jnp.int32, (_BLK, 1), 0)
    dinv = jnp.where(rows < _N, dinv, 0.0)
    u = jnp.dot(x_ref[...], w1_ref[...], preferred_element_type=jnp.float32)
    g1_ref[...] = u * dinv
    dinv_ref[...] = jnp.broadcast_to(dinv, (_BLK, _D))


def _tc1(degp, xp, W1):
    return pl.pallas_call(
        _tc1_body,
        grid=(_GRID,),
        in_specs=[
            pl.BlockSpec((2, _BLK, 16), lambda i: (0, i, 0)),
            pl.BlockSpec((_BLK, _D), lambda i: (i, 0)),
            pl.BlockSpec((_D, _D), lambda i: (0, 0)),
        ],
        out_specs=[
            pl.BlockSpec((_BLK, _D), lambda i: (i, 0)),
            pl.BlockSpec((_BLK, _D), lambda i: (i, 0)),
        ],
        out_shape=[
            jax.ShapeDtypeStruct((_NP, _D), jnp.float32),
            jax.ShapeDtypeStruct((_NP, _D), jnp.float32),
        ],
    )(degp, xp, W1)


def _tc2_body(pa_ref, pb_ref, g1_ref, dinv_ref, w2_ref, b1_ref, g2_ref):
    p = jnp.concatenate([pa_ref[0], pb_ref[0]], axis=1)
    h = dinv_ref[...] * (p + g1_ref[...]) + b1_ref[...]
    u = jnp.dot(h, w2_ref[...], preferred_element_type=jnp.float32)
    g2_ref[...] = u * dinv_ref[...]


def _tc2(p, g1, dinv_b, W2, b1):
    pa = p[0:1]
    pb = p[1:2]
    return pl.pallas_call(
        _tc2_body,
        grid=(_GRID,),
        in_specs=[
            pl.BlockSpec((1, _BLK, _DH), lambda i: (0, i, 0)),
            pl.BlockSpec((1, _BLK, _DH), lambda i: (0, i, 0)),
            pl.BlockSpec((_BLK, _D), lambda i: (i, 0)),
            pl.BlockSpec((_BLK, _D), lambda i: (i, 0)),
            pl.BlockSpec((_D, _D), lambda i: (0, 0)),
            pl.BlockSpec((1, _D), lambda i: (0, 0)),
        ],
        out_specs=pl.BlockSpec((_BLK, _D), lambda i: (i, 0)),
        out_shape=jax.ShapeDtypeStruct((_NP, _D), jnp.float32),
    )(pa, pb, g1, dinv_b, W2, b1)


def _tc3_body(pa_ref, pb_ref, g2_ref, dinv_ref, b2_ref, wo_ref, bo_ref, o_ref):
    p = jnp.concatenate([pa_ref[0], pb_ref[0]], axis=1)
    h = dinv_ref[...] * (p + g2_ref[...]) + b2_ref[...]
    o = jnp.dot(h, wo_ref[...], preferred_element_type=jnp.float32) + bo_ref[...]
    o_ref[...] = jnp.clip(o, -4.0, 4.0)


def _tc3(p, g2, dinv_b, b2, Wo, bo):
    pa = p[0:1]
    pb = p[1:2]
    return pl.pallas_call(
        _tc3_body,
        grid=(_GRID,),
        in_specs=[
            pl.BlockSpec((1, _BLK, _DH), lambda i: (0, i, 0)),
            pl.BlockSpec((1, _BLK, _DH), lambda i: (0, i, 0)),
            pl.BlockSpec((_BLK, _D), lambda i: (i, 0)),
            pl.BlockSpec((_BLK, _D), lambda i: (i, 0)),
            pl.BlockSpec((1, _D), lambda i: (0, 0)),
            pl.BlockSpec((_D, _D), lambda i: (0, 0)),
            pl.BlockSpec((1, _D), lambda i: (0, 0)),
        ],
        out_specs=pl.BlockSpec((_BLK, _D), lambda i: (i, 0)),
        out_shape=jax.ShapeDtypeStruct((_NP, _D), jnp.float32),
    )(pa, pb, g2, dinv_b, b2, Wo, bo)


@jax.jit
def kernel(x, edge_index, W1, b1, W2, b2, W_out, b_out):
    src = edge_index[0]
    dst = edge_index[1]
    pad = _EP - _E
    src3 = jnp.concatenate([src, jnp.zeros((pad,), jnp.int32)]).reshape(
        _SLABS, _CPS, _CHUNK)
    dst3 = jnp.concatenate([dst, jnp.full((pad,), _N, jnp.int32)]).reshape(
        _SLABS, _CPS, _CHUNK)
    xp = jnp.pad(x, ((0, _NP - _N), (0, 0)))
    b1r = b1.reshape(1, _D)
    b2r = b2.reshape(1, _D)
    Wo = jnp.pad(W_out, ((0, 0), (0, _D - _C)))
    bo = jnp.pad(b_out, (0, _D - _C)).reshape(1, _D)

    degp = _sc_deg(dst3)
    g1, dinv_b = _tc1(degp, xp, W1)
    s1 = _sc_agg(src3, dst3, g1[:, :_DH], g1[:, _DH:])
    g2 = _tc2(s1, g1, dinv_b, W2, b1r)
    s2 = _sc_agg(src3, dst3, g2[:, :_DH], g2[:, _DH:])
    out = _tc3(s2, g2, dinv_b, b2r, Wo, bo)
    return out[:_N, :_C]

# --- scband reference (transcript-rebuilt; emitter-appended) ---
"""Pipeline reference for scband-base-gnn-58583353917882 (READ-ONLY COPY).

The authoritative reference and input builder live on the scoring server;
editing this copy changes nothing except your own understanding.
"""

import jax, jax.numpy as jnp
import numpy as np

N = 10000
E = 320000
D = 128
C = 40


def setup_inputs(seed: int = 0) -> dict:
    key = jax.random.key(seed)
    ks = jax.random.split(key, 8)
    x = jax.random.normal(ks[0], (N, D), dtype=jnp.float32)
    edge_index = jax.random.randint(ks[1], (2, E), 0, N, dtype=jnp.int32)
    scale = 1.0 / np.sqrt(D)
    W1 = jax.random.normal(ks[2], (D, D), dtype=jnp.float32) * scale
    b1 = jnp.zeros((D,), dtype=jnp.float32)
    W2 = jax.random.normal(ks[3], (D, D), dtype=jnp.float32) * scale
    b2 = jnp.zeros((D,), dtype=jnp.float32)
    W_out = jax.random.normal(ks[4], (D, C), dtype=jnp.float32) * scale
    b_out = jnp.zeros((C,), dtype=jnp.float32)
    return {"x": x, "edge_index": edge_index, "W1": W1, "b1": b1, "W2": W2, "b2": b2, "W_out": W_out, "b_out": b_out}


def _gcn_conv(x, W, b, src, dst, n):
    # GCNConv: linear transform, add self-loops, symmetric normalization, scatter-add
    h = x @ W
    loop = jnp.arange(n, dtype=src.dtype)
    src2 = jnp.concatenate([src, loop])
    dst2 = jnp.concatenate([dst, loop])
    deg = jax.ops.segment_sum(jnp.ones_like(dst2, dtype=h.dtype), dst2, num_segments=n)
    dinv = jnp.where(deg > 0, jax.lax.rsqrt(deg), 0.0)
    norm = dinv[src2] * dinv[dst2]
    msg = h[src2] * norm[:, None]
    out = jax.ops.segment_sum(msg, dst2, num_segments=n)
    return out + b


def reference(x, edge_index, W1, b1, W2, b2, W_out, b_out):
    src = edge_index[0]
    dst = edge_index[1]
    n = x.shape[0]
    h = _gcn_conv(x, W1, b1, src, dst, n)
    h = _gcn_conv(h, W2, b2, src, dst, n)
    out = h @ W_out + b_out
    return jnp.clip(out, -4.0, 4.0)

if __name__ == "__main__":
    import jax
    _d = setup_inputs()
    print(jax.jit(kernel)(*tuple(_d.values())))

</pallas_src>

<mosaic_0001>
#map = affine_map<(d0, d1) -> (0, 0, 0)>
module attributes {stable_mosaic.version = 14 : i64} {
  func.func @_sc_deg_body(%arg0: i32, %arg1: i32, %arg2: memref<16x160x128xi32, #tpu.memory_space<hbm>>, %arg3: memref<2x10240x16xf32, #tpu.memory_space<hbm>>, %arg4: memref<80x128xi32, #tpu.memory_space<vmem>>, %arg5: memref<128x16xf32, #tpu.memory_space<vmem>>, %arg6: memref<128x16xf32, #tpu.memory_space<vmem>>, %arg7: memref<10240x16xf32, #tpu.memory_space<vmem_shared>>) attributes {dimension_semantics = [#tpu.dimension_semantics<core_parallel>, #tpu.dimension_semantics<subcore_parallel>], iteration_bounds = array<i64: 2, 16>, scalar_prefetch = 0 : i64, scratch_operands = 4 : i64, tpu.core_type = #tpu.core_type<sc_vector_subcore>, window_params = [{transform_indices = #map}, {transform_indices = #map}]} {
    %mul3A = arith.constant 80 : i32
    %mul3A_0 = arith.muli %arg0, %mul3A : i32
    "tpu.region"() ({
      %run_scoped3A = tpu.sem_alloc : memref<!tpu.dma_semaphore, #tpu.memory_space<semaphore_mem>>
      %dma_start3A = arith.constant 0 : i32
      %dma_start3A_64 = arith.constant 0 : i32
      %dma_start3A_65 = tpu.memref_slice %arg2[%arg1, %dma_start3A, %dma_start3A_64] : memref<16x160x128xi32, #tpu.memory_space<hbm>> -> memref<1x160x128xi32, #tpu.memory_space<hbm>>
      %dma_start3A_66 = tpu.memref_squeeze %dma_start3A_65 : memref<1x160x128xi32, #tpu.memory_space<hbm>> -> memref<160x128xi32, #tpu.memory_space<hbm>>
      %dma_start3A_67 = arith.constant 0 : i32
      %dma_start3A_68 = tpu.memref_slice %dma_start3A_66[%mul3A_0, %dma_start3A_67] : memref<160x128xi32, #tpu.memory_space<hbm>> -> memref<80x128xi32, #tpu.memory_space<hbm>>
      %dma_start3A_69 = arith.constant 0 : i32
      %dma_start3A_70 = arith.constant 0 : i32
      %dma_start3A_71 = tpu.memref_slice %arg2[%arg1, %dma_start3A_69, %dma_start3A_70] : memref<16x160x128xi32, #tpu.memory_space<hbm>> -> memref<1x160x128xi32, #tpu.memory_space<hbm>>
      %dma_start3A_72 = tpu.memref_squeeze %dma_start3A_71 : memref<1x160x128xi32, #tpu.memory_space<hbm>> -> memref<160x128xi32, #tpu.memory_space<hbm>>
      %dma_start3A_73 = arith.constant 0 : i32
      %dma_start3A_74 = tpu.memref_slice %dma_start3A_72[%mul3A_0, %dma_start3A_73] : memref<160x128xi32, #tpu.memory_space<hbm>> -> memref<80x128xi32, #tpu.memory_space<hbm>>
      tpu.enqueue_dma source(%dma_start3A_74 : memref<80x128xi32, #tpu.memory_space<hbm>>) target(%arg4 : memref<80x128xi32, #tpu.memory_space<vmem>>) target_semaphore(%run_scoped3A : memref<!tpu.dma_semaphore, #tpu.memory_space<semaphore_mem>>)
      %dma_wait3A = arith.constant 0 : i32
      %dma_wait3A_75 = arith.constant 0 : i32
      %dma_wait3A_76 = tpu.memref_slice %arg2[%arg1, %dma_wait3A, %dma_wait3A_75] : memref<16x160x128xi32, #tpu.memory_space<hbm>> -> memref<1x160x128xi32, #tpu.memory_space<hbm>>
      %dma_wait3A_77 = tpu.memref_squeeze %dma_wait3A_76 : memref<1x160x128xi32, #tpu.memory_space<hbm>> -> memref<160x128xi32, #tpu.memory_space<hbm>>
      %dma_wait3A_78 = arith.constant 0 : i32
      %dma_wait3A_79 = tpu.memref_slice %dma_wait3A_77[%mul3A_0, %dma_wait3A_78] : memref<160x128xi32, #tpu.memory_space<hbm>> -> memref<80x128xi32, #tpu.memory_space<hbm>>
      %dma_wait3A_80 = arith.constant 0 : i32
      %dma_wait3A_81 = arith.constant 0 : i32
      %dma_wait3A_82 = tpu.memref_slice %arg2[%arg1, %dma_wait3A_80, %dma_wait3A_81] : memref<16x160x128xi32, #tpu.memory_space<hbm>> -> memref<1x160x128xi32, #tpu.memory_space<hbm>>
      %dma_wait3A_83 = tpu.memref_squeeze %dma_wait3A_82 : memref<1x160x128xi32, #tpu.memory_space<hbm>> -> memref<160x128xi32, #tpu.memory_space<hbm>>
      %dma_wait3A_84 = arith.constant 0 : i32
      %dma_wait3A_85 = tpu.memref_slice %dma_wait3A_83[%mul3A_0, %dma_wait3A_84] : memref<160x128xi32, #tpu.memory_space<hbm>> -> memref<80x128xi32, #tpu.memory_space<hbm>>
      tpu.wait_dma2 semaphore(%run_scoped3A : memref<!tpu.dma_semaphore, #tpu.memory_space<semaphore_mem>>) src(%dma_wait3A_85 : memref<80x128xi32, #tpu.memory_space<hbm>>) dst(%arg4 : memref<80x128xi32, #tpu.memory_space<vmem>>)
      tpu.yield
    }) : () -> ()
    %broadcast_in_dim3A = arith.constant 1.000000e+00 : f32
    %broadcast_in_dim3A_1 = vector.broadcast %broadcast_in_dim3A : f32 to vector<16xf32>
    %scan3A = arith.constant 0 : i32
    %scan3A_2 = arith.constant 0 : i32
    %scan3A_3 = arith.constant 128 : i32
    %scan3A_4 = arith.addi %scan3A_2, %scan3A_3 : i32
    %scan3A_5 = arith.constant 1 : i32
    %scan3A_6 = scf.for %scan3A_64 = %scan3A_2 to %scan3A_4 step %scan3A_5 iter_args(%scan3A_65 = %scan3A) -> (i32)  : i32 {
      %swap3A = arith.index_cast %scan3A_64 : i32 to index
      %swap3A_66 = arith.constant 0 : index
      %swap3A_67 = tpu.vector_load %arg5[%swap3A, %swap3A_66] {strides = array<i32>} : memref<128x16xf32, #tpu.memory_space<vmem>>, vector<1x16xf32>,
      %swap3A_68 = vector.shape_cast %swap3A_67 : vector<1x16xf32> to vector<16xf32>
      %swap3A_69 = vector.shape_cast %broadcast_in_dim3A_1 : vector<16xf32> to vector<1x16xf32>
      tpu.vector_store %arg5[%swap3A, %swap3A_66], %swap3A_69 {strides = array<i32>} : memref<128x16xf32, #tpu.memory_space<vmem>>, vector<1x16xf32>,
      %scan3A_70 = arith.constant 0 : i32
      scf.yield %scan3A_70 : i32
    }
    %scan3A_7 = arith.constant 128 : i32
    %broadcast_in_dim3A_8 = arith.constant 0.000000e+00 : f32
    %broadcast_in_dim3A_9 = vector.broadcast %broadcast_in_dim3A_8 : f32 to vector<16xf32>
    %scan3A_10 = arith.constant 0 : i32
    %scan3A_11 = arith.constant 0 : i32
    %scan3A_12 = arith.constant 128 : i32
    %scan3A_13 = arith.addi %scan3A_11, %scan3A_12 : i32
    %scan3A_14 = arith.constant 1 : i32
    %scan3A_15 = scf.for %scan3A_64 = %scan3A_11 to %scan3A_13 step %scan3A_14 iter_args(%scan3A_65 = %scan3A_10) -> (i32)  : i32 {
      %swap3A = arith.index_cast %scan3A_64 : i32 to index
      %swap3A_66 = arith.constant 0 : index
      %swap3A_67 = tpu.vector_load %arg6[%swap3A, %swap3A_66] {strides = array<i32>} : memref<128x16xf32, #tpu.memory_space<vmem>>, vector<1x16xf32>,
      %swap3A_68 = vector.shape_cast %swap3A_67 : vector<1x16xf32> to vector<16xf32>
      %swap3A_69 = vector.shape_cast %broadcast_in_dim3A_9 : vector<16xf32> to vector<1x16xf32>
      tpu.vector_store %arg6[%swap3A, %swap3A_66], %swap3A_69 {strides = array<i32>} : memref<128x16xf32, #tpu.memory_space<vmem>>, vector<1x16xf32>,
      %scan3A_70 = arith.constant 0 : i32
      scf.yield %scan3A_70 : i32
    }
    %scan3A_16 = arith.constant 128 : i32
    %mul3A_17 = arith.constant 640 : i32
    %mul3A_18 = arith.muli %arg1, %mul3A_17 : i32
    %add3A = arith.constant 0 : i32
    %add3A_19 = arith.addi %mul3A_18, %add3A : i32
    "tpu.region"() ({
      %run_scoped3A = tpu.sem_alloc : memref<!tpu.dma_semaphore, #tpu.memory_space<semaphore_mem>>
      %dma_start3A = arith.constant 0 : i32
      %dma_start3A_64 = tpu.memref_slice %arg7[%add3A_19, %dma_start3A] : memref<10240x16xf32, #tpu.memory_space<vmem_shared>> -> memref<128x16xf32, #tpu.memory_space<vmem_shared>>
      %dma_start3A_65 = arith.constant 0 : i32
      %dma_start3A_66 = tpu.memref_slice %arg7[%add3A_19, %dma_start3A_65] : memref<10240x16xf32, #tpu.memory_space<vmem_shared>> -> memref<128x16xf32, #tpu.memory_space<vmem_shared>>
      tpu.enqueue_dma source(%arg6 : memref<128x16xf32, #tpu.memory_space<vmem>>) target(%dma_start3A_66 : memref<128x16xf32, #tpu.memory_space<vmem_shared>>) target_semaphore(%run_scoped3A : memref<!tpu.dma_semaphore, #tpu.memory_space<semaphore_mem>>)
      %dma_wait3A = arith.constant 0 : i32
      %dma_wait3A_67 = tpu.memref_slice %arg7[%add3A_19, %dma_wait3A] : memref<10240x16xf32, #tpu.memory_space<vmem_shared>> -> memref<128x16xf32, #tpu.memory_space<vmem_shared>>
      %dma_wait3A_68 = arith.constant 0 : i32
      %dma_wait3A_69 = tpu.memref_slice %arg7[%add3A_19, %dma_wait3A_68] : memref<10240x16xf32, #tpu.memory_space<vmem_shared>> -> memref<128x16xf32, #tpu.memory_space<vmem_shared>>
      tpu.wait_dma2 semaphore(%run_scoped3A : memref<!tpu.dma_semaphore, #tpu.memory_space<semaphore_mem>>) src(%arg6 : memref<128x16xf32, #tpu.memory_space<vmem>>) dst(%dma_wait3A_69 : memref<128x16xf32, #tpu.memory_space<vmem_shared>>)
      tpu.yield
    }) : () -> ()
    %mul3A_20 = arith.constant 640 : i32
    %mul3A_21 = arith.muli %arg1, %mul3A_20 : i32
    %add3A_22 = arith.constant 128 : i32
    %add3A_23 = arith.addi %mul3A_21, %add3A_22 : i32
    "tpu.region"() ({
      %run_scoped3A = tpu.sem_alloc : memref<!tpu.dma_semaphore, #tpu.memory_space<semaphore_mem>>
      %dma_start3A = arith.constant 0 : i32
      %dma_start3A_64 = tpu.memref_slice %arg7[%add3A_23, %dma_start3A] : memref<10240x16xf32, #tpu.memory_space<vmem_shared>> -> memref<128x16xf32, #tpu.memory_space<vmem_shared>>
      %dma_start3A_65 = arith.constant 0 : i32
      %dma_start3A_66 = tpu.memref_slice %arg7[%add3A_23, %dma_start3A_65] : memref<10240x16xf32, #tpu.memory_space<vmem_shared>> -> memref<128x16xf32, #tpu.memory_space<vmem_shared>>
      tpu.enqueue_dma source(%arg6 : memref<128x16xf32, #tpu.memory_space<vmem>>) target(%dma_start3A_66 : memref<128x16xf32, #tpu.memory_space<vmem_shared>>) target_semaphore(%run_scoped3A : memref<!tpu.dma_semaphore, #tpu.memory_space<semaphore_mem>>)
      %dma_wait3A = arith.constant 0 : i32
      %dma_wait3A_67 = tpu.memref_slice %arg7[%add3A_23, %dma_wait3A] : memref<10240x16xf32, #tpu.memory_space<vmem_shared>> -> memref<128x16xf32, #tpu.memory_space<vmem_shared>>
      %dma_wait3A_68 = arith.constant 0 : i32
      %dma_wait3A_69 = tpu.memref_slice %arg7[%add3A_23, %dma_wait3A_68] : memref<10240x16xf32, #tpu.memory_space<vmem_shared>> -> memref<128x16xf32, #tpu.memory_space<vmem_shared>>
      tpu.wait_dma2 semaphore(%run_scoped3A : memref<!tpu.dma_semaphore, #tpu.memory_space<semaphore_mem>>) src(%arg6 : memref<128x16xf32, #tpu.memory_space<vmem>>) dst(%dma_wait3A_69 : memref<128x16xf32, #tpu.memory_space<vmem_shared>>)
      tpu.yield
    }) : () -> ()
    %mul3A_24 = arith.constant 640 : i32
    %mul3A_25 = arith.muli %arg1, %mul3A_24 : i32
    %add3A_26 = arith.constant 256 : i32
    %add3A_27 = arith.addi %mul3A_25, %add3A_26 : i32
    "tpu.region"() ({
      %run_scoped3A = tpu.sem_alloc : memref<!tpu.dma_semaphore, #tpu.memory_space<semaphore_mem>>
      %dma_start3A = arith.constant 0 : i32
      %dma_start3A_64 = tpu.memref_slice %arg7[%add3A_27, %dma_start3A] : memref<10240x16xf32, #tpu.memory_space<vmem_shared>> -> memref<128x16xf32, #tpu.memory_space<vmem_shared>>
      %dma_start3A_65 = arith.constant 0 : i32
      %dma_start3A_66 = tpu.memref_slice %arg7[%add3A_27, %dma_start3A_65] : memref<10240x16xf32, #tpu.memory_space<vmem_shared>> -> memref<128x16xf32, #tpu.memory_space<vmem_shared>>
      tpu.enqueue_dma source(%arg6 : memref<128x16xf32, #tpu.memory_space<vmem>>) target(%dma_start3A_66 : memref<128x16xf32, #tpu.memory_space<vmem_shared>>) target_semaphore(%run_scoped3A : memref<!tpu.dma_semaphore, #tpu.memory_space<semaphore_mem>>)
      %dma_wait3A = arith.constant 0 : i32
      %dma_wait3A_67 = tpu.memref_slice %arg7[%add3A_27, %dma_wait3A] : memref<10240x16xf32, #tpu.memory_space<vmem_shared>> -> memref<128x16xf32, #tpu.memory_space<vmem_shared>>
      %dma_wait3A_68 = arith.constant 0 : i32
      %dma_wait3A_69 = tpu.memref_slice %arg7[%add3A_27, %dma_wait3A_68] : memref<10240x16xf32, #tpu.memory_space<vmem_shared>> -> memref<128x16xf32, #tpu.memory_space<vmem_shared>>
      tpu.wait_dma2 semaphore(%run_scoped3A : memref<!tpu.dma_semaphore, #tpu.memory_space<semaphore_mem>>) src(%arg6 : memref<128x16xf32, #tpu.memory_space<vmem>>) dst(%dma_wait3A_69 : memref<128x16xf32, #tpu.memory_space<vmem_shared>>)
      tpu.yield
    }) : () -> ()
    %mul3A_28 = arith.constant 640 : i32
    %mul3A_29 = arith.muli %arg1, %mul3A_28 : i32
    %add3A_30 = arith.constant 384 : i32
    %add3A_31 = arith.addi %mul3A_29, %add3A_30 : i32
    "tpu.region"() ({
      %run_scoped3A = tpu.sem_alloc : memref<!tpu.dma_semaphore, #tpu.memory_space<semaphore_mem>>
      %dma_start3A = arith.constant 0 : i32
      %dma_start3A_64 = tpu.memref_slice %arg7[%add3A_31, %dma_start3A] : memref<10240x16xf32, #tpu.memory_space<vmem_shared>> -> memref<128x16xf32, #tpu.memory_space<vmem_shared>>
      %dma_start3A_65 = arith.constant 0 : i32
      %dma_start3A_66 = tpu.memref_slice %arg7[%add3A_31, %dma_start3A_65] : memref<10240x16xf32, #tpu.memory_space<vmem_shared>> -> memref<128x16xf32, #tpu.memory_space<vmem_shared>>
      tpu.enqueue_dma source(%arg6 : memref<128x16xf32, #tpu.memory_space<vmem>>) target(%dma_start3A_66 : memref<128x16xf32, #tpu.memory_space<vmem_shared>>) target_semaphore(%run_scoped3A : memref<!tpu.dma_semaphore, #tpu.memory_space<semaphore_mem>>)
      %dma_wait3A = arith.constant 0 : i32
      %dma_wait3A_67 = tpu.memref_slice %arg7[%add3A_31, %dma_wait3A] : memref<10240x16xf32, #tpu.memory_space<vmem_shared>> -> memref<128x16xf32, #tpu.memory_space<vmem_shared>>
      %dma_wait3A_68 = arith.constant 0 : i32
      %dma_wait3A_69 = tpu.memref_slice %arg7[%add3A_31, %dma_wait3A_68] : memref<10240x16xf32, #tpu.memory_space<vmem_shared>> -> memref<128x16xf32, #tpu.memory_space<vmem_shared>>
      tpu.wait_dma2 semaphore(%run_scoped3A : memref<!tpu.dma_semaphore, #tpu.memory_space<semaphore_mem>>) src(%arg6 : memref<128x16xf32, #tpu.memory_space<vmem>>) dst(%dma_wait3A_69 : memref<128x16xf32, #tpu.memory_space<vmem_shared>>)
      tpu.yield
    }) : () -> ()
    %mul3A_32 = arith.constant 640 : i32
    %mul3A_33 = arith.muli %arg1, %mul3A_32 : i32
    %add3A_34 = arith.constant 512 : i32
    %add3A_35 = arith.addi %mul3A_33, %add3A_34 : i32
    "tpu.region"() ({
      %run_scoped3A = tpu.sem_alloc : memref<!tpu.dma_semaphore, #tpu.memory_space<semaphore_mem>>
      %dma_start3A = arith.constant 0 : i32
      %dma_start3A_64 = tpu.memref_slice %arg7[%add3A_35, %dma_start3A] : memref<10240x16xf32, #tpu.memory_space<vmem_shared>> -> memref<128x16xf32, #tpu.memory_space<vmem_shared>>
      %dma_start3A_65 = arith.constant 0 : i32
      %dma_start3A_66 = tpu.memref_slice %arg7[%add3A_35, %dma_start3A_65] : memref<10240x16xf32, #tpu.memory_space<vmem_shared>> -> memref<128x16xf32, #tpu.memory_space<vmem_shared>>
      tpu.enqueue_dma source(%arg6 : memref<128x16xf32, #tpu.memory_space<vmem>>) target(%dma_start3A_66 : memref<128x16xf32, #tpu.memory_space<vmem_shared>>) target_semaphore(%run_scoped3A : memref<!tpu.dma_semaphore, #tpu.memory_space<semaphore_mem>>)
      %dma_wait3A = arith.constant 0 : i32
      %dma_wait3A_67 = tpu.memref_slice %arg7[%add3A_35, %dma_wait3A] : memref<10240x16xf32, #tpu.memory_space<vmem_shared>> -> memref<128x16xf32, #tpu.memory_space<vmem_shared>>
      %dma_wait3A_68 = arith.constant 0 : i32
      %dma_wait3A_69 = tpu.memref_slice %arg7[%add3A_35, %dma_wait3A_68] : memref<10240x16xf32, #tpu.memory_space<vmem_shared>> -> memref<128x16xf32, #tpu.memory_space<vmem_shared>>
      tpu.wait_dma2 semaphore(%run_scoped3A : memref<!tpu.dma_semaphore, #tpu.memory_space<semaphore_mem>>) src(%arg6 : memref<128x16xf32, #tpu.memory_space<vmem>>) dst(%dma_wait3A_69 : memref<128x16xf32, #tpu.memory_space<vmem_shared>>)
      tpu.yield
    }) : () -> ()
    %barrier3A = arith.constant 0 : index
    tpu.barrier barrier_id(%barrier3A)
    %scan3A_36 = arith.constant 0 : i32
    %scan3A_37 = arith.constant 0 : i32
    %scan3A_38 = arith.constant 80 : i32
    %scan3A_39 = arith.addi %scan3A_37, %scan3A_38 : i32
    %scan3A_40 = arith.constant 1 : i32
    %scan3A_41 = scf.for %scan3A_64 = %scan3A_37 to %scan3A_39 step %scan3A_40 iter_args(%scan3A_65 = %scan3A_36) -> (i32)  : i32 {
      "tpu.region"() ({
        %run_scoped3A = tpu.sem_alloc : memref<!tpu.dma_semaphore, #tpu.memory_space<semaphore_mem>>
        %dma_start3A = arith.constant 0 : i32
        %dma_start3A_67 = tpu.memref_slice %arg4[%scan3A_64, %dma_start3A] : memref<80x128xi32, #tpu.memory_space<vmem>> -> memref<1x128xi32, #tpu.memory_space<vmem>>
        %dma_start3A_68 = tpu.memref_squeeze %dma_start3A_67 : memref<1x128xi32, #tpu.memory_space<vmem>> -> memref<128xi32, #tpu.memory_space<vmem>>
        %dma_start3A_69 = arith.constant 0 : i32
        %dma_start3A_70 = arith.constant 0 : i32
        %dma_start3A_71 = tpu.memref_slice %arg7[%dma_start3A_69, %dma_start3A_70] : memref<10240x16xf32, #tpu.memory_space<vmem_shared>> -> memref<10240x16xf32, #tpu.memory_space<vmem_shared>>
        tpu.enqueue_indirect_dma source(%arg5 : memref<128x16xf32, #tpu.memory_space<vmem>>) target(%dma_start3A_71 : memref<10240x16xf32, #tpu.memory_space<vmem_shared>>) offsets(%dma_start3A_68 : memref<128xi32, #tpu.memory_space<vmem>>) semaphore(%run_scoped3A : memref<!tpu.dma_semaphore, #tpu.memory_space<semaphore_mem>>) {add = true}
        %dma_wait3A = arith.constant 0 : i32
        %dma_wait3A_72 = tpu.memref_slice %arg4[%scan3A_64, %dma_wait3A] : memref<80x128xi32, #tpu.memory_space<vmem>> -> memref<1x128xi32, #tpu.memory_space<vmem>>
        %dma_wait3A_73 = tpu.memref_squeeze %dma_wait3A_72 : memref<1x128xi32, #tpu.memory_space<vmem>> -> memref<128xi32, #tpu.memory_space<vmem>>
        %dma_wait3A_74 = arith.constant 0 : i32
        %dma_wait3A_75 = arith.constant 0 : i32
        %dma_wait3A_76 = tpu.memref_slice %arg7[%dma_wait3A_74, %dma_wait3A_75] : memref<10240x16xf32, #tpu.memory_space<vmem_shared>> -> memref<10240x16xf32, #tpu.memory_space<vmem_shared>>
        tpu.wait_indirect_dma semaphore(%run_scoped3A : memref<!tpu.dma_semaphore, #tpu.memory_space<semaphore_mem>>) src(%arg5 : memref<128x16xf32, #tpu.memory_space<vmem>>) dst(%dma_wait3A_76 : memref<10240x16xf32, #tpu.memory_space<vmem_shared>>)
        tpu.yield
      }) : () -> ()
      %scan3A_66 = arith.constant 0 : i32
      scf.yield %scan3A_66 : i32
    }
    %scan3A_42 = arith.constant 80 : i32
    %barrier3A_43 = arith.constant 0 : index
    tpu.barrier barrier_id(%barrier3A_43)
    %mul3A_44 = arith.constant 640 : i32
    %mul3A_45 = arith.muli %arg1, %mul3A_44 : i32
    %add3A_46 = arith.constant 0 : i32
    %add3A_47 = arith.addi %mul3A_45, %add3A_46 : i32
    "tpu.region"() ({
      %run_scoped3A = tpu.sem_alloc : memref<!tpu.dma_semaphore, #tpu.memory_space<semaphore_mem>>
      %dma_start3A = arith.constant 0 : i32
      %dma_start3A_64 = tpu.memref_slice %arg7[%add3A_47, %dma_start3A] : memref<10240x16xf32, #tpu.memory_space<vmem_shared>> -> memref<128x16xf32, #tpu.memory_space<vmem_shared>>
      %dma_start3A_65 = arith.constant 0 : i32
      %dma_start3A_66 = tpu.memref_slice %arg7[%add3A_47, %dma_start3A_65] : memref<10240x16xf32, #tpu.memory_space<vmem_shared>> -> memref<128x16xf32, #tpu.memory_space<vmem_shared>>
      tpu.enqueue_dma source(%dma_start3A_66 : memref<128x16xf32, #tpu.memory_space<vmem_shared>>) target(%arg6 : memref<128x16xf32, #tpu.memory_space<vmem>>) target_semaphore(%run_scoped3A : memref<!tpu.dma_semaphore, #tpu.memory_space<semaphore_mem>>)
      %dma_wait3A = arith.constant 0 : i32
      %dma_wait3A_67 = tpu.memref_slice %arg7[%add3A_47, %dma_wait3A] : memref<10240x16xf32, #tpu.memory_space<vmem_shared>> -> memref<128x16xf32, #tpu.memory_space<vmem_shared>>
      %dma_wait3A_68 = arith.constant 0 : i32
      %dma_wait3A_69 = tpu.memref_slice %arg7[%add3A_47, %dma_wait3A_68] : memref<10240x16xf32, #tpu.memory_space<vmem_shared>> -> memref<128x16xf32, #tpu.memory_space<vmem_shared>>
      tpu.wait_dma2 semaphore(%run_scoped3A : memref<!tpu.dma_semaphore, #tpu.memory_space<semaphore_mem>>) src(%dma_wait3A_69 : memref<128x16xf32, #tpu.memory_space<vmem_shared>>) dst(%arg6 : memref<128x16xf32, #tpu.memory_space<vmem>>)
      tpu.yield
    }) : () -> ()
    "tpu.region"() ({
      %run_scoped3A = tpu.sem_alloc : memref<!tpu.dma_semaphore, #tpu.memory_space<semaphore_mem>>
      %dma_start3A = arith.constant 0 : i32
      %dma_start3A_64 = arith.constant 0 : i32
      %dma_start3A_65 = tpu.memref_slice %arg3[%arg0, %dma_start3A, %dma_start3A_64] : memref<2x10240x16xf32, #tpu.memory_space<hbm>> -> memref<1x10240x16xf32, #tpu.memory_space<hbm>>
      %dma_start3A_66 = tpu.memref_squeeze %dma_start3A_65 : memref<1x10240x16xf32, #tpu.memory_space<hbm>> -> memref<10240x16xf32, #tpu.memory_space<hbm>>
      %dma_start3A_67 = arith.constant 0 : i32
      %dma_start3A_68 = tpu.memref_slice %dma_start3A_66[%add3A_47, %dma_start3A_67] : memref<10240x16xf32, #tpu.memory_space<hbm>> -> memref<128x16xf32, #tpu.memory_space<hbm>>
      %dma_start3A_69 = arith.constant 0 : i32
      %dma_start3A_70 = arith.constant 0 : i32
      %dma_start3A_71 = tpu.memref_slice %arg3[%arg0, %dma_start3A_69, %dma_start3A_70] : memref<2x10240x16xf32, #tpu.memory_space<hbm>> -> memref<1x10240x16xf32, #tpu.memory_space<hbm>>
      %dma_start3A_72 = tpu.memref_squeeze %dma_start3A_71 : memref<1x10240x16xf32, #tpu.memory_space<hbm>> -> memref<10240x16xf32, #tpu.memory_space<hbm>>
      %dma_start3A_73 = arith.constant 0 : i32
      %dma_start3A_74 = tpu.memref_slice %dma_start3A_72[%add3A_47, %dma_start3A_73] : memref<10240x16xf32, #tpu.memory_space<hbm>> -> memref<128x16xf32, #tpu.memory_space<hbm>>
      tpu.enqueue_dma source(%arg6 : memref<128x16xf32, #tpu.memory_space<vmem>>) target(%dma_start3A_74 : memref<128x16xf32, #tpu.memory_space<hbm>>) target_semaphore(%run_scoped3A : memref<!tpu.dma_semaphore, #tpu.memory_space<semaphore_mem>>)
      %dma_wait3A = arith.constant 0 : i32
      %dma_wait3A_75 = arith.constant 0 : i32
      %dma_wait3A_76 = tpu.memref_slice %arg3[%arg0, %dma_wait3A, %dma_wait3A_75] : memref<2x10240x16xf32, #tpu.memory_space<hbm>> -> memref<1x10240x16xf32, #tpu.memory_space<hbm>>
      %dma_wait3A_77 = tpu.memref_squeeze %dma_wait3A_76 : memref<1x10240x16xf32, #tpu.memory_space<hbm>> -> memref<10240x16xf32, #tpu.memory_space<hbm>>
      %dma_wait3A_78 = arith.constant 0 : i32
      %dma_wait3A_79 = tpu.memref_slice %dma_wait3A_77[%add3A_47, %dma_wait3A_78] : memref<10240x16xf32, #tpu.memory_space<hbm>> -> memref<128x16xf32, #tpu.memory_space<hbm>>
      %dma_wait3A_80 = arith.constant 0 : i32
      %dma_wait3A_81 = arith.constant 0 : i32
      %dma_wait3A_82 = tpu.memref_slice %arg3[%arg0, %dma_wait3A_80, %dma_wait3A_81] : memref<2x10240x16xf32, #tpu.memory_space<hbm>> -> memref<1x10240x16xf32, #tpu.memory_space<hbm>>
      %dma_wait3A_83 = tpu.memref_squeeze %dma_wait3A_82 : memref<1x10240x16xf32, #tpu.memory_space<hbm>> -> memref<10240x16xf32, #tpu.memory_space<hbm>>
      %dma_wait3A_84 = arith.constant 0 : i32
      %dma_wait3A_85 = tpu.memref_slice %dma_wait3A_83[%add3A_47, %dma_wait3A_84] : memref<10240x16xf32, #tpu.memory_space<hbm>> -> memref<128x16xf32, #tpu.memory_space<hbm>>
      tpu.wait_dma2 semaphore(%run_scoped3A : memref<!tpu.dma_semaphore, #tpu.memory_space<semaphore_mem>>) src(%arg6 : memref<128x16xf32, #tpu.memory_space<vmem>>) dst(%dma_wait3A_85 : memref<128x16xf32, #tpu.memory_space<hbm>>)
      tpu.yield
    }) : () -> ()
    %mul3A_48 = arith.constant 640 : i32
    %mul3A_49 = arith.muli %arg1, %mul3A_48 : i32
    %add3A_50 = arith.constant 128 : i32
    %add3A_51 = arith.addi %mul3A_49, %add3A_50 : i32
    "tpu.region"() ({
      %run_scoped3A = tpu.sem_alloc : memref<!tpu.dma_semaphore, #tpu.memory_space<semaphore_mem>>
      %dma_start3A = arith.constant 0 : i32
      %dma_start3A_64 = tpu.memref_slice %arg7[%add3A_51, %dma_start3A] : memref<10240x16xf32, #tpu.memory_space<vmem_shared>> -> memref<128x16xf32, #tpu.memory_space<vmem_shared>>
      %dma_start3A_65 = arith.constant 0 : i32
      %dma_start3A_66 = tpu.memref_slice %arg7[%add3A_51, %dma_start3A_65] : memref<10240x16xf32, #tpu.memory_space<vmem_shared>> -> memref<128x16xf32, #tpu.memory_space<vmem_shared>>
      tpu.enqueue_dma source(%dma_start3A_66 : memref<128x16xf32, #tpu.memory_space<vmem_shared>>) target(%arg6 : memref<128x16xf32, #tpu.memory_space<vmem>>) target_semaphore(%run_scoped3A : memref<!tpu.dma_semaphore, #tpu.memory_space<semaphore_mem>>)
      %dma_wait3A = arith.constant 0 : i32
      %dma_wait3A_67 = tpu.memref_slice %arg7[%add3A_51, %dma_wait3A] : memref<10240x16xf32, #tpu.memory_space<vmem_shared>> -> memref<128x16xf32, #tpu.memory_space<vmem_shared>>
      %dma_wait3A_68 = arith.constant 0 : i32
      %dma_wait3A_69 = tpu.memref_slice %arg7[%add3A_51, %dma_wait3A_68] : memref<10240x16xf32, #tpu.memory_space<vmem_shared>> -> memref<128x16xf32, #tpu.memory_space<vmem_shared>>
      tpu.wait_dma2 semaphore(%run_scoped3A : memref<!tpu.dma_semaphore, #tpu.memory_space<semaphore_mem>>) src(%dma_wait3A_69 : memref<128x16xf32, #tpu.memory_space<vmem_shared>>) dst(%arg6 : memref<128x16xf32, #tpu.memory_space<vmem>>)
      tpu.yield
    }) : () -> ()
    "tpu.region"() ({
      %run_scoped3A = tpu.sem_alloc : memref<!tpu.dma_semaphore, #tpu.memory_space<semaphore_mem>>
      %dma_start3A = arith.constant 0 : i32
      %dma_start3A_64 = arith.constant 0 : i32
      %dma_start3A_65 = tpu.memref_slice %arg3[%arg0, %dma_start3A, %dma_start3A_64] : memref<2x10240x16xf32, #tpu.memory_space<hbm>> -> memref<1x10240x16xf32, #tpu.memory_space<hbm>>
      %dma_start3A_66 = tpu.memref_squeeze %dma_start3A_65 : memref<1x10240x16xf32, #tpu.memory_space<hbm>> -> memref<10240x16xf32, #tpu.memory_space<hbm>>
      %dma_start3A_67 = arith.constant 0 : i32
      %dma_start3A_68 = tpu.memref_slice %dma_start3A_66[%add3A_51, %dma_start3A_67] : memref<10240x16xf32, #tpu.memory_space<hbm>> -> memref<128x16xf32, #tpu.memory_space<hbm>>
      %dma_start3A_69 = arith.constant 0 : i32
      %dma_start3A_70 = arith.constant 0 : i32
      %dma_start3A_71 = tpu.memref_slice %arg3[%arg0, %dma_start3A_69, %dma_start3A_70] : memref<2x10240x16xf32, #tpu.memory_space<hbm>> -> memref<1x10240x16xf32, #tpu.memory_space<hbm>>
      %dma_start3A_72 = tpu.memref_squeeze %dma_start3A_71 : memref<1x10240x16xf32, #tpu.memory_space<hbm>> -> memref<10240x16xf32, #tpu.memory_space<hbm>>
      %dma_start3A_73 = arith.constant 0 : i32
      %dma_start3A_74 = tpu.memref_slice %dma_start3A_72[%add3A_51, %dma_start3A_73] : memref<10240x16xf32, #tpu.memory_space<hbm>> -> memref<128x16xf32, #tpu.memory_space<hbm>>
      tpu.enqueue_dma source(%arg6 : memref<128x16xf32, #tpu.memory_space<vmem>>) target(%dma_start3A_74 : memref<128x16xf32, #tpu.memory_space<hbm>>) target_semaphore(%run_scoped3A : memref<!tpu.dma_semaphore, #tpu.memory_space<semaphore_mem>>)
      %dma_wait3A = arith.constant 0 : i32
      %dma_wait3A_75 = arith.constant 0 : i32
      %dma_wait3A_76 = tpu.memref_slice %arg3[%arg0, %dma_wait3A, %dma_wait3A_75] : memref<2x10240x16xf32, #tpu.memory_space<hbm>> -> memref<1x10240x16xf32, #tpu.memory_space<hbm>>
      %dma_wait3A_77 = tpu.memref_squeeze %dma_wait3A_76 : memref<1x10240x16xf32, #tpu.memory_space<hbm>> -> memref<10240x16xf32, #tpu.memory_space<hbm>>
      %dma_wait3A_78 = arith.constant 0 : i32
      %dma_wait3A_79 = tpu.memref_slice %dma_wait3A_77[%add3A_51, %dma_wait3A_78] : memref<10240x16xf32, #tpu.memory_space<hbm>> -> memref<128x16xf32, #tpu.memory_space<hbm>>
      %dma_wait3A_80 = arith.constant 0 : i32
      %dma_wait3A_81 = arith.constant 0 : i32
      %dma_wait3A_82 = tpu.memref_slice %arg3[%arg0, %dma_wait3A_80, %dma_wait3A_81] : memref<2x10240x16xf32, #tpu.memory_space<hbm>> -> memref<1x10240x16xf32, #tpu.memory_space<hbm>>
      %dma_wait3A_83 = tpu.memref_squeeze %dma_wait3A_82 : memref<1x10240x16xf32, #tpu.memory_space<hbm>> -> memref<10240x16xf32, #tpu.memory_space<hbm>>
      %dma_wait3A_84 = arith.constant 0 : i32
      %dma_wait3A_85 = tpu.memref_slice %dma_wait3A_83[%add3A_51, %dma_wait3A_84] : memref<10240x16xf32, #tpu.memory_space<hbm>> -> memref<128x16xf32, #tpu.memory_space<hbm>>
      tpu.wait_dma2 semaphore(%run_scoped3A : memref<!tpu.dma_semaphore, #tpu.memory_space<semaphore_mem>>) src(%arg6 : memref<128x16xf32, #tpu.memory_space<vmem>>) dst(%dma_wait3A_85 : memref<128x16xf32, #tpu.memory_space<hbm>>)
      tpu.yield
    }) : () -> ()
    %mul3A_52 = arith.constant 640 : i32
    %mul3A_53 = arith.muli %arg1, %mul3A_52 : i32
    %add3A_54 = arith.constant 256 : i32
    %add3A_55 = arith.addi %mul3A_53, %add3A_54 : i32
    "tpu.region"() ({
      %run_scoped3A = tpu.sem_alloc : memref<!tpu.dma_semaphore, #tpu.memory_space<semaphore_mem>>
      %dma_start3A = arith.constant 0 : i32
      %dma_start3A_64 = tpu.memref_slice %arg7[%add3A_55, %dma_start3A] : memref<10240x16xf32, #tpu.memory_space<vmem_shared>> -> memref<128x16xf32, #tpu.memory_space<vmem_shared>>
      %dma_start3A_65 = arith.constant 0 : i32
      %dma_start3A_66 = tpu.memref_slice %arg7[%add3A_55, %dma_start3A_65] : memref<10240x16xf32, #tpu.memory_space<vmem_shared>> -> memref<128x16xf32, #tpu.memory_space<vmem_shared>>
      tpu.enqueue_dma source(%dma_start3A_66 : memref<128x16xf32, #tpu.memory_space<vmem_shared>>) target(%arg6 : memref<128x16xf32, #tpu.memory_space<vmem>>) target_semaphore(%run_scoped3A : memref<!tpu.dma_semaphore, #tpu.memory_space<semaphore_mem>>)
      %dma_wait3A = arith.constant 0 : i32
      %dma_wait3A_67 = tpu.memref_slice %arg7[%add3A_55, %dma_wait3A] : memref<10240x16xf32, #tpu.memory_space<vmem_shared>> -> memref<128x16xf32, #tpu.memory_space<vmem_shared>>
      %dma_wait3A_68 = arith.constant 0 : i32
      %dma_wait3A_69 = tpu.memref_slice %arg7[%add3A_55, %dma_wait3A_68] : memref<10240x16xf32, #tpu.memory_space<vmem_shared>> -> memref<128x16xf32, #tpu.memory_space<vmem_shared>>
      tpu.wait_dma2 semaphore(%run_scoped3A : memref<!tpu.dma_semaphore, #tpu.memory_space<semaphore_mem>>) src(%dma_wait3A_69 : memref<128x16xf32, #tpu.memory_space<vmem_shared>>) dst(%arg6 : memref<128x16xf32, #tpu.memory_space<vmem>>)
      tpu.yield
    }) : () -> ()
    "tpu.region"() ({
      %run_scoped3A = tpu.sem_alloc : memref<!tpu.dma_semaphore, #tpu.memory_space<semaphore_mem>>
      %dma_start3A = arith.constant 0 : i32
      %dma_start3A_64 = arith.constant 0 : i32
      %dma_start3A_65 = tpu.memref_slice %arg3[%arg0, %dma_start3A, %dma_start3A_64] : memref<2x10240x16xf32, #tpu.memory_space<hbm>> -> memref<1x10240x16xf32, #tpu.memory_space<hbm>>
      %dma_start3A_66 = tpu.memref_squeeze %dma_start3A_65 : memref<1x10240x16xf32, #tpu.memory_space<hbm>> -> memref<10240x16xf32, #tpu.memory_space<hbm>>
      %dma_start3A_67 = arith.constant 0 : i32
      %dma_start3A_68 = tpu.memref_slice %dma_start3A_66[%add3A_55, %dma_start3A_67] : memref<10240x16xf32, #tpu.memory_space<hbm>> -> memref<128x16xf32, #tpu.memory_space<hbm>>
      %dma_start3A_69 = arith.constant 0 : i32
      %dma_start3A_70 = arith.constant 0 : i32
      %dma_start3A_71 = tpu.memref_slice %arg3[%arg0, %dma_start3A_69, %dma_start3A_70] : memref<2x10240x16xf32, #tpu.memory_space<hbm>> -> memref<1x10240x16xf32, #tpu.memory_space<hbm>>
      %dma_start3A_72 = tpu.memref_squeeze %dma_start3A_71 : memref<1x10240x16xf32, #tpu.memory_space<hbm>> -> memref<10240x16xf32, #tpu.memory_space<hbm>>
      %dma_start3A_73 = arith.constant 0 : i32
      %dma_start3A_74 = tpu.memref_slice %dma_start3A_72[%add3A_55, %dma_start3A_73] : memref<10240x16xf32, #tpu.memory_space<hbm>> -> memref<128x16xf32, #tpu.memory_space<hbm>>
      tpu.enqueue_dma source(%arg6 : memref<128x16xf32, #tpu.memory_space<vmem>>) target(%dma_start3A_74 : memref<128x16xf32, #tpu.memory_space<hbm>>) target_semaphore(%run_scoped3A : memref<!tpu.dma_semaphore, #tpu.memory_space<semaphore_mem>>)
      %dma_wait3A = arith.constant 0 : i32
      %dma_wait3A_75 = arith.constant 0 : i32
      %dma_wait3A_76 = tpu.memref_slice %arg3[%arg0, %dma_wait3A, %dma_wait3A_75] : memref<2x10240x16xf32, #tpu.memory_space<hbm>> -> memref<1x10240x16xf32, #tpu.memory_space<hbm>>
      %dma_wait3A_77 = tpu.memref_squeeze %dma_wait3A_76 : memref<1x10240x16xf32, #tpu.memory_space<hbm>> -> memref<10240x16xf32, #tpu.memory_space<hbm>>
      %dma_wait3A_78 = arith.constant 0 : i32
      %dma_wait3A_79 = tpu.memref_slice %dma_wait3A_77[%add3A_55, %dma_wait3A_78] : memref<10240x16xf32, #tpu.memory_space<hbm>> -> memref<128x16xf32, #tpu.memory_space<hbm>>
      %dma_wait3A_80 = arith.constant 0 : i32
      %dma_wait3A_81 = arith.constant 0 : i32
      %dma_wait3A_82 = tpu.memref_slice %arg3[%arg0, %dma_wait3A_80, %dma_wait3A_81] : memref<2x10240x16xf32, #tpu.memory_space<hbm>> -> memref<1x10240x16xf32, #tpu.memory_space<hbm>>
      %dma_wait3A_83 = tpu.memref_squeeze %dma_wait3A_82 : memref<1x10240x16xf32, #tpu.memory_space<hbm>> -> memref<10240x16xf32, #tpu.memory_space<hbm>>
      %dma_wait3A_84 = arith.constant 0 : i32
      %dma_wait3A_85 = tpu.memref_slice %dma_wait3A_83[%add3A_55, %dma_wait3A_84] : memref<10240x16xf32, #tpu.memory_space<hbm>> -> memref<128x16xf32, #tpu.memory_space<hbm>>
      tpu.wait_dma2 semaphore(%run_scoped3A : memref<!tpu.dma_semaphore, #tpu.memory_space<semaphore_mem>>) src(%arg6 : memref<128x16xf32, #tpu.memory_space<vmem>>) dst(%dma_wait3A_85 : memref<128x16xf32, #tpu.memory_space<hbm>>)
      tpu.yield
    }) : () -> ()
    %mul3A_56 = arith.constant 640 : i32
    %mul3A_57 = arith.muli %arg1, %mul3A_56 : i32
    %add3A_58 = arith.constant 384 : i32
    %add3A_59 = arith.addi %mul3A_57, %add3A_58 : i32
    "tpu.region"() ({
      %run_scoped3A = tpu.sem_alloc : memref<!tpu.dma_semaphore, #tpu.memory_space<semaphore_mem>>
      %dma_start3A = arith.constant 0 : i32
      %dma_start3A_64 = tpu.memref_slice %arg7[%add3A_59, %dma_start3A] : memref<10240x16xf32, #tpu.memory_space<vmem_shared>> -> memref<128x16xf32, #tpu.memory_space<vmem_shared>>
      %dma_start3A_65 = arith.constant 0 : i32
      %dma_start3A_66 = tpu.memref_slice %arg7[%add3A_59, %dma_start3A_65] : memref<10240x16xf32, #tpu.memory_space<vmem_shared>> -> memref<128x16xf32, #tpu.memory_space<vmem_shared>>
      tpu.enqueue_dma source(%dma_start3A_66 : memref<128x16xf32, #tpu.memory_space<vmem_shared>>) target(%arg6 : memref<128x16xf32, #tpu.memory_space<vmem>>) target_semaphore(%run_scoped3A : memref<!tpu.dma_semaphore, #tpu.memory_space<semaphore_mem>>)
      %dma_wait3A = arith.constant 0 : i32
      %dma_wait3A_67 = tpu.memref_slice %arg7[%add3A_59, %dma_wait3A] : memref<10240x16xf32, #tpu.memory_space<vmem_shared>> -> memref<128x16xf32, #tpu.memory_space<vmem_shared>>
      %dma_wait3A_68 = arith.constant 0 : i32
      %dma_wait3A_69 = tpu.memref_slice %arg7[%add3A_59, %dma_wait3A_68] : memref<10240x16xf32, #tpu.memory_space<vmem_shared>> -> memref<128x16xf32, #tpu.memory_space<vmem_shared>>
      tpu.wait_dma2 semaphore(%run_scoped3A : memref<!tpu.dma_semaphore, #tpu.memory_space<semaphore_mem>>) src(%dma_wait3A_69 : memref<128x16xf32, #tpu.memory_space<vmem_shared>>) dst(%arg6 : memref<128x16xf32, #tpu.memory_space<vmem>>)
      tpu.yield
    }) : () -> ()
    "tpu.region"() ({
      %run_scoped3A = tpu.sem_alloc : memref<!tpu.dma_semaphore, #tpu.memory_space<semaphore_mem>>
      %dma_start3A = arith.constant 0 : i32
      %dma_start3A_64 = arith.constant 0 : i32
      %dma_start3A_65 = tpu.memref_slice %arg3[%arg0, %dma_start3A, %dma_start3A_64] : memref<2x10240x16xf32, #tpu.memory_space<hbm>> -> memref<1x10240x16xf32, #tpu.memory_space<hbm>>
      %dma_start3A_66 = tpu.memref_squeeze %dma_start3A_65 : memref<1x10240x16xf32, #tpu.memory_space<hbm>> -> memref<10240x16xf32, #tpu.memory_space<hbm>>
      %dma_start3A_67 = arith.constant 0 : i32
      %dma_start3A_68 = tpu.memref_slice %dma_start3A_66[%add3A_59, %dma_start3A_67] : memref<10240x16xf32, #tpu.memory_space<hbm>> -> memref<128x16xf32, #tpu.memory_space<hbm>>
      %dma_start3A_69 = arith.constant 0 : i32
      %dma_start3A_70 = arith.constant 0 : i32
      %dma_start3A_71 = tpu.memref_slice %arg3[%arg0, %dma_start3A_69, %dma_start3A_70] : memref<2x10240x16xf32, #tpu.memory_space<hbm>> -> memref<1x10240x16xf32, #tpu.memory_space<hbm>>
      %dma_start3A_72 = tpu.memref_squeeze %dma_start3A_71 : memref<1x10240x16xf32, #tpu.memory_space<hbm>> -> memref<10240x16xf32, #tpu.memory_space<hbm>>
      %dma_start3A_73 = arith.constant 0 : i32
      %dma_start3A_74 = tpu.memref_slice %dma_start3A_72[%add3A_59, %dma_start3A_73] : memref<10240x16xf32, #tpu.memory_space<hbm>> -> memref<128x16xf32, #tpu.memory_space<hbm>>
      tpu.enqueue_dma source(%arg6 : memref<128x16xf32, #tpu.memory_space<vmem>>) target(%dma_start3A_74 : memref<128x16xf32, #tpu.memory_space<hbm>>) target_semaphore(%run_scoped3A : memref<!tpu.dma_semaphore, #tpu.memory_space<semaphore_mem>>)
      %dma_wait3A = arith.constant 0 : i32
      %dma_wait3A_75 = arith.constant 0 : i32
      %dma_wait3A_76 = tpu.memref_slice %arg3[%arg0, %dma_wait3A, %dma_wait3A_75] : memref<2x10240x16xf32, #tpu.memory_space<hbm>> -> memref<1x10240x16xf32, #tpu.memory_space<hbm>>
      %dma_wait3A_77 = tpu.memref_squeeze %dma_wait3A_76 : memref<1x10240x16xf32, #tpu.memory_space<hbm>> -> memref<10240x16xf32, #tpu.memory_space<hbm>>
      %dma_wait3A_78 = arith.constant 0 : i32
      %dma_wait3A_79 = tpu.memref_slice %dma_wait3A_77[%add3A_59, %dma_wait3A_78] : memref<10240x16xf32, #tpu.memory_space<hbm>> -> memref<128x16xf32, #tpu.memory_space<hbm>>
      %dma_wait3A_80 = arith.constant 0 : i32
      %dma_wait3A_81 = arith.constant 0 : i32
      %dma_wait3A_82 = tpu.memref_slice %arg3[%arg0, %dma_wait3A_80, %dma_wait3A_81] : memref<2x10240x16xf32, #tpu.memory_space<hbm>> -> memref<1x10240x16xf32, #tpu.memory_space<hbm>>
      %dma_wait3A_83 = tpu.memref_squeeze %dma_wait3A_82 : memref<1x10240x16xf32, #tpu.memory_space<hbm>> -> memref<10240x16xf32, #tpu.memory_space<hbm>>
      %dma_wait3A_84 = arith.constant 0 : i32
      %dma_wait3A_85 = tpu.memref_slice %dma_wait3A_83[%add3A_59, %dma_wait3A_84] : memref<10240x16xf32, #tpu.memory_space<hbm>> -> memref<128x16xf32, #tpu.memory_space<hbm>>
      tpu.wait_dma2 semaphore(%run_scoped3A : memref<!tpu.dma_semaphore, #tpu.memory_space<semaphore_mem>>) src(%arg6 : memref<128x16xf32, #tpu.memory_space<vmem>>) dst(%dma_wait3A_85 : memref<128x16xf32, #tpu.memory_space<hbm>>)
      tpu.yield
    }) : () -> ()
    %mul3A_60 = arith.constant 640 : i32
    %mul3A_61 = arith.muli %arg1, %mul3A_60 : i32
    %add3A_62 = arith.constant 512 : i32
    %add3A_63 = arith.addi %mul3A_61, %add3A_62 : i32
    "tpu.region"() ({
      %run_scoped3A = tpu.sem_alloc : memref<!tpu.dma_semaphore, #tpu.memory_space<semaphore_mem>>
      %dma_start3A = arith.constant 0 : i32
      %dma_start3A_64 = tpu.memref_slice %arg7[%add3A_63, %dma_start3A] : memref<10240x16xf32, #tpu.memory_space<vmem_shared>> -> memref<128x16xf32, #tpu.memory_space<vmem_shared>>
      %dma_start3A_65 = arith.constant 0 : i32
      %dma_start3A_66 = tpu.memref_slice %arg7[%add3A_63, %dma_start3A_65] : memref<10240x16xf32, #tpu.memory_space<vmem_shared>> -> memref<128x16xf32, #tpu.memory_space<vmem_shared>>
      tpu.enqueue_dma source(%dma_start3A_66 : memref<128x16xf32, #tpu.memory_space<vmem_shared>>) target(%arg6 : memref<128x16xf32, #tpu.memory_space<vmem>>) target_semaphore(%run_scoped3A : memref<!tpu.dma_semaphore, #tpu.memory_space<semaphore_mem>>)
      %dma_wait3A = arith.constant 0 : i32
      %dma_wait3A_67 = tpu.memref_slice %arg7[%add3A_63, %dma_wait3A] : memref<10240x16xf32, #tpu.memory_space<vmem_shared>> -> memref<128x16xf32, #tpu.memory_space<vmem_shared>>
      %dma_wait3A_68 = arith.constant 0 : i32
      %dma_wait3A_69 = tpu.memref_slice %arg7[%add3A_63, %dma_wait3A_68] : memref<10240x16xf32, #tpu.memory_space<vmem_shared>> -> memref<128x16xf32, #tpu.memory_space<vmem_shared>>
      tpu.wait_dma2 semaphore(%run_scoped3A : memref<!tpu.dma_semaphore, #tpu.memory_space<semaphore_mem>>) src(%dma_wait3A_69 : memref<128x16xf32, #tpu.memory_space<vmem_shared>>) dst(%arg6 : memref<128x16xf32, #tpu.memory_space<vmem>>)
      tpu.yield
    }) : () -> ()
    "tpu.region"() ({
      %run_scoped3A = tpu.sem_alloc : memref<!tpu.dma_semaphore, #tpu.memory_space<semaphore_mem>>
      %dma_start3A = arith.constant 0 : i32
      %dma_start3A_64 = arith.constant 0 : i32
      %dma_start3A_65 = tpu.memref_slice %arg3[%arg0, %dma_start3A, %dma_start3A_64] : memref<2x10240x16xf32, #tpu.memory_space<hbm>> -> memref<1x10240x16xf32, #tpu.memory_space<hbm>>
      %dma_start3A_66 = tpu.memref_squeeze %dma_start3A_65 : memref<1x10240x16xf32, #tpu.memory_space<hbm>> -> memref<10240x16xf32, #tpu.memory_space<hbm>>
      %dma_start3A_67 = arith.constant 0 : i32
      %dma_start3A_68 = tpu.memref_slice %dma_start3A_66[%add3A_63, %dma_start3A_67] : memref<10240x16xf32, #tpu.memory_space<hbm>> -> memref<128x16xf32, #tpu.memory_space<hbm>>
      %dma_start3A_69 = arith.constant 0 : i32
      %dma_start3A_70 = arith.constant 0 : i32
      %dma_start3A_71 = tpu.memref_slice %arg3[%arg0, %dma_start3A_69, %dma_start3A_70] : memref<2x10240x16xf32, #tpu.memory_space<hbm>> -> memref<1x10240x16xf32, #tpu.memory_space<hbm>>
      %dma_start3A_72 = tpu.memref_squeeze %dma_start3A_71 : memref<1x10240x16xf32, #tpu.memory_space<hbm>> -> memref<10240x16xf32, #tpu.memory_space<hbm>>
      %dma_start3A_73 = arith.constant 0 : i32
      %dma_start3A_74 = tpu.memref_slice %dma_start3A_72[%add3A_63, %dma_start3A_73] : memref<10240x16xf32, #tpu.memory_space<hbm>> -> memref<128x16xf32, #tpu.memory_space<hbm>>
      tpu.enqueue_dma source(%arg6 : memref<128x16xf32, #tpu.memory_space<vmem>>) target(%dma_start3A_74 : memref<128x16xf32, #tpu.memory_space<hbm>>) target_semaphore(%run_scoped3A : memref<!tpu.dma_semaphore, #tpu.memory_space<semaphore_mem>>)
      %dma_wait3A = arith.constant 0 : i32
      %dma_wait3A_75 = arith.constant 0 : i32
      %dma_wait3A_76 = tpu.memref_slice %arg3[%arg0, %dma_wait3A, %dma_wait3A_75] : memref<2x10240x16xf32, #tpu.memory_space<hbm>> -> memref<1x10240x16xf32, #tpu.memory_space<hbm>>
      %dma_wait3A_77 = tpu.memref_squeeze %dma_wait3A_76 : memref<1x10240x16xf32, #tpu.memory_space<hbm>> -> memref<10240x16xf32, #tpu.memory_space<hbm>>
      %dma_wait3A_78 = arith.constant 0 : i32
      %dma_wait3A_79 = tpu.memref_slice %dma_wait3A_77[%add3A_63, %dma_wait3A_78] : memref<10240x16xf32, #tpu.memory_space<hbm>> -> memref<128x16xf32, #tpu.memory_space<hbm>>
      %dma_wait3A_80 = arith.constant 0 : i32
      %dma_wait3A_81 = arith.constant 0 : i32
      %dma_wait3A_82 = tpu.memref_slice %arg3[%arg0, %dma_wait3A_80, %dma_wait3A_81] : memref<2x10240x16xf32, #tpu.memory_space<hbm>> -> memref<1x10240x16xf32, #tpu.memory_space<hbm>>
      %dma_wait3A_83 = tpu.memref_squeeze %dma_wait3A_82 : memref<1x10240x16xf32, #tpu.memory_space<hbm>> -> memref<10240x16xf32, #tpu.memory_space<hbm>>
      %dma_wait3A_84 = arith.constant 0 : i32
      %dma_wait3A_85 = tpu.memref_slice %dma_wait3A_83[%add3A_63, %dma_wait3A_84] : memref<10240x16xf32, #tpu.memory_space<hbm>> -> memref<128x16xf32, #tpu.memory_space<hbm>>
      tpu.wait_dma2 semaphore(%run_scoped3A : memref<!tpu.dma_semaphore, #tpu.memory_space<semaphore_mem>>) src(%arg6 : memref<128x16xf32, #tpu.memory_space<vmem>>) dst(%dma_wait3A_85 : memref<128x16xf32, #tpu.memory_space<hbm>>)
      tpu.yield
    }) : () -> ()
    return
  }
}

#map = affine_map<(d0, d1) -> (0, 0, 0)>
#map1 = affine_map<(d0, d1) -> (0, 0)>
module attributes {stable_mosaic.version = 14 : i64} {
  func.func @_sc_agg_body(%arg0: i32, %arg1: i32, %arg2: memref<16x160x128xi32, #tpu.memory_space<hbm>>, %arg3: memref<16x160x128xi32, #tpu.memory_space<hbm>>, %arg4: memref<10240x64xf32, #tpu.memory_space<hbm>>, %arg5: memref<10240x64xf32, #tpu.memory_space<hbm>>, %arg6: memref<2x10240x64xf32, #tpu.memory_space<hbm>>, %arg7: memref<162x128xi32, #tpu.memory_space<vmem>>, %arg8: memref<160x128xi32, #tpu.memory_space<vmem>>, %arg9: memref<128x64xf32, #tpu.memory_space<vmem>>, %arg10: memref<128x64xf32, #tpu.memory_space<vmem>>, %arg11: memref<128x64xf32, #tpu.memory_space<vmem>>, %arg12: memref<128x64xf32, #tpu.memory_space<vmem>>, %arg13: memref<10240x64xf32, #tpu.memory_space<vmem_shared>>, %arg14: memref<!tpu.dma_semaphore, #tpu.memory_space<semaphore_mem>>, %arg15: memref<!tpu.dma_semaphore, #tpu.memory_space<semaphore_mem>>) attributes {dimension_semantics = [#tpu.dimension_semantics<core_parallel>, #tpu.dimension_semantics<subcore_parallel>], iteration_bounds = array<i64: 2, 16>, scalar_prefetch = 0 : i64, scratch_operands = 9 : i64, tpu.core_type = #tpu.core_type<sc_vector_subcore>, window_params = [{transform_indices = #map}, {transform_indices = #map}, {transform_indices = #map1}, {transform_indices = #map1}, {transform_indices = #map}]} {
    "tpu.region"() ({
      %run_scoped3A = tpu.sem_alloc : memref<!tpu.dma_semaphore, #tpu.memory_space<semaphore_mem>>
      %dma_start3A = arith.constant 0 : i32
      %dma_start3A_62 = arith.constant 0 : i32
      %dma_start3A_63 = tpu.memref_slice %arg7[%dma_start3A, %dma_start3A_62] : memref<162x128xi32, #tpu.memory_space<vmem>> -> memref<160x128xi32, #tpu.memory_space<vmem>>
      %dma_start3A_64 = arith.constant 0 : i32
      %dma_start3A_65 = arith.constant 0 : i32
      %dma_start3A_66 = tpu.memref_slice %arg2[%arg1, %dma_start3A_64, %dma_start3A_65] : memref<16x160x128xi32, #tpu.memory_space<hbm>> -> memref<1x160x128xi32, #tpu.memory_space<hbm>>
      %dma_start3A_67 = tpu.memref_squeeze %dma_start3A_66 : memref<1x160x128xi32, #tpu.memory_space<hbm>> -> memref<160x128xi32, #tpu.memory_space<hbm>>
      %dma_start3A_68 = arith.constant 0 : i32
      %dma_start3A_69 = arith.constant 0 : i32
      %dma_start3A_70 = tpu.memref_slice %arg7[%dma_start3A_68, %dma_start3A_69] : memref<162x128xi32, #tpu.memory_space<vmem>> -> memref<160x128xi32, #tpu.memory_space<vmem>>
      %dma_start3A_71 = arith.constant 0 : i32
      %dma_start3A_72 = arith.constant 0 : i32
      %dma_start3A_73 = tpu.memref_slice %arg2[%arg1, %dma_start3A_71, %dma_start3A_72] : memref<16x160x128xi32, #tpu.memory_space<hbm>> -> memref<1x160x128xi32, #tpu.memory_space<hbm>>
      %dma_start3A_74 = tpu.memref_squeeze %dma_start3A_73 : memref<1x160x128xi32, #tpu.memory_space<hbm>> -> memref<160x128xi32, #tpu.memory_space<hbm>>
      tpu.enqueue_dma source(%dma_start3A_74 : memref<160x128xi32, #tpu.memory_space<hbm>>) target(%dma_start3A_70 : memref<160x128xi32, #tpu.memory_space<vmem>>) target_semaphore(%run_scoped3A : memref<!tpu.dma_semaphore, #tpu.memory_space<semaphore_mem>>)
      %dma_wait3A = arith.constant 0 : i32
      %dma_wait3A_75 = arith.constant 0 : i32
      %dma_wait3A_76 = tpu.memref_slice %arg7[%dma_wait3A, %dma_wait3A_75] : memref<162x128xi32, #tpu.memory_space<vmem>> -> memref<160x128xi32, #tpu.memory_space<vmem>>
      %dma_wait3A_77 = arith.constant 0 : i32
      %dma_wait3A_78 = arith.constant 0 : i32
      %dma_wait3A_79 = tpu.memref_slice %arg2[%arg1, %dma_wait3A_77, %dma_wait3A_78] : memref<16x160x128xi32, #tpu.memory_space<hbm>> -> memref<1x160x128xi32, #tpu.memory_space<hbm>>
      %dma_wait3A_80 = tpu.memref_squeeze %dma_wait3A_79 : memref<1x160x128xi32, #tpu.memory_space<hbm>> -> memref<160x128xi32, #tpu.memory_space<hbm>>
      %dma_wait3A_81 = arith.constant 0 : i32
      %dma_wait3A_82 = arith.constant 0 : i32
      %dma_wait3A_83 = tpu.memref_slice %arg7[%dma_wait3A_81, %dma_wait3A_82] : memref<162x128xi32, #tpu.memory_space<vmem>> -> memref<160x128xi32, #tpu.memory_space<vmem>>
      %dma_wait3A_84 = arith.constant 0 : i32
      %dma_wait3A_85 = arith.constant 0 : i32
      %dma_wait3A_86 = tpu.memref_slice %arg2[%arg1, %dma_wait3A_84, %dma_wait3A_85] : memref<16x160x128xi32, #tpu.memory_space<hbm>> -> memref<1x160x128xi32, #tpu.memory_space<hbm>>
      %dma_wait3A_87 = tpu.memref_squeeze %dma_wait3A_86 : memref<1x160x128xi32, #tpu.memory_space<hbm>> -> memref<160x128xi32, #tpu.memory_space<hbm>>
      tpu.wait_dma2 semaphore(%run_scoped3A : memref<!tpu.dma_semaphore, #tpu.memory_space<semaphore_mem>>) src(%dma_wait3A_87 : memref<160x128xi32, #tpu.memory_space<hbm>>) dst(%dma_wait3A_83 : memref<160x128xi32, #tpu.memory_space<vmem>>)
      tpu.yield
    }) : () -> ()
    "tpu.region"() ({
      %run_scoped3A = tpu.sem_alloc : memref<!tpu.dma_semaphore, #tpu.memory_space<semaphore_mem>>
      %dma_start3A = arith.constant 0 : i32
      %dma_start3A_62 = arith.constant 0 : i32
      %dma_start3A_63 = tpu.memref_slice %arg3[%arg1, %dma_start3A, %dma_start3A_62] : memref<16x160x128xi32, #tpu.memory_space<hbm>> -> memref<1x160x128xi32, #tpu.memory_space<hbm>>
      %dma_start3A_64 = tpu.memref_squeeze %dma_start3A_63 : memref<1x160x128xi32, #tpu.memory_space<hbm>> -> memref<160x128xi32, #tpu.memory_space<hbm>>
      %dma_start3A_65 = arith.constant 0 : i32
      %dma_start3A_66 = arith.constant 0 : i32
      %dma_start3A_67 = tpu.memref_slice %arg3[%arg1, %dma_start3A_65, %dma_start3A_66] : memref<16x160x128xi32, #tpu.memory_space<hbm>> -> memref<1x160x128xi32, #tpu.memory_space<hbm>>
      %dma_start3A_68 = tpu.memref_squeeze %dma_start3A_67 : memref<1x160x128xi32, #tpu.memory_space<hbm>> -> memref<160x128xi32, #tpu.memory_space<hbm>>
      tpu.enqueue_dma source(%dma_start3A_68 : memref<160x128xi32, #tpu.memory_space<hbm>>) target(%arg8 : memref<160x128xi32, #tpu.memory_space<vmem>>) target_semaphore(%run_scoped3A : memref<!tpu.dma_semaphore, #tpu.memory_space<semaphore_mem>>)
      %dma_wait3A = arith.constant 0 : i32
      %dma_wait3A_69 = arith.constant 0 : i32
      %dma_wait3A_70 = tpu.memref_slice %arg3[%arg1, %dma_wait3A, %dma_wait3A_69] : memref<16x160x128xi32, #tpu.memory_space<hbm>> -> memref<1x160x128xi32, #tpu.memory_space<hbm>>
      %dma_wait3A_71 = tpu.memref_squeeze %dma_wait3A_70 : memref<1x160x128xi32, #tpu.memory_space<hbm>> -> memref<160x128xi32, #tpu.memory_space<hbm>>
      %dma_wait3A_72 = arith.constant 0 : i32
      %dma_wait3A_73 = arith.constant 0 : i32
      %dma_wait3A_74 = tpu.memref_slice %arg3[%arg1, %dma_wait3A_72, %dma_wait3A_73] : memref<16x160x128xi32, #tpu.memory_space<hbm>> -> memref<1x160x128xi32, #tpu.memory_space<hbm>>
      %dma_wait3A_75 = tpu.memref_squeeze %dma_wait3A_74 : memref<1x160x128xi32, #tpu.memory_space<hbm>> -> memref<160x128xi32, #tpu.memory_space<hbm>>
      tpu.wait_dma2 semaphore(%run_scoped3A : memref<!tpu.dma_semaphore, #tpu.memory_space<semaphore_mem>>) src(%dma_wait3A_75 : memref<160x128xi32, #tpu.memory_space<hbm>>) dst(%arg8 : memref<160x128xi32, #tpu.memory_space<vmem>>)
      tpu.yield
    }) : () -> ()
    %broadcast_in_dim3A = arith.constant 0 : i32
    %broadcast_in_dim3A_0 = vector.broadcast %broadcast_in_dim3A : i32 to vector<16xi32>
    %scan3A = arith.constant 0 : i32
    %scan3A_1 = arith.constant 0 : i32
    %scan3A_2 = arith.constant 2 : i32
    %scan3A_3 = arith.addi %scan3A_1, %scan3A_2 : i32
    %scan3A_4 = arith.constant 1 : i32
    %scan3A_5 = scf.for %scan3A_62 = %scan3A_1 to %scan3A_3 step %scan3A_4 iter_args(%scan3A_63 = %scan3A) -> (i32)  : i32 {
      %add3A_64 = arith.constant 160 : i32
      %add3A_65 = arith.addi %add3A_64, %scan3A_62 : i32
      %swap3A = arith.index_cast %add3A_65 : i32 to index
      %swap3A_66 = arith.constant 0 : index
      %swap3A_67 = tpu.vector_load %arg7[%swap3A, %swap3A_66] {strides = array<i32>} : memref<162x128xi32, #tpu.memory_space<vmem>>, vector<1x16xi32>,
      %swap3A_68 = vector.shape_cast %swap3A_67 : vector<1x16xi32> to vector<16xi32>
      %swap3A_69 = vector.shape_cast %broadcast_in_dim3A_0 : vector<16xi32> to vector<1x16xi32>
      tpu.vector_store %arg7[%swap3A, %swap3A_66], %swap3A_69 {strides = array<i32>} : memref<162x128xi32, #tpu.memory_space<vmem>>, vector<1x16xi32>,
      %add3A_70 = arith.constant 160 : i32
      %add3A_71 = arith.addi %add3A_70, %scan3A_62 : i32
      %swap3A_72 = arith.index_cast %add3A_71 : i32 to index
      %swap3A_73 = arith.constant 16 : index
      %swap3A_74 = tpu.vector_load %arg7[%swap3A_72, %swap3A_73] {strides = array<i32>} : memref<162x128xi32, #tpu.memory_space<vmem>>, vector<1x16xi32>,
      %swap3A_75 = vector.shape_cast %swap3A_74 : vector<1x16xi32> to vector<16xi32>
      %swap3A_76 = vector.shape_cast %broadcast_in_dim3A_0 : vector<16xi32> to vector<1x16xi32>
      tpu.vector_store %arg7[%swap3A_72, %swap3A_73], %swap3A_76 {strides = array<i32>} : memref<162x128xi32, #tpu.memory_space<vmem>>, vector<1x16xi32>,
      %add3A_77 = arith.constant 160 : i32
      %add3A_78 = arith.addi %add3A_77, %scan3A_62 : i32
      %swap3A_79 = arith.index_cast %add3A_78 : i32 to index
      %swap3A_80 = arith.constant 32 : index
      %swap3A_81 = tpu.vector_load %arg7[%swap3A_79, %swap3A_80] {strides = array<i32>} : memref<162x128xi32, #tpu.memory_space<vmem>>, vector<1x16xi32>,
      %swap3A_82 = vector.shape_cast %swap3A_81 : vector<1x16xi32> to vector<16xi32>
      %swap3A_83 = vector.shape_cast %broadcast_in_dim3A_0 : vector<16xi32> to vector<1x16xi32>
      tpu.vector_store %arg7[%swap3A_79, %swap3A_80], %swap3A_83 {strides = array<i32>} : memref<162x128xi32, #tpu.memory_space<vmem>>, vector<1x16xi32>,
      %add3A_84 = arith.constant 160 : i32
      %add3A_85 = arith.addi %add3A_84, %scan3A_62 : i32
      %swap3A_86 = arith.index_cast %add3A_85 : i32 to index
      %swap3A_87 = arith.constant 48 : index
      %swap3A_88 = tpu.vector_load %arg7[%swap3A_86, %swap3A_87] {strides = array<i32>} : memref<162x128xi32, #tpu.memory_space<vmem>>, vector<1x16xi32>,
      %swap3A_89 = vector.shape_cast %swap3A_88 : vector<1x16xi32> to vector<16xi32>
      %swap3A_90 = vector.shape_cast %broadcast_in_dim3A_0 : vector<16xi32> to vector<1x16xi32>
      tpu.vector_store %arg7[%swap3A_86, %swap3A_87], %swap3A_90 {strides = array<i32>} : memref<162x128xi32, #tpu.memory_space<vmem>>, vector<1x16xi32>,
      %add3A_91 = arith.constant 160 : i32
      %add3A_92 = arith.addi %add3A_91, %scan3A_62 : i32
      %swap3A_93 = arith.index_cast %add3A_92 : i32 to index
      %swap3A_94 = arith.constant 64 : index
      %swap3A_95 = tpu.vector_load %arg7[%swap3A_93, %swap3A_94] {strides = array<i32>} : memref<162x128xi32, #tpu.memory_space<vmem>>, vector<1x16xi32>,
      %swap3A_96 = vector.shape_cast %swap3A_95 : vector<1x16xi32> to vector<16xi32>
      %swap3A_97 = vector.shape_cast %broadcast_in_dim3A_0 : vector<16xi32> to vector<1x16xi32>
      tpu.vector_store %arg7[%swap3A_93, %swap3A_94], %swap3A_97 {strides = array<i32>} : memref<162x128xi32, #tpu.memory_space<vmem>>, vector<1x16xi32>,
      %add3A_98 = arith.constant 160 : i32
      %add3A_99 = arith.addi %add3A_98, %scan3A_62 : i32
      %swap3A_100 = arith.index_cast %add3A_99 : i32 to index
      %swap3A_101 = arith.constant 80 : index
      %swap3A_102 = tpu.vector_load %arg7[%swap3A_100, %swap3A_101] {strides = array<i32>} : memref<162x128xi32, #tpu.memory_space<vmem>>, vector<1x16xi32>,
      %swap3A_103 = vector.shape_cast %swap3A_102 : vector<1x16xi32> to vector<16xi32>
      %swap3A_104 = vector.shape_cast %broadcast_in_dim3A_0 : vector<16xi32> to vector<1x16xi32>
      tpu.vector_store %arg7[%swap3A_100, %swap3A_101], %swap3A_104 {strides = array<i32>} : memref<162x128xi32, #tpu.memory_space<vmem>>, vector<1x16xi32>,
      %add3A_105 = arith.constant 160 : i32
      %add3A_106 = arith.addi %add3A_105, %scan3A_62 : i32
      %swap3A_107 = arith.index_cast %add3A_106 : i32 to index
      %swap3A_108 = arith.constant 96 : index
      %swap3A_109 = tpu.vector_load %arg7[%swap3A_107, %swap3A_108] {strides = array<i32>} : memref<162x128xi32, #tpu.memory_space<vmem>>, vector<1x16xi32>,
      %swap3A_110 = vector.shape_cast %swap3A_109 : vector<1x16xi32> to vector<16xi32>
      %swap3A_111 = vector.shape_cast %broadcast_in_dim3A_0 : vector<16xi32> to vector<1x16xi32>
      tpu.vector_store %arg7[%swap3A_107, %swap3A_108], %swap3A_111 {strides = array<i32>} : memref<162x128xi32, #tpu.memory_space<vmem>>, vector<1x16xi32>,
      %add3A_112 = arith.constant 160 : i32
      %add3A_113 = arith.addi %add3A_112, %scan3A_62 : i32
      %swap3A_114 = arith.index_cast %add3A_113 : i32 to index
      %swap3A_115 = arith.constant 112 : index
      %swap3A_116 = tpu.vector_load %arg7[%swap3A_114, %swap3A_115] {strides = array<i32>} : memref<162x128xi32, #tpu.memory_space<vmem>>, vector<1x16xi32>,
      %swap3A_117 = vector.shape_cast %swap3A_116 : vector<1x16xi32> to vector<16xi32>
      %swap3A_118 = vector.shape_cast %broadcast_in_dim3A_0 : vector<16xi32> to vector<1x16xi32>
      tpu.vector_store %arg7[%swap3A_114, %swap3A_115], %swap3A_118 {strides = array<i32>} : memref<162x128xi32, #tpu.memory_space<vmem>>, vector<1x16xi32>,
      %scan3A_119 = arith.constant 0 : i32
      scf.yield %scan3A_119 : i32
    }
    %scan3A_6 = arith.constant 2 : i32
    %broadcast_in_dim3A_7 = arith.constant 0.000000e+00 : f32
    %broadcast_in_dim3A_8 = vector.broadcast %broadcast_in_dim3A_7 : f32 to vector<16xf32>
    %scan3A_9 = arith.constant 0 : i32
    %scan3A_10 = arith.constant 0 : i32
    %scan3A_11 = arith.constant 128 : i32
    %scan3A_12 = arith.addi %scan3A_10, %scan3A_11 : i32
    %scan3A_13 = arith.constant 1 : i32
    %scan3A_14 = scf.for %scan3A_62 = %scan3A_10 to %scan3A_12 step %scan3A_13 iter_args(%scan3A_63 = %scan3A_9) -> (i32)  : i32 {
      %swap3A = arith.index_cast %scan3A_62 : i32 to index
      %swap3A_64 = arith.constant 0 : index
      %swap3A_65 = tpu.vector_load %arg9[%swap3A, %swap3A_64] {strides = array<i32>} : memref<128x64xf32, #tpu.memory_space<vmem>>, vector<1x16xf32>,
      %swap3A_66 = vector.shape_cast %swap3A_65 : vector<1x16xf32> to vector<16xf32>
      %swap3A_67 = vector.shape_cast %broadcast_in_dim3A_8 : vector<16xf32> to vector<1x16xf32>
      tpu.vector_store %arg9[%swap3A, %swap3A_64], %swap3A_67 {strides = array<i32>} : memref<128x64xf32, #tpu.memory_space<vmem>>, vector<1x16xf32>,
      %swap3A_68 = arith.index_cast %scan3A_62 : i32 to index
      %swap3A_69 = arith.constant 16 : index
      %swap3A_70 = tpu.vector_load %arg9[%swap3A_68, %swap3A_69] {strides = array<i32>} : memref<128x64xf32, #tpu.memory_space<vmem>>, vector<1x16xf32>,
      %swap3A_71 = vector.shape_cast %swap3A_70 : vector<1x16xf32> to vector<16xf32>
      %swap3A_72 = vector.shape_cast %broadcast_in_dim3A_8 : vector<16xf32> to vector<1x16xf32>
      tpu.vector_store %arg9[%swap3A_68, %swap3A_69], %swap3A_72 {strides = array<i32>} : memref<128x64xf32, #tpu.memory_space<vmem>>, vector<1x16xf32>,
      %swap3A_73 = arith.index_cast %scan3A_62 : i32 to index
      %swap3A_74 = arith.constant 32 : index
      %swap3A_75 = tpu.vector_load %arg9[%swap3A_73, %swap3A_74] {strides = array<i32>} : memref<128x64xf32, #tpu.memory_space<vmem>>, vector<1x16xf32>,
      %swap3A_76 = vector.shape_cast %swap3A_75 : vector<1x16xf32> to vector<16xf32>
      %swap3A_77 = vector.shape_cast %broadcast_in_dim3A_8 : vector<16xf32> to vector<1x16xf32>
      tpu.vector_store %arg9[%swap3A_73, %swap3A_74], %swap3A_77 {strides = array<i32>} : memref<128x64xf32, #tpu.memory_space<vmem>>, vector<1x16xf32>,
      %swap3A_78 = arith.index_cast %scan3A_62 : i32 to index
      %swap3A_79 = arith.constant 48 : index
      %swap3A_80 = tpu.vector_load %arg9[%swap3A_78, %swap3A_79] {strides = array<i32>} : memref<128x64xf32, #tpu.memory_space<vmem>>, vector<1x16xf32>,
      %swap3A_81 = vector.shape_cast %swap3A_80 : vector<1x16xf32> to vector<16xf32>
      %swap3A_82 = vector.shape_cast %broadcast_in_dim3A_8 : vector<16xf32> to vector<1x16xf32>
      tpu.vector_store %arg9[%swap3A_78, %swap3A_79], %swap3A_82 {strides = array<i32>} : memref<128x64xf32, #tpu.memory_space<vmem>>, vector<1x16xf32>,
      %scan3A_83 = arith.constant 0 : i32
      scf.yield %scan3A_83 : i32
    }
    %scan3A_15 = arith.constant 128 : i32
    %mul3A = arith.constant 640 : i32
    %mul3A_16 = arith.muli %arg1, %mul3A : i32
    %add3A = arith.constant 0 : i32
    %add3A_17 = arith.addi %mul3A_16, %add3A : i32
    "tpu.region"() ({
      %run_scoped3A = tpu.sem_alloc : memref<!tpu.dma_semaphore, #tpu.memory_space<semaphore_mem>>
      %dma_start3A = arith.constant 0 : i32
      %dma_start3A_62 = tpu.memref_slice %arg13[%add3A_17, %dma_start3A] : memref<10240x64xf32, #tpu.memory_space<vmem_shared>> -> memref<128x64xf32, #tpu.memory_space<vmem_shared>>
      %dma_start3A_63 = arith.constant 0 : i32
      %dma_start3A_64 = tpu.memref_slice %arg13[%add3A_17, %dma_start3A_63] : memref<10240x64xf32, #tpu.memory_space<vmem_shared>> -> memref<128x64xf32, #tpu.memory_space<vmem_shared>>
      tpu.enqueue_dma source(%arg9 : memref<128x64xf32, #tpu.memory_space<vmem>>) target(%dma_start3A_64 : memref<128x64xf32, #tpu.memory_space<vmem_shared>>) target_semaphore(%run_scoped3A : memref<!tpu.dma_semaphore, #tpu.memory_space<semaphore_mem>>)
      %dma_wait3A = arith.constant 0 : i32
      %dma_wait3A_65 = tpu.memref_slice %arg13[%add3A_17, %dma_wait3A] : memref<10240x64xf32, #tpu.memory_space<vmem_shared>> -> memref<128x64xf32, #tpu.memory_space<vmem_shared>>
      %dma_wait3A_66 = arith.constant 0 : i32
      %dma_wait3A_67 = tpu.memref_slice %arg13[%add3A_17, %dma_wait3A_66] : memref<10240x64xf32, #tpu.memory_space<vmem_shared>> -> memref<128x64xf32, #tpu.memory_space<vmem_shared>>
      tpu.wait_dma2 semaphore(%run_scoped3A : memref<!tpu.dma_semaphore, #tpu.memory_space<semaphore_mem>>) src(%arg9 : memref<128x64xf32, #tpu.memory_space<vmem>>) dst(%dma_wait3A_67 : memref<128x64xf32, #tpu.memory_space<vmem_shared>>)
      tpu.yield
    }) : () -> ()
    %mul3A_18 = arith.constant 640 : i32
    %mul3A_19 = arith.muli %arg1, %mul3A_18 : i32
    %add3A_20 = arith.constant 128 : i32
    %add3A_21 = arith.addi %mul3A_19, %add3A_20 : i32
    "tpu.region"() ({
      %run_scoped3A = tpu.sem_alloc : memref<!tpu.dma_semaphore, #tpu.memory_space<semaphore_mem>>
      %dma_start3A = arith.constant 0 : i32
      %dma_start3A_62 = tpu.memref_slice %arg13[%add3A_21, %dma_start3A] : memref<10240x64xf32, #tpu.memory_space<vmem_shared>> -> memref<128x64xf32, #tpu.memory_space<vmem_shared>>
      %dma_start3A_63 = arith.constant 0 : i32
      %dma_start3A_64 = tpu.memref_slice %arg13[%add3A_21, %dma_start3A_63] : memref<10240x64xf32, #tpu.memory_space<vmem_shared>> -> memref<128x64xf32, #tpu.memory_space<vmem_shared>>
      tpu.enqueue_dma source(%arg9 : memref<128x64xf32, #tpu.memory_space<vmem>>) target(%dma_start3A_64 : memref<128x64xf32, #tpu.memory_space<vmem_shared>>) target_semaphore(%run_scoped3A : memref<!tpu.dma_semaphore, #tpu.memory_space<semaphore_mem>>)
      %dma_wait3A = arith.constant 0 : i32
      %dma_wait3A_65 = tpu.memref_slice %arg13[%add3A_21, %dma_wait3A] : memref<10240x64xf32, #tpu.memory_space<vmem_shared>> -> memref<128x64xf32, #tpu.memory_space<vmem_shared>>
      %dma_wait3A_66 = arith.constant 0 : i32
      %dma_wait3A_67 = tpu.memref_slice %arg13[%add3A_21, %dma_wait3A_66] : memref<10240x64xf32, #tpu.memory_space<vmem_shared>> -> memref<128x64xf32, #tpu.memory_space<vmem_shared>>
      tpu.wait_dma2 semaphore(%run_scoped3A : memref<!tpu.dma_semaphore, #tpu.memory_space<semaphore_mem>>) src(%arg9 : memref<128x64xf32, #tpu.memory_space<vmem>>) dst(%dma_wait3A_67 : memref<128x64xf32, #tpu.memory_space<vmem_shared>>)
      tpu.yield
    }) : () -> ()
    %mul3A_22 = arith.constant 640 : i32
    %mul3A_23 = arith.muli %arg1, %mul3A_22 : i32
    %add3A_24 = arith.constant 256 : i32
    %add3A_25 = arith.addi %mul3A_23, %add3A_24 : i32
    "tpu.region"() ({
      %run_scoped3A = tpu.sem_alloc : memref<!tpu.dma_semaphore, #tpu.memory_space<semaphore_mem>>
      %dma_start3A = arith.constant 0 : i32
      %dma_start3A_62 = tpu.memref_slice %arg13[%add3A_25, %dma_start3A] : memref<10240x64xf32, #tpu.memory_space<vmem_shared>> -> memref<128x64xf32, #tpu.memory_space<vmem_shared>>
      %dma_start3A_63 = arith.constant 0 : i32
      %dma_start3A_64 = tpu.memref_slice %arg13[%add3A_25, %dma_start3A_63] : memref<10240x64xf32, #tpu.memory_space<vmem_shared>> -> memref<128x64xf32, #tpu.memory_space<vmem_shared>>
      tpu.enqueue_dma source(%arg9 : memref<128x64xf32, #tpu.memory_space<vmem>>) target(%dma_start3A_64 : memref<128x64xf32, #tpu.memory_space<vmem_shared>>) target_semaphore(%run_scoped3A : memref<!tpu.dma_semaphore, #tpu.memory_space<semaphore_mem>>)
      %dma_wait3A = arith.constant 0 : i32
      %dma_wait3A_65 = tpu.memref_slice %arg13[%add3A_25, %dma_wait3A] : memref<10240x64xf32, #tpu.memory_space<vmem_shared>> -> memref<128x64xf32, #tpu.memory_space<vmem_shared>>
      %dma_wait3A_66 = arith.constant 0 : i32
      %dma_wait3A_67 = tpu.memref_slice %arg13[%add3A_25, %dma_wait3A_66] : memref<10240x64xf32, #tpu.memory_space<vmem_shared>> -> memref<128x64xf32, #tpu.memory_space<vmem_shared>>
      tpu.wait_dma2 semaphore(%run_scoped3A : memref<!tpu.dma_semaphore, #tpu.memory_space<semaphore_mem>>) src(%arg9 : memref<128x64xf32, #tpu.memory_space<vmem>>) dst(%dma_wait3A_67 : memref<128x64xf32, #tpu.memory_space<vmem_shared>>)
      tpu.yield
    }) : () -> ()
    %mul3A_26 = arith.constant 640 : i32
    %mul3A_27 = arith.muli %arg1, %mul3A_26 : i32
    %add3A_28 = arith.constant 384 : i32
    %add3A_29 = arith.addi %mul3A_27, %add3A_28 : i32
    "tpu.region"() ({
      %run_scoped3A = tpu.sem_alloc : memref<!tpu.dma_semaphore, #tpu.memory_space<semaphore_mem>>
      %dma_start3A = arith.constant 0 : i32
      %dma_start3A_62 = tpu.memref_slice %arg13[%add3A_29, %dma_start3A] : memref<10240x64xf32, #tpu.memory_space<vmem_shared>> -> memref<128x64xf32, #tpu.memory_space<vmem_shared>>
      %dma_start3A_63 = arith.constant 0 : i32
      %dma_start3A_64 = tpu.memref_slice %arg13[%add3A_29, %dma_start3A_63] : memref<10240x64xf32, #tpu.memory_space<vmem_shared>> -> memref<128x64xf32, #tpu.memory_space<vmem_shared>>
      tpu.enqueue_dma source(%arg9 : memref<128x64xf32, #tpu.memory_space<vmem>>) target(%dma_start3A_64 : memref<128x64xf32, #tpu.memory_space<vmem_shared>>) target_semaphore(%run_scoped3A : memref<!tpu.dma_semaphore, #tpu.memory_space<semaphore_mem>>)
      %dma_wait3A = arith.constant 0 : i32
      %dma_wait3A_65 = tpu.memref_slice %arg13[%add3A_29, %dma_wait3A] : memref<10240x64xf32, #tpu.memory_space<vmem_shared>> -> memref<128x64xf32, #tpu.memory_space<vmem_shared>>
      %dma_wait3A_66 = arith.constant 0 : i32
      %dma_wait3A_67 = tpu.memref_slice %arg13[%add3A_29, %dma_wait3A_66] : memref<10240x64xf32, #tpu.memory_space<vmem_shared>> -> memref<128x64xf32, #tpu.memory_space<vmem_shared>>
      tpu.wait_dma2 semaphore(%run_scoped3A : memref<!tpu.dma_semaphore, #tpu.memory_space<semaphore_mem>>) src(%arg9 : memref<128x64xf32, #tpu.memory_space<vmem>>) dst(%dma_wait3A_67 : memref<128x64xf32, #tpu.memory_space<vmem_shared>>)
      tpu.yield
    }) : () -> ()
    %mul3A_30 = arith.constant 640 : i32
    %mul3A_31 = arith.muli %arg1, %mul3A_30 : i32
    %add3A_32 = arith.constant 512 : i32
    %add3A_33 = arith.addi %mul3A_31, %add3A_32 : i32
    "tpu.region"() ({
      %run_scoped3A = tpu.sem_alloc : memref<!tpu.dma_semaphore, #tpu.memory_space<semaphore_mem>>
      %dma_start3A = arith.constant 0 : i32
      %dma_start3A_62 = tpu.memref_slice %arg13[%add3A_33, %dma_start3A] : memref<10240x64xf32, #tpu.memory_space<vmem_shared>> -> memref<128x64xf32, #tpu.memory_space<vmem_shared>>
      %dma_start3A_63 = arith.constant 0 : i32
      %dma_start3A_64 = tpu.memref_slice %arg13[%add3A_33, %dma_start3A_63] : memref<10240x64xf32, #tpu.memory_space<vmem_shared>> -> memref<128x64xf32, #tpu.memory_space<vmem_shared>>
      tpu.enqueue_dma source(%arg9 : memref<128x64xf32, #tpu.memory_space<vmem>>) target(%dma_start3A_64 : memref<128x64xf32, #tpu.memory_space<vmem_shared>>) target_semaphore(%run_scoped3A : memref<!tpu.dma_semaphore, #tpu.memory_space<semaphore_mem>>)
      %dma_wait3A = arith.constant 0 : i32
      %dma_wait3A_65 = tpu.memref_slice %arg13[%add3A_33, %dma_wait3A] : memref<10240x64xf32, #tpu.memory_space<vmem_shared>> -> memref<128x64xf32, #tpu.memory_space<vmem_shared>>
      %dma_wait3A_66 = arith.constant 0 : i32
      %dma_wait3A_67 = tpu.memref_slice %arg13[%add3A_33, %dma_wait3A_66] : memref<10240x64xf32, #tpu.memory_space<vmem_shared>> -> memref<128x64xf32, #tpu.memory_space<vmem_shared>>
      tpu.wait_dma2 semaphore(%run_scoped3A : memref<!tpu.dma_semaphore, #tpu.memory_space<semaphore_mem>>) src(%arg9 : memref<128x64xf32, #tpu.memory_space<vmem>>) dst(%dma_wait3A_67 : memref<128x64xf32, #tpu.memory_space<vmem_shared>>)
      tpu.yield
    }) : () -> ()
    %barrier3A = arith.constant 0 : index
    tpu.barrier barrier_id(%barrier3A)
    %eq3A = arith.constant 0 : i32
    %eq3A_34 = arith.cmpi eq, %arg0, %eq3A : i32
    %convert_element_type3A = arith.extui %eq3A_34 : i1 to i32
    %cond3A = arith.constant 0 : i32
    %cond3A_35 = arith.cmpi ne, %convert_element_type3A, %cond3A : i32
    scf.if %cond3A_35 {
      %dma_start3A = arith.constant 0 : i32
      %dma_start3A_62 = arith.constant 0 : i32
      %dma_start3A_63 = tpu.memref_slice %arg7[%dma_start3A, %dma_start3A_62] : memref<162x128xi32, #tpu.memory_space<vmem>> -> memref<1x128xi32, #tpu.memory_space<vmem>>
      %dma_start3A_64 = tpu.memref_squeeze %dma_start3A_63 : memref<1x128xi32, #tpu.memory_space<vmem>> -> memref<128xi32, #tpu.memory_space<vmem>>
      %dma_start3A_65 = arith.constant 0 : i32
      %dma_start3A_66 = arith.constant 0 : i32
      %dma_start3A_67 = tpu.memref_slice %arg4[%dma_start3A_65, %dma_start3A_66] : memref<10240x64xf32, #tpu.memory_space<hbm>> -> memref<10240x64xf32, #tpu.memory_space<hbm>>
      tpu.enqueue_indirect_dma source(%dma_start3A_67 : memref<10240x64xf32, #tpu.memory_space<hbm>>) target(%arg9 : memref<128x64xf32, #tpu.memory_space<vmem>>) offsets(%dma_start3A_64 : memref<128xi32, #tpu.memory_space<vmem>>) semaphore(%arg14 : memref<!tpu.dma_semaphore, #tpu.memory_space<semaphore_mem>>)
      %dma_start3A_68 = arith.constant 1 : i32
      %dma_start3A_69 = arith.constant 0 : i32
      %dma_start3A_70 = tpu.memref_slice %arg7[%dma_start3A_68, %dma_start3A_69] : memref<162x128xi32, #tpu.memory_space<vmem>> -> memref<1x128xi32, #tpu.memory_space<vmem>>
      %dma_start3A_71 = tpu.memref_squeeze %dma_start3A_70 : memref<1x128xi32, #tpu.memory_space<vmem>> -> memref<128xi32, #tpu.memory_space<vmem>>
      %dma_start3A_72 = arith.constant 0 : i32
      %dma_start3A_73 = arith.constant 0 : i32
      %dma_start3A_74 = tpu.memref_slice %arg4[%dma_start3A_72, %dma_start3A_73] : memref<10240x64xf32, #tpu.memory_space<hbm>> -> memref<10240x64xf32, #tpu.memory_space<hbm>>
      tpu.enqueue_indirect_dma source(%dma_start3A_74 : memref<10240x64xf32, #tpu.memory_space<hbm>>) target(%arg10 : memref<128x64xf32, #tpu.memory_space<vmem>>) offsets(%dma_start3A_71 : memref<128xi32, #tpu.memory_space<vmem>>) semaphore(%arg14 : memref<!tpu.dma_semaphore, #tpu.memory_space<semaphore_mem>>)
      %scan3A_75 = arith.constant 0 : i32
      %scan3A_76 = arith.constant 0 : i32
      %scan3A_77 = arith.constant 40 : i32
      %scan3A_78 = arith.addi %scan3A_76, %scan3A_77 : i32
      %scan3A_79 = arith.constant 1 : i32
      %scan3A_80 = scf.for %scan3A_95 = %scan3A_76 to %scan3A_78 step %scan3A_79 iter_args(%scan3A_96 = %scan3A_75) -> (i32)  : i32 {
        %mul3A_97 = arith.constant 4 : i32
        %mul3A_98 = arith.muli %scan3A_95, %mul3A_97 : i32
        %add3A_99 = arith.constant 2 : i32
        %add3A_100 = arith.addi %mul3A_98, %add3A_99 : i32
        %add3A_101 = arith.constant 0 : i32
        %add3A_102 = arith.addi %add3A_100, %add3A_101 : i32
        %dma_start3A_103 = arith.constant 0 : i32
        %dma_start3A_104 = tpu.memref_slice %arg7[%add3A_102, %dma_start3A_103] : memref<162x128xi32, #tpu.memory_space<vmem>> -> memref<1x128xi32, #tpu.memory_space<vmem>>
        %dma_start3A_105 = tpu.memref_squeeze %dma_start3A_104 : memref<1x128xi32, #tpu.memory_space<vmem>> -> memref<128xi32, #tpu.memory_space<vmem>>
        %dma_start3A_106 = arith.constant 0 : i32
        %dma_start3A_107 = arith.constant 0 : i32
        %dma_start3A_108 = tpu.memref_slice %arg4[%dma_start3A_106, %dma_start3A_107] : memref<10240x64xf32, #tpu.memory_space<hbm>> -> memref<10240x64xf32, #tpu.memory_space<hbm>>
        tpu.enqueue_indirect_dma source(%dma_start3A_108 : memref<10240x64xf32, #tpu.memory_space<hbm>>) target(%arg11 : memref<128x64xf32, #tpu.memory_space<vmem>>) offsets(%dma_start3A_105 : memref<128xi32, #tpu.memory_space<vmem>>) semaphore(%arg15 : memref<!tpu.dma_semaphore, #tpu.memory_space<semaphore_mem>>)
        %add3A_109 = arith.constant 2 : i32
        %add3A_110 = arith.addi %mul3A_98, %add3A_109 : i32
        %add3A_111 = arith.constant 1 : i32
        %add3A_112 = arith.addi %add3A_110, %add3A_111 : i32
        %dma_start3A_113 = arith.constant 0 : i32
        %dma_start3A_114 = tpu.memref_slice %arg7[%add3A_112, %dma_start3A_113] : memref<162x128xi32, #tpu.memory_space<vmem>> -> memref<1x128xi32, #tpu.memory_space<vmem>>
        %dma_start3A_115 = tpu.memref_squeeze %dma_start3A_114 : memref<1x128xi32, #tpu.memory_space<vmem>> -> memref<128xi32, #tpu.memory_space<vmem>>
        %dma_start3A_116 = arith.constant 0 : i32
        %dma_start3A_117 = arith.constant 0 : i32
        %dma_start3A_118 = tpu.memref_slice %arg4[%dma_start3A_116, %dma_start3A_117] : memref<10240x64xf32, #tpu.memory_space<hbm>> -> memref<10240x64xf32, #tpu.memory_space<hbm>>
        tpu.enqueue_indirect_dma source(%dma_start3A_118 : memref<10240x64xf32, #tpu.memory_space<hbm>>) target(%arg12 : memref<128x64xf32, #tpu.memory_space<vmem>>) offsets(%dma_start3A_115 : memref<128xi32, #tpu.memory_space<vmem>>) semaphore(%arg15 : memref<!tpu.dma_semaphore, #tpu.memory_space<semaphore_mem>>)
        %add3A_119 = arith.constant 0 : i32
        %add3A_120 = arith.addi %mul3A_98, %add3A_119 : i32
        %dma_wait3A_121 = arith.constant 0 : i32
        %dma_wait3A_122 = tpu.memref_slice %arg7[%add3A_120, %dma_wait3A_121] : memref<162x128xi32, #tpu.memory_space<vmem>> -> memref<1x128xi32, #tpu.memory_space<vmem>>
        %dma_wait3A_123 = tpu.memref_squeeze %dma_wait3A_122 : memref<1x128xi32, #tpu.memory_space<vmem>> -> memref<128xi32, #tpu.memory_space<vmem>>
        %dma_wait3A_124 = arith.constant 0 : i32
        %dma_wait3A_125 = arith.constant 0 : i32
        %dma_wait3A_126 = tpu.memref_slice %arg4[%dma_wait3A_124, %dma_wait3A_125] : memref<10240x64xf32, #tpu.memory_space<hbm>> -> memref<10240x64xf32, #tpu.memory_space<hbm>>
        tpu.wait_indirect_dma semaphore(%arg14 : memref<!tpu.dma_semaphore, #tpu.memory_space<semaphore_mem>>) src(%dma_wait3A_126 : memref<10240x64xf32, #tpu.memory_space<hbm>>) dst(%arg9 : memref<128x64xf32, #tpu.memory_space<vmem>>)
        %add3A_127 = arith.constant 1 : i32
        %add3A_128 = arith.addi %mul3A_98, %add3A_127 : i32
        %dma_wait3A_129 = arith.constant 0 : i32
        %dma_wait3A_130 = tpu.memref_slice %arg7[%add3A_128, %dma_wait3A_129] : memref<162x128xi32, #tpu.memory_space<vmem>> -> memref<1x128xi32, #tpu.memory_space<vmem>>
        %dma_wait3A_131 = tpu.memref_squeeze %dma_wait3A_130 : memref<1x128xi32, #tpu.memory_space<vmem>> -> memref<128xi32, #tpu.memory_space<vmem>>
        %dma_wait3A_132 = arith.constant 0 : i32
        %dma_wait3A_133 = arith.constant 0 : i32
        %dma_wait3A_134 = tpu.memref_slice %arg4[%dma_wait3A_132, %dma_wait3A_133] : memref<10240x64xf32, #tpu.memory_space<hbm>> -> memref<10240x64xf32, #tpu.memory_space<hbm>>
        tpu.wait_indirect_dma semaphore(%arg14 : memref<!tpu.dma_semaphore, #tpu.memory_space<semaphore_mem>>) src(%dma_wait3A_134 : memref<10240x64xf32, #tpu.memory_space<hbm>>) dst(%arg10 : memref<128x64xf32, #tpu.memory_space<vmem>>)
        %add3A_135 = arith.constant 0 : i32
        %add3A_136 = arith.addi %mul3A_98, %add3A_135 : i32
        "tpu.region"() ({
          %run_scoped3A = tpu.sem_alloc : memref<!tpu.dma_semaphore, #tpu.memory_space<semaphore_mem>>
          %dma_start3A_188 = arith.constant 0 : i32
          %dma_start3A_189 = tpu.memref_slice %arg8[%add3A_136, %dma_start3A_188] : memref<160x128xi32, #tpu.memory_space<vmem>> -> memref<1x128xi32, #tpu.memory_space<vmem>>
          %dma_start3A_190 = tpu.memref_squeeze %dma_start3A_189 : memref<1x128xi32, #tpu.memory_space<vmem>> -> memref<128xi32, #tpu.memory_space<vmem>>
          %dma_start3A_191 = arith.constant 0 : i32
          %dma_start3A_192 = arith.constant 0 : i32
          %dma_start3A_193 = tpu.memref_slice %arg13[%dma_start3A_191, %dma_start3A_192] : memref<10240x64xf32, #tpu.memory_space<vmem_shared>> -> memref<10240x64xf32, #tpu.memory_space<vmem_shared>>
          tpu.enqueue_indirect_dma source(%arg9 : memref<128x64xf32, #tpu.memory_space<vmem>>) target(%dma_start3A_193 : memref<10240x64xf32, #tpu.memory_space<vmem_shared>>) offsets(%dma_start3A_190 : memref<128xi32, #tpu.memory_space<vmem>>) semaphore(%run_scoped3A : memref<!tpu.dma_semaphore, #tpu.memory_space<semaphore_mem>>) {add = true}
          %dma_wait3A_194 = arith.constant 0 : i32
          %dma_wait3A_195 = tpu.memref_slice %arg8[%add3A_136, %dma_wait3A_194] : memref<160x128xi32, #tpu.memory_space<vmem>> -> memref<1x128xi32, #tpu.memory_space<vmem>>
          %dma_wait3A_196 = tpu.memref_squeeze %dma_wait3A_195 : memref<1x128xi32, #tpu.memory_space<vmem>> -> memref<128xi32, #tpu.memory_space<vmem>>
          %dma_wait3A_197 = arith.constant 0 : i32
          %dma_wait3A_198 = arith.constant 0 : i32
          %dma_wait3A_199 = tpu.memref_slice %arg13[%dma_wait3A_197, %dma_wait3A_198] : memref<10240x64xf32, #tpu.memory_space<vmem_shared>> -> memref<10240x64xf32, #tpu.memory_space<vmem_shared>>
          tpu.wait_indirect_dma semaphore(%run_scoped3A : memref<!tpu.dma_semaphore, #tpu.memory_space<semaphore_mem>>) src(%arg9 : memref<128x64xf32, #tpu.memory_space<vmem>>) dst(%dma_wait3A_199 : memref<10240x64xf32, #tpu.memory_space<vmem_shared>>)
          tpu.yield
        }) : () -> ()
        %add3A_137 = arith.constant 1 : i32
        %add3A_138 = arith.addi %mul3A_98, %add3A_137 : i32
        "tpu.region"() ({
          %run_scoped3A = tpu.sem_alloc : memref<!tpu.dma_semaphore, #tpu.memory_space<semaphore_mem>>
          %dma_start3A_188 = arith.constant 0 : i32
          %dma_start3A_189 = tpu.memref_slice %arg8[%add3A_138, %dma_start3A_188] : memref<160x128xi32, #tpu.memory_space<vmem>> -> memref<1x128xi32, #tpu.memory_space<vmem>>
          %dma_start3A_190 = tpu.memref_squeeze %dma_start3A_189 : memref<1x128xi32, #tpu.memory_space<vmem>> -> memref<128xi32, #tpu.memory_space<vmem>>
          %dma_start3A_191 = arith.constant 0 : i32
          %dma_start3A_192 = arith.constant 0 : i32
          %dma_start3A_193 = tpu.memref_slice %arg13[%dma_start3A_191, %dma_start3A_192] : memref<10240x64xf32, #tpu.memory_space<vmem_shared>> -> memref<10240x64xf32, #tpu.memory_space<vmem_shared>>
          tpu.enqueue_indirect_dma source(%arg10 : memref<128x64xf32, #tpu.memory_space<vmem>>) target(%dma_start3A_193 : memref<10240x64xf32, #tpu.memory_space<vmem_shared>>) offsets(%dma_start3A_190 : memref<128xi32, #tpu.memory_space<vmem>>) semaphore(%run_scoped3A : memref<!tpu.dma_semaphore, #tpu.memory_space<semaphore_mem>>) {add = true}
          %dma_wait3A_194 = arith.constant 0 : i32
          %dma_wait3A_195 = tpu.memref_slice %arg8[%add3A_138, %dma_wait3A_194] : memref<160x128xi32, #tpu.memory_space<vmem>> -> memref<1x128xi32, #tpu.memory_space<vmem>>
          %dma_wait3A_196 = tpu.memref_squeeze %dma_wait3A_195 : memref<1x128xi32, #tpu.memory_space<vmem>> -> memref<128xi32, #tpu.memory_space<vmem>>
          %dma_wait3A_197 = arith.constant 0 : i32
          %dma_wait3A_198 = arith.constant 0 : i32
          %dma_wait3A_199 = tpu.memref_slice %arg13[%dma_wait3A_197, %dma_wait3A_198] : memref<10240x64xf32, #tpu.memory_space<vmem_shared>> -> memref<10240x64xf32, #tpu.memory_space<vmem_shared>>
          tpu.wait_indirect_dma semaphore(%run_scoped3A : memref<!tpu.dma_semaphore, #tpu.memory_space<semaphore_mem>>) src(%arg10 : memref<128x64xf32, #tpu.memory_space<vmem>>) dst(%dma_wait3A_199 : memref<10240x64xf32, #tpu.memory_space<vmem_shared>>)
          tpu.yield
        }) : () -> ()
        %add3A_139 = arith.constant 4 : i32
        %add3A_140 = arith.addi %mul3A_98, %add3A_139 : i32
        %add3A_141 = arith.constant 0 : i32
        %add3A_142 = arith.addi %add3A_140, %add3A_141 : i32
        %dma_start3A_143 = arith.constant 0 : i32
        %dma_start3A_144 = tpu.memref_slice %arg7[%add3A_142, %dma_start3A_143] : memref<162x128xi32, #tpu.memory_space<vmem>> -> memref<1x128xi32, #tpu.memory_space<vmem>>
        %dma_start3A_145 = tpu.memref_squeeze %dma_start3A_144 : memref<1x128xi32, #tpu.memory_space<vmem>> -> memref<128xi32, #tpu.memory_space<vmem>>
        %dma_start3A_146 = arith.constant 0 : i32
        %dma_start3A_147 = arith.constant 0 : i32
        %dma_start3A_148 = tpu.memref_slice %arg4[%dma_start3A_146, %dma_start3A_147] : memref<10240x64xf32, #tpu.memory_space<hbm>> -> memref<10240x64xf32, #tpu.memory_space<hbm>>
        tpu.enqueue_indirect_dma source(%dma_start3A_148 : memref<10240x64xf32, #tpu.memory_space<hbm>>) target(%arg9 : memref<128x64xf32, #tpu.memory_space<vmem>>) offsets(%dma_start3A_145 : memref<128xi32, #tpu.memory_space<vmem>>) semaphore(%arg14 : memref<!tpu.dma_semaphore, #tpu.memory_space<semaphore_mem>>)
        %add3A_149 = arith.constant 4 : i32
        %add3A_150 = arith.addi %mul3A_98, %add3A_149 : i32
        %add3A_151 = arith.constant 1 : i32
        %add3A_152 = arith.addi %add3A_150, %add3A_151 : i32
        %dma_start3A_153 = arith.constant 0 : i32
        %dma_start3A_154 = tpu.memref_slice %arg7[%add3A_152, %dma_start3A_153] : memref<162x128xi32, #tpu.memory_space<vmem>> -> memref<1x128xi32, #tpu.memory_space<vmem>>
        %dma_start3A_155 = tpu.memref_squeeze %dma_start3A_154 : memref<1x128xi32, #tpu.memory_space<vmem>> -> memref<128xi32, #tpu.memory_space<vmem>>
        %dma_start3A_156 = arith.constant 0 : i32
        %dma_start3A_157 = arith.constant 0 : i32
        %dma_start3A_158 = tpu.memref_slice %arg4[%dma_start3A_156, %dma_start3A_157] : memref<10240x64xf32, #tpu.memory_space<hbm>> -> memref<10240x64xf32, #tpu.memory_space<hbm>>
        tpu.enqueue_indirect_dma source(%dma_start3A_158 : memref<10240x64xf32, #tpu.memory_space<hbm>>) target(%arg10 : memref<128x64xf32, #tpu.memory_space<vmem>>) offsets(%dma_start3A_155 : memref<128xi32, #tpu.memory_space<vmem>>) semaphore(%arg14 : memref<!tpu.dma_semaphore, #tpu.memory_space<semaphore_mem>>)
        %add3A_159 = arith.constant 2 : i32
        %add3A_160 = arith.addi %mul3A_98, %add3A_159 : i32
        %add3A_161 = arith.constant 0 : i32
        %add3A_162 = arith.addi %add3A_160, %add3A_161 : i32
        %dma_wait3A_163 = arith.constant 0 : i32
        %dma_wait3A_164 = tpu.memref_slice %arg7[%add3A_162, %dma_wait3A_163] : memref<162x128xi32, #tpu.memory_space<vmem>> -> memref<1x128xi32, #tpu.memory_space<vmem>>
        %dma_wait3A_165 = tpu.memref_squeeze %dma_wait3A_164 : memref<1x128xi32, #tpu.memory_space<vmem>> -> memref<128xi32, #tpu.memory_space<vmem>>
        %dma_wait3A_166 = arith.constant 0 : i32
        %dma_wait3A_167 = arith.constant 0 : i32
        %dma_wait3A_168 = tpu.memref_slice %arg4[%dma_wait3A_166, %dma_wait3A_167] : memref<10240x64xf32, #tpu.memory_space<hbm>> -> memref<10240x64xf32, #tpu.memory_space<hbm>>
        tpu.wait_indirect_dma semaphore(%arg15 : memref<!tpu.dma_semaphore, #tpu.memory_space<semaphore_mem>>) src(%dma_wait3A_168 : memref<10240x64xf32, #tpu.memory_space<hbm>>) dst(%arg11 : memref<128x64xf32, #tpu.memory_space<vmem>>)
        %add3A_169 = arith.constant 2 : i32
        %add3A_170 = arith.addi %mul3A_98, %add3A_169 : i32
        %add3A_171 = arith.constant 1 : i32
        %add3A_172 = arith.addi %add3A_170, %add3A_171 : i32
        %dma_wait3A_173 = arith.constant 0 : i32
        %dma_wait3A_174 = tpu.memref_slice %arg7[%add3A_172, %dma_wait3A_173] : memref<162x128xi32, #tpu.memory_space<vmem>> -> memref<1x128xi32, #tpu.memory_space<vmem>>
        %dma_wait3A_175 = tpu.memref_squeeze %dma_wait3A_174 : memref<1x128xi32, #tpu.memory_space<vmem>> -> memref<128xi32, #tpu.memory_space<vmem>>
        %dma_wait3A_176 = arith.constant 0 : i32
        %dma_wait3A_177 = arith.constant 0 : i32
        %dma_wait3A_178 = tpu.memref_slice %arg4[%dma_wait3A_176, %dma_wait3A_177] : memref<10240x64xf32, #tpu.memory_space<hbm>> -> memref<10240x64xf32, #tpu.memory_space<hbm>>
        tpu.wait_indirect_dma semaphore(%arg15 : memref<!tpu.dma_semaphore, #tpu.memory_space<semaphore_mem>>) src(%dma_wait3A_178 : memref<10240x64xf32, #tpu.memory_space<hbm>>) dst(%arg12 : memref<128x64xf32, #tpu.memory_space<vmem>>)
        %add3A_179 = arith.constant 2 : i32
        %add3A_180 = arith.addi %mul3A_98, %add3A_179 : i32
        %add3A_181 = arith.constant 0 : i32
        %add3A_182 = arith.addi %add3A_180, %add3A_181 : i32
        "tpu.region"() ({
          %run_scoped3A = tpu.sem_alloc : memref<!tpu.dma_semaphore, #tpu.memory_space<semaphore_mem>>
          %dma_start3A_188 = arith.constant 0 : i32
          %dma_start3A_189 = tpu.memref_slice %arg8[%add3A_182, %dma_start3A_188] : memref<160x128xi32, #tpu.memory_space<vmem>> -> memref<1x128xi32, #tpu.memory_space<vmem>>
          %dma_start3A_190 = tpu.memref_squeeze %dma_start3A_189 : memref<1x128xi32, #tpu.memory_space<vmem>> -> memref<128xi32, #tpu.memory_space<vmem>>
          %dma_start3A_191 = arith.constant 0 : i32
          %dma_start3A_192 = arith.constant 0 : i32
          %dma_start3A_193 = tpu.memref_slice %arg13[%dma_start3A_191, %dma_start3A_192] : memref<10240x64xf32, #tpu.memory_space<vmem_shared>> -> memref<10240x64xf32, #tpu.memory_space<vmem_shared>>
          tpu.enqueue_indirect_dma source(%arg11 : memref<128x64xf32, #tpu.memory_space<vmem>>) target(%dma_start3A_193 : memref<10240x64xf32, #tpu.memory_space<vmem_shared>>) offsets(%dma_start3A_190 : memref<128xi32, #tpu.memory_space<vmem>>) semaphore(%run_scoped3A : memref<!tpu.dma_semaphore, #tpu.memory_space<semaphore_mem>>) {add = true}
          %dma_wait3A_194 = arith.constant 0 : i32
          %dma_wait3A_195 = tpu.memref_slice %arg8[%add3A_182, %dma_wait3A_194] : memref<160x128xi32, #tpu.memory_space<vmem>> -> memref<1x128xi32, #tpu.memory_space<vmem>>
          %dma_wait3A_196 = tpu.memref_squeeze %dma_wait3A_195 : memref<1x128xi32, #tpu.memory_space<vmem>> -> memref<128xi32, #tpu.memory_space<vmem>>
          %dma_wait3A_197 = arith.constant 0 : i32
          %dma_wait3A_198 = arith.constant 0 : i32
          %dma_wait3A_199 = tpu.memref_slice %arg13[%dma_wait3A_197, %dma_wait3A_198] : memref<10240x64xf32, #tpu.memory_space<vmem_shared>> -> memref<10240x64xf32, #tpu.memory_space<vmem_shared>>
          tpu.wait_indirect_dma semaphore(%run_scoped3A : memref<!tpu.dma_semaphore, #tpu.memory_space<semaphore_mem>>) src(%arg11 : memref<128x64xf32, #tpu.memory_space<vmem>>) dst(%dma_wait3A_199 : memref<10240x64xf32, #tpu.memory_space<vmem_shared>>)
          tpu.yield
        }) : () -> ()
        %add3A_183 = arith.constant 2 : i32
        %add3A_184 = arith.addi %mul3A_98, %add3A_183 : i32
        %add3A_185 = arith.constant 1 : i32
        %add3A_186 = arith.addi %add3A_184, %add3A_185 : i32
        "tpu.region"() ({
          %run_scoped3A = tpu.sem_alloc : memref<!tpu.dma_semaphore, #tpu.memory_space<semaphore_mem>>
          %dma_start3A_188 = arith.constant 0 : i32
          %dma_start3A_189 = tpu.memref_slice %arg8[%add3A_186, %dma_start3A_188] : memref<160x128xi32, #tpu.memory_space<vmem>> -> memref<1x128xi32, #tpu.memory_space<vmem>>
          %dma_start3A_190 = tpu.memref_squeeze %dma_start3A_189 : memref<1x128xi32, #tpu.memory_space<vmem>> -> memref<128xi32, #tpu.memory_space<vmem>>
          %dma_start3A_191 = arith.constant 0 : i32
          %dma_start3A_192 = arith.constant 0 : i32
          %dma_start3A_193 = tpu.memref_slice %arg13[%dma_start3A_191, %dma_start3A_192] : memref<10240x64xf32, #tpu.memory_space<vmem_shared>> -> memref<10240x64xf32, #tpu.memory_space<vmem_shared>>
          tpu.enqueue_indirect_dma source(%arg12 : memref<128x64xf32, #tpu.memory_space<vmem>>) target(%dma_start3A_193 : memref<10240x64xf32, #tpu.memory_space<vmem_shared>>) offsets(%dma_start3A_190 : memref<128xi32, #tpu.memory_space<vmem>>) semaphore(%run_scoped3A : memref<!tpu.dma_semaphore, #tpu.memory_space<semaphore_mem>>) {add = true}
          %dma_wait3A_194 = arith.constant 0 : i32
          %dma_wait3A_195 = tpu.memref_slice %arg8[%add3A_186, %dma_wait3A_194] : memref<160x128xi32, #tpu.memory_space<vmem>> -> memref<1x128xi32, #tpu.memory_space<vmem>>
          %dma_wait3A_196 = tpu.memref_squeeze %dma_wait3A_195 : memref<1x128xi32, #tpu.memory_space<vmem>> -> memref<128xi32, #tpu.memory_space<vmem>>
          %dma_wait3A_197 = arith.constant 0 : i32
          %dma_wait3A_198 = arith.constant 0 : i32
          %dma_wait3A_199 = tpu.memref_slice %arg13[%dma_wait3A_197, %dma_wait3A_198] : memref<10240x64xf32, #tpu.memory_space<vmem_shared>> -> memref<10240x64xf32, #tpu.memory_space<vmem_shared>>
          tpu.wait_indirect_dma semaphore(%run_scoped3A : memref<!tpu.dma_semaphore, #tpu.memory_space<semaphore_mem>>) src(%arg12 : memref<128x64xf32, #tpu.memory_space<vmem>>) dst(%dma_wait3A_199 : memref<10240x64xf32, #tpu.memory_space<vmem_shared>>)
          tpu.yield
        }) : () -> ()
        %scan3A_187 = arith.constant 0 : i32
        scf.yield %scan3A_187 : i32
      }
      %scan3A_81 = arith.constant 40 : i32
      %dma_wait3A = arith.constant 160 : i32
      %dma_wait3A_82 = arith.constant 0 : i32
      %dma_wait3A_83 = tpu.memref_slice %arg7[%dma_wait3A, %dma_wait3A_82] : memref<162x128xi32, #tpu.memory_space<vmem>> -> memref<1x128xi32, #tpu.memory_space<vmem>>
      %dma_wait3A_84 = tpu.memref_squeeze %dma_wait3A_83 : memref<1x128xi32, #tpu.memory_space<vmem>> -> memref<128xi32, #tpu.memory_space<vmem>>
      %dma_wait3A_85 = arith.constant 0 : i32
      %dma_wait3A_86 = arith.constant 0 : i32
      %dma_wait3A_87 = tpu.memref_slice %arg4[%dma_wait3A_85, %dma_wait3A_86] : memref<10240x64xf32, #tpu.memory_space<hbm>> -> memref<10240x64xf32, #tpu.memory_space<hbm>>
      tpu.wait_indirect_dma semaphore(%arg14 : memref<!tpu.dma_semaphore, #tpu.memory_space<semaphore_mem>>) src(%dma_wait3A_87 : memref<10240x64xf32, #tpu.memory_space<hbm>>) dst(%arg9 : memref<128x64xf32, #tpu.memory_space<vmem>>)
      %dma_wait3A_88 = arith.constant 161 : i32
      %dma_wait3A_89 = arith.constant 0 : i32
      %dma_wait3A_90 = tpu.memref_slice %arg7[%dma_wait3A_88, %dma_wait3A_89] : memref<162x128xi32, #tpu.memory_space<vmem>> -> memref<1x128xi32, #tpu.memory_space<vmem>>
      %dma_wait3A_91 = tpu.memref_squeeze %dma_wait3A_90 : memref<1x128xi32, #tpu.memory_space<vmem>> -> memref<128xi32, #tpu.memory_space<vmem>>
      %dma_wait3A_92 = arith.constant 0 : i32
      %dma_wait3A_93 = arith.constant 0 : i32
      %dma_wait3A_94 = tpu.memref_slice %arg4[%dma_wait3A_92, %dma_wait3A_93] : memref<10240x64xf32, #tpu.memory_space<hbm>> -> memref<10240x64xf32, #tpu.memory_space<hbm>>
      tpu.wait_indirect_dma semaphore(%arg14 : memref<!tpu.dma_semaphore, #tpu.memory_space<semaphore_mem>>) src(%dma_wait3A_94 : memref<10240x64xf32, #tpu.memory_space<hbm>>) dst(%arg10 : memref<128x64xf32, #tpu.memory_space<vmem>>)
    } else {
    }
    %eq3A_36 = arith.constant 1 : i32
    %eq3A_37 = arith.cmpi eq, %arg0, %eq3A_36 : i32
    %convert_element_type3A_38 = arith.extui %eq3A_37 : i1 to i32
    %cond3A_39 = arith.constant 0 : i32
    %cond3A_40 = arith.cmpi ne, %convert_element_type3A_38, %cond3A_39 : i32
    scf.if %cond3A_40 {
      %dma_start3A = arith.constant 0 : i32
      %dma_start3A_62 = arith.constant 0 : i32
      %dma_start3A_63 = tpu.memref_slice %arg7[%dma_start3A, %dma_start3A_62] : memref<162x128xi32, #tpu.memory_space<vmem>> -> memref<1x128xi32, #tpu.memory_space<vmem>>
      %dma_start3A_64 = tpu.memref_squeeze %dma_start3A_63 : memref<1x128xi32, #tpu.memory_space<vmem>> -> memref<128xi32, #tpu.memory_space<vmem>>
      %dma_start3A_65 = arith.constant 0 : i32
      %dma_start3A_66 = arith.constant 0 : i32
      %dma_start3A_67 = tpu.memref_slice %arg5[%dma_start3A_65, %dma_start3A_66] : memref<10240x64xf32, #tpu.memory_space<hbm>> -> memref<10240x64xf32, #tpu.memory_space<hbm>>
      tpu.enqueue_indirect_dma source(%dma_start3A_67 : memref<10240x64xf32, #tpu.memory_space<hbm>>) target(%arg9 : memref<128x64xf32, #tpu.memory_space<vmem>>) offsets(%dma_start3A_64 : memref<128xi32, #tpu.memory_space<vmem>>) semaphore(%arg14 : memref<!tpu.dma_semaphore, #tpu.memory_space<semaphore_mem>>)
      %dma_start3A_68 = arith.constant 1 : i32
      %dma_start3A_69 = arith.constant 0 : i32
      %dma_start3A_70 = tpu.memref_slice %arg7[%dma_start3A_68, %dma_start3A_69] : memref<162x128xi32, #tpu.memory_space<vmem>> -> memref<1x128xi32, #tpu.memory_space<vmem>>
      %dma_start3A_71 = tpu.memref_squeeze %dma_start3A_70 : memref<1x128xi32, #tpu.memory_space<vmem>> -> memref<128xi32, #tpu.memory_space<vmem>>
      %dma_start3A_72 = arith.constant 0 : i32
      %dma_start3A_73 = arith.constant 0 : i32
      %dma_start3A_74 = tpu.memref_slice %arg5[%dma_start3A_72, %dma_start3A_73] : memref<10240x64xf32, #tpu.memory_space<hbm>> -> memref<10240x64xf32, #tpu.memory_space<hbm>>
      tpu.enqueue_indirect_dma source(%dma_start3A_74 : memref<10240x64xf32, #tpu.memory_space<hbm>>) target(%arg10 : memref<128x64xf32, #tpu.memory_space<vmem>>) offsets(%dma_start3A_71 : memref<128xi32, #tpu.memory_space<vmem>>) semaphore(%arg14 : memref<!tpu.dma_semaphore, #tpu.memory_space<semaphore_mem>>)
      %scan3A_75 = arith.constant 0 : i32
      %scan3A_76 = arith.constant 0 : i32
      %scan3A_77 = arith.constant 40 : i32
      %scan3A_78 = arith.addi %scan3A_76, %scan3A_77 : i32
      %scan3A_79 = arith.constant 1 : i32
      %scan3A_80 = scf.for %scan3A_95 = %scan3A_76 to %scan3A_78 step %scan3A_79 iter_args(%scan3A_96 = %scan3A_75) -> (i32)  : i32 {
        %mul3A_97 = arith.constant 4 : i32
        %mul3A_98 = arith.muli %scan3A_95, %mul3A_97 : i32
        %add3A_99 = arith.constant 2 : i32
        %add3A_100 = arith.addi %mul3A_98, %add3A_99 : i32
        %add3A_101 = arith.constant 0 : i32
        %add3A_102 = arith.addi %add3A_100, %add3A_101 : i32
        %dma_start3A_103 = arith.constant 0 : i32
        %dma_start3A_104 = tpu.memref_slice %arg7[%add3A_102, %dma_start3A_103] : memref<162x128xi32, #tpu.memory_space<vmem>> -> memref<1x128xi32, #tpu.memory_space<vmem>>
        %dma_start3A_105 = tpu.memref_squeeze %dma_start3A_104 : memref<1x128xi32, #tpu.memory_space<vmem>> -> memref<128xi32, #tpu.memory_space<vmem>>
        %dma_start3A_106 = arith.constant 0 : i32
        %dma_start3A_107 = arith.constant 0 : i32
        %dma_start3A_108 = tpu.memref_slice %arg5[%dma_start3A_106, %dma_start3A_107] : memref<10240x64xf32, #tpu.memory_space<hbm>> -> memref<10240x64xf32, #tpu.memory_space<hbm>>
        tpu.enqueue_indirect_dma source(%dma_start3A_108 : memref<10240x64xf32, #tpu.memory_space<hbm>>) target(%arg11 : memref<128x64xf32, #tpu.memory_space<vmem>>) offsets(%dma_start3A_105 : memref<128xi32, #tpu.memory_space<vmem>>) semaphore(%arg15 : memref<!tpu.dma_semaphore, #tpu.memory_space<semaphore_mem>>)
        %add3A_109 = arith.constant 2 : i32
        %add3A_110 = arith.addi %mul3A_98, %add3A_109 : i32
        %add3A_111 = arith.constant 1 : i32
        %add3A_112 = arith.addi %add3A_110, %add3A_111 : i32
        %dma_start3A_113 = arith.constant 0 : i32
        %dma_start3A_114 = tpu.memref_slice %arg7[%add3A_112, %dma_start3A_113] : memref<162x128xi32, #tpu.memory_space<vmem>> -> memref<1x128xi32, #tpu.memory_space<vmem>>
        %dma_start3A_115 = tpu.memref_squeeze %dma_start3A_114 : memref<1x128xi32, #tpu.memory_space<vmem>> -> memref<128xi32, #tpu.memory_space<vmem>>
        %dma_start3A_116 = arith.constant 0 : i32
        %dma_start3A_117 = arith.constant 0 : i32
        %dma_start3A_118 = tpu.memref_slice %arg5[%dma_start3A_116, %dma_start3A_117] : memref<10240x64xf32, #tpu.memory_space<hbm>> -> memref<10240x64xf32, #tpu.memory_space<hbm>>
        tpu.enqueue_indirect_dma source(%dma_start3A_118 : memref<10240x64xf32, #tpu.memory_space<hbm>>) target(%arg12 : memref<128x64xf32, #tpu.memory_space<vmem>>) offsets(%dma_start3A_115 : memref<128xi32, #tpu.memory_space<vmem>>) semaphore(%arg15 : memref<!tpu.dma_semaphore, #tpu.memory_space<semaphore_mem>>)
        %add3A_119 = arith.constant 0 : i32
        %add3A_120 = arith.addi %mul3A_98, %add3A_119 : i32
        %dma_wait3A_121 = arith.constant 0 : i32
        %dma_wait3A_122 = tpu.memref_slice %arg7[%add3A_120, %dma_wait3A_121] : memref<162x128xi32, #tpu.memory_space<vmem>> -> memref<1x128xi32, #tpu.memory_space<vmem>>
        %dma_wait3A_123 = tpu.memref_squeeze %dma_wait3A_122 : memref<1x128xi32, #tpu.memory_space<vmem>> -> memref<128xi32, #tpu.memory_space<vmem>>
        %dma_wait3A_124 = arith.constant 0 : i32
        %dma_wait3A_125 = arith.constant 0 : i32
        %dma_wait3A_126 = tpu.memref_slice %arg5[%dma_wait3A_124, %dma_wait3A_125] : memref<10240x64xf32, #tpu.memory_space<hbm>> -> memref<10240x64xf32, #tpu.memory_space<hbm>>
        tpu.wait_indirect_dma semaphore(%arg14 : memref<!tpu.dma_semaphore, #tpu.memory_space<semaphore_mem>>) src(%dma_wait3A_126 : memref<10240x64xf32, #tpu.memory_space<hbm>>) dst(%arg9 : memref<128x64xf32, #tpu.memory_space<vmem>>)
        %add3A_127 = arith.constant 1 : i32
        %add3A_128 = arith.addi %mul3A_98, %add3A_127 : i32
        %dma_wait3A_129 = arith.constant 0 : i32
        %dma_wait3A_130 = tpu.memref_slice %arg7[%add3A_128, %dma_wait3A_129] : memref<162x128xi32, #tpu.memory_space<vmem>> -> memref<1x128xi32, #tpu.memory_space<vmem>>
        %dma_wait3A_131 = tpu.memref_squeeze %dma_wait3A_130 : memref<1x128xi32, #tpu.memory_space<vmem>> -> memref<128xi32, #tpu.memory_space<vmem>>
        %dma_wait3A_132 = arith.constant 0 : i32
        %dma_wait3A_133 = arith.constant 0 : i32
        %dma_wait3A_134 = tpu.memref_slice %arg5[%dma_wait3A_132, %dma_wait3A_133] : memref<10240x64xf32, #tpu.memory_space<hbm>> -> memref<10240x64xf32, #tpu.memory_space<hbm>>
        tpu.wait_indirect_dma semaphore(%arg14 : memref<!tpu.dma_semaphore, #tpu.memory_space<semaphore_mem>>) src(%dma_wait3A_134 : memref<10240x64xf32, #tpu.memory_space<hbm>>) dst(%arg10 : memref<128x64xf32, #tpu.memory_space<vmem>>)
        %add3A_135 = arith.constant 0 : i32
        %add3A_136 = arith.addi %mul3A_98, %add3A_135 : i32
        "tpu.region"() ({
          %run_scoped3A = tpu.sem_alloc : memref<!tpu.dma_semaphore, #tpu.memory_space<semaphore_mem>>
          %dma_start3A_188 = arith.constant 0 : i32
          %dma_start3A_189 = tpu.memref_slice %arg8[%add3A_136, %dma_start3A_188] : memref<160x128xi32, #tpu.memory_space<vmem>> -> memref<1x128xi32, #tpu.memory_space<vmem>>
          %dma_start3A_190 = tpu.memref_squeeze %dma_start3A_189 : memref<1x128xi32, #tpu.memory_space<vmem>> -> memref<128xi32, #tpu.memory_space<vmem>>
          %dma_start3A_191 = arith.constant 0 : i32
          %dma_start3A_192 = arith.constant 0 : i32
          %dma_start3A_193 = tpu.memref_slice %arg13[%dma_start3A_191, %dma_start3A_192] : memref<10240x64xf32, #tpu.memory_space<vmem_shared>> -> memref<10240x64xf32, #tpu.memory_space<vmem_shared>>
          tpu.enqueue_indirect_dma source(%arg9 : memref<128x64xf32, #tpu.memory_space<vmem>>) target(%dma_start3A_193 : memref<10240x64xf32, #tpu.memory_space<vmem_shared>>) offsets(%dma_start3A_190 : memref<128xi32, #tpu.memory_space<vmem>>) semaphore(%run_scoped3A : memref<!tpu.dma_semaphore, #tpu.memory_space<semaphore_mem>>) {add = true}
          %dma_wait3A_194 = arith.constant 0 : i32
          %dma_wait3A_195 = tpu.memref_slice %arg8[%add3A_136, %dma_wait3A_194] : memref<160x128xi32, #tpu.memory_space<vmem>> -> memref<1x128xi32, #tpu.memory_space<vmem>>
          %dma_wait3A_196 = tpu.memref_squeeze %dma_wait3A_195 : memref<1x128xi32, #tpu.memory_space<vmem>> -> memref<128xi32, #tpu.memory_space<vmem>>
          %dma_wait3A_197 = arith.constant 0 : i32
          %dma_wait3A_198 = arith.constant 0 : i32
          %dma_wait3A_199 = tpu.memref_slice %arg13[%dma_wait3A_197, %dma_wait3A_198] : memref<10240x64xf32, #tpu.memory_space<vmem_shared>> -> memref<10240x64xf32, #tpu.memory_space<vmem_shared>>
          tpu.wait_indirect_dma semaphore(%run_scoped3A : memref<!tpu.dma_semaphore, #tpu.memory_space<semaphore_mem>>) src(%arg9 : memref<128x64xf32, #tpu.memory_space<vmem>>) dst(%dma_wait3A_199 : memref<10240x64xf32, #tpu.memory_space<vmem_shared>>)
          tpu.yield
        }) : () -> ()
        %add3A_137 = arith.constant 1 : i32
        %add3A_138 = arith.addi %mul3A_98, %add3A_137 : i32
        "tpu.region"() ({
          %run_scoped3A = tpu.sem_alloc : memref<!tpu.dma_semaphore, #tpu.memory_space<semaphore_mem>>
          %dma_start3A_188 = arith.constant 0 : i32
          %dma_start3A_189 = tpu.memref_slice %arg8[%add3A_138, %dma_start3A_188] : memref<160x128xi32, #tpu.memory_space<vmem>> -> memref<1x128xi32, #tpu.memory_space<vmem>>
          %dma_start3A_190 = tpu.memref_squeeze %dma_start3A_189 : memref<1x128xi32, #tpu.memory_space<vmem>> -> memref<128xi32, #tpu.memory_space<vmem>>
          %dma_start3A_191 = arith.constant 0 : i32
          %dma_start3A_192 = arith.constant 0 : i32
          %dma_start3A_193 = tpu.memref_slice %arg13[%dma_start3A_191, %dma_start3A_192] : memref<10240x64xf32, #tpu.memory_space<vmem_shared>> -> memref<10240x64xf32, #tpu.memory_space<vmem_shared>>
          tpu.enqueue_indirect_dma source(%arg10 : memref<128x64xf32, #tpu.memory_space<vmem>>) target(%dma_start3A_193 : memref<10240x64xf32, #tpu.memory_space<vmem_shared>>) offsets(%dma_start3A_190 : memref<128xi32, #tpu.memory_space<vmem>>) semaphore(%run_scoped3A : memref<!tpu.dma_semaphore, #tpu.memory_space<semaphore_mem>>) {add = true}
          %dma_wait3A_194 = arith.constant 0 : i32
          %dma_wait3A_195 = tpu.memref_slice %arg8[%add3A_138, %dma_wait3A_194] : memref<160x128xi32, #tpu.memory_space<vmem>> -> memref<1x128xi32, #tpu.memory_space<vmem>>
          %dma_wait3A_196 = tpu.memref_squeeze %dma_wait3A_195 : memref<1x128xi32, #tpu.memory_space<vmem>> -> memref<128xi32, #tpu.memory_space<vmem>>
          %dma_wait3A_197 = arith.constant 0 : i32
          %dma_wait3A_198 = arith.constant 0 : i32
          %dma_wait3A_199 = tpu.memref_slice %arg13[%dma_wait3A_197, %dma_wait3A_198] : memref<10240x64xf32, #tpu.memory_space<vmem_shared>> -> memref<10240x64xf32, #tpu.memory_space<vmem_shared>>
          tpu.wait_indirect_dma semaphore(%run_scoped3A : memref<!tpu.dma_semaphore, #tpu.memory_space<semaphore_mem>>) src(%arg10 : memref<128x64xf32, #tpu.memory_space<vmem>>) dst(%dma_wait3A_199 : memref<10240x64xf32, #tpu.memory_space<vmem_shared>>)
          tpu.yield
        }) : () -> ()
        %add3A_139 = arith.constant 4 : i32
        %add3A_140 = arith.addi %mul3A_98, %add3A_139 : i32
        %add3A_141 = arith.constant 0 : i32
        %add3A_142 = arith.addi %add3A_140, %add3A_141 : i32
        %dma_start3A_143 = arith.constant 0 : i32
        %dma_start3A_144 = tpu.memref_slice %arg7[%add3A_142, %dma_start3A_143] : memref<162x128xi32, #tpu.memory_space<vmem>> -> memref<1x128xi32, #tpu.memory_space<vmem>>
        %dma_start3A_145 = tpu.memref_squeeze %dma_start3A_144 : memref<1x128xi32, #tpu.memory_space<vmem>> -> memref<128xi32, #tpu.memory_space<vmem>>
        %dma_start3A_146 = arith.constant 0 : i32
        %dma_start3A_147 = arith.constant 0 : i32
        %dma_start3A_148 = tpu.memref_slice %arg5[%dma_start3A_146, %dma_start3A_147] : memref<10240x64xf32, #tpu.memory_space<hbm>> -> memref<10240x64xf32, #tpu.memory_space<hbm>>
        tpu.enqueue_indirect_dma source(%dma_start3A_148 : memref<10240x64xf32, #tpu.memory_space<hbm>>) target(%arg9 : memref<128x64xf32, #tpu.memory_space<vmem>>) offsets(%dma_start3A_145 : memref<128xi32, #tpu.memory_space<vmem>>) semaphore(%arg14 : memref<!tpu.dma_semaphore, #tpu.memory_space<semaphore_mem>>)
        %add3A_149 = arith.constant 4 : i32
        %add3A_150 = arith.addi %mul3A_98, %add3A_149 : i32
        %add3A_151 = arith.constant 1 : i32
        %add3A_152 = arith.addi %add3A_150, %add3A_151 : i32
        %dma_start3A_153 = arith.constant 0 : i32
        %dma_start3A_154 = tpu.memref_slice %arg7[%add3A_152, %dma_start3A_153] : memref<162x128xi32, #tpu.memory_space<vmem>> -> memref<1x128xi32, #tpu.memory_space<vmem>>
        %dma_start3A_155 = tpu.memref_squeeze %dma_start3A_154 : memref<1x128xi32, #tpu.memory_space<vmem>> -> memref<128xi32, #tpu.memory_space<vmem>>
        %dma_start3A_156 = arith.constant 0 : i32
        %dma_start3A_157 = arith.constant 0 : i32
        %dma_start3A_158 = tpu.memref_slice %arg5[%dma_start3A_156, %dma_start3A_157] : memref<10240x64xf32, #tpu.memory_space<hbm>> -> memref<10240x64xf32, #tpu.memory_space<hbm>>
        tpu.enqueue_indirect_dma source(%dma_start3A_158 : memref<10240x64xf32, #tpu.memory_space<hbm>>) target(%arg10 : memref<128x64xf32, #tpu.memory_space<vmem>>) offsets(%dma_start3A_155 : memref<128xi32, #tpu.memory_space<vmem>>) semaphore(%arg14 : memref<!tpu.dma_semaphore, #tpu.memory_space<semaphore_mem>>)
        %add3A_159 = arith.constant 2 : i32
        %add3A_160 = arith.addi %mul3A_98, %add3A_159 : i32
        %add3A_161 = arith.constant 0 : i32
        %add3A_162 = arith.addi %add3A_160, %add3A_161 : i32
        %dma_wait3A_163 = arith.constant 0 : i32
        %dma_wait3A_164 = tpu.memref_slice %arg7[%add3A_162, %dma_wait3A_163] : memref<162x128xi32, #tpu.memory_space<vmem>> -> memref<1x128xi32, #tpu.memory_space<vmem>>
        %dma_wait3A_165 = tpu.memref_squeeze %dma_wait3A_164 : memref<1x128xi32, #tpu.memory_space<vmem>> -> memref<128xi32, #tpu.memory_space<vmem>>
        %dma_wait3A_166 = arith.constant 0 : i32
        %dma_wait3A_167 = arith.constant 0 : i32
        %dma_wait3A_168 = tpu.memref_slice %arg5[%dma_wait3A_166, %dma_wait3A_167] : memref<10240x64xf32, #tpu.memory_space<hbm>> -> memref<10240x64xf32, #tpu.memory_space<hbm>>
        tpu.wait_indirect_dma semaphore(%arg15 : memref<!tpu.dma_semaphore, #tpu.memory_space<semaphore_mem>>) src(%dma_wait3A_168 : memref<10240x64xf32, #tpu.memory_space<hbm>>) dst(%arg11 : memref<128x64xf32, #tpu.memory_space<vmem>>)
        %add3A_169 = arith.constant 2 : i32
        %add3A_170 = arith.addi %mul3A_98, %add3A_169 : i32
        %add3A_171 = arith.constant 1 : i32
        %add3A_172 = arith.addi %add3A_170, %add3A_171 : i32
        %dma_wait3A_173 = arith.constant 0 : i32
        %dma_wait3A_174 = tpu.memref_slice %arg7[%add3A_172, %dma_wait3A_173] : memref<162x128xi32, #tpu.memory_space<vmem>> -> memref<1x128xi32, #tpu.memory_space<vmem>>
        %dma_wait3A_175 = tpu.memref_squeeze %dma_wait3A_174 : memref<1x128xi32, #tpu.memory_space<vmem>> -> memref<128xi32, #tpu.memory_space<vmem>>
        %dma_wait3A_176 = arith.constant 0 : i32
        %dma_wait3A_177 = arith.constant 0 : i32
        %dma_wait3A_178 = tpu.memref_slice %arg5[%dma_wait3A_176, %dma_wait3A_177] : memref<10240x64xf32, #tpu.memory_space<hbm>> -> memref<10240x64xf32, #tpu.memory_space<hbm>>
        tpu.wait_indirect_dma semaphore(%arg15 : memref<!tpu.dma_semaphore, #tpu.memory_space<semaphore_mem>>) src(%dma_wait3A_178 : memref<10240x64xf32, #tpu.memory_space<hbm>>) dst(%arg12 : memref<128x64xf32, #tpu.memory_space<vmem>>)
        %add3A_179 = arith.constant 2 : i32
        %add3A_180 = arith.addi %mul3A_98, %add3A_179 : i32
        %add3A_181 = arith.constant 0 : i32
        %add3A_182 = arith.addi %add3A_180, %add3A_181 : i32
        "tpu.region"() ({
          %run_scoped3A = tpu.sem_alloc : memref<!tpu.dma_semaphore, #tpu.memory_space<semaphore_mem>>
          %dma_start3A_188 = arith.constant 0 : i32
          %dma_start3A_189 = tpu.memref_slice %arg8[%add3A_182, %dma_start3A_188] : memref<160x128xi32, #tpu.memory_space<vmem>> -> memref<1x128xi32, #tpu.memory_space<vmem>>
          %dma_start3A_190 = tpu.memref_squeeze %dma_start3A_189 : memref<1x128xi32, #tpu.memory_space<vmem>> -> memref<128xi32, #tpu.memory_space<vmem>>
          %dma_start3A_191 = arith.constant 0 : i32
          %dma_start3A_192 = arith.constant 0 : i32
          %dma_start3A_193 = tpu.memref_slice %arg13[%dma_start3A_191, %dma_start3A_192] : memref<10240x64xf32, #tpu.memory_space<vmem_shared>> -> memref<10240x64xf32, #tpu.memory_space<vmem_shared>>
          tpu.enqueue_indirect_dma source(%arg11 : memref<128x64xf32, #tpu.memory_space<vmem>>) target(%dma_start3A_193 : memref<10240x64xf32, #tpu.memory_space<vmem_shared>>) offsets(%dma_start3A_190 : memref<128xi32, #tpu.memory_space<vmem>>) semaphore(%run_scoped3A : memref<!tpu.dma_semaphore, #tpu.memory_space<semaphore_mem>>) {add = true}
          %dma_wait3A_194 = arith.constant 0 : i32
          %dma_wait3A_195 = tpu.memref_slice %arg8[%add3A_182, %dma_wait3A_194] : memref<160x128xi32, #tpu.memory_space<vmem>> -> memref<1x128xi32, #tpu.memory_space<vmem>>
          %dma_wait3A_196 = tpu.memref_squeeze %dma_wait3A_195 : memref<1x128xi32, #tpu.memory_space<vmem>> -> memref<128xi32, #tpu.memory_space<vmem>>
          %dma_wait3A_197 = arith.constant 0 : i32
          %dma_wait3A_198 = arith.constant 0 : i32
          %dma_wait3A_199 = tpu.memref_slice %arg13[%dma_wait3A_197, %dma_wait3A_198] : memref<10240x64xf32, #tpu.memory_space<vmem_shared>> -> memref<10240x64xf32, #tpu.memory_space<vmem_shared>>
          tpu.wait_indirect_dma semaphore(%run_scoped3A : memref<!tpu.dma_semaphore, #tpu.memory_space<semaphore_mem>>) src(%arg11 : memref<128x64xf32, #tpu.memory_space<vmem>>) dst(%dma_wait3A_199 : memref<10240x64xf32, #tpu.memory_space<vmem_shared>>)
          tpu.yield
        }) : () -> ()
        %add3A_183 = arith.constant 2 : i32
        %add3A_184 = arith.addi %mul3A_98, %add3A_183 : i32
        %add3A_185 = arith.constant 1 : i32
        %add3A_186 = arith.addi %add3A_184, %add3A_185 : i32
        "tpu.region"() ({
          %run_scoped3A = tpu.sem_alloc : memref<!tpu.dma_semaphore, #tpu.memory_space<semaphore_mem>>
          %dma_start3A_188 = arith.constant 0 : i32
          %dma_start3A_189 = tpu.memref_slice %arg8[%add3A_186, %dma_start3A_188] : memref<160x128xi32, #tpu.memory_space<vmem>> -> memref<1x128xi32, #tpu.memory_space<vmem>>
          %dma_start3A_190 = tpu.memref_squeeze %dma_start3A_189 : memref<1x128xi32, #tpu.memory_space<vmem>> -> memref<128xi32, #tpu.memory_space<vmem>>
          %dma_start3A_191 = arith.constant 0 : i32
          %dma_start3A_192 = arith.constant 0 : i32
          %dma_start3A_193 = tpu.memref_slice %arg13[%dma_start3A_191, %dma_start3A_192] : memref<10240x64xf32, #tpu.memory_space<vmem_shared>> -> memref<10240x64xf32, #tpu.memory_space<vmem_shared>>
          tpu.enqueue_indirect_dma source(%arg12 : memref<128x64xf32, #tpu.memory_space<vmem>>) target(%dma_start3A_193 : memref<10240x64xf32, #tpu.memory_space<vmem_shared>>) offsets(%dma_start3A_190 : memref<128xi32, #tpu.memory_space<vmem>>) semaphore(%run_scoped3A : memref<!tpu.dma_semaphore, #tpu.memory_space<semaphore_mem>>) {add = true}
          %dma_wait3A_194 = arith.constant 0 : i32
          %dma_wait3A_195 = tpu.memref_slice %arg8[%add3A_186, %dma_wait3A_194] : memref<160x128xi32, #tpu.memory_space<vmem>> -> memref<1x128xi32, #tpu.memory_space<vmem>>
          %dma_wait3A_196 = tpu.memref_squeeze %dma_wait3A_195 : memref<1x128xi32, #tpu.memory_space<vmem>> -> memref<128xi32, #tpu.memory_space<vmem>>
          %dma_wait3A_197 = arith.constant 0 : i32
          %dma_wait3A_198 = arith.constant 0 : i32
          %dma_wait3A_199 = tpu.memref_slice %arg13[%dma_wait3A_197, %dma_wait3A_198] : memref<10240x64xf32, #tpu.memory_space<vmem_shared>> -> memref<10240x64xf32, #tpu.memory_space<vmem_shared>>
          tpu.wait_indirect_dma semaphore(%run_scoped3A : memref<!tpu.dma_semaphore, #tpu.memory_space<semaphore_mem>>) src(%arg12 : memref<128x64xf32, #tpu.memory_space<vmem>>) dst(%dma_wait3A_199 : memref<10240x64xf32, #tpu.memory_space<vmem_shared>>)
          tpu.yield
        }) : () -> ()
        %scan3A_187 = arith.constant 0 : i32
        scf.yield %scan3A_187 : i32
      }
      %scan3A_81 = arith.constant 40 : i32
      %dma_wait3A = arith.constant 160 : i32
      %dma_wait3A_82 = arith.constant 0 : i32
      %dma_wait3A_83 = tpu.memref_slice %arg7[%dma_wait3A, %dma_wait3A_82] : memref<162x128xi32, #tpu.memory_space<vmem>> -> memref<1x128xi32, #tpu.memory_space<vmem>>
      %dma_wait3A_84 = tpu.memref_squeeze %dma_wait3A_83 : memref<1x128xi32, #tpu.memory_space<vmem>> -> memref<128xi32, #tpu.memory_space<vmem>>
      %dma_wait3A_85 = arith.constant 0 : i32
      %dma_wait3A_86 = arith.constant 0 : i32
      %dma_wait3A_87 = tpu.memref_slice %arg5[%dma_wait3A_85, %dma_wait3A_86] : memref<10240x64xf32, #tpu.memory_space<hbm>> -> memref<10240x64xf32, #tpu.memory_space<hbm>>
      tpu.wait_indirect_dma semaphore(%arg14 : memref<!tpu.dma_semaphore, #tpu.memory_space<semaphore_mem>>) src(%dma_wait3A_87 : memref<10240x64xf32, #tpu.memory_space<hbm>>) dst(%arg9 : memref<128x64xf32, #tpu.memory_space<vmem>>)
      %dma_wait3A_88 = arith.constant 161 : i32
      %dma_wait3A_89 = arith.constant 0 : i32
      %dma_wait3A_90 = tpu.memref_slice %arg7[%dma_wait3A_88, %dma_wait3A_89] : memref<162x128xi32, #tpu.memory_space<vmem>> -> memref<1x128xi32, #tpu.memory_space<vmem>>
      %dma_wait3A_91 = tpu.memref_squeeze %dma_wait3A_90 : memref<1x128xi32, #tpu.memory_space<vmem>> -> memref<128xi32, #tpu.memory_space<vmem>>
      %dma_wait3A_92 = arith.constant 0 : i32
      %dma_wait3A_93 = arith.constant 0 : i32
      %dma_wait3A_94 = tpu.memref_slice %arg5[%dma_wait3A_92, %dma_wait3A_93] : memref<10240x64xf32, #tpu.memory_space<hbm>> -> memref<10240x64xf32, #tpu.memory_space<hbm>>
      tpu.wait_indirect_dma semaphore(%arg14 : memref<!tpu.dma_semaphore, #tpu.memory_space<semaphore_mem>>) src(%dma_wait3A_94 : memref<10240x64xf32, #tpu.memory_space<hbm>>) dst(%arg10 : memref<128x64xf32, #tpu.memory_space<vmem>>)
    } else {
    }
    %barrier3A_41 = arith.constant 0 : index
    tpu.barrier barrier_id(%barrier3A_41)
    %mul3A_42 = arith.constant 640 : i32
    %mul3A_43 = arith.muli %arg1, %mul3A_42 : i32
    %add3A_44 = arith.constant 0 : i32
    %add3A_45 = arith.addi %mul3A_43, %add3A_44 : i32
    "tpu.region"() ({
      %run_scoped3A = tpu.sem_alloc : memref<!tpu.dma_semaphore, #tpu.memory_space<semaphore_mem>>
      %dma_start3A = arith.constant 0 : i32
      %dma_start3A_62 = tpu.memref_slice %arg13[%add3A_45, %dma_start3A] : memref<10240x64xf32, #tpu.memory_space<vmem_shared>> -> memref<128x64xf32, #tpu.memory_space<vmem_shared>>
      %dma_start3A_63 = arith.constant 0 : i32
      %dma_start3A_64 = tpu.memref_slice %arg13[%add3A_45, %dma_start3A_63] : memref<10240x64xf32, #tpu.memory_space<vmem_shared>> -> memref<128x64xf32, #tpu.memory_space<vmem_shared>>
      tpu.enqueue_dma source(%dma_start3A_64 : memref<128x64xf32, #tpu.memory_space<vmem_shared>>) target(%arg9 : memref<128x64xf32, #tpu.memory_space<vmem>>) target_semaphore(%run_scoped3A : memref<!tpu.dma_semaphore, #tpu.memory_space<semaphore_mem>>)
      %dma_wait3A = arith.constant 0 : i32
      %dma_wait3A_65 = tpu.memref_slice %arg13[%add3A_45, %dma_wait3A] : memref<10240x64xf32, #tpu.memory_space<vmem_shared>> -> memref<128x64xf32, #tpu.memory_space<vmem_shared>>
      %dma_wait3A_66 = arith.constant 0 : i32
      %dma_wait3A_67 = tpu.memref_slice %arg13[%add3A_45, %dma_wait3A_66] : memref<10240x64xf32, #tpu.memory_space<vmem_shared>> -> memref<128x64xf32, #tpu.memory_space<vmem_shared>>
      tpu.wait_dma2 semaphore(%run_scoped3A : memref<!tpu.dma_semaphore, #tpu.memory_space<semaphore_mem>>) src(%dma_wait3A_67 : memref<128x64xf32, #tpu.memory_space<vmem_shared>>) dst(%arg9 : memref<128x64xf32, #tpu.memory_space<vmem>>)
      tpu.yield
    }) : () -> ()
    "tpu.region"() ({
      %run_scoped3A = tpu.sem_alloc : memref<!tpu.dma_semaphore, #tpu.memory_space<semaphore_mem>>
      %dma_start3A = arith.constant 0 : i32
      %dma_start3A_62 = arith.constant 0 : i32
      %dma_start3A_63 = tpu.memref_slice %arg6[%arg0, %dma_start3A, %dma_start3A_62] : memref<2x10240x64xf32, #tpu.memory_space<hbm>> -> memref<1x10240x64xf32, #tpu.memory_space<hbm>>
      %dma_start3A_64 = tpu.memref_squeeze %dma_start3A_63 : memref<1x10240x64xf32, #tpu.memory_space<hbm>> -> memref<10240x64xf32, #tpu.memory_space<hbm>>
      %dma_start3A_65 = arith.constant 0 : i32
      %dma_start3A_66 = tpu.memref_slice %dma_start3A_64[%add3A_45, %dma_start3A_65] : memref<10240x64xf32, #tpu.memory_space<hbm>> -> memref<128x64xf32, #tpu.memory_space<hbm>>
      %dma_start3A_67 = arith.constant 0 : i32
      %dma_start3A_68 = arith.constant 0 : i32
      %dma_start3A_69 = tpu.memref_slice %arg6[%arg0, %dma_start3A_67, %dma_start3A_68] : memref<2x10240x64xf32, #tpu.memory_space<hbm>> -> memref<1x10240x64xf32, #tpu.memory_space<hbm>>
      %dma_start3A_70 = tpu.memref_squeeze %dma_start3A_69 : memref<1x10240x64xf32, #tpu.memory_space<hbm>> -> memref<10240x64xf32, #tpu.memory_space<hbm>>
      %dma_start3A_71 = arith.constant 0 : i32
      %dma_start3A_72 = tpu.memref_slice %dma_start3A_70[%add3A_45, %dma_start3A_71] : memref<10240x64xf32, #tpu.memory_space<hbm>> -> memref<128x64xf32, #tpu.memory_space<hbm>>
      tpu.enqueue_dma source(%arg9 : memref<128x64xf32, #tpu.memory_space<vmem>>) target(%dma_start3A_72 : memref<128x64xf32, #tpu.memory_space<hbm>>) target_semaphore(%run_scoped3A : memref<!tpu.dma_semaphore, #tpu.memory_space<semaphore_mem>>)
      %dma_wait3A = arith.constant 0 : i32
      %dma_wait3A_73 = arith.constant 0 : i32
      %dma_wait3A_74 = tpu.memref_slice %arg6[%arg0, %dma_wait3A, %dma_wait3A_73] : memref<2x10240x64xf32, #tpu.memory_space<hbm>> -> memref<1x10240x64xf32, #tpu.memory_space<hbm>>
      %dma_wait3A_75 = tpu.memref_squeeze %dma_wait3A_74 : memref<1x10240x64xf32, #tpu.memory_space<hbm>> -> memref<10240x64xf32, #tpu.memory_space<hbm>>
      %dma_wait3A_76 = arith.constant 0 : i32
      %dma_wait3A_77 = tpu.memref_slice %dma_wait3A_75[%add3A_45, %dma_wait3A_76] : memref<10240x64xf32, #tpu.memory_space<hbm>> -> memref<128x64xf32, #tpu.memory_space<hbm>>
      %dma_wait3A_78 = arith.constant 0 : i32
      %dma_wait3A_79 = arith.constant 0 : i32
      %dma_wait3A_80 = tpu.memref_slice %arg6[%arg0, %dma_wait3A_78, %dma_wait3A_79] : memref<2x10240x64xf32, #tpu.memory_space<hbm>> -> memref<1x10240x64xf32, #tpu.memory_space<hbm>>
      %dma_wait3A_81 = tpu.memref_squeeze %dma_wait3A_80 : memref<1x10240x64xf32, #tpu.memory_space<hbm>> -> memref<10240x64xf32, #tpu.memory_space<hbm>>
      %dma_wait3A_82 = arith.constant 0 : i32
      %dma_wait3A_83 = tpu.memref_slice %dma_wait3A_81[%add3A_45, %dma_wait3A_82] : memref<10240x64xf32, #tpu.memory_space<hbm>> -> memref<128x64xf32, #tpu.memory_space<hbm>>
      tpu.wait_dma2 semaphore(%run_scoped3A : memref<!tpu.dma_semaphore, #tpu.memory_space<semaphore_mem>>) src(%arg9 : memref<128x64xf32, #tpu.memory_space<vmem>>) dst(%dma_wait3A_83 : memref<128x64xf32, #tpu.memory_space<hbm>>)
      tpu.yield
    }) : () -> ()
    %mul3A_46 = arith.constant 640 : i32
    %mul3A_47 = arith.muli %arg1, %mul3A_46 : i32
    %add3A_48 = arith.constant 128 : i32
    %add3A_49 = arith.addi %mul3A_47, %add3A_48 : i32
    "tpu.region"() ({
      %run_scoped3A = tpu.sem_alloc : memref<!tpu.dma_semaphore, #tpu.memory_space<semaphore_mem>>
      %dma_start3A = arith.constant 0 : i32
      %dma_start3A_62 = tpu.memref_slice %arg13[%add3A_49, %dma_start3A] : memref<10240x64xf32, #tpu.memory_space<vmem_shared>> -> memref<128x64xf32, #tpu.memory_space<vmem_shared>>
      %dma_start3A_63 = arith.constant 0 : i32
      %dma_start3A_64 = tpu.memref_slice %arg13[%add3A_49, %dma_start3A_63] : memref<10240x64xf32, #tpu.memory_space<vmem_shared>> -> memref<128x64xf32, #tpu.memory_space<vmem_shared>>
      tpu.enqueue_dma source(%dma_start3A_64 : memref<128x64xf32, #tpu.memory_space<vmem_shared>>) target(%arg9 : memref<128x64xf32, #tpu.memory_space<vmem>>) target_semaphore(%run_scoped3A : memref<!tpu.dma_semaphore, #tpu.memory_space<semaphore_mem>>)
      %dma_wait3A = arith.constant 0 : i32
      %dma_wait3A_65 = tpu.memref_slice %arg13[%add3A_49, %dma_wait3A] : memref<10240x64xf32, #tpu.memory_space<vmem_shared>> -> memref<128x64xf32, #tpu.memory_space<vmem_shared>>
      %dma_wait3A_66 = arith.constant 0 : i32
      %dma_wait3A_67 = tpu.memref_slice %arg13[%add3A_49, %dma_wait3A_66] : memref<10240x64xf32, #tpu.memory_space<vmem_shared>> -> memref<128x64xf32, #tpu.memory_space<vmem_shared>>
      tpu.wait_dma2 semaphore(%run_scoped3A : memref<!tpu.dma_semaphore, #tpu.memory_space<semaphore_mem>>) src(%dma_wait3A_67 : memref<128x64xf32, #tpu.memory_space<vmem_shared>>) dst(%arg9 : memref<128x64xf32, #tpu.memory_space<vmem>>)
      tpu.yield
    }) : () -> ()
    "tpu.region"() ({
      %run_scoped3A = tpu.sem_alloc : memref<!tpu.dma_semaphore, #tpu.memory_space<semaphore_mem>>
      %dma_start3A = arith.constant 0 : i32
      %dma_start3A_62 = arith.constant 0 : i32
      %dma_start3A_63 = tpu.memref_slice %arg6[%arg0, %dma_start3A, %dma_start3A_62] : memref<2x10240x64xf32, #tpu.memory_space<hbm>> -> memref<1x10240x64xf32, #tpu.memory_space<hbm>>
      %dma_start3A_64 = tpu.memref_squeeze %dma_start3A_63 : memref<1x10240x64xf32, #tpu.memory_space<hbm>> -> memref<10240x64xf32, #tpu.memory_space<hbm>>
      %dma_start3A_65 = arith.constant 0 : i32
      %dma_start3A_66 = tpu.memref_slice %dma_start3A_64[%add3A_49, %dma_start3A_65] : memref<10240x64xf32, #tpu.memory_space<hbm>> -> memref<128x64xf32, #tpu.memory_space<hbm>>
      %dma_start3A_67 = arith.constant 0 : i32
      %dma_start3A_68 = arith.constant 0 : i32
      %dma_start3A_69 = tpu.memref_slice %arg6[%arg0, %dma_start3A_67, %dma_start3A_68] : memref<2x10240x64xf32, #tpu.memory_space<hbm>> -> memref<1x10240x64xf32, #tpu.memory_space<hbm>>
      %dma_start3A_70 = tpu.memref_squeeze %dma_start3A_69 : memref<1x10240x64xf32, #tpu.memory_space<hbm>> -> memref<10240x64xf32, #tpu.memory_space<hbm>>
      %dma_start3A_71 = arith.constant 0 : i32
      %dma_start3A_72 = tpu.memref_slice %dma_start3A_70[%add3A_49, %dma_start3A_71] : memref<10240x64xf32, #tpu.memory_space<hbm>> -> memref<128x64xf32, #tpu.memory_space<hbm>>
      tpu.enqueue_dma source(%arg9 : memref<128x64xf32, #tpu.memory_space<vmem>>) target(%dma_start3A_72 : memref<128x64xf32, #tpu.memory_space<hbm>>) target_semaphore(%run_scoped3A : memref<!tpu.dma_semaphore, #tpu.memory_space<semaphore_mem>>)
      %dma_wait3A = arith.constant 0 : i32
      %dma_wait3A_73 = arith.constant 0 : i32
      %dma_wait3A_74 = tpu.memref_slice %arg6[%arg0, %dma_wait3A, %dma_wait3A_73] : memref<2x10240x64xf32, #tpu.memory_space<hbm>> -> memref<1x10240x64xf32, #tpu.memory_space<hbm>>
      %dma_wait3A_75 = tpu.memref_squeeze %dma_wait3A_74 : memref<1x10240x64xf32, #tpu.memory_space<hbm>> -> memref<10240x64xf32, #tpu.memory_space<hbm>>
      %dma_wait3A_76 = arith.constant 0 : i32
      %dma_wait3A_77 = tpu.memref_slice %dma_wait3A_75[%add3A_49, %dma_wait3A_76] : memref<10240x64xf32, #tpu.memory_space<hbm>> -> memref<128x64xf32, #tpu.memory_space<hbm>>
      %dma_wait3A_78 = arith.constant 0 : i32
      %dma_wait3A_79 = arith.constant 0 : i32
      %dma_wait3A_80 = tpu.memref_slice %arg6[%arg0, %dma_wait3A_78, %dma_wait3A_79] : memref<2x10240x64xf32, #tpu.memory_space<hbm>> -> memref<1x10240x64xf32, #tpu.memory_space<hbm>>
      %dma_wait3A_81 = tpu.memref_squeeze %dma_wait3A_80 : memref<1x10240x64xf32, #tpu.memory_space<hbm>> -> memref<10240x64xf32, #tpu.memory_space<hbm>>
      %dma_wait3A_82 = arith.constant 0 : i32
      %dma_wait3A_83 = tpu.memref_slice %dma_wait3A_81[%add3A_49, %dma_wait3A_82] : memref<10240x64xf32, #tpu.memory_space<hbm>> -> memref<128x64xf32, #tpu.memory_space<hbm>>
      tpu.wait_dma2 semaphore(%run_scoped3A : memref<!tpu.dma_semaphore, #tpu.memory_space<semaphore_mem>>) src(%arg9 : memref<128x64xf32, #tpu.memory_space<vmem>>) dst(%dma_wait3A_83 : memref<128x64xf32, #tpu.memory_space<hbm>>)
      tpu.yield
    }) : () -> ()
    %mul3A_50 = arith.constant 640 : i32
    %mul3A_51 = arith.muli %arg1, %mul3A_50 : i32
    %add3A_52 = arith.constant 256 : i32
    %add3A_53 = arith.addi %mul3A_51, %add3A_52 : i32
    "tpu.region"() ({
      %run_scoped3A = tpu.sem_alloc : memref<!tpu.dma_semaphore, #tpu.memory_space<semaphore_mem>>
      %dma_start3A = arith.constant 0 : i32
      %dma_start3A_62 = tpu.memref_slice %arg13[%add3A_53, %dma_start3A] : memref<10240x64xf32, #tpu.memory_space<vmem_shared>> -> memref<128x64xf32, #tpu.memory_space<vmem_shared>>
      %dma_start3A_63 = arith.constant 0 : i32
      %dma_start3A_64 = tpu.memref_slice %arg13[%add3A_53, %dma_start3A_63] : memref<10240x64xf32, #tpu.memory_space<vmem_shared>> -> memref<128x64xf32, #tpu.memory_space<vmem_shared>>
      tpu.enqueue_dma source(%dma_start3A_64 : memref<128x64xf32, #tpu.memory_space<vmem_shared>>) target(%arg9 : memref<128x64xf32, #tpu.memory_space<vmem>>) target_semaphore(%run_scoped3A : memref<!tpu.dma_semaphore, #tpu.memory_space<semaphore_mem>>)
      %dma_wait3A = arith.constant 0 : i32
      %dma_wait3A_65 = tpu.memref_slice %arg13[%add3A_53, %dma_wait3A] : memref<10240x64xf32, #tpu.memory_space<vmem_shared>> -> memref<128x64xf32, #tpu.memory_space<vmem_shared>>
      %dma_wait3A_66 = arith.constant 0 : i32
      %dma_wait3A_67 = tpu.memref_slice %arg13[%add3A_53, %dma_wait3A_66] : memref<10240x64xf32, #tpu.memory_space<vmem_shared>> -> memref<128x64xf32, #tpu.memory_space<vmem_shared>>
      tpu.wait_dma2 semaphore(%run_scoped3A : memref<!tpu.dma_semaphore, #tpu.memory_space<semaphore_mem>>) src(%dma_wait3A_67 : memref<128x64xf32, #tpu.memory_space<vmem_shared>>) dst(%arg9 : memref<128x64xf32, #tpu.memory_space<vmem>>)
      tpu.yield
    }) : () -> ()
    "tpu.region"() ({
      %run_scoped3A = tpu.sem_alloc : memref<!tpu.dma_semaphore, #tpu.memory_space<semaphore_mem>>
      %dma_start3A = arith.constant 0 : i32
      %dma_start3A_62 = arith.constant 0 : i32
      %dma_start3A_63 = tpu.memref_slice %arg6[%arg0, %dma_start3A, %dma_start3A_62] : memref<2x10240x64xf32, #tpu.memory_space<hbm>> -> memref<1x10240x64xf32, #tpu.memory_space<hbm>>
      %dma_start3A_64 = tpu.memref_squeeze %dma_start3A_63 : memref<1x10240x64xf32, #tpu.memory_space<hbm>> -> memref<10240x64xf32, #tpu.memory_space<hbm>>
      %dma_start3A_65 = arith.constant 0 : i32
      %dma_start3A_66 = tpu.memref_slice %dma_start3A_64[%add3A_53, %dma_start3A_65] : memref<10240x64xf32, #tpu.memory_space<hbm>> -> memref<128x64xf32, #tpu.memory_space<hbm>>
      %dma_start3A_67 = arith.constant 0 : i32
      %dma_start3A_68 = arith.constant 0 : i32
      %dma_start3A_69 = tpu.memref_slice %arg6[%arg0, %dma_start3A_67, %dma_start3A_68] : memref<2x10240x64xf32, #tpu.memory_space<hbm>> -> memref<1x10240x64xf32, #tpu.memory_space<hbm>>
      %dma_start3A_70 = tpu.memref_squeeze %dma_start3A_69 : memref<1x10240x64xf32, #tpu.memory_space<hbm>> -> memref<10240x64xf32, #tpu.memory_space<hbm>>
      %dma_start3A_71 = arith.constant 0 : i32
      %dma_start3A_72 = tpu.memref_slice %dma_start3A_70[%add3A_53, %dma_start3A_71] : memref<10240x64xf32, #tpu.memory_space<hbm>> -> memref<128x64xf32, #tpu.memory_space<hbm>>
      tpu.enqueue_dma source(%arg9 : memref<128x64xf32, #tpu.memory_space<vmem>>) target(%dma_start3A_72 : memref<128x64xf32, #tpu.memory_space<hbm>>) target_semaphore(%run_scoped3A : memref<!tpu.dma_semaphore, #tpu.memory_space<semaphore_mem>>)
      %dma_wait3A = arith.constant 0 : i32
      %dma_wait3A_73 = arith.constant 0 : i32
      %dma_wait3A_74 = tpu.memref_slice %arg6[%arg0, %dma_wait3A, %dma_wait3A_73] : memref<2x10240x64xf32, #tpu.memory_space<hbm>> -> memref<1x10240x64xf32, #tpu.memory_space<hbm>>
      %dma_wait3A_75 = tpu.memref_squeeze %dma_wait3A_74 : memref<1x10240x64xf32, #tpu.memory_space<hbm>> -> memref<10240x64xf32, #tpu.memory_space<hbm>>
      %dma_wait3A_76 = arith.constant 0 : i32
      %dma_wait3A_77 = tpu.memref_slice %dma_wait3A_75[%add3A_53, %dma_wait3A_76] : memref<10240x64xf32, #tpu.memory_space<hbm>> -> memref<128x64xf32, #tpu.memory_space<hbm>>
      %dma_wait3A_78 = arith.constant 0 : i32
      %dma_wait3A_79 = arith.constant 0 : i32
      %dma_wait3A_80 = tpu.memref_slice %arg6[%arg0, %dma_wait3A_78, %dma_wait3A_79] : memref<2x10240x64xf32, #tpu.memory_space<hbm>> -> memref<1x10240x64xf32, #tpu.memory_space<hbm>>
      %dma_wait3A_81 = tpu.memref_squeeze %dma_wait3A_80 : memref<1x10240x64xf32, #tpu.memory_space<hbm>> -> memref<10240x64xf32, #tpu.memory_space<hbm>>
      %dma_wait3A_82 = arith.constant 0 : i32
      %dma_wait3A_83 = tpu.memref_slice %dma_wait3A_81[%add3A_53, %dma_wait3A_82] : memref<10240x64xf32, #tpu.memory_space<hbm>> -> memref<128x64xf32, #tpu.memory_space<hbm>>
      tpu.wait_dma2 semaphore(%run_scoped3A : memref<!tpu.dma_semaphore, #tpu.memory_space<semaphore_mem>>) src(%arg9 : memref<128x64xf32, #tpu.memory_space<vmem>>) dst(%dma_wait3A_83 : memref<128x64xf32, #tpu.memory_space<hbm>>)
      tpu.yield
    }) : () -> ()
    %mul3A_54 = arith.constant 640 : i32
    %mul3A_55 = arith.muli %arg1, %mul3A_54 : i32
    %add3A_56 = arith.constant 384 : i32
    %add3A_57 = arith.addi %mul3A_55, %add3A_56 : i32
    "tpu.region"() ({
      %run_scoped3A = tpu.sem_alloc : memref<!tpu.dma_semaphore, #tpu.memory_space<semaphore_mem>>
      %dma_start3A = arith.constant 0 : i32
      %dma_start3A_62 = tpu.memref_slice %arg13[%add3A_57, %dma_start3A] : memref<10240x64xf32, #tpu.memory_space<vmem_shared>> -> memref<128x64xf32, #tpu.memory_space<vmem_shared>>
      %dma_start3A_63 = arith.constant 0 : i32
      %dma_start3A_64 = tpu.memref_slice %arg13[%add3A_57, %dma_start3A_63] : memref<10240x64xf32, #tpu.memory_space<vmem_shared>> -> memref<128x64xf32, #tpu.memory_space<vmem_shared>>
      tpu.enqueue_dma source(%dma_start3A_64 : memref<128x64xf32, #tpu.memory_space<vmem_shared>>) target(%arg9 : memref<128x64xf32, #tpu.memory_space<vmem>>) target_semaphore(%run_scoped3A : memref<!tpu.dma_semaphore, #tpu.memory_space<semaphore_mem>>)
      %dma_wait3A = arith.constant 0 : i32
      %dma_wait3A_65 = tpu.memref_slice %arg13[%add3A_57, %dma_wait3A] : memref<10240x64xf32, #tpu.memory_space<vmem_shared>> -> memref<128x64xf32, #tpu.memory_space<vmem_shared>>
      %dma_wait3A_66 = arith.constant 0 : i32
      %dma_wait3A_67 = tpu.memref_slice %arg13[%add3A_57, %dma_wait3A_66] : memref<10240x64xf32, #tpu.memory_space<vmem_shared>> -> memref<128x64xf32, #tpu.memory_space<vmem_shared>>
      tpu.wait_dma2 semaphore(%run_scoped3A : memref<!tpu.dma_semaphore, #tpu.memory_space<semaphore_mem>>) src(%dma_wait3A_67 : memref<128x64xf32, #tpu.memory_space<vmem_shared>>) dst(%arg9 : memref<128x64xf32, #tpu.memory_space<vmem>>)
      tpu.yield
    }) : () -> ()
    "tpu.region"() ({
      %run_scoped3A = tpu.sem_alloc : memref<!tpu.dma_semaphore, #tpu.memory_space<semaphore_mem>>
      %dma_start3A = arith.constant 0 : i32
      %dma_start3A_62 = arith.constant 0 : i32
      %dma_start3A_63 = tpu.memref_slice %arg6[%arg0, %dma_start3A, %dma_start3A_62] : memref<2x10240x64xf32, #tpu.memory_space<hbm>> -> memref<1x10240x64xf32, #tpu.memory_space<hbm>>
      %dma_start3A_64 = tpu.memref_squeeze %dma_start3A_63 : memref<1x10240x64xf32, #tpu.memory_space<hbm>> -> memref<10240x64xf32, #tpu.memory_space<hbm>>
      %dma_start3A_65 = arith.constant 0 : i32
      %dma_start3A_66 = tpu.memref_slice %dma_start3A_64[%add3A_57, %dma_start3A_65] : memref<10240x64xf32, #tpu.memory_space<hbm>> -> memref<128x64xf32, #tpu.memory_space<hbm>>
      %dma_start3A_67 = arith.constant 0 : i32
      %dma_start3A_68 = arith.constant 0 : i32
      %dma_start3A_69 = tpu.memref_slice %arg6[%arg0, %dma_start3A_67, %dma_start3A_68] : memref<2x10240x64xf32, #tpu.memory_space<hbm>> -> memref<1x10240x64xf32, #tpu.memory_space<hbm>>
      %dma_start3A_70 = tpu.memref_squeeze %dma_start3A_69 : memref<1x10240x64xf32, #tpu.memory_space<hbm>> -> memref<10240x64xf32, #tpu.memory_space<hbm>>
      %dma_start3A_71 = arith.constant 0 : i32
      %dma_start3A_72 = tpu.memref_slice %dma_start3A_70[%add3A_57, %dma_start3A_71] : memref<10240x64xf32, #tpu.memory_space<hbm>> -> memref<128x64xf32, #tpu.memory_space<hbm>>
      tpu.enqueue_dma source(%arg9 : memref<128x64xf32, #tpu.memory_space<vmem>>) target(%dma_start3A_72 : memref<128x64xf32, #tpu.memory_space<hbm>>) target_semaphore(%run_scoped3A : memref<!tpu.dma_semaphore, #tpu.memory_space<semaphore_mem>>)
      %dma_wait3A = arith.constant 0 : i32
      %dma_wait3A_73 = arith.constant 0 : i32
      %dma_wait3A_74 = tpu.memref_slice %arg6[%arg0, %dma_wait3A, %dma_wait3A_73] : memref<2x10240x64xf32, #tpu.memory_space<hbm>> -> memref<1x10240x64xf32, #tpu.memory_space<hbm>>
      %dma_wait3A_75 = tpu.memref_squeeze %dma_wait3A_74 : memref<1x10240x64xf32, #tpu.memory_space<hbm>> -> memref<10240x64xf32, #tpu.memory_space<hbm>>
      %dma_wait3A_76 = arith.constant 0 : i32
      %dma_wait3A_77 = tpu.memref_slice %dma_wait3A_75[%add3A_57, %dma_wait3A_76] : memref<10240x64xf32, #tpu.memory_space<hbm>> -> memref<128x64xf32, #tpu.memory_space<hbm>>
      %dma_wait3A_78 = arith.constant 0 : i32
      %dma_wait3A_79 = arith.constant 0 : i32
      %dma_wait3A_80 = tpu.memref_slice %arg6[%arg0, %dma_wait3A_78, %dma_wait3A_79] : memref<2x10240x64xf32, #tpu.memory_space<hbm>> -> memref<1x10240x64xf32, #tpu.memory_space<hbm>>
      %dma_wait3A_81 = tpu.memref_squeeze %dma_wait3A_80 : memref<1x10240x64xf32, #tpu.memory_space<hbm>> -> memref<10240x64xf32, #tpu.memory_space<hbm>>
      %dma_wait3A_82 = arith.constant 0 : i32
      %dma_wait3A_83 = tpu.memref_slice %dma_wait3A_81[%add3A_57, %dma_wait3A_82] : memref<10240x64xf32, #tpu.memory_space<hbm>> -> memref<128x64xf32, #tpu.memory_space<hbm>>
      tpu.wait_dma2 semaphore(%run_scoped3A : memref<!tpu.dma_semaphore, #tpu.memory_space<semaphore_mem>>) src(%arg9 : memref<128x64xf32, #tpu.memory_space<vmem>>) dst(%dma_wait3A_83 : memref<128x64xf32, #tpu.memory_space<hbm>>)
      tpu.yield
    }) : () -> ()
    %mul3A_58 = arith.constant 640 : i32
    %mul3A_59 = arith.muli %arg1, %mul3A_58 : i32
    %add3A_60 = arith.constant 512 : i32
    %add3A_61 = arith.addi %mul3A_59, %add3A_60 : i32
    "tpu.region"() ({
      %run_scoped3A = tpu.sem_alloc : memref<!tpu.dma_semaphore, #tpu.memory_space<semaphore_mem>>
      %dma_start3A = arith.constant 0 : i32
      %dma_start3A_62 = tpu.memref_slice %arg13[%add3A_61, %dma_start3A] : memref<10240x64xf32, #tpu.memory_space<vmem_shared>> -> memref<128x64xf32, #tpu.memory_space<vmem_shared>>
      %dma_start3A_63 = arith.constant 0 : i32
      %dma_start3A_64 = tpu.memref_slice %arg13[%add3A_61, %dma_start3A_63] : memref<10240x64xf32, #tpu.memory_space<vmem_shared>> -> memref<128x64xf32, #tpu.memory_space<vmem_shared>>
      tpu.enqueue_dma source(%dma_start3A_64 : memref<128x64xf32, #tpu.memory_space<vmem_shared>>) target(%arg9 : memref<128x64xf32, #tpu.memory_space<vmem>>) target_semaphore(%run_scoped3A : memref<!tpu.dma_semaphore, #tpu.memory_space<semaphore_mem>>)
      %dma_wait3A = arith.constant 0 : i32
      %dma_wait3A_65 = tpu.memref_slice %arg13[%add3A_61, %dma_wait3A] : memref<10240x64xf32, #tpu.memory_space<vmem_shared>> -> memref<128x64xf32, #tpu.memory_space<vmem_shared>>
      %dma_wait3A_66 = arith.constant 0 : i32
      %dma_wait3A_67 = tpu.memref_slice %arg13[%add3A_61, %dma_wait3A_66] : memref<10240x64xf32, #tpu.memory_space<vmem_shared>> -> memref<128x64xf32, #tpu.memory_space<vmem_shared>>
      tpu.wait_dma2 semaphore(%run_scoped3A : memref<!tpu.dma_semaphore, #tpu.memory_space<semaphore_mem>>) src(%dma_wait3A_67 : memref<128x64xf32, #tpu.memory_space<vmem_shared>>) dst(%arg9 : memref<128x64xf32, #tpu.memory_space<vmem>>)
      tpu.yield
    }) : () -> ()
    "tpu.region"() ({
      %run_scoped3A = tpu.sem_alloc : memref<!tpu.dma_semaphore, #tpu.memory_space<semaphore_mem>>
      %dma_start3A = arith.constant 0 : i32
      %dma_start3A_62 = arith.constant 0 : i32
      %dma_start3A_63 = tpu.memref_slice %arg6[%arg0, %dma_start3A, %dma_start3A_62] : memref<2x10240x64xf32, #tpu.memory_space<hbm>> -> memref<1x10240x64xf32, #tpu.memory_space<hbm>>
      %dma_start3A_64 = tpu.memref_squeeze %dma_start3A_63 : memref<1x10240x64xf32, #tpu.memory_space<hbm>> -> memref<10240x64xf32, #tpu.memory_space<hbm>>
      %dma_start3A_65 = arith.constant 0 : i32
      %dma_start3A_66 = tpu.memref_slice %dma_start3A_64[%add3A_61, %dma_start3A_65] : memref<10240x64xf32, #tpu.memory_space<hbm>> -> memref<128x64xf32, #tpu.memory_space<hbm>>
      %dma_start3A_67 = arith.constant 0 : i32
      %dma_start3A_68 = arith.constant 0 : i32
      %dma_start3A_69 = tpu.memref_slice %arg6[%arg0, %dma_start3A_67, %dma_start3A_68] : memref<2x10240x64xf32, #tpu.memory_space<hbm>> -> memref<1x10240x64xf32, #tpu.memory_space<hbm>>
      %dma_start3A_70 = tpu.memref_squeeze %dma_start3A_69 : memref<1x10240x64xf32, #tpu.memory_space<hbm>> -> memref<10240x64xf32, #tpu.memory_space<hbm>>
      %dma_start3A_71 = arith.constant 0 : i32
      %dma_start3A_72 = tpu.memref_slice %dma_start3A_70[%add3A_61, %dma_start3A_71] : memref<10240x64xf32, #tpu.memory_space<hbm>> -> memref<128x64xf32, #tpu.memory_space<hbm>>
      tpu.enqueue_dma source(%arg9 : memref<128x64xf32, #tpu.memory_space<vmem>>) target(%dma_start3A_72 : memref<128x64xf32, #tpu.memory_space<hbm>>) target_semaphore(%run_scoped3A : memref<!tpu.dma_semaphore, #tpu.memory_space<semaphore_mem>>)
      %dma_wait3A = arith.constant 0 : i32
      %dma_wait3A_73 = arith.constant 0 : i32
      %dma_wait3A_74 = tpu.memref_slice %arg6[%arg0, %dma_wait3A, %dma_wait3A_73] : memref<2x10240x64xf32, #tpu.memory_space<hbm>> -> memref<1x10240x64xf32, #tpu.memory_space<hbm>>
      %dma_wait3A_75 = tpu.memref_squeeze %dma_wait3A_74 : memref<1x10240x64xf32, #tpu.memory_space<hbm>> -> memref<10240x64xf32, #tpu.memory_space<hbm>>
      %dma_wait3A_76 = arith.constant 0 : i32
      %dma_wait3A_77 = tpu.memref_slice %dma_wait3A_75[%add3A_61, %dma_wait3A_76] : memref<10240x64xf32, #tpu.memory_space<hbm>> -> memref<128x64xf32, #tpu.memory_space<hbm>>
      %dma_wait3A_78 = arith.constant 0 : i32
      %dma_wait3A_79 = arith.constant 0 : i32
      %dma_wait3A_80 = tpu.memref_slice %arg6[%arg0, %dma_wait3A_78, %dma_wait3A_79] : memref<2x10240x64xf32, #tpu.memory_space<hbm>> -> memref<1x10240x64xf32, #tpu.memory_space<hbm>>
      %dma_wait3A_81 = tpu.memref_squeeze %dma_wait3A_80 : memref<1x10240x64xf32, #tpu.memory_space<hbm>> -> memref<10240x64xf32, #tpu.memory_space<hbm>>
      %dma_wait3A_82 = arith.constant 0 : i32
      %dma_wait3A_83 = tpu.memref_slice %dma_wait3A_81[%add3A_61, %dma_wait3A_82] : memref<10240x64xf32, #tpu.memory_space<hbm>> -> memref<128x64xf32, #tpu.memory_space<hbm>>
      tpu.wait_dma2 semaphore(%run_scoped3A : memref<!tpu.dma_semaphore, #tpu.memory_space<semaphore_mem>>) src(%arg9 : memref<128x64xf32, #tpu.memory_space<vmem>>) dst(%dma_wait3A_83 : memref<128x64xf32, #tpu.memory_space<hbm>>)
      tpu.yield
    }) : () -> ()
    return
  }
}

#map = affine_map<(d0, d1) -> (0, 0, 0)>
#map1 = affine_map<(d0, d1) -> (0, 0)>
module attributes {stable_mosaic.version = 14 : i64} {
  func.func @_sc_agg_body(%arg0: i32, %arg1: i32, %arg2: memref<16x160x128xi32, #tpu.memory_space<hbm>>, %arg3: memref<16x160x128xi32, #tpu.memory_space<hbm>>, %arg4: memref<10240x64xf32, #tpu.memory_space<hbm>>, %arg5: memref<10240x64xf32, #tpu.memory_space<hbm>>, %arg6: memref<2x10240x64xf32, #tpu.memory_space<hbm>>, %arg7: memref<162x128xi32, #tpu.memory_space<vmem>>, %arg8: memref<160x128xi32, #tpu.memory_space<vmem>>, %arg9: memref<128x64xf32, #tpu.memory_space<vmem>>, %arg10: memref<128x64xf32, #tpu.memory_space<vmem>>, %arg11: memref<128x64xf32, #tpu.memory_space<vmem>>, %arg12: memref<128x64xf32, #tpu.memory_space<vmem>>, %arg13: memref<10240x64xf32, #tpu.memory_space<vmem_shared>>, %arg14: memref<!tpu.dma_semaphore, #tpu.memory_space<semaphore_mem>>, %arg15: memref<!tpu.dma_semaphore, #tpu.memory_space<semaphore_mem>>) attributes {dimension_semantics = [#tpu.dimension_semantics<core_parallel>, #tpu.dimension_semantics<subcore_parallel>], iteration_bounds = array<i64: 2, 16>, scalar_prefetch = 0 : i64, scratch_operands = 9 : i64, tpu.core_type = #tpu.core_type<sc_vector_subcore>, window_params = [{transform_indices = #map}, {transform_indices = #map}, {transform_indices = #map1}, {transform_indices = #map1}, {transform_indices = #map}]} {
    "tpu.region"() ({
      %run_scoped3A = tpu.sem_alloc : memref<!tpu.dma_semaphore, #tpu.memory_space<semaphore_mem>>
      %dma_start3A = arith.constant 0 : i32
      %dma_start3A_62 = arith.constant 0 : i32
      %dma_start3A_63 = tpu.memref_slice %arg7[%dma_start3A, %dma_start3A_62] : memref<162x128xi32, #tpu.memory_space<vmem>> -> memref<160x128xi32, #tpu.memory_space<vmem>>
      %dma_start3A_64 = arith.constant 0 : i32
      %dma_start3A_65 = arith.constant 0 : i32
      %dma_start3A_66 = tpu.memref_slice %arg2[%arg1, %dma_start3A_64, %dma_start3A_65] : memref<16x160x128xi32, #tpu.memory_space<hbm>> -> memref<1x160x128xi32, #tpu.memory_space<hbm>>
      %dma_start3A_67 = tpu.memref_squeeze %dma_start3A_66 : memref<1x160x128xi32, #tpu.memory_space<hbm>> -> memref<160x128xi32, #tpu.memory_space<hbm>>
      %dma_start3A_68 = arith.constant 0 : i32
      %dma_start3A_69 = arith.constant 0 : i32
      %dma_start3A_70 = tpu.memref_slice %arg7[%dma_start3A_68, %dma_start3A_69] : memref<162x128xi32, #tpu.memory_space<vmem>> -> memref<160x128xi32, #tpu.memory_space<vmem>>
      %dma_start3A_71 = arith.constant 0 : i32
      %dma_start3A_72 = arith.constant 0 : i32
      %dma_start3A_73 = tpu.memref_slice %arg2[%arg1, %dma_start3A_71, %dma_start3A_72] : memref<16x160x128xi32, #tpu.memory_space<hbm>> -> memref<1x160x128xi32, #tpu.memory_space<hbm>>
      %dma_start3A_74 = tpu.memref_squeeze %dma_start3A_73 : memref<1x160x128xi32, #tpu.memory_space<hbm>> -> memref<160x128xi32, #tpu.memory_space<hbm>>
      tpu.enqueue_dma source(%dma_start3A_74 : memref<160x128xi32, #tpu.memory_space<hbm>>) target(%dma_start3A_70 : memref<160x128xi32, #tpu.memory_space<vmem>>) target_semaphore(%run_scoped3A : memref<!tpu.dma_semaphore, #tpu.memory_space<semaphore_mem>>)
      %dma_wait3A = arith.constant 0 : i32
      %dma_wait3A_75 = arith.constant 0 : i32
      %dma_wait3A_76 = tpu.memref_slice %arg7[%dma_wait3A, %dma_wait3A_75] : memref<162x128xi32, #tpu.memory_space<vmem>> -> memref<160x128xi32, #tpu.memory_space<vmem>>
      %dma_wait3A_77 = arith.constant 0 : i32
      %dma_wait3A_78 = arith.constant 0 : i32
      %dma_wait3A_79 = tpu.memref_slice %arg2[%arg1, %dma_wait3A_77, %dma_wait3A_78] : memref<16x160x128xi32, #tpu.memory_space<hbm>> -> memref<1x160x128xi32, #tpu.memory_space<hbm>>
      %dma_wait3A_80 = tpu.memref_squeeze %dma_wait3A_79 : memref<1x160x128xi32, #tpu.memory_space<hbm>> -> memref<160x128xi32, #tpu.memory_space<hbm>>
      %dma_wait3A_81 = arith.constant 0 : i32
      %dma_wait3A_82 = arith.constant 0 : i32
      %dma_wait3A_83 = tpu.memref_slice %arg7[%dma_wait3A_81, %dma_wait3A_82] : memref<162x128xi32, #tpu.memory_space<vmem>> -> memref<160x128xi32, #tpu.memory_space<vmem>>
      %dma_wait3A_84 = arith.constant 0 : i32
      %dma_wait3A_85 = arith.constant 0 : i32
      %dma_wait3A_86 = tpu.memref_slice %arg2[%arg1, %dma_wait3A_84, %dma_wait3A_85] : memref<16x160x128xi32, #tpu.memory_space<hbm>> -> memref<1x160x128xi32, #tpu.memory_space<hbm>>
      %dma_wait3A_87 = tpu.memref_squeeze %dma_wait3A_86 : memref<1x160x128xi32, #tpu.memory_space<hbm>> -> memref<160x128xi32, #tpu.memory_space<hbm>>
      tpu.wait_dma2 semaphore(%run_scoped3A : memref<!tpu.dma_semaphore, #tpu.memory_space<semaphore_mem>>) src(%dma_wait3A_87 : memref<160x128xi32, #tpu.memory_space<hbm>>) dst(%dma_wait3A_83 : memref<160x128xi32, #tpu.memory_space<vmem>>)
      tpu.yield
    }) : () -> ()
    "tpu.region"() ({
      %run_scoped3A = tpu.sem_alloc : memref<!tpu.dma_semaphore, #tpu.memory_space<semaphore_mem>>
      %dma_start3A = arith.constant 0 : i32
      %dma_start3A_62 = arith.constant 0 : i32
      %dma_start3A_63 = tpu.memref_slice %arg3[%arg1, %dma_start3A, %dma_start3A_62] : memref<16x160x128xi32, #tpu.memory_space<hbm>> -> memref<1x160x128xi32, #tpu.memory_space<hbm>>
      %dma_start3A_64 = tpu.memref_squeeze %dma_start3A_63 : memref<1x160x128xi32, #tpu.memory_space<hbm>> -> memref<160x128xi32, #tpu.memory_space<hbm>>
      %dma_start3A_65 = arith.constant 0 : i32
      %dma_start3A_66 = arith.constant 0 : i32
      %dma_start3A_67 = tpu.memref_slice %arg3[%arg1, %dma_start3A_65, %dma_start3A_66] : memref<16x160x128xi32, #tpu.memory_space<hbm>> -> memref<1x160x128xi32, #tpu.memory_space<hbm>>
      %dma_start3A_68 = tpu.memref_squeeze %dma_start3A_67 : memref<1x160x128xi32, #tpu.memory_space<hbm>> -> memref<160x128xi32, #tpu.memory_space<hbm>>
      tpu.enqueue_dma source(%dma_start3A_68 : memref<160x128xi32, #tpu.memory_space<hbm>>) target(%arg8 : memref<160x128xi32, #tpu.memory_space<vmem>>) target_semaphore(%run_scoped3A : memref<!tpu.dma_semaphore, #tpu.memory_space<semaphore_mem>>)
      %dma_wait3A = arith.constant 0 : i32
      %dma_wait3A_69 = arith.constant 0 : i32
      %dma_wait3A_70 = tpu.memref_slice %arg3[%arg1, %dma_wait3A, %dma_wait3A_69] : memref<16x160x128xi32, #tpu.memory_space<hbm>> -> memref<1x160x128xi32, #tpu.memory_space<hbm>>
      %dma_wait3A_71 = tpu.memref_squeeze %dma_wait3A_70 : memref<1x160x128xi32, #tpu.memory_space<hbm>> -> memref<160x128xi32, #tpu.memory_space<hbm>>
      %dma_wait3A_72 = arith.constant 0 : i32
      %dma_wait3A_73 = arith.constant 0 : i32
      %dma_wait3A_74 = tpu.memref_slice %arg3[%arg1, %dma_wait3A_72, %dma_wait3A_73] : memref<16x160x128xi32, #tpu.memory_space<hbm>> -> memref<1x160x128xi32, #tpu.memory_space<hbm>>
      %dma_wait3A_75 = tpu.memref_squeeze %dma_wait3A_74 : memref<1x160x128xi32, #tpu.memory_space<hbm>> -> memref<160x128xi32, #tpu.memory_space<hbm>>
      tpu.wait_dma2 semaphore(%run_scoped3A : memref<!tpu.dma_semaphore, #tpu.memory_space<semaphore_mem>>) src(%dma_wait3A_75 : memref<160x128xi32, #tpu.memory_space<hbm>>) dst(%arg8 : memref<160x128xi32, #tpu.memory_space<vmem>>)
      tpu.yield
    }) : () -> ()
    %broadcast_in_dim3A = arith.constant 0 : i32
    %broadcast_in_dim3A_0 = vector.broadcast %broadcast_in_dim3A : i32 to vector<16xi32>
    %scan3A = arith.constant 0 : i32
    %scan3A_1 = arith.constant 0 : i32
    %scan3A_2 = arith.constant 2 : i32
    %scan3A_3 = arith.addi %scan3A_1, %scan3A_2 : i32
    %scan3A_4 = arith.constant 1 : i32
    %scan3A_5 = scf.for %scan3A_62 = %scan3A_1 to %scan3A_3 step %scan3A_4 iter_args(%scan3A_63 = %scan3A) -> (i32)  : i32 {
      %add3A_64 = arith.constant 160 : i32
      %add3A_65 = arith.addi %add3A_64, %scan3A_62 : i32
      %swap3A = arith.index_cast %add3A_65 : i32 to index
      %swap3A_66 = arith.constant 0 : index
      %swap3A_67 = tpu.vector_load %arg7[%swap3A, %swap3A_66] {strides = array<i32>} : memref<162x128xi32, #tpu.memory_space<vmem>>, vector<1x16xi32>,
      %swap3A_68 = vector.shape_cast %swap3A_67 : vector<1x16xi32> to vector<16xi32>
      %swap3A_69 = vector.shape_cast %broadcast_in_dim3A_0 : vector<16xi32> to vector<1x16xi32>
      tpu.vector_store %arg7[%swap3A, %swap3A_66], %swap3A_69 {strides = array<i32>} : memref<162x128xi32, #tpu.memory_space<vmem>>, vector<1x16xi32>,
      %add3A_70 = arith.constant 160 : i32
      %add3A_71 = arith.addi %add3A_70, %scan3A_62 : i32
      %swap3A_72 = arith.index_cast %add3A_71 : i32 to index
      %swap3A_73 = arith.constant 16 : index
      %swap3A_74 = tpu.vector_load %arg7[%swap3A_72, %swap3A_73] {strides = array<i32>} : memref<162x128xi32, #tpu.memory_space<vmem>>, vector<1x16xi32>,
      %swap3A_75 = vector.shape_cast %swap3A_74 : vector<1x16xi32> to vector<16xi32>
      %swap3A_76 = vector.shape_cast %broadcast_in_dim3A_0 : vector<16xi32> to vector<1x16xi32>
      tpu.vector_store %arg7[%swap3A_72, %swap3A_73], %swap3A_76 {strides = array<i32>} : memref<162x128xi32, #tpu.memory_space<vmem>>, vector<1x16xi32>,
      %add3A_77 = arith.constant 160 : i32
      %add3A_78 = arith.addi %add3A_77, %scan3A_62 : i32
      %swap3A_79 = arith.index_cast %add3A_78 : i32 to index
      %swap3A_80 = arith.constant 32 : index
      %swap3A_81 = tpu.vector_load %arg7[%swap3A_79, %swap3A_80] {strides = array<i32>} : memref<162x128xi32, #tpu.memory_space<vmem>>, vector<1x16xi32>,
      %swap3A_82 = vector.shape_cast %swap3A_81 : vector<1x16xi32> to vector<16xi32>
      %swap3A_83 = vector.shape_cast %broadcast_in_dim3A_0 : vector<16xi32> to vector<1x16xi32>
      tpu.vector_store %arg7[%swap3A_79, %swap3A_80], %swap3A_83 {strides = array<i32>} : memref<162x128xi32, #tpu.memory_space<vmem>>, vector<1x16xi32>,
      %add3A_84 = arith.constant 160 : i32
      %add3A_85 = arith.addi %add3A_84, %scan3A_62 : i32
      %swap3A_86 = arith.index_cast %add3A_85 : i32 to index
      %swap3A_87 = arith.constant 48 : index
      %swap3A_88 = tpu.vector_load %arg7[%swap3A_86, %swap3A_87] {strides = array<i32>} : memref<162x128xi32, #tpu.memory_space<vmem>>, vector<1x16xi32>,
      %swap3A_89 = vector.shape_cast %swap3A_88 : vector<1x16xi32> to vector<16xi32>
      %swap3A_90 = vector.shape_cast %broadcast_in_dim3A_0 : vector<16xi32> to vector<1x16xi32>
      tpu.vector_store %arg7[%swap3A_86, %swap3A_87], %swap3A_90 {strides = array<i32>} : memref<162x128xi32, #tpu.memory_space<vmem>>, vector<1x16xi32>,
      %add3A_91 = arith.constant 160 : i32
      %add3A_92 = arith.addi %add3A_91, %scan3A_62 : i32
      %swap3A_93 = arith.index_cast %add3A_92 : i32 to index
      %swap3A_94 = arith.constant 64 : index
      %swap3A_95 = tpu.vector_load %arg7[%swap3A_93, %swap3A_94] {strides = array<i32>} : memref<162x128xi32, #tpu.memory_space<vmem>>, vector<1x16xi32>,
      %swap3A_96 = vector.shape_cast %swap3A_95 : vector<1x16xi32> to vector<16xi32>
      %swap3A_97 = vector.shape_cast %broadcast_in_dim3A_0 : vector<16xi32> to vector<1x16xi32>
      tpu.vector_store %arg7[%swap3A_93, %swap3A_94], %swap3A_97 {strides = array<i32>} : memref<162x128xi32, #tpu.memory_space<vmem>>, vector<1x16xi32>,
      %add3A_98 = arith.constant 160 : i32
      %add3A_99 = arith.addi %add3A_98, %scan3A_62 : i32
      %swap3A_100 = arith.index_cast %add3A_99 : i32 to index
      %swap3A_101 = arith.constant 80 : index
      %swap3A_102 = tpu.vector_load %arg7[%swap3A_100, %swap3A_101] {strides = array<i32>} : memref<162x128xi32, #tpu.memory_space<vmem>>, vector<1x16xi32>,
      %swap3A_103 = vector.shape_cast %swap3A_102 : vector<1x16xi32> to vector<16xi32>
      %swap3A_104 = vector.shape_cast %broadcast_in_dim3A_0 : vector<16xi32> to vector<1x16xi32>
      tpu.vector_store %arg7[%swap3A_100, %swap3A_101], %swap3A_104 {strides = array<i32>} : memref<162x128xi32, #tpu.memory_space<vmem>>, vector<1x16xi32>,
      %add3A_105 = arith.constant 160 : i32
      %add3A_106 = arith.addi %add3A_105, %scan3A_62 : i32
      %swap3A_107 = arith.index_cast %add3A_106 : i32 to index
      %swap3A_108 = arith.constant 96 : index
      %swap3A_109 = tpu.vector_load %arg7[%swap3A_107, %swap3A_108] {strides = array<i32>} : memref<162x128xi32, #tpu.memory_space<vmem>>, vector<1x16xi32>,
      %swap3A_110 = vector.shape_cast %swap3A_109 : vector<1x16xi32> to vector<16xi32>
      %swap3A_111 = vector.shape_cast %broadcast_in_dim3A_0 : vector<16xi32> to vector<1x16xi32>
      tpu.vector_store %arg7[%swap3A_107, %swap3A_108], %swap3A_111 {strides = array<i32>} : memref<162x128xi32, #tpu.memory_space<vmem>>, vector<1x16xi32>,
      %add3A_112 = arith.constant 160 : i32
      %add3A_113 = arith.addi %add3A_112, %scan3A_62 : i32
      %swap3A_114 = arith.index_cast %add3A_113 : i32 to index
      %swap3A_115 = arith.constant 112 : index
      %swap3A_116 = tpu.vector_load %arg7[%swap3A_114, %swap3A_115] {strides = array<i32>} : memref<162x128xi32, #tpu.memory_space<vmem>>, vector<1x16xi32>,
      %swap3A_117 = vector.shape_cast %swap3A_116 : vector<1x16xi32> to vector<16xi32>
      %swap3A_118 = vector.shape_cast %broadcast_in_dim3A_0 : vector<16xi32> to vector<1x16xi32>
      tpu.vector_store %arg7[%swap3A_114, %swap3A_115], %swap3A_118 {strides = array<i32>} : memref<162x128xi32, #tpu.memory_space<vmem>>, vector<1x16xi32>,
      %scan3A_119 = arith.constant 0 : i32
      scf.yield %scan3A_119 : i32
    }
    %scan3A_6 = arith.constant 2 : i32
    %broadcast_in_dim3A_7 = arith.constant 0.000000e+00 : f32
    %broadcast_in_dim3A_8 = vector.broadcast %broadcast_in_dim3A_7 : f32 to vector<16xf32>
    %scan3A_9 = arith.constant 0 : i32
    %scan3A_10 = arith.constant 0 : i32
    %scan3A_11 = arith.constant 128 : i32
    %scan3A_12 = arith.addi %scan3A_10, %scan3A_11 : i32
    %scan3A_13 = arith.constant 1 : i32
    %scan3A_14 = scf.for %scan3A_62 = %scan3A_10 to %scan3A_12 step %scan3A_13 iter_args(%scan3A_63 = %scan3A_9) -> (i32)  : i32 {
      %swap3A = arith.index_cast %scan3A_62 : i32 to index
      %swap3A_64 = arith.constant 0 : index
      %swap3A_65 = tpu.vector_load %arg9[%swap3A, %swap3A_64] {strides = array<i32>} : memref<128x64xf32, #tpu.memory_space<vmem>>, vector<1x16xf32>,
      %swap3A_66 = vector.shape_cast %swap3A_65 : vector<1x16xf32> to vector<16xf32>
      %swap3A_67 = vector.shape_cast %broadcast_in_dim3A_8 : vector<16xf32> to vector<1x16xf32>
      tpu.vector_store %arg9[%swap3A, %swap3A_64], %swap3A_67 {strides = array<i32>} : memref<128x64xf32, #tpu.memory_space<vmem>>, vector<1x16xf32>,
      %swap3A_68 = arith.index_cast %scan3A_62 : i32 to index
      %swap3A_69 = arith.constant 16 : index
      %swap3A_70 = tpu.vector_load %arg9[%swap3A_68, %swap3A_69] {strides = array<i32>} : memref<128x64xf32, #tpu.memory_space<vmem>>, vector<1x16xf32>,
      %swap3A_71 = vector.shape_cast %swap3A_70 : vector<1x16xf32> to vector<16xf32>
      %swap3A_72 = vector.shape_cast %broadcast_in_dim3A_8 : vector<16xf32> to vector<1x16xf32>
      tpu.vector_store %arg9[%swap3A_68, %swap3A_69], %swap3A_72 {strides = array<i32>} : memref<128x64xf32, #tpu.memory_space<vmem>>, vector<1x16xf32>,
      %swap3A_73 = arith.index_cast %scan3A_62 : i32 to index
      %swap3A_74 = arith.constant 32 : index
      %swap3A_75 = tpu.vector_load %arg9[%swap3A_73, %swap3A_74] {strides = array<i32>} : memref<128x64xf32, #tpu.memory_space<vmem>>, vector<1x16xf32>,
      %swap3A_76 = vector.shape_cast %swap3A_75 : vector<1x16xf32> to vector<16xf32>
      %swap3A_77 = vector.shape_cast %broadcast_in_dim3A_8 : vector<16xf32> to vector<1x16xf32>
      tpu.vector_store %arg9[%swap3A_73, %swap3A_74], %swap3A_77 {strides = array<i32>} : memref<128x64xf32, #tpu.memory_space<vmem>>, vector<1x16xf32>,
      %swap3A_78 = arith.index_cast %scan3A_62 : i32 to index
      %swap3A_79 = arith.constant 48 : index
      %swap3A_80 = tpu.vector_load %arg9[%swap3A_78, %swap3A_79] {strides = array<i32>} : memref<128x64xf32, #tpu.memory_space<vmem>>, vector<1x16xf32>,
      %swap3A_81 = vector.shape_cast %swap3A_80 : vector<1x16xf32> to vector<16xf32>
      %swap3A_82 = vector.shape_cast %broadcast_in_dim3A_8 : vector<16xf32> to vector<1x16xf32>
      tpu.vector_store %arg9[%swap3A_78, %swap3A_79], %swap3A_82 {strides = array<i32>} : memref<128x64xf32, #tpu.memory_space<vmem>>, vector<1x16xf32>,
      %scan3A_83 = arith.constant 0 : i32
      scf.yield %scan3A_83 : i32
    }
    %scan3A_15 = arith.constant 128 : i32
    %mul3A = arith.constant 640 : i32
    %mul3A_16 = arith.muli %arg1, %mul3A : i32
    %add3A = arith.constant 0 : i32
    %add3A_17 = arith.addi %mul3A_16, %add3A : i32
    "tpu.region"() ({
      %run_scoped3A = tpu.sem_alloc : memref<!tpu.dma_semaphore, #tpu.memory_space<semaphore_mem>>
      %dma_start3A = arith.constant 0 : i32
      %dma_start3A_62 = tpu.memref_slice %arg13[%add3A_17, %dma_start3A] : memref<10240x64xf32, #tpu.memory_space<vmem_shared>> -> memref<128x64xf32, #tpu.memory_space<vmem_shared>>
      %dma_start3A_63 = arith.constant 0 : i32
      %dma_start3A_64 = tpu.memref_slice %arg13[%add3A_17, %dma_start3A_63] : memref<10240x64xf32, #tpu.memory_space<vmem_shared>> -> memref<128x64xf32, #tpu.memory_space<vmem_shared>>
      tpu.enqueue_dma source(%arg9 : memref<128x64xf32, #tpu.memory_space<vmem>>) target(%dma_start3A_64 : memref<128x64xf32, #tpu.memory_space<vmem_shared>>) target_semaphore(%run_scoped3A : memref<!tpu.dma_semaphore, #tpu.memory_space<semaphore_mem>>)
      %dma_wait3A = arith.constant 0 : i32
      %dma_wait3A_65 = tpu.memref_slice %arg13[%add3A_17, %dma_wait3A] : memref<10240x64xf32, #tpu.memory_space<vmem_shared>> -> memref<128x64xf32, #tpu.memory_space<vmem_shared>>
      %dma_wait3A_66 = arith.constant 0 : i32
      %dma_wait3A_67 = tpu.memref_slice %arg13[%add3A_17, %dma_wait3A_66] : memref<10240x64xf32, #tpu.memory_space<vmem_shared>> -> memref<128x64xf32, #tpu.memory_space<vmem_shared>>
      tpu.wait_dma2 semaphore(%run_scoped3A : memref<!tpu.dma_semaphore, #tpu.memory_space<semaphore_mem>>) src(%arg9 : memref<128x64xf32, #tpu.memory_space<vmem>>) dst(%dma_wait3A_67 : memref<128x64xf32, #tpu.memory_space<vmem_shared>>)
      tpu.yield
    }) : () -> ()
    %mul3A_18 = arith.constant 640 : i32
    %mul3A_19 = arith.muli %arg1, %mul3A_18 : i32
    %add3A_20 = arith.constant 128 : i32
    %add3A_21 = arith.addi %mul3A_19, %add3A_20 : i32
    "tpu.region"() ({
      %run_scoped3A = tpu.sem_alloc : memref<!tpu.dma_semaphore, #tpu.memory_space<semaphore_mem>>
      %dma_start3A = arith.constant 0 : i32
      %dma_start3A_62 = tpu.memref_slice %arg13[%add3A_21, %dma_start3A] : memref<10240x64xf32, #tpu.memory_space<vmem_shared>> -> memref<128x64xf32, #tpu.memory_space<vmem_shared>>
      %dma_start3A_63 = arith.constant 0 : i32
      %dma_start3A_64 = tpu.memref_slice %arg13[%add3A_21, %dma_start3A_63] : memref<10240x64xf32, #tpu.memory_space<vmem_shared>> -> memref<128x64xf32, #tpu.memory_space<vmem_shared>>
      tpu.enqueue_dma source(%arg9 : memref<128x64xf32, #tpu.memory_space<vmem>>) target(%dma_start3A_64 : memref<128x64xf32, #tpu.memory_space<vmem_shared>>) target_semaphore(%run_scoped3A : memref<!tpu.dma_semaphore, #tpu.memory_space<semaphore_mem>>)
      %dma_wait3A = arith.constant 0 : i32
      %dma_wait3A_65 = tpu.memref_slice %arg13[%add3A_21, %dma_wait3A] : memref<10240x64xf32, #tpu.memory_space<vmem_shared>> -> memref<128x64xf32, #tpu.memory_space<vmem_shared>>
      %dma_wait3A_66 = arith.constant 0 : i32
      %dma_wait3A_67 = tpu.memref_slice %arg13[%add3A_21, %dma_wait3A_66] : memref<10240x64xf32, #tpu.memory_space<vmem_shared>> -> memref<128x64xf32, #tpu.memory_space<vmem_shared>>
      tpu.wait_dma2 semaphore(%run_scoped3A : memref<!tpu.dma_semaphore, #tpu.memory_space<semaphore_mem>>) src(%arg9 : memref<128x64xf32, #tpu.memory_space<vmem>>) dst(%dma_wait3A_67 : memref<128x64xf32, #tpu.memory_space<vmem_shared>>)
      tpu.yield
    }) : () -> ()
    %mul3A_22 = arith.constant 640 : i32
    %mul3A_23 = arith.muli %arg1, %mul3A_22 : i32
    %add3A_24 = arith.constant 256 : i32
    %add3A_25 = arith.addi %mul3A_23, %add3A_24 : i32
    "tpu.region"() ({
      %run_scoped3A = tpu.sem_alloc : memref<!tpu.dma_semaphore, #tpu.memory_space<semaphore_mem>>
      %dma_start3A = arith.constant 0 : i32
      %dma_start3A_62 = tpu.memref_slice %arg13[%add3A_25, %dma_start3A] : memref<10240x64xf32, #tpu.memory_space<vmem_shared>> -> memref<128x64xf32, #tpu.memory_space<vmem_shared>>
      %dma_start3A_63 = arith.constant 0 : i32
      %dma_start3A_64 = tpu.memref_slice %arg13[%add3A_25, %dma_start3A_63] : memref<10240x64xf32, #tpu.memory_space<vmem_shared>> -> memref<128x64xf32, #tpu.memory_space<vmem_shared>>
      tpu.enqueue_dma source(%arg9 : memref<128x64xf32, #tpu.memory_space<vmem>>) target(%dma_start3A_64 : memref<128x64xf32, #tpu.memory_space<vmem_shared>>) target_semaphore(%run_scoped3A : memref<!tpu.dma_semaphore, #tpu.memory_space<semaphore_mem>>)
      %dma_wait3A = arith.constant 0 : i32
      %dma_wait3A_65 = tpu.memref_slice %arg13[%add3A_25, %dma_wait3A] : memref<10240x64xf32, #tpu.memory_space<vmem_shared>> -> memref<128x64xf32, #tpu.memory_space<vmem_shared>>
      %dma_wait3A_66 = arith.constant 0 : i32
      %dma_wait3A_67 = tpu.memref_slice %arg13[%add3A_25, %dma_wait3A_66] : memref<10240x64xf32, #tpu.memory_space<vmem_shared>> -> memref<128x64xf32, #tpu.memory_space<vmem_shared>>
      tpu.wait_dma2 semaphore(%run_scoped3A : memref<!tpu.dma_semaphore, #tpu.memory_space<semaphore_mem>>) src(%arg9 : memref<128x64xf32, #tpu.memory_space<vmem>>) dst(%dma_wait3A_67 : memref<128x64xf32, #tpu.memory_space<vmem_shared>>)
      tpu.yield
    }) : () -> ()
    %mul3A_26 = arith.constant 640 : i32
    %mul3A_27 = arith.muli %arg1, %mul3A_26 : i32
    %add3A_28 = arith.constant 384 : i32
    %add3A_29 = arith.addi %mul3A_27, %add3A_28 : i32
    "tpu.region"() ({
      %run_scoped3A = tpu.sem_alloc : memref<!tpu.dma_semaphore, #tpu.memory_space<semaphore_mem>>
      %dma_start3A = arith.constant 0 : i32
      %dma_start3A_62 = tpu.memref_slice %arg13[%add3A_29, %dma_start3A] : memref<10240x64xf32, #tpu.memory_space<vmem_shared>> -> memref<128x64xf32, #tpu.memory_space<vmem_shared>>
      %dma_start3A_63 = arith.constant 0 : i32
      %dma_start3A_64 = tpu.memref_slice %arg13[%add3A_29, %dma_start3A_63] : memref<10240x64xf32, #tpu.memory_space<vmem_shared>> -> memref<128x64xf32, #tpu.memory_space<vmem_shared>>
      tpu.enqueue_dma source(%arg9 : memref<128x64xf32, #tpu.memory_space<vmem>>) target(%dma_start3A_64 : memref<128x64xf32, #tpu.memory_space<vmem_shared>>) target_semaphore(%run_scoped3A : memref<!tpu.dma_semaphore, #tpu.memory_space<semaphore_mem>>)
      %dma_wait3A = arith.constant 0 : i32
      %dma_wait3A_65 = tpu.memref_slice %arg13[%add3A_29, %dma_wait3A] : memref<10240x64xf32, #tpu.memory_space<vmem_shared>> -> memref<128x64xf32, #tpu.memory_space<vmem_shared>>
      %dma_wait3A_66 = arith.constant 0 : i32
      %dma_wait3A_67 = tpu.memref_slice %arg13[%add3A_29, %dma_wait3A_66] : memref<10240x64xf32, #tpu.memory_space<vmem_shared>> -> memref<128x64xf32, #tpu.memory_space<vmem_shared>>
      tpu.wait_dma2 semaphore(%run_scoped3A : memref<!tpu.dma_semaphore, #tpu.memory_space<semaphore_mem>>) src(%arg9 : memref<128x64xf32, #tpu.memory_space<vmem>>) dst(%dma_wait3A_67 : memref<128x64xf32, #tpu.memory_space<vmem_shared>>)
      tpu.yield
    }) : () -> ()
    %mul3A_30 = arith.constant 640 : i32
    %mul3A_31 = arith.muli %arg1, %mul3A_30 : i32
    %add3A_32 = arith.constant 512 : i32
    %add3A_33 = arith.addi %mul3A_31, %add3A_32 : i32
    "tpu.region"() ({
      %run_scoped3A = tpu.sem_alloc : memref<!tpu.dma_semaphore, #tpu.memory_space<semaphore_mem>>
      %dma_start3A = arith.constant 0 : i32
      %dma_start3A_62 = tpu.memref_slice %arg13[%add3A_33, %dma_start3A] : memref<10240x64xf32, #tpu.memory_space<vmem_shared>> -> memref<128x64xf32, #tpu.memory_space<vmem_shared>>
      %dma_start3A_63 = arith.constant 0 : i32
      %dma_start3A_64 = tpu.memref_slice %arg13[%add3A_33, %dma_start3A_63] : memref<10240x64xf32, #tpu.memory_space<vmem_shared>> -> memref<128x64xf32, #tpu.memory_space<vmem_shared>>
      tpu.enqueue_dma source(%arg9 : memref<128x64xf32, #tpu.memory_space<vmem>>) target(%dma_start3A_64 : memref<128x64xf32, #tpu.memory_space<vmem_shared>>) target_semaphore(%run_scoped3A : memref<!tpu.dma_semaphore, #tpu.memory_space<semaphore_mem>>)
      %dma_wait3A = arith.constant 0 : i32
      %dma_wait3A_65 = tpu.memref_slice %arg13[%add3A_33, %dma_wait3A] : memref<10240x64xf32, #tpu.memory_space<vmem_shared>> -> memref<128x64xf32, #tpu.memory_space<vmem_shared>>
      %dma_wait3A_66 = arith.constant 0 : i32
      %dma_wait3A_67 = tpu.memref_slice %arg13[%add3A_33, %dma_wait3A_66] : memref<10240x64xf32, #tpu.memory_space<vmem_shared>> -> memref<128x64xf32, #tpu.memory_space<vmem_shared>>
      tpu.wait_dma2 semaphore(%run_scoped3A : memref<!tpu.dma_semaphore, #tpu.memory_space<semaphore_mem>>) src(%arg9 : memref<128x64xf32, #tpu.memory_space<vmem>>) dst(%dma_wait3A_67 : memref<128x64xf32, #tpu.memory_space<vmem_shared>>)
      tpu.yield
    }) : () -> ()
    %barrier3A = arith.constant 0 : index
    tpu.barrier barrier_id(%barrier3A)
    %eq3A = arith.constant 0 : i32
    %eq3A_34 = arith.cmpi eq, %arg0, %eq3A : i32
    %convert_element_type3A = arith.extui %eq3A_34 : i1 to i32
    %cond3A = arith.constant 0 : i32
    %cond3A_35 = arith.cmpi ne, %convert_element_type3A, %cond3A : i32
    scf.if %cond3A_35 {
      %dma_start3A = arith.constant 0 : i32
      %dma_start3A_62 = arith.constant 0 : i32
      %dma_start3A_63 = tpu.memref_slice %arg7[%dma_start3A, %dma_start3A_62] : memref<162x128xi32, #tpu.memory_space<vmem>> -> memref<1x128xi32, #tpu.memory_space<vmem>>
      %dma_start3A_64 = tpu.memref_squeeze %dma_start3A_63 : memref<1x128xi32, #tpu.memory_space<vmem>> -> memref<128xi32, #tpu.memory_space<vmem>>
      %dma_start3A_65 = arith.constant 0 : i32
      %dma_start3A_66 = arith.constant 0 : i32
      %dma_start3A_67 = tpu.memref_slice %arg4[%dma_start3A_65, %dma_start3A_66] : memref<10240x64xf32, #tpu.memory_space<hbm>> -> memref<10240x64xf32, #tpu.memory_space<hbm>>
      tpu.enqueue_indirect_dma source(%dma_start3A_67 : memref<10240x64xf32, #tpu.memory_space<hbm>>) target(%arg9 : memref<128x64xf32, #tpu.memory_space<vmem>>) offsets(%dma_start3A_64 : memref<128xi32, #tpu.memory_space<vmem>>) semaphore(%arg14 : memref<!tpu.dma_semaphore, #tpu.memory_space<semaphore_mem>>)
      %dma_start3A_68 = arith.constant 1 : i32
      %dma_start3A_69 = arith.constant 0 : i32
      %dma_start3A_70 = tpu.memref_slice %arg7[%dma_start3A_68, %dma_start3A_69] : memref<162x128xi32, #tpu.memory_space<vmem>> -> memref<1x128xi32, #tpu.memory_space<vmem>>
      %dma_start3A_71 = tpu.memref_squeeze %dma_start3A_70 : memref<1x128xi32, #tpu.memory_space<vmem>> -> memref<128xi32, #tpu.memory_space<vmem>>
      %dma_start3A_72 = arith.constant 0 : i32
      %dma_start3A_73 = arith.constant 0 : i32
      %dma_start3A_74 = tpu.memref_slice %arg4[%dma_start3A_72, %dma_start3A_73] : memref<10240x64xf32, #tpu.memory_space<hbm>> -> memref<10240x64xf32, #tpu.memory_space<hbm>>
      tpu.enqueue_indirect_dma source(%dma_start3A_74 : memref<10240x64xf32, #tpu.memory_space<hbm>>) target(%arg10 : memref<128x64xf32, #tpu.memory_space<vmem>>) offsets(%dma_start3A_71 : memref<128xi32, #tpu.memory_space<vmem>>) semaphore(%arg14 : memref<!tpu.dma_semaphore, #tpu.memory_space<semaphore_mem>>)
      %scan3A_75 = arith.constant 0 : i32
      %scan3A_76 = arith.constant 0 : i32
      %scan3A_77 = arith.constant 40 : i32
      %scan3A_78 = arith.addi %scan3A_76, %scan3A_77 : i32
      %scan3A_79 = arith.constant 1 : i32
      %scan3A_80 = scf.for %scan3A_95 = %scan3A_76 to %scan3A_78 step %scan3A_79 iter_args(%scan3A_96 = %scan3A_75) -> (i32)  : i32 {
        %mul3A_97 = arith.constant 4 : i32
        %mul3A_98 = arith.muli %scan3A_95, %mul3A_97 : i32
        %add3A_99 = arith.constant 2 : i32
        %add3A_100 = arith.addi %mul3A_98, %add3A_99 : i32
        %add3A_101 = arith.constant 0 : i32
        %add3A_102 = arith.addi %add3A_100, %add3A_101 : i32
        %dma_start3A_103 = arith.constant 0 : i32
        %dma_start3A_104 = tpu.memref_slice %arg7[%add3A_102, %dma_start3A_103] : memref<162x128xi32, #tpu.memory_space<vmem>> -> memref<1x128xi32, #tpu.memory_space<vmem>>
        %dma_start3A_105 = tpu.memref_squeeze %dma_start3A_104 : memref<1x128xi32, #tpu.memory_space<vmem>> -> memref<128xi32, #tpu.memory_space<vmem>>
        %dma_start3A_106 = arith.constant 0 : i32
        %dma_start3A_107 = arith.constant 0 : i32
        %dma_start3A_108 = tpu.memref_slice %arg4[%dma_start3A_106, %dma_start3A_107] : memref<10240x64xf32, #tpu.memory_space<hbm>> -> memref<10240x64xf32, #tpu.memory_space<hbm>>
        tpu.enqueue_indirect_dma source(%dma_start3A_108 : memref<10240x64xf32, #tpu.memory_space<hbm>>) target(%arg11 : memref<128x64xf32, #tpu.memory_space<vmem>>) offsets(%dma_start3A_105 : memref<128xi32, #tpu.memory_space<vmem>>) semaphore(%arg15 : memref<!tpu.dma_semaphore, #tpu.memory_space<semaphore_mem>>)
        %add3A_109 = arith.constant 2 : i32
        %add3A_110 = arith.addi %mul3A_98, %add3A_109 : i32
        %add3A_111 = arith.constant 1 : i32
        %add3A_112 = arith.addi %add3A_110, %add3A_111 : i32
        %dma_start3A_113 = arith.constant 0 : i32
        %dma_start3A_114 = tpu.memref_slice %arg7[%add3A_112, %dma_start3A_113] : memref<162x128xi32, #tpu.memory_space<vmem>> -> memref<1x128xi32, #tpu.memory_space<vmem>>
        %dma_start3A_115 = tpu.memref_squeeze %dma_start3A_114 : memref<1x128xi32, #tpu.memory_space<vmem>> -> memref<128xi32, #tpu.memory_space<vmem>>
        %dma_start3A_116 = arith.constant 0 : i32
        %dma_start3A_117 = arith.constant 0 : i32
        %dma_start3A_118 = tpu.memref_slice %arg4[%dma_start3A_116, %dma_start3A_117] : memref<10240x64xf32, #tpu.memory_space<hbm>> -> memref<10240x64xf32, #tpu.memory_space<hbm>>
        tpu.enqueue_indirect_dma source(%dma_start3A_118 : memref<10240x64xf32, #tpu.memory_space<hbm>>) target(%arg12 : memref<128x64xf32, #tpu.memory_space<vmem>>) offsets(%dma_start3A_115 : memref<128xi32, #tpu.memory_space<vmem>>) semaphore(%arg15 : memref<!tpu.dma_semaphore, #tpu.memory_space<semaphore_mem>>)
        %add3A_119 = arith.constant 0 : i32
        %add3A_120 = arith.addi %mul3A_98, %add3A_119 : i32
        %dma_wait3A_121 = arith.constant 0 : i32
        %dma_wait3A_122 = tpu.memref_slice %arg7[%add3A_120, %dma_wait3A_121] : memref<162x128xi32, #tpu.memory_space<vmem>> -> memref<1x128xi32, #tpu.memory_space<vmem>>
        %dma_wait3A_123 = tpu.memref_squeeze %dma_wait3A_122 : memref<1x128xi32, #tpu.memory_space<vmem>> -> memref<128xi32, #tpu.memory_space<vmem>>
        %dma_wait3A_124 = arith.constant 0 : i32
        %dma_wait3A_125 = arith.constant 0 : i32
        %dma_wait3A_126 = tpu.memref_slice %arg4[%dma_wait3A_124, %dma_wait3A_125] : memref<10240x64xf32, #tpu.memory_space<hbm>> -> memref<10240x64xf32, #tpu.memory_space<hbm>>
        tpu.wait_indirect_dma semaphore(%arg14 : memref<!tpu.dma_semaphore, #tpu.memory_space<semaphore_mem>>) src(%dma_wait3A_126 : memref<10240x64xf32, #tpu.memory_space<hbm>>) dst(%arg9 : memref<128x64xf32, #tpu.memory_space<vmem>>)
        %add3A_127 = arith.constant 1 : i32
        %add3A_128 = arith.addi %mul3A_98, %add3A_127 : i32
        %dma_wait3A_129 = arith.constant 0 : i32
        %dma_wait3A_130 = tpu.memref_slice %arg7[%add3A_128, %dma_wait3A_129] : memref<162x128xi32, #tpu.memory_space<vmem>> -> memref<1x128xi32, #tpu.memory_space<vmem>>
        %dma_wait3A_131 = tpu.memref_squeeze %dma_wait3A_130 : memref<1x128xi32, #tpu.memory_space<vmem>> -> memref<128xi32, #tpu.memory_space<vmem>>
        %dma_wait3A_132 = arith.constant 0 : i32
        %dma_wait3A_133 = arith.constant 0 : i32
        %dma_wait3A_134 = tpu.memref_slice %arg4[%dma_wait3A_132, %dma_wait3A_133] : memref<10240x64xf32, #tpu.memory_space<hbm>> -> memref<10240x64xf32, #tpu.memory_space<hbm>>
        tpu.wait_indirect_dma semaphore(%arg14 : memref<!tpu.dma_semaphore, #tpu.memory_space<semaphore_mem>>) src(%dma_wait3A_134 : memref<10240x64xf32, #tpu.memory_space<hbm>>) dst(%arg10 : memref<128x64xf32, #tpu.memory_space<vmem>>)
        %add3A_135 = arith.constant 0 : i32
        %add3A_136 = arith.addi %mul3A_98, %add3A_135 : i32
        "tpu.region"() ({
          %run_scoped3A = tpu.sem_alloc : memref<!tpu.dma_semaphore, #tpu.memory_space<semaphore_mem>>
          %dma_start3A_188 = arith.constant 0 : i32
          %dma_start3A_189 = tpu.memref_slice %arg8[%add3A_136, %dma_start3A_188] : memref<160x128xi32, #tpu.memory_space<vmem>> -> memref<1x128xi32, #tpu.memory_space<vmem>>
          %dma_start3A_190 = tpu.memref_squeeze %dma_start3A_189 : memref<1x128xi32, #tpu.memory_space<vmem>> -> memref<128xi32, #tpu.memory_space<vmem>>
          %dma_start3A_191 = arith.constant 0 : i32
          %dma_start3A_192 = arith.constant 0 : i32
          %dma_start3A_193 = tpu.memref_slice %arg13[%dma_start3A_191, %dma_start3A_192] : memref<10240x64xf32, #tpu.memory_space<vmem_shared>> -> memref<10240x64xf32, #tpu.memory_space<vmem_shared>>
          tpu.enqueue_indirect_dma source(%arg9 : memref<128x64xf32, #tpu.memory_space<vmem>>) target(%dma_start3A_193 : memref<10240x64xf32, #tpu.memory_space<vmem_shared>>) offsets(%dma_start3A_190 : memref<128xi32, #tpu.memory_space<vmem>>) semaphore(%run_scoped3A : memref<!tpu.dma_semaphore, #tpu.memory_space<semaphore_mem>>) {add = true}
          %dma_wait3A_194 = arith.constant 0 : i32
          %dma_wait3A_195 = tpu.memref_slice %arg8[%add3A_136, %dma_wait3A_194] : memref<160x128xi32, #tpu.memory_space<vmem>> -> memref<1x128xi32, #tpu.memory_space<vmem>>
          %dma_wait3A_196 = tpu.memref_squeeze %dma_wait3A_195 : memref<1x128xi32, #tpu.memory_space<vmem>> -> memref<128xi32, #tpu.memory_space<vmem>>
          %dma_wait3A_197 = arith.constant 0 : i32
          %dma_wait3A_198 = arith.constant 0 : i32
          %dma_wait3A_199 = tpu.memref_slice %arg13[%dma_wait3A_197, %dma_wait3A_198] : memref<10240x64xf32, #tpu.memory_space<vmem_shared>> -> memref<10240x64xf32, #tpu.memory_space<vmem_shared>>
          tpu.wait_indirect_dma semaphore(%run_scoped3A : memref<!tpu.dma_semaphore, #tpu.memory_space<semaphore_mem>>) src(%arg9 : memref<128x64xf32, #tpu.memory_space<vmem>>) dst(%dma_wait3A_199 : memref<10240x64xf32, #tpu.memory_space<vmem_shared>>)
          tpu.yield
        }) : () -> ()
        %add3A_137 = arith.constant 1 : i32
        %add3A_138 = arith.addi %mul3A_98, %add3A_137 : i32
        "tpu.region"() ({
          %run_scoped3A = tpu.sem_alloc : memref<!tpu.dma_semaphore, #tpu.memory_space<semaphore_mem>>
          %dma_start3A_188 = arith.constant 0 : i32
          %dma_start3A_189 = tpu.memref_slice %arg8[%add3A_138, %dma_start3A_188] : memref<160x128xi32, #tpu.memory_space<vmem>> -> memref<1x128xi32, #tpu.memory_space<vmem>>
          %dma_start3A_190 = tpu.memref_squeeze %dma_start3A_189 : memref<1x128xi32, #tpu.memory_space<vmem>> -> memref<128xi32, #tpu.memory_space<vmem>>
          %dma_start3A_191 = arith.constant 0 : i32
          %dma_start3A_192 = arith.constant 0 : i32
          %dma_start3A_193 = tpu.memref_slice %arg13[%dma_start3A_191, %dma_start3A_192] : memref<10240x64xf32, #tpu.memory_space<vmem_shared>> -> memref<10240x64xf32, #tpu.memory_space<vmem_shared>>
          tpu.enqueue_indirect_dma source(%arg10 : memref<128x64xf32, #tpu.memory_space<vmem>>) target(%dma_start3A_193 : memref<10240x64xf32, #tpu.memory_space<vmem_shared>>) offsets(%dma_start3A_190 : memref<128xi32, #tpu.memory_space<vmem>>) semaphore(%run_scoped3A : memref<!tpu.dma_semaphore, #tpu.memory_space<semaphore_mem>>) {add = true}
          %dma_wait3A_194 = arith.constant 0 : i32
          %dma_wait3A_195 = tpu.memref_slice %arg8[%add3A_138, %dma_wait3A_194] : memref<160x128xi32, #tpu.memory_space<vmem>> -> memref<1x128xi32, #tpu.memory_space<vmem>>
          %dma_wait3A_196 = tpu.memref_squeeze %dma_wait3A_195 : memref<1x128xi32, #tpu.memory_space<vmem>> -> memref<128xi32, #tpu.memory_space<vmem>>
          %dma_wait3A_197 = arith.constant 0 : i32
          %dma_wait3A_198 = arith.constant 0 : i32
          %dma_wait3A_199 = tpu.memref_slice %arg13[%dma_wait3A_197, %dma_wait3A_198] : memref<10240x64xf32, #tpu.memory_space<vmem_shared>> -> memref<10240x64xf32, #tpu.memory_space<vmem_shared>>
          tpu.wait_indirect_dma semaphore(%run_scoped3A : memref<!tpu.dma_semaphore, #tpu.memory_space<semaphore_mem>>) src(%arg10 : memref<128x64xf32, #tpu.memory_space<vmem>>) dst(%dma_wait3A_199 : memref<10240x64xf32, #tpu.memory_space<vmem_shared>>)
          tpu.yield
        }) : () -> ()
        %add3A_139 = arith.constant 4 : i32
        %add3A_140 = arith.addi %mul3A_98, %add3A_139 : i32
        %add3A_141 = arith.constant 0 : i32
        %add3A_142 = arith.addi %add3A_140, %add3A_141 : i32
        %dma_start3A_143 = arith.constant 0 : i32
        %dma_start3A_144 = tpu.memref_slice %arg7[%add3A_142, %dma_start3A_143] : memref<162x128xi32, #tpu.memory_space<vmem>> -> memref<1x128xi32, #tpu.memory_space<vmem>>
        %dma_start3A_145 = tpu.memref_squeeze %dma_start3A_144 : memref<1x128xi32, #tpu.memory_space<vmem>> -> memref<128xi32, #tpu.memory_space<vmem>>
        %dma_start3A_146 = arith.constant 0 : i32
        %dma_start3A_147 = arith.constant 0 : i32
        %dma_start3A_148 = tpu.memref_slice %arg4[%dma_start3A_146, %dma_start3A_147] : memref<10240x64xf32, #tpu.memory_space<hbm>> -> memref<10240x64xf32, #tpu.memory_space<hbm>>
        tpu.enqueue_indirect_dma source(%dma_start3A_148 : memref<10240x64xf32, #tpu.memory_space<hbm>>) target(%arg9 : memref<128x64xf32, #tpu.memory_space<vmem>>) offsets(%dma_start3A_145 : memref<128xi32, #tpu.memory_space<vmem>>) semaphore(%arg14 : memref<!tpu.dma_semaphore, #tpu.memory_space<semaphore_mem>>)
        %add3A_149 = arith.constant 4 : i32
        %add3A_150 = arith.addi %mul3A_98, %add3A_149 : i32
        %add3A_151 = arith.constant 1 : i32
        %add3A_152 = arith.addi %add3A_150, %add3A_151 : i32
        %dma_start3A_153 = arith.constant 0 : i32
        %dma_start3A_154 = tpu.memref_slice %arg7[%add3A_152, %dma_start3A_153] : memref<162x128xi32, #tpu.memory_space<vmem>> -> memref<1x128xi32, #tpu.memory_space<vmem>>
        %dma_start3A_155 = tpu.memref_squeeze %dma_start3A_154 : memref<1x128xi32, #tpu.memory_space<vmem>> -> memref<128xi32, #tpu.memory_space<vmem>>
        %dma_start3A_156 = arith.constant 0 : i32
        %dma_start3A_157 = arith.constant 0 : i32
        %dma_start3A_158 = tpu.memref_slice %arg4[%dma_start3A_156, %dma_start3A_157] : memref<10240x64xf32, #tpu.memory_space<hbm>> -> memref<10240x64xf32, #tpu.memory_space<hbm>>
        tpu.enqueue_indirect_dma source(%dma_start3A_158 : memref<10240x64xf32, #tpu.memory_space<hbm>>) target(%arg10 : memref<128x64xf32, #tpu.memory_space<vmem>>) offsets(%dma_start3A_155 : memref<128xi32, #tpu.memory_space<vmem>>) semaphore(%arg14 : memref<!tpu.dma_semaphore, #tpu.memory_space<semaphore_mem>>)
        %add3A_159 = arith.constant 2 : i32
        %add3A_160 = arith.addi %mul3A_98, %add3A_159 : i32
        %add3A_161 = arith.constant 0 : i32
        %add3A_162 = arith.addi %add3A_160, %add3A_161 : i32
        %dma_wait3A_163 = arith.constant 0 : i32
        %dma_wait3A_164 = tpu.memref_slice %arg7[%add3A_162, %dma_wait3A_163] : memref<162x128xi32, #tpu.memory_space<vmem>> -> memref<1x128xi32, #tpu.memory_space<vmem>>
        %dma_wait3A_165 = tpu.memref_squeeze %dma_wait3A_164 : memref<1x128xi32, #tpu.memory_space<vmem>> -> memref<128xi32, #tpu.memory_space<vmem>>
        %dma_wait3A_166 = arith.constant 0 : i32
        %dma_wait3A_167 = arith.constant 0 : i32
        %dma_wait3A_168 = tpu.memref_slice %arg4[%dma_wait3A_166, %dma_wait3A_167] : memref<10240x64xf32, #tpu.memory_space<hbm>> -> memref<10240x64xf32, #tpu.memory_space<hbm>>
        tpu.wait_indirect_dma semaphore(%arg15 : memref<!tpu.dma_semaphore, #tpu.memory_space<semaphore_mem>>) src(%dma_wait3A_168 : memref<10240x64xf32, #tpu.memory_space<hbm>>) dst(%arg11 : memref<128x64xf32, #tpu.memory_space<vmem>>)
        %add3A_169 = arith.constant 2 : i32
        %add3A_170 = arith.addi %mul3A_98, %add3A_169 : i32
        %add3A_171 = arith.constant 1 : i32
        %add3A_172 = arith.addi %add3A_170, %add3A_171 : i32
        %dma_wait3A_173 = arith.constant 0 : i32
        %dma_wait3A_174 = tpu.memref_slice %arg7[%add3A_172, %dma_wait3A_173] : memref<162x128xi32, #tpu.memory_space<vmem>> -> memref<1x128xi32, #tpu.memory_space<vmem>>
        %dma_wait3A_175 = tpu.memref_squeeze %dma_wait3A_174 : memref<1x128xi32, #tpu.memory_space<vmem>> -> memref<128xi32, #tpu.memory_space<vmem>>
        %dma_wait3A_176 = arith.constant 0 : i32
        %dma_wait3A_177 = arith.constant 0 : i32
        %dma_wait3A_178 = tpu.memref_slice %arg4[%dma_wait3A_176, %dma_wait3A_177] : memref<10240x64xf32, #tpu.memory_space<hbm>> -> memref<10240x64xf32, #tpu.memory_space<hbm>>
        tpu.wait_indirect_dma semaphore(%arg15 : memref<!tpu.dma_semaphore, #tpu.memory_space<semaphore_mem>>) src(%dma_wait3A_178 : memref<10240x64xf32, #tpu.memory_space<hbm>>) dst(%arg12 : memref<128x64xf32, #tpu.memory_space<vmem>>)
        %add3A_179 = arith.constant 2 : i32
        %add3A_180 = arith.addi %mul3A_98, %add3A_179 : i32
        %add3A_181 = arith.constant 0 : i32
        %add3A_182 = arith.addi %add3A_180, %add3A_181 : i32
        "tpu.region"() ({
          %run_scoped3A = tpu.sem_alloc : memref<!tpu.dma_semaphore, #tpu.memory_space<semaphore_mem>>
          %dma_start3A_188 = arith.constant 0 : i32
          %dma_start3A_189 = tpu.memref_slice %arg8[%add3A_182, %dma_start3A_188] : memref<160x128xi32, #tpu.memory_space<vmem>> -> memref<1x128xi32, #tpu.memory_space<vmem>>
          %dma_start3A_190 = tpu.memref_squeeze %dma_start3A_189 : memref<1x128xi32, #tpu.memory_space<vmem>> -> memref<128xi32, #tpu.memory_space<vmem>>
          %dma_start3A_191 = arith.constant 0 : i32
          %dma_start3A_192 = arith.constant 0 : i32
          %dma_start3A_193 = tpu.memref_slice %arg13[%dma_start3A_191, %dma_start3A_192] : memref<10240x64xf32, #tpu.memory_space<vmem_shared>> -> memref<10240x64xf32, #tpu.memory_space<vmem_shared>>
          tpu.enqueue_indirect_dma source(%arg11 : memref<128x64xf32, #tpu.memory_space<vmem>>) target(%dma_start3A_193 : memref<10240x64xf32, #tpu.memory_space<vmem_shared>>) offsets(%dma_start3A_190 : memref<128xi32, #tpu.memory_space<vmem>>) semaphore(%run_scoped3A : memref<!tpu.dma_semaphore, #tpu.memory_space<semaphore_mem>>) {add = true}
          %dma_wait3A_194 = arith.constant 0 : i32
          %dma_wait3A_195 = tpu.memref_slice %arg8[%add3A_182, %dma_wait3A_194] : memref<160x128xi32, #tpu.memory_space<vmem>> -> memref<1x128xi32, #tpu.memory_space<vmem>>
          %dma_wait3A_196 = tpu.memref_squeeze %dma_wait3A_195 : memref<1x128xi32, #tpu.memory_space<vmem>> -> memref<128xi32, #tpu.memory_space<vmem>>
          %dma_wait3A_197 = arith.constant 0 : i32
          %dma_wait3A_198 = arith.constant 0 : i32
          %dma_wait3A_199 = tpu.memref_slice %arg13[%dma_wait3A_197, %dma_wait3A_198] : memref<10240x64xf32, #tpu.memory_space<vmem_shared>> -> memref<10240x64xf32, #tpu.memory_space<vmem_shared>>
          tpu.wait_indirect_dma semaphore(%run_scoped3A : memref<!tpu.dma_semaphore, #tpu.memory_space<semaphore_mem>>) src(%arg11 : memref<128x64xf32, #tpu.memory_space<vmem>>) dst(%dma_wait3A_199 : memref<10240x64xf32, #tpu.memory_space<vmem_shared>>)
          tpu.yield
        }) : () -> ()
        %add3A_183 = arith.constant 2 : i32
        %add3A_184 = arith.addi %mul3A_98, %add3A_183 : i32
        %add3A_185 = arith.constant 1 : i32
        %add3A_186 = arith.addi %add3A_184, %add3A_185 : i32
        "tpu.region"() ({
          %run_scoped3A = tpu.sem_alloc : memref<!tpu.dma_semaphore, #tpu.memory_space<semaphore_mem>>
          %dma_start3A_188 = arith.constant 0 : i32
          %dma_start3A_189 = tpu.memref_slice %arg8[%add3A_186, %dma_start3A_188] : memref<160x128xi32, #tpu.memory_space<vmem>> -> memref<1x128xi32, #tpu.memory_space<vmem>>
          %dma_start3A_190 = tpu.memref_squeeze %dma_start3A_189 : memref<1x128xi32, #tpu.memory_space<vmem>> -> memref<128xi32, #tpu.memory_space<vmem>>
          %dma_start3A_191 = arith.constant 0 : i32
          %dma_start3A_192 = arith.constant 0 : i32
          %dma_start3A_193 = tpu.memref_slice %arg13[%dma_start3A_191, %dma_start3A_192] : memref<10240x64xf32, #tpu.memory_space<vmem_shared>> -> memref<10240x64xf32, #tpu.memory_space<vmem_shared>>
          tpu.enqueue_indirect_dma source(%arg12 : memref<128x64xf32, #tpu.memory_space<vmem>>) target(%dma_start3A_193 : memref<10240x64xf32, #tpu.memory_space<vmem_shared>>) offsets(%dma_start3A_190 : memref<128xi32, #tpu.memory_space<vmem>>) semaphore(%run_scoped3A : memref<!tpu.dma_semaphore, #tpu.memory_space<semaphore_mem>>) {add = true}
          %dma_wait3A_194 = arith.constant 0 : i32
          %dma_wait3A_195 = tpu.memref_slice %arg8[%add3A_186, %dma_wait3A_194] : memref<160x128xi32, #tpu.memory_space<vmem>> -> memref<1x128xi32, #tpu.memory_space<vmem>>
          %dma_wait3A_196 = tpu.memref_squeeze %dma_wait3A_195 : memref<1x128xi32, #tpu.memory_space<vmem>> -> memref<128xi32, #tpu.memory_space<vmem>>
          %dma_wait3A_197 = arith.constant 0 : i32
          %dma_wait3A_198 = arith.constant 0 : i32
          %dma_wait3A_199 = tpu.memref_slice %arg13[%dma_wait3A_197, %dma_wait3A_198] : memref<10240x64xf32, #tpu.memory_space<vmem_shared>> -> memref<10240x64xf32, #tpu.memory_space<vmem_shared>>
          tpu.wait_indirect_dma semaphore(%run_scoped3A : memref<!tpu.dma_semaphore, #tpu.memory_space<semaphore_mem>>) src(%arg12 : memref<128x64xf32, #tpu.memory_space<vmem>>) dst(%dma_wait3A_199 : memref<10240x64xf32, #tpu.memory_space<vmem_shared>>)
          tpu.yield
        }) : () -> ()
        %scan3A_187 = arith.constant 0 : i32
        scf.yield %scan3A_187 : i32
      }
      %scan3A_81 = arith.constant 40 : i32
      %dma_wait3A = arith.constant 160 : i32
      %dma_wait3A_82 = arith.constant 0 : i32
      %dma_wait3A_83 = tpu.memref_slice %arg7[%dma_wait3A, %dma_wait3A_82] : memref<162x128xi32, #tpu.memory_space<vmem>> -> memref<1x128xi32, #tpu.memory_space<vmem>>
      %dma_wait3A_84 = tpu.memref_squeeze %dma_wait3A_83 : memref<1x128xi32, #tpu.memory_space<vmem>> -> memref<128xi32, #tpu.memory_space<vmem>>
      %dma_wait3A_85 = arith.constant 0 : i32
      %dma_wait3A_86 = arith.constant 0 : i32
      %dma_wait3A_87 = tpu.memref_slice %arg4[%dma_wait3A_85, %dma_wait3A_86] : memref<10240x64xf32, #tpu.memory_space<hbm>> -> memref<10240x64xf32, #tpu.memory_space<hbm>>
      tpu.wait_indirect_dma semaphore(%arg14 : memref<!tpu.dma_semaphore, #tpu.memory_space<semaphore_mem>>) src(%dma_wait3A_87 : memref<10240x64xf32, #tpu.memory_space<hbm>>) dst(%arg9 : memref<128x64xf32, #tpu.memory_space<vmem>>)
      %dma_wait3A_88 = arith.constant 161 : i32
      %dma_wait3A_89 = arith.constant 0 : i32
      %dma_wait3A_90 = tpu.memref_slice %arg7[%dma_wait3A_88, %dma_wait3A_89] : memref<162x128xi32, #tpu.memory_space<vmem>> -> memref<1x128xi32, #tpu.memory_space<vmem>>
      %dma_wait3A_91 = tpu.memref_squeeze %dma_wait3A_90 : memref<1x128xi32, #tpu.memory_space<vmem>> -> memref<128xi32, #tpu.memory_space<vmem>>
      %dma_wait3A_92 = arith.constant 0 : i32
      %dma_wait3A_93 = arith.constant 0 : i32
      %dma_wait3A_94 = tpu.memref_slice %arg4[%dma_wait3A_92, %dma_wait3A_93] : memref<10240x64xf32, #tpu.memory_space<hbm>> -> memref<10240x64xf32, #tpu.memory_space<hbm>>
      tpu.wait_indirect_dma semaphore(%arg14 : memref<!tpu.dma_semaphore, #tpu.memory_space<semaphore_mem>>) src(%dma_wait3A_94 : memref<10240x64xf32, #tpu.memory_space<hbm>>) dst(%arg10 : memref<128x64xf32, #tpu.memory_space<vmem>>)
    } else {
    }
    %eq3A_36 = arith.constant 1 : i32
    %eq3A_37 = arith.cmpi eq, %arg0, %eq3A_36 : i32
    %convert_element_type3A_38 = arith.extui %eq3A_37 : i1 to i32
    %cond3A_39 = arith.constant 0 : i32
    %cond3A_40 = arith.cmpi ne, %convert_element_type3A_38, %cond3A_39 : i32
    scf.if %cond3A_40 {
      %dma_start3A = arith.constant 0 : i32
      %dma_start3A_62 = arith.constant 0 : i32
      %dma_start3A_63 = tpu.memref_slice %arg7[%dma_start3A, %dma_start3A_62] : memref<162x128xi32, #tpu.memory_space<vmem>> -> memref<1x128xi32, #tpu.memory_space<vmem>>
      %dma_start3A_64 = tpu.memref_squeeze %dma_start3A_63 : memref<1x128xi32, #tpu.memory_space<vmem>> -> memref<128xi32, #tpu.memory_space<vmem>>
      %dma_start3A_65 = arith.constant 0 : i32
      %dma_start3A_66 = arith.constant 0 : i32
      %dma_start3A_67 = tpu.memref_slice %arg5[%dma_start3A_65, %dma_start3A_66] : memref<10240x64xf32, #tpu.memory_space<hbm>> -> memref<10240x64xf32, #tpu.memory_space<hbm>>
      tpu.enqueue_indirect_dma source(%dma_start3A_67 : memref<10240x64xf32, #tpu.memory_space<hbm>>) target(%arg9 : memref<128x64xf32, #tpu.memory_space<vmem>>) offsets(%dma_start3A_64 : memref<128xi32, #tpu.memory_space<vmem>>) semaphore(%arg14 : memref<!tpu.dma_semaphore, #tpu.memory_space<semaphore_mem>>)
      %dma_start3A_68 = arith.constant 1 : i32
      %dma_start3A_69 = arith.constant 0 : i32
      %dma_start3A_70 = tpu.memref_slice %arg7[%dma_start3A_68, %dma_start3A_69] : memref<162x128xi32, #tpu.memory_space<vmem>> -> memref<1x128xi32, #tpu.memory_space<vmem>>
      %dma_start3A_71 = tpu.memref_squeeze %dma_start3A_70 : memref<1x128xi32, #tpu.memory_space<vmem>> -> memref<128xi32, #tpu.memory_space<vmem>>
      %dma_start3A_72 = arith.constant 0 : i32
      %dma_start3A_73 = arith.constant 0 : i32
      %dma_start3A_74 = tpu.memref_slice %arg5[%dma_start3A_72, %dma_start3A_73] : memref<10240x64xf32, #tpu.memory_space<hbm>> -> memref<10240x64xf32, #tpu.memory_space<hbm>>
      tpu.enqueue_indirect_dma source(%dma_start3A_74 : memref<10240x64xf32, #tpu.memory_space<hbm>>) target(%arg10 : memref<128x64xf32, #tpu.memory_space<vmem>>) offsets(%dma_start3A_71 : memref<128xi32, #tpu.memory_space<vmem>>) semaphore(%arg14 : memref<!tpu.dma_semaphore, #tpu.memory_space<semaphore_mem>>)
      %scan3A_75 = arith.constant 0 : i32
      %scan3A_76 = arith.constant 0 : i32
      %scan3A_77 = arith.constant 40 : i32
      %scan3A_78 = arith.addi %scan3A_76, %scan3A_77 : i32
      %scan3A_79 = arith.constant 1 : i32
      %scan3A_80 = scf.for %scan3A_95 = %scan3A_76 to %scan3A_78 step %scan3A_79 iter_args(%scan3A_96 = %scan3A_75) -> (i32)  : i32 {
        %mul3A_97 = arith.constant 4 : i32
        %mul3A_98 = arith.muli %scan3A_95, %mul3A_97 : i32
        %add3A_99 = arith.constant 2 : i32
        %add3A_100 = arith.addi %mul3A_98, %add3A_99 : i32
        %add3A_101 = arith.constant 0 : i32
        %add3A_102 = arith.addi %add3A_100, %add3A_101 : i32
        %dma_start3A_103 = arith.constant 0 : i32
        %dma_start3A_104 = tpu.memref_slice %arg7[%add3A_102, %dma_start3A_103] : memref<162x128xi32, #tpu.memory_space<vmem>> -> memref<1x128xi32, #tpu.memory_space<vmem>>
        %dma_start3A_105 = tpu.memref_squeeze %dma_start3A_104 : memref<1x128xi32, #tpu.memory_space<vmem>> -> memref<128xi32, #tpu.memory_space<vmem>>
        %dma_start3A_106 = arith.constant 0 : i32
        %dma_start3A_107 = arith.constant 0 : i32
        %dma_start3A_108 = tpu.memref_slice %arg5[%dma_start3A_106, %dma_start3A_107] : memref<10240x64xf32, #tpu.memory_space<hbm>> -> memref<10240x64xf32, #tpu.memory_space<hbm>>
        tpu.enqueue_indirect_dma source(%dma_start3A_108 : memref<10240x64xf32, #tpu.memory_space<hbm>>) target(%arg11 : memref<128x64xf32, #tpu.memory_space<vmem>>) offsets(%dma_start3A_105 : memref<128xi32, #tpu.memory_space<vmem>>) semaphore(%arg15 : memref<!tpu.dma_semaphore, #tpu.memory_space<semaphore_mem>>)
        %add3A_109 = arith.constant 2 : i32
        %add3A_110 = arith.addi %mul3A_98, %add3A_109 : i32
        %add3A_111 = arith.constant 1 : i32
        %add3A_112 = arith.addi %add3A_110, %add3A_111 : i32
        %dma_start3A_113 = arith.constant 0 : i32
        %dma_start3A_114 = tpu.memref_slice %arg7[%add3A_112, %dma_start3A_113] : memref<162x128xi32, #tpu.memory_space<vmem>> -> memref<1x128xi32, #tpu.memory_space<vmem>>
        %dma_start3A_115 = tpu.memref_squeeze %dma_start3A_114 : memref<1x128xi32, #tpu.memory_space<vmem>> -> memref<128xi32, #tpu.memory_space<vmem>>
        %dma_start3A_116 = arith.constant 0 : i32
        %dma_start3A_117 = arith.constant 0 : i32
        %dma_start3A_118 = tpu.memref_slice %arg5[%dma_start3A_116, %dma_start3A_117] : memref<10240x64xf32, #tpu.memory_space<hbm>> -> memref<10240x64xf32, #tpu.memory_space<hbm>>
        tpu.enqueue_indirect_dma source(%dma_start3A_118 : memref<10240x64xf32, #tpu.memory_space<hbm>>) target(%arg12 : memref<128x64xf32, #tpu.memory_space<vmem>>) offsets(%dma_start3A_115 : memref<128xi32, #tpu.memory_space<vmem>>) semaphore(%arg15 : memref<!tpu.dma_semaphore, #tpu.memory_space<semaphore_mem>>)
        %add3A_119 = arith.constant 0 : i32
        %add3A_120 = arith.addi %mul3A_98, %add3A_119 : i32
        %dma_wait3A_121 = arith.constant 0 : i32
        %dma_wait3A_122 = tpu.memref_slice %arg7[%add3A_120, %dma_wait3A_121] : memref<162x128xi32, #tpu.memory_space<vmem>> -> memref<1x128xi32, #tpu.memory_space<vmem>>
        %dma_wait3A_123 = tpu.memref_squeeze %dma_wait3A_122 : memref<1x128xi32, #tpu.memory_space<vmem>> -> memref<128xi32, #tpu.memory_space<vmem>>
        %dma_wait3A_124 = arith.constant 0 : i32
        %dma_wait3A_125 = arith.constant 0 : i32
        %dma_wait3A_126 = tpu.memref_slice %arg5[%dma_wait3A_124, %dma_wait3A_125] : memref<10240x64xf32, #tpu.memory_space<hbm>> -> memref<10240x64xf32, #tpu.memory_space<hbm>>
        tpu.wait_indirect_dma semaphore(%arg14 : memref<!tpu.dma_semaphore, #tpu.memory_space<semaphore_mem>>) src(%dma_wait3A_126 : memref<10240x64xf32, #tpu.memory_space<hbm>>) dst(%arg9 : memref<128x64xf32, #tpu.memory_space<vmem>>)
        %add3A_127 = arith.constant 1 : i32
        %add3A_128 = arith.addi %mul3A_98, %add3A_127 : i32
        %dma_wait3A_129 = arith.constant 0 : i32
        %dma_wait3A_130 = tpu.memref_slice %arg7[%add3A_128, %dma_wait3A_129] : memref<162x128xi32, #tpu.memory_space<vmem>> -> memref<1x128xi32, #tpu.memory_space<vmem>>
        %dma_wait3A_131 = tpu.memref_squeeze %dma_wait3A_130 : memref<1x128xi32, #tpu.memory_space<vmem>> -> memref<128xi32, #tpu.memory_space<vmem>>
        %dma_wait3A_132 = arith.constant 0 : i32
        %dma_wait3A_133 = arith.constant 0 : i32
        %dma_wait3A_134 = tpu.memref_slice %arg5[%dma_wait3A_132, %dma_wait3A_133] : memref<10240x64xf32, #tpu.memory_space<hbm>> -> memref<10240x64xf32, #tpu.memory_space<hbm>>
        tpu.wait_indirect_dma semaphore(%arg14 : memref<!tpu.dma_semaphore, #tpu.memory_space<semaphore_mem>>) src(%dma_wait3A_134 : memref<10240x64xf32, #tpu.memory_space<hbm>>) dst(%arg10 : memref<128x64xf32, #tpu.memory_space<vmem>>)
        %add3A_135 = arith.constant 0 : i32
        %add3A_136 = arith.addi %mul3A_98, %add3A_135 : i32
        "tpu.region"() ({
          %run_scoped3A = tpu.sem_alloc : memref<!tpu.dma_semaphore, #tpu.memory_space<semaphore_mem>>
          %dma_start3A_188 = arith.constant 0 : i32
          %dma_start3A_189 = tpu.memref_slice %arg8[%add3A_136, %dma_start3A_188] : memref<160x128xi32, #tpu.memory_space<vmem>> -> memref<1x128xi32, #tpu.memory_space<vmem>>
          %dma_start3A_190 = tpu.memref_squeeze %dma_start3A_189 : memref<1x128xi32, #tpu.memory_space<vmem>> -> memref<128xi32, #tpu.memory_space<vmem>>
          %dma_start3A_191 = arith.constant 0 : i32
          %dma_start3A_192 = arith.constant 0 : i32
          %dma_start3A_193 = tpu.memref_slice %arg13[%dma_start3A_191, %dma_start3A_192] : memref<10240x64xf32, #tpu.memory_space<vmem_shared>> -> memref<10240x64xf32, #tpu.memory_space<vmem_shared>>
          tpu.enqueue_indirect_dma source(%arg9 : memref<128x64xf32, #tpu.memory_space<vmem>>) target(%dma_start3A_193 : memref<10240x64xf32, #tpu.memory_space<vmem_shared>>) offsets(%dma_start3A_190 : memref<128xi32, #tpu.memory_space<vmem>>) semaphore(%run_scoped3A : memref<!tpu.dma_semaphore, #tpu.memory_space<semaphore_mem>>) {add = true}
          %dma_wait3A_194 = arith.constant 0 : i32
          %dma_wait3A_195 = tpu.memref_slice %arg8[%add3A_136, %dma_wait3A_194] : memref<160x128xi32, #tpu.memory_space<vmem>> -> memref<1x128xi32, #tpu.memory_space<vmem>>
          %dma_wait3A_196 = tpu.memref_squeeze %dma_wait3A_195 : memref<1x128xi32, #tpu.memory_space<vmem>> -> memref<128xi32, #tpu.memory_space<vmem>>
          %dma_wait3A_197 = arith.constant 0 : i32
          %dma_wait3A_198 = arith.constant 0 : i32
          %dma_wait3A_199 = tpu.memref_slice %arg13[%dma_wait3A_197, %dma_wait3A_198] : memref<10240x64xf32, #tpu.memory_space<vmem_shared>> -> memref<10240x64xf32, #tpu.memory_space<vmem_shared>>
          tpu.wait_indirect_dma semaphore(%run_scoped3A : memref<!tpu.dma_semaphore, #tpu.memory_space<semaphore_mem>>) src(%arg9 : memref<128x64xf32, #tpu.memory_space<vmem>>) dst(%dma_wait3A_199 : memref<10240x64xf32, #tpu.memory_space<vmem_shared>>)
          tpu.yield
        }) : () -> ()
        %add3A_137 = arith.constant 1 : i32
        %add3A_138 = arith.addi %mul3A_98, %add3A_137 : i32
        "tpu.region"() ({
          %run_scoped3A = tpu.sem_alloc : memref<!tpu.dma_semaphore, #tpu.memory_space<semaphore_mem>>
          %dma_start3A_188 = arith.constant 0 : i32
          %dma_start3A_189 = tpu.memref_slice %arg8[%add3A_138, %dma_start3A_188] : memref<160x128xi32, #tpu.memory_space<vmem>> -> memref<1x128xi32, #tpu.memory_space<vmem>>
          %dma_start3A_190 = tpu.memref_squeeze %dma_start3A_189 : memref<1x128xi32, #tpu.memory_space<vmem>> -> memref<128xi32, #tpu.memory_space<vmem>>
          %dma_start3A_191 = arith.constant 0 : i32
          %dma_start3A_192 = arith.constant 0 : i32
          %dma_start3A_193 = tpu.memref_slice %arg13[%dma_start3A_191, %dma_start3A_192] : memref<10240x64xf32, #tpu.memory_space<vmem_shared>> -> memref<10240x64xf32, #tpu.memory_space<vmem_shared>>
          tpu.enqueue_indirect_dma source(%arg10 : memref<128x64xf32, #tpu.memory_space<vmem>>) target(%dma_start3A_193 : memref<10240x64xf32, #tpu.memory_space<vmem_shared>>) offsets(%dma_start3A_190 : memref<128xi32, #tpu.memory_space<vmem>>) semaphore(%run_scoped3A : memref<!tpu.dma_semaphore, #tpu.memory_space<semaphore_mem>>) {add = true}
          %dma_wait3A_194 = arith.constant 0 : i32
          %dma_wait3A_195 = tpu.memref_slice %arg8[%add3A_138, %dma_wait3A_194] : memref<160x128xi32, #tpu.memory_space<vmem>> -> memref<1x128xi32, #tpu.memory_space<vmem>>
          %dma_wait3A_196 = tpu.memref_squeeze %dma_wait3A_195 : memref<1x128xi32, #tpu.memory_space<vmem>> -> memref<128xi32, #tpu.memory_space<vmem>>
          %dma_wait3A_197 = arith.constant 0 : i32
          %dma_wait3A_198 = arith.constant 0 : i32
          %dma_wait3A_199 = tpu.memref_slice %arg13[%dma_wait3A_197, %dma_wait3A_198] : memref<10240x64xf32, #tpu.memory_space<vmem_shared>> -> memref<10240x64xf32, #tpu.memory_space<vmem_shared>>
          tpu.wait_indirect_dma semaphore(%run_scoped3A : memref<!tpu.dma_semaphore, #tpu.memory_space<semaphore_mem>>) src(%arg10 : memref<128x64xf32, #tpu.memory_space<vmem>>) dst(%dma_wait3A_199 : memref<10240x64xf32, #tpu.memory_space<vmem_shared>>)
          tpu.yield
        }) : () -> ()
        %add3A_139 = arith.constant 4 : i32
        %add3A_140 = arith.addi %mul3A_98, %add3A_139 : i32
        %add3A_141 = arith.constant 0 : i32
        %add3A_142 = arith.addi %add3A_140, %add3A_141 : i32
        %dma_start3A_143 = arith.constant 0 : i32
        %dma_start3A_144 = tpu.memref_slice %arg7[%add3A_142, %dma_start3A_143] : memref<162x128xi32, #tpu.memory_space<vmem>> -> memref<1x128xi32, #tpu.memory_space<vmem>>
        %dma_start3A_145 = tpu.memref_squeeze %dma_start3A_144 : memref<1x128xi32, #tpu.memory_space<vmem>> -> memref<128xi32, #tpu.memory_space<vmem>>
        %dma_start3A_146 = arith.constant 0 : i32
        %dma_start3A_147 = arith.constant 0 : i32
        %dma_start3A_148 = tpu.memref_slice %arg5[%dma_start3A_146, %dma_start3A_147] : memref<10240x64xf32, #tpu.memory_space<hbm>> -> memref<10240x64xf32, #tpu.memory_space<hbm>>
        tpu.enqueue_indirect_dma source(%dma_start3A_148 : memref<10240x64xf32, #tpu.memory_space<hbm>>) target(%arg9 : memref<128x64xf32, #tpu.memory_space<vmem>>) offsets(%dma_start3A_145 : memref<128xi32, #tpu.memory_space<vmem>>) semaphore(%arg14 : memref<!tpu.dma_semaphore, #tpu.memory_space<semaphore_mem>>)
        %add3A_149 = arith.constant 4 : i32
        %add3A_150 = arith.addi %mul3A_98, %add3A_149 : i32
        %add3A_151 = arith.constant 1 : i32
        %add3A_152 = arith.addi %add3A_150, %add3A_151 : i32
        %dma_start3A_153 = arith.constant 0 : i32
        %dma_start3A_154 = tpu.memref_slice %arg7[%add3A_152, %dma_start3A_153] : memref<162x128xi32, #tpu.memory_space<vmem>> -> memref<1x128xi32, #tpu.memory_space<vmem>>
        %dma_start3A_155 = tpu.memref_squeeze %dma_start3A_154 : memref<1x128xi32, #tpu.memory_space<vmem>> -> memref<128xi32, #tpu.memory_space<vmem>>
        %dma_start3A_156 = arith.constant 0 : i32
        %dma_start3A_157 = arith.constant 0 : i32
        %dma_start3A_158 = tpu.memref_slice %arg5[%dma_start3A_156, %dma_start3A_157] : memref<10240x64xf32, #tpu.memory_space<hbm>> -> memref<10240x64xf32, #tpu.memory_space<hbm>>
        tpu.enqueue_indirect_dma source(%dma_start3A_158 : memref<10240x64xf32, #tpu.memory_space<hbm>>) target(%arg10 : memref<128x64xf32, #tpu.memory_space<vmem>>) offsets(%dma_start3A_155 : memref<128xi32, #tpu.memory_space<vmem>>) semaphore(%arg14 : memref<!tpu.dma_semaphore, #tpu.memory_space<semaphore_mem>>)
        %add3A_159 = arith.constant 2 : i32
        %add3A_160 = arith.addi %mul3A_98, %add3A_159 : i32
        %add3A_161 = arith.constant 0 : i32
        %add3A_162 = arith.addi %add3A_160, %add3A_161 : i32
        %dma_wait3A_163 = arith.constant 0 : i32
        %dma_wait3A_164 = tpu.memref_slice %arg7[%add3A_162, %dma_wait3A_163] : memref<162x128xi32, #tpu.memory_space<vmem>> -> memref<1x128xi32, #tpu.memory_space<vmem>>
        %dma_wait3A_165 = tpu.memref_squeeze %dma_wait3A_164 : memref<1x128xi32, #tpu.memory_space<vmem>> -> memref<128xi32, #tpu.memory_space<vmem>>
        %dma_wait3A_166 = arith.constant 0 : i32
        %dma_wait3A_167 = arith.constant 0 : i32
        %dma_wait3A_168 = tpu.memref_slice %arg5[%dma_wait3A_166, %dma_wait3A_167] : memref<10240x64xf32, #tpu.memory_space<hbm>> -> memref<10240x64xf32, #tpu.memory_space<hbm>>
        tpu.wait_indirect_dma semaphore(%arg15 : memref<!tpu.dma_semaphore, #tpu.memory_space<semaphore_mem>>) src(%dma_wait3A_168 : memref<10240x64xf32, #tpu.memory_space<hbm>>) dst(%arg11 : memref<128x64xf32, #tpu.memory_space<vmem>>)
        %add3A_169 = arith.constant 2 : i32
        %add3A_170 = arith.addi %mul3A_98, %add3A_169 : i32
        %add3A_171 = arith.constant 1 : i32
        %add3A_172 = arith.addi %add3A_170, %add3A_171 : i32
        %dma_wait3A_173 = arith.constant 0 : i32
        %dma_wait3A_174 = tpu.memref_slice %arg7[%add3A_172, %dma_wait3A_173] : memref<162x128xi32, #tpu.memory_space<vmem>> -> memref<1x128xi32, #tpu.memory_space<vmem>>
        %dma_wait3A_175 = tpu.memref_squeeze %dma_wait3A_174 : memref<1x128xi32, #tpu.memory_space<vmem>> -> memref<128xi32, #tpu.memory_space<vmem>>
        %dma_wait3A_176 = arith.constant 0 : i32
        %dma_wait3A_177 = arith.constant 0 : i32
        %dma_wait3A_178 = tpu.memref_slice %arg5[%dma_wait3A_176, %dma_wait3A_177] : memref<10240x64xf32, #tpu.memory_space<hbm>> -> memref<10240x64xf32, #tpu.memory_space<hbm>>
        tpu.wait_indirect_dma semaphore(%arg15 : memref<!tpu.dma_semaphore, #tpu.memory_space<semaphore_mem>>) src(%dma_wait3A_178 : memref<10240x64xf32, #tpu.memory_space<hbm>>) dst(%arg12 : memref<128x64xf32, #tpu.memory_space<vmem>>)
        %add3A_179 = arith.constant 2 : i32
        %add3A_180 = arith.addi %mul3A_98, %add3A_179 : i32
        %add3A_181 = arith.constant 0 : i32
        %add3A_182 = arith.addi %add3A_180, %add3A_181 : i32
        "tpu.region"() ({
          %run_scoped3A = tpu.sem_alloc : memref<!tpu.dma_semaphore, #tpu.memory_space<semaphore_mem>>
          %dma_start3A_188 = arith.constant 0 : i32
          %dma_start3A_189 = tpu.memref_slice %arg8[%add3A_182, %dma_start3A_188] : memref<160x128xi32, #tpu.memory_space<vmem>> -> memref<1x128xi32, #tpu.memory_space<vmem>>
          %dma_start3A_190 = tpu.memref_squeeze %dma_start3A_189 : memref<1x128xi32, #tpu.memory_space<vmem>> -> memref<128xi32, #tpu.memory_space<vmem>>
          %dma_start3A_191 = arith.constant 0 : i32
          %dma_start3A_192 = arith.constant 0 : i32
          %dma_start3A_193 = tpu.memref_slice %arg13[%dma_start3A_191, %dma_start3A_192] : memref<10240x64xf32, #tpu.memory_space<vmem_shared>> -> memref<10240x64xf32, #tpu.memory_space<vmem_shared>>
          tpu.enqueue_indirect_dma source(%arg11 : memref<128x64xf32, #tpu.memory_space<vmem>>) target(%dma_start3A_193 : memref<10240x64xf32, #tpu.memory_space<vmem_shared>>) offsets(%dma_start3A_190 : memref<128xi32, #tpu.memory_space<vmem>>) semaphore(%run_scoped3A : memref<!tpu.dma_semaphore, #tpu.memory_space<semaphore_mem>>) {add = true}
          %dma_wait3A_194 = arith.constant 0 : i32
          %dma_wait3A_195 = tpu.memref_slice %arg8[%add3A_182, %dma_wait3A_194] : memref<160x128xi32, #tpu.memory_space<vmem>> -> memref<1x128xi32, #tpu.memory_space<vmem>>
          %dma_wait3A_196 = tpu.memref_squeeze %dma_wait3A_195 : memref<1x128xi32, #tpu.memory_space<vmem>> -> memref<128xi32, #tpu.memory_space<vmem>>
          %dma_wait3A_197 = arith.constant 0 : i32
          %dma_wait3A_198 = arith.constant 0 : i32
          %dma_wait3A_199 = tpu.memref_slice %arg13[%dma_wait3A_197, %dma_wait3A_198] : memref<10240x64xf32, #tpu.memory_space<vmem_shared>> -> memref<10240x64xf32, #tpu.memory_space<vmem_shared>>
          tpu.wait_indirect_dma semaphore(%run_scoped3A : memref<!tpu.dma_semaphore, #tpu.memory_space<semaphore_mem>>) src(%arg11 : memref<128x64xf32, #tpu.memory_space<vmem>>) dst(%dma_wait3A_199 : memref<10240x64xf32, #tpu.memory_space<vmem_shared>>)
          tpu.yield
        }) : () -> ()
        %add3A_183 = arith.constant 2 : i32
        %add3A_184 = arith.addi %mul3A_98, %add3A_183 : i32
        %add3A_185 = arith.constant 1 : i32
        %add3A_186 = arith.addi %add3A_184, %add3A_185 : i32
        "tpu.region"() ({
          %run_scoped3A = tpu.sem_alloc : memref<!tpu.dma_semaphore, #tpu.memory_space<semaphore_mem>>
          %dma_start3A_188 = arith.constant 0 : i32
          %dma_start3A_189 = tpu.memref_slice %arg8[%add3A_186, %dma_start3A_188] : memref<160x128xi32, #tpu.memory_space<vmem>> -> memref<1x128xi32, #tpu.memory_space<vmem>>
          %dma_start3A_190 = tpu.memref_squeeze %dma_start3A_189 : memref<1x128xi32, #tpu.memory_space<vmem>> -> memref<128xi32, #tpu.memory_space<vmem>>
          %dma_start3A_191 = arith.constant 0 : i32
          %dma_start3A_192 = arith.constant 0 : i32
          %dma_start3A_193 = tpu.memref_slice %arg13[%dma_start3A_191, %dma_start3A_192] : memref<10240x64xf32, #tpu.memory_space<vmem_shared>> -> memref<10240x64xf32, #tpu.memory_space<vmem_shared>>
          tpu.enqueue_indirect_dma source(%arg12 : memref<128x64xf32, #tpu.memory_space<vmem>>) target(%dma_start3A_193 : memref<10240x64xf32, #tpu.memory_space<vmem_shared>>) offsets(%dma_start3A_190 : memref<128xi32, #tpu.memory_space<vmem>>) semaphore(%run_scoped3A : memref<!tpu.dma_semaphore, #tpu.memory_space<semaphore_mem>>) {add = true}
          %dma_wait3A_194 = arith.constant 0 : i32
          %dma_wait3A_195 = tpu.memref_slice %arg8[%add3A_186, %dma_wait3A_194] : memref<160x128xi32, #tpu.memory_space<vmem>> -> memref<1x128xi32, #tpu.memory_space<vmem>>
          %dma_wait3A_196 = tpu.memref_squeeze %dma_wait3A_195 : memref<1x128xi32, #tpu.memory_space<vmem>> -> memref<128xi32, #tpu.memory_space<vmem>>
          %dma_wait3A_197 = arith.constant 0 : i32
          %dma_wait3A_198 = arith.constant 0 : i32
          %dma_wait3A_199 = tpu.memref_slice %arg13[%dma_wait3A_197, %dma_wait3A_198] : memref<10240x64xf32, #tpu.memory_space<vmem_shared>> -> memref<10240x64xf32, #tpu.memory_space<vmem_shared>>
          tpu.wait_indirect_dma semaphore(%run_scoped3A : memref<!tpu.dma_semaphore, #tpu.memory_space<semaphore_mem>>) src(%arg12 : memref<128x64xf32, #tpu.memory_space<vmem>>) dst(%dma_wait3A_199 : memref<10240x64xf32, #tpu.memory_space<vmem_shared>>)
          tpu.yield
        }) : () -> ()
        %scan3A_187 = arith.constant 0 : i32
        scf.yield %scan3A_187 : i32
      }
      %scan3A_81 = arith.constant 40 : i32
      %dma_wait3A = arith.constant 160 : i32
      %dma_wait3A_82 = arith.constant 0 : i32
      %dma_wait3A_83 = tpu.memref_slice %arg7[%dma_wait3A, %dma_wait3A_82] : memref<162x128xi32, #tpu.memory_space<vmem>> -> memref<1x128xi32, #tpu.memory_space<vmem>>
      %dma_wait3A_84 = tpu.memref_squeeze %dma_wait3A_83 : memref<1x128xi32, #tpu.memory_space<vmem>> -> memref<128xi32, #tpu.memory_space<vmem>>
      %dma_wait3A_85 = arith.constant 0 : i32
      %dma_wait3A_86 = arith.constant 0 : i32
      %dma_wait3A_87 = tpu.memref_slice %arg5[%dma_wait3A_85, %dma_wait3A_86] : memref<10240x64xf32, #tpu.memory_space<hbm>> -> memref<10240x64xf32, #tpu.memory_space<hbm>>
      tpu.wait_indirect_dma semaphore(%arg14 : memref<!tpu.dma_semaphore, #tpu.memory_space<semaphore_mem>>) src(%dma_wait3A_87 : memref<10240x64xf32, #tpu.memory_space<hbm>>) dst(%arg9 : memref<128x64xf32, #tpu.memory_space<vmem>>)
      %dma_wait3A_88 = arith.constant 161 : i32
      %dma_wait3A_89 = arith.constant 0 : i32
      %dma_wait3A_90 = tpu.memref_slice %arg7[%dma_wait3A_88, %dma_wait3A_89] : memref<162x128xi32, #tpu.memory_space<vmem>> -> memref<1x128xi32, #tpu.memory_space<vmem>>
      %dma_wait3A_91 = tpu.memref_squeeze %dma_wait3A_90 : memref<1x128xi32, #tpu.memory_space<vmem>> -> memref<128xi32, #tpu.memory_space<vmem>>
      %dma_wait3A_92 = arith.constant 0 : i32
      %dma_wait3A_93 = arith.constant 0 : i32
      %dma_wait3A_94 = tpu.memref_slice %arg5[%dma_wait3A_92, %dma_wait3A_93] : memref<10240x64xf32, #tpu.memory_space<hbm>> -> memref<10240x64xf32, #tpu.memory_space<hbm>>
      tpu.wait_indirect_dma semaphore(%arg14 : memref<!tpu.dma_semaphore, #tpu.memory_space<semaphore_mem>>) src(%dma_wait3A_94 : memref<10240x64xf32, #tpu.memory_space<hbm>>) dst(%arg10 : memref<128x64xf32, #tpu.memory_space<vmem>>)
    } else {
    }
    %barrier3A_41 = arith.constant 0 : index
    tpu.barrier barrier_id(%barrier3A_41)
    %mul3A_42 = arith.constant 640 : i32
    %mul3A_43 = arith.muli %arg1, %mul3A_42 : i32
    %add3A_44 = arith.constant 0 : i32
    %add3A_45 = arith.addi %mul3A_43, %add3A_44 : i32
    "tpu.region"() ({
      %run_scoped3A = tpu.sem_alloc : memref<!tpu.dma_semaphore, #tpu.memory_space<semaphore_mem>>
      %dma_start3A = arith.constant 0 : i32
      %dma_start3A_62 = tpu.memref_slice %arg13[%add3A_45, %dma_start3A] : memref<10240x64xf32, #tpu.memory_space<vmem_shared>> -> memref<128x64xf32, #tpu.memory_space<vmem_shared>>
      %dma_start3A_63 = arith.constant 0 : i32
      %dma_start3A_64 = tpu.memref_slice %arg13[%add3A_45, %dma_start3A_63] : memref<10240x64xf32, #tpu.memory_space<vmem_shared>> -> memref<128x64xf32, #tpu.memory_space<vmem_shared>>
      tpu.enqueue_dma source(%dma_start3A_64 : memref<128x64xf32, #tpu.memory_space<vmem_shared>>) target(%arg9 : memref<128x64xf32, #tpu.memory_space<vmem>>) target_semaphore(%run_scoped3A : memref<!tpu.dma_semaphore, #tpu.memory_space<semaphore_mem>>)
      %dma_wait3A = arith.constant 0 : i32
      %dma_wait3A_65 = tpu.memref_slice %arg13[%add3A_45, %dma_wait3A] : memref<10240x64xf32, #tpu.memory_space<vmem_shared>> -> memref<128x64xf32, #tpu.memory_space<vmem_shared>>
      %dma_wait3A_66 = arith.constant 0 : i32
      %dma_wait3A_67 = tpu.memref_slice %arg13[%add3A_45, %dma_wait3A_66] : memref<10240x64xf32, #tpu.memory_space<vmem_shared>> -> memref<128x64xf32, #tpu.memory_space<vmem_shared>>
      tpu.wait_dma2 semaphore(%run_scoped3A : memref<!tpu.dma_semaphore, #tpu.memory_space<semaphore_mem>>) src(%dma_wait3A_67 : memref<128x64xf32, #tpu.memory_space<vmem_shared>>) dst(%arg9 : memref<128x64xf32, #tpu.memory_space<vmem>>)
      tpu.yield
    }) : () -> ()
    "tpu.region"() ({
      %run_scoped3A = tpu.sem_alloc : memref<!tpu.dma_semaphore, #tpu.memory_space<semaphore_mem>>
      %dma_start3A = arith.constant 0 : i32
      %dma_start3A_62 = arith.constant 0 : i32
      %dma_start3A_63 = tpu.memref_slice %arg6[%arg0, %dma_start3A, %dma_start3A_62] : memref<2x10240x64xf32, #tpu.memory_space<hbm>> -> memref<1x10240x64xf32, #tpu.memory_space<hbm>>
      %dma_start3A_64 = tpu.memref_squeeze %dma_start3A_63 : memref<1x10240x64xf32, #tpu.memory_space<hbm>> -> memref<10240x64xf32, #tpu.memory_space<hbm>>
      %dma_start3A_65 = arith.constant 0 : i32
      %dma_start3A_66 = tpu.memref_slice %dma_start3A_64[%add3A_45, %dma_start3A_65] : memref<10240x64xf32, #tpu.memory_space<hbm>> -> memref<128x64xf32, #tpu.memory_space<hbm>>
      %dma_start3A_67 = arith.constant 0 : i32
      %dma_start3A_68 = arith.constant 0 : i32
      %dma_start3A_69 = tpu.memref_slice %arg6[%arg0, %dma_start3A_67, %dma_start3A_68] : memref<2x10240x64xf32, #tpu.memory_space<hbm>> -> memref<1x10240x64xf32, #tpu.memory_space<hbm>>
      %dma_start3A_70 = tpu.memref_squeeze %dma_start3A_69 : memref<1x10240x64xf32, #tpu.memory_space<hbm>> -> memref<10240x64xf32, #tpu.memory_space<hbm>>
      %dma_start3A_71 = arith.constant 0 : i32
      %dma_start3A_72 = tpu.memref_slice %dma_start3A_70[%add3A_45, %dma_start3A_71] : memref<10240x64xf32, #tpu.memory_space<hbm>> -> memref<128x64xf32, #tpu.memory_space<hbm>>
      tpu.enqueue_dma source(%arg9 : memref<128x64xf32, #tpu.memory_space<vmem>>) target(%dma_start3A_72 : memref<128x64xf32, #tpu.memory_space<hbm>>) target_semaphore(%run_scoped3A : memref<!tpu.dma_semaphore, #tpu.memory_space<semaphore_mem>>)
      %dma_wait3A = arith.constant 0 : i32
      %dma_wait3A_73 = arith.constant 0 : i32
      %dma_wait3A_74 = tpu.memref_slice %arg6[%arg0, %dma_wait3A, %dma_wait3A_73] : memref<2x10240x64xf32, #tpu.memory_space<hbm>> -> memref<1x10240x64xf32, #tpu.memory_space<hbm>>
      %dma_wait3A_75 = tpu.memref_squeeze %dma_wait3A_74 : memref<1x10240x64xf32, #tpu.memory_space<hbm>> -> memref<10240x64xf32, #tpu.memory_space<hbm>>
      %dma_wait3A_76 = arith.constant 0 : i32
      %dma_wait3A_77 = tpu.memref_slice %dma_wait3A_75[%add3A_45, %dma_wait3A_76] : memref<10240x64xf32, #tpu.memory_space<hbm>> -> memref<128x64xf32, #tpu.memory_space<hbm>>
      %dma_wait3A_78 = arith.constant 0 : i32
      %dma_wait3A_79 = arith.constant 0 : i32
      %dma_wait3A_80 = tpu.memref_slice %arg6[%arg0, %dma_wait3A_78, %dma_wait3A_79] : memref<2x10240x64xf32, #tpu.memory_space<hbm>> -> memref<1x10240x64xf32, #tpu.memory_space<hbm>>
      %dma_wait3A_81 = tpu.memref_squeeze %dma_wait3A_80 : memref<1x10240x64xf32, #tpu.memory_space<hbm>> -> memref<10240x64xf32, #tpu.memory_space<hbm>>
      %dma_wait3A_82 = arith.constant 0 : i32
      %dma_wait3A_83 = tpu.memref_slice %dma_wait3A_81[%add3A_45, %dma_wait3A_82] : memref<10240x64xf32, #tpu.memory_space<hbm>> -> memref<128x64xf32, #tpu.memory_space<hbm>>
      tpu.wait_dma2 semaphore(%run_scoped3A : memref<!tpu.dma_semaphore, #tpu.memory_space<semaphore_mem>>) src(%arg9 : memref<128x64xf32, #tpu.memory_space<vmem>>) dst(%dma_wait3A_83 : memref<128x64xf32, #tpu.memory_space<hbm>>)
      tpu.yield
    }) : () -> ()
    %mul3A_46 = arith.constant 640 : i32
    %mul3A_47 = arith.muli %arg1, %mul3A_46 : i32
    %add3A_48 = arith.constant 128 : i32
    %add3A_49 = arith.addi %mul3A_47, %add3A_48 : i32
    "tpu.region"() ({
      %run_scoped3A = tpu.sem_alloc : memref<!tpu.dma_semaphore, #tpu.memory_space<semaphore_mem>>
      %dma_start3A = arith.constant 0 : i32
      %dma_start3A_62 = tpu.memref_slice %arg13[%add3A_49, %dma_start3A] : memref<10240x64xf32, #tpu.memory_space<vmem_shared>> -> memref<128x64xf32, #tpu.memory_space<vmem_shared>>
      %dma_start3A_63 = arith.constant 0 : i32
      %dma_start3A_64 = tpu.memref_slice %arg13[%add3A_49, %dma_start3A_63] : memref<10240x64xf32, #tpu.memory_space<vmem_shared>> -> memref<128x64xf32, #tpu.memory_space<vmem_shared>>
      tpu.enqueue_dma source(%dma_start3A_64 : memref<128x64xf32, #tpu.memory_space<vmem_shared>>) target(%arg9 : memref<128x64xf32, #tpu.memory_space<vmem>>) target_semaphore(%run_scoped3A : memref<!tpu.dma_semaphore, #tpu.memory_space<semaphore_mem>>)
      %dma_wait3A = arith.constant 0 : i32
      %dma_wait3A_65 = tpu.memref_slice %arg13[%add3A_49, %dma_wait3A] : memref<10240x64xf32, #tpu.memory_space<vmem_shared>> -> memref<128x64xf32, #tpu.memory_space<vmem_shared>>
      %dma_wait3A_66 = arith.constant 0 : i32
      %dma_wait3A_67 = tpu.memref_slice %arg13[%add3A_49, %dma_wait3A_66] : memref<10240x64xf32, #tpu.memory_space<vmem_shared>> -> memref<128x64xf32, #tpu.memory_space<vmem_shared>>
      tpu.wait_dma2 semaphore(%run_scoped3A : memref<!tpu.dma_semaphore, #tpu.memory_space<semaphore_mem>>) src(%dma_wait3A_67 : memref<128x64xf32, #tpu.memory_space<vmem_shared>>) dst(%arg9 : memref<128x64xf32, #tpu.memory_space<vmem>>)
      tpu.yield
    }) : () -> ()
    "tpu.region"() ({
      %run_scoped3A = tpu.sem_alloc : memref<!tpu.dma_semaphore, #tpu.memory_space<semaphore_mem>>
      %dma_start3A = arith.constant 0 : i32
      %dma_start3A_62 = arith.constant 0 : i32
      %dma_start3A_63 = tpu.memref_slice %arg6[%arg0, %dma_start3A, %dma_start3A_62] : memref<2x10240x64xf32, #tpu.memory_space<hbm>> -> memref<1x10240x64xf32, #tpu.memory_space<hbm>>
      %dma_start3A_64 = tpu.memref_squeeze %dma_start3A_63 : memref<1x10240x64xf32, #tpu.memory_space<hbm>> -> memref<10240x64xf32, #tpu.memory_space<hbm>>
      %dma_start3A_65 = arith.constant 0 : i32
      %dma_start3A_66 = tpu.memref_slice %dma_start3A_64[%add3A_49, %dma_start3A_65] : memref<10240x64xf32, #tpu.memory_space<hbm>> -> memref<128x64xf32, #tpu.memory_space<hbm>>
      %dma_start3A_67 = arith.constant 0 : i32
      %dma_start3A_68 = arith.constant 0 : i32
      %dma_start3A_69 = tpu.memref_slice %arg6[%arg0, %dma_start3A_67, %dma_start3A_68] : memref<2x10240x64xf32, #tpu.memory_space<hbm>> -> memref<1x10240x64xf32, #tpu.memory_space<hbm>>
      %dma_start3A_70 = tpu.memref_squeeze %dma_start3A_69 : memref<1x10240x64xf32, #tpu.memory_space<hbm>> -> memref<10240x64xf32, #tpu.memory_space<hbm>>
      %dma_start3A_71 = arith.constant 0 : i32
      %dma_start3A_72 = tpu.memref_slice %dma_start3A_70[%add3A_49, %dma_start3A_71] : memref<10240x64xf32, #tpu.memory_space<hbm>> -> memref<128x64xf32, #tpu.memory_space<hbm>>
      tpu.enqueue_dma source(%arg9 : memref<128x64xf32, #tpu.memory_space<vmem>>) target(%dma_start3A_72 : memref<128x64xf32, #tpu.memory_space<hbm>>) target_semaphore(%run_scoped3A : memref<!tpu.dma_semaphore, #tpu.memory_space<semaphore_mem>>)
      %dma_wait3A = arith.constant 0 : i32
      %dma_wait3A_73 = arith.constant 0 : i32
      %dma_wait3A_74 = tpu.memref_slice %arg6[%arg0, %dma_wait3A, %dma_wait3A_73] : memref<2x10240x64xf32, #tpu.memory_space<hbm>> -> memref<1x10240x64xf32, #tpu.memory_space<hbm>>
      %dma_wait3A_75 = tpu.memref_squeeze %dma_wait3A_74 : memref<1x10240x64xf32, #tpu.memory_space<hbm>> -> memref<10240x64xf32, #tpu.memory_space<hbm>>
      %dma_wait3A_76 = arith.constant 0 : i32
      %dma_wait3A_77 = tpu.memref_slice %dma_wait3A_75[%add3A_49, %dma_wait3A_76] : memref<10240x64xf32, #tpu.memory_space<hbm>> -> memref<128x64xf32, #tpu.memory_space<hbm>>
      %dma_wait3A_78 = arith.constant 0 : i32
      %dma_wait3A_79 = arith.constant 0 : i32
      %dma_wait3A_80 = tpu.memref_slice %arg6[%arg0, %dma_wait3A_78, %dma_wait3A_79] : memref<2x10240x64xf32, #tpu.memory_space<hbm>> -> memref<1x10240x64xf32, #tpu.memory_space<hbm>>
      %dma_wait3A_81 = tpu.memref_squeeze %dma_wait3A_80 : memref<1x10240x64xf32, #tpu.memory_space<hbm>> -> memref<10240x64xf32, #tpu.memory_space<hbm>>
      %dma_wait3A_82 = arith.constant 0 : i32
      %dma_wait3A_83 = tpu.memref_slice %dma_wait3A_81[%add3A_49, %dma_wait3A_82] : memref<10240x64xf32, #tpu.memory_space<hbm>> -> memref<128x64xf32, #tpu.memory_space<hbm>>
      tpu.wait_dma2 semaphore(%run_scoped3A : memref<!tpu.dma_semaphore, #tpu.memory_space<semaphore_mem>>) src(%arg9 : memref<128x64xf32, #tpu.memory_space<vmem>>) dst(%dma_wait3A_83 : memref<128x64xf32, #tpu.memory_space<hbm>>)
      tpu.yield
    }) : () -> ()
    %mul3A_50 = arith.constant 640 : i32
    %mul3A_51 = arith.muli %arg1, %mul3A_50 : i32
    %add3A_52 = arith.constant 256 : i32
    %add3A_53 = arith.addi %mul3A_51, %add3A_52 : i32
    "tpu.region"() ({
      %run_scoped3A = tpu.sem_alloc : memref<!tpu.dma_semaphore, #tpu.memory_space<semaphore_mem>>
      %dma_start3A = arith.constant 0 : i32
      %dma_start3A_62 = tpu.memref_slice %arg13[%add3A_53, %dma_start3A] : memref<10240x64xf32, #tpu.memory_space<vmem_shared>> -> memref<128x64xf32, #tpu.memory_space<vmem_shared>>
      %dma_start3A_63 = arith.constant 0 : i32
      %dma_start3A_64 = tpu.memref_slice %arg13[%add3A_53, %dma_start3A_63] : memref<10240x64xf32, #tpu.memory_space<vmem_shared>> -> memref<128x64xf32, #tpu.memory_space<vmem_shared>>
      tpu.enqueue_dma source(%dma_start3A_64 : memref<128x64xf32, #tpu.memory_space<vmem_shared>>) target(%arg9 : memref<128x64xf32, #tpu.memory_space<vmem>>) target_semaphore(%run_scoped3A : memref<!tpu.dma_semaphore, #tpu.memory_space<semaphore_mem>>)
      %dma_wait3A = arith.constant 0 : i32
      %dma_wait3A_65 = tpu.memref_slice %arg13[%add3A_53, %dma_wait3A] : memref<10240x64xf32, #tpu.memory_space<vmem_shared>> -> memref<128x64xf32, #tpu.memory_space<vmem_shared>>
      %dma_wait3A_66 = arith.constant 0 : i32
      %dma_wait3A_67 = tpu.memref_slice %arg13[%add3A_53, %dma_wait3A_66] : memref<10240x64xf32, #tpu.memory_space<vmem_shared>> -> memref<128x64xf32, #tpu.memory_space<vmem_shared>>
      tpu.wait_dma2 semaphore(%run_scoped3A : memref<!tpu.dma_semaphore, #tpu.memory_space<semaphore_mem>>) src(%dma_wait3A_67 : memref<128x64xf32, #tpu.memory_space<vmem_shared>>) dst(%arg9 : memref<128x64xf32, #tpu.memory_space<vmem>>)
      tpu.yield
    }) : () -> ()
    "tpu.region"() ({
      %run_scoped3A = tpu.sem_alloc : memref<!tpu.dma_semaphore, #tpu.memory_space<semaphore_mem>>
      %dma_start3A = arith.constant 0 : i32
      %dma_start3A_62 = arith.constant 0 : i32
      %dma_start3A_63 = tpu.memref_slice %arg6[%arg0, %dma_start3A, %dma_start3A_62] : memref<2x10240x64xf32, #tpu.memory_space<hbm>> -> memref<1x10240x64xf32, #tpu.memory_space<hbm>>
      %dma_start3A_64 = tpu.memref_squeeze %dma_start3A_63 : memref<1x10240x64xf32, #tpu.memory_space<hbm>> -> memref<10240x64xf32, #tpu.memory_space<hbm>>
      %dma_start3A_65 = arith.constant 0 : i32
      %dma_start3A_66 = tpu.memref_slice %dma_start3A_64[%add3A_53, %dma_start3A_65] : memref<10240x64xf32, #tpu.memory_space<hbm>> -> memref<128x64xf32, #tpu.memory_space<hbm>>
      %dma_start3A_67 = arith.constant 0 : i32
      %dma_start3A_68 = arith.constant 0 : i32
      %dma_start3A_69 = tpu.memref_slice %arg6[%arg0, %dma_start3A_67, %dma_start3A_68] : memref<2x10240x64xf32, #tpu.memory_space<hbm>> -> memref<1x10240x64xf32, #tpu.memory_space<hbm>>
      %dma_start3A_70 = tpu.memref_squeeze %dma_start3A_69 : memref<1x10240x64xf32, #tpu.memory_space<hbm>> -> memref<10240x64xf32, #tpu.memory_space<hbm>>
      %dma_start3A_71 = arith.constant 0 : i32
      %dma_start3A_72 = tpu.memref_slice %dma_start3A_70[%add3A_53, %dma_start3A_71] : memref<10240x64xf32, #tpu.memory_space<hbm>> -> memref<128x64xf32, #tpu.memory_space<hbm>>
      tpu.enqueue_dma source(%arg9 : memref<128x64xf32, #tpu.memory_space<vmem>>) target(%dma_start3A_72 : memref<128x64xf32, #tpu.memory_space<hbm>>) target_semaphore(%run_scoped3A : memref<!tpu.dma_semaphore, #tpu.memory_space<semaphore_mem>>)
      %dma_wait3A = arith.constant 0 : i32
      %dma_wait3A_73 = arith.constant 0 : i32
      %dma_wait3A_74 = tpu.memref_slice %arg6[%arg0, %dma_wait3A, %dma_wait3A_73] : memref<2x10240x64xf32, #tpu.memory_space<hbm>> -> memref<1x10240x64xf32, #tpu.memory_space<hbm>>
      %dma_wait3A_75 = tpu.memref_squeeze %dma_wait3A_74 : memref<1x10240x64xf32, #tpu.memory_space<hbm>> -> memref<10240x64xf32, #tpu.memory_space<hbm>>
      %dma_wait3A_76 = arith.constant 0 : i32
      %dma_wait3A_77 = tpu.memref_slice %dma_wait3A_75[%add3A_53, %dma_wait3A_76] : memref<10240x64xf32, #tpu.memory_space<hbm>> -> memref<128x64xf32, #tpu.memory_space<hbm>>
      %dma_wait3A_78 = arith.constant 0 : i32
      %dma_wait3A_79 = arith.constant 0 : i32
      %dma_wait3A_80 = tpu.memref_slice %arg6[%arg0, %dma_wait3A_78, %dma_wait3A_79] : memref<2x10240x64xf32, #tpu.memory_space<hbm>> -> memref<1x10240x64xf32, #tpu.memory_space<hbm>>
      %dma_wait3A_81 = tpu.memref_squeeze %dma_wait3A_80 : memref<1x10240x64xf32, #tpu.memory_space<hbm>> -> memref<10240x64xf32, #tpu.memory_space<hbm>>
      %dma_wait3A_82 = arith.constant 0 : i32
      %dma_wait3A_83 = tpu.memref_slice %dma_wait3A_81[%add3A_53, %dma_wait3A_82] : memref<10240x64xf32, #tpu.memory_space<hbm>> -> memref<128x64xf32, #tpu.memory_space<hbm>>
      tpu.wait_dma2 semaphore(%run_scoped3A : memref<!tpu.dma_semaphore, #tpu.memory_space<semaphore_mem>>) src(%arg9 : memref<128x64xf32, #tpu.memory_space<vmem>>) dst(%dma_wait3A_83 : memref<128x64xf32, #tpu.memory_space<hbm>>)
      tpu.yield
    }) : () -> ()
    %mul3A_54 = arith.constant 640 : i32
    %mul3A_55 = arith.muli %arg1, %mul3A_54 : i32
    %add3A_56 = arith.constant 384 : i32
    %add3A_57 = arith.addi %mul3A_55, %add3A_56 : i32
    "tpu.region"() ({
      %run_scoped3A = tpu.sem_alloc : memref<!tpu.dma_semaphore, #tpu.memory_space<semaphore_mem>>
      %dma_start3A = arith.constant 0 : i32
      %dma_start3A_62 = tpu.memref_slice %arg13[%add3A_57, %dma_start3A] : memref<10240x64xf32, #tpu.memory_space<vmem_shared>> -> memref<128x64xf32, #tpu.memory_space<vmem_shared>>
      %dma_start3A_63 = arith.constant 0 : i32
      %dma_start3A_64 = tpu.memref_slice %arg13[%add3A_57, %dma_start3A_63] : memref<10240x64xf32, #tpu.memory_space<vmem_shared>> -> memref<128x64xf32, #tpu.memory_space<vmem_shared>>
      tpu.enqueue_dma source(%dma_start3A_64 : memref<128x64xf32, #tpu.memory_space<vmem_shared>>) target(%arg9 : memref<128x64xf32, #tpu.memory_space<vmem>>) target_semaphore(%run_scoped3A : memref<!tpu.dma_semaphore, #tpu.memory_space<semaphore_mem>>)
      %dma_wait3A = arith.constant 0 : i32
      %dma_wait3A_65 = tpu.memref_slice %arg13[%add3A_57, %dma_wait3A] : memref<10240x64xf32, #tpu.memory_space<vmem_shared>> -> memref<128x64xf32, #tpu.memory_space<vmem_shared>>
      %dma_wait3A_66 = arith.constant 0 : i32
      %dma_wait3A_67 = tpu.memref_slice %arg13[%add3A_57, %dma_wait3A_66] : memref<10240x64xf32, #tpu.memory_space<vmem_shared>> -> memref<128x64xf32, #tpu.memory_space<vmem_shared>>
      tpu.wait_dma2 semaphore(%run_scoped3A : memref<!tpu.dma_semaphore, #tpu.memory_space<semaphore_mem>>) src(%dma_wait3A_67 : memref<128x64xf32, #tpu.memory_space<vmem_shared>>) dst(%arg9 : memref<128x64xf32, #tpu.memory_space<vmem>>)
      tpu.yield
    }) : () -> ()
    "tpu.region"() ({
      %run_scoped3A = tpu.sem_alloc : memref<!tpu.dma_semaphore, #tpu.memory_space<semaphore_mem>>
      %dma_start3A = arith.constant 0 : i32
      %dma_start3A_62 = arith.constant 0 : i32
      %dma_start3A_63 = tpu.memref_slice %arg6[%arg0, %dma_start3A, %dma_start3A_62] : memref<2x10240x64xf32, #tpu.memory_space<hbm>> -> memref<1x10240x64xf32, #tpu.memory_space<hbm>>
      %dma_start3A_64 = tpu.memref_squeeze %dma_start3A_63 : memref<1x10240x64xf32, #tpu.memory_space<hbm>> -> memref<10240x64xf32, #tpu.memory_space<hbm>>
      %dma_start3A_65 = arith.constant 0 : i32
      %dma_start3A_66 = tpu.memref_slice %dma_start3A_64[%add3A_57, %dma_start3A_65] : memref<10240x64xf32, #tpu.memory_space<hbm>> -> memref<128x64xf32, #tpu.memory_space<hbm>>
      %dma_start3A_67 = arith.constant 0 : i32
      %dma_start3A_68 = arith.constant 0 : i32
      %dma_start3A_69 = tpu.memref_slice %arg6[%arg0, %dma_start3A_67, %dma_start3A_68] : memref<2x10240x64xf32, #tpu.memory_space<hbm>> -> memref<1x10240x64xf32, #tpu.memory_space<hbm>>
      %dma_start3A_70 = tpu.memref_squeeze %dma_start3A_69 : memref<1x10240x64xf32, #tpu.memory_space<hbm>> -> memref<10240x64xf32, #tpu.memory_space<hbm>>
      %dma_start3A_71 = arith.constant 0 : i32
      %dma_start3A_72 = tpu.memref_slice %dma_start3A_70[%add3A_57, %dma_start3A_71] : memref<10240x64xf32, #tpu.memory_space<hbm>> -> memref<128x64xf32, #tpu.memory_space<hbm>>
      tpu.enqueue_dma source(%arg9 : memref<128x64xf32, #tpu.memory_space<vmem>>) target(%dma_start3A_72 : memref<128x64xf32, #tpu.memory_space<hbm>>) target_semaphore(%run_scoped3A : memref<!tpu.dma_semaphore, #tpu.memory_space<semaphore_mem>>)
      %dma_wait3A = arith.constant 0 : i32
      %dma_wait3A_73 = arith.constant 0 : i32
      %dma_wait3A_74 = tpu.memref_slice %arg6[%arg0, %dma_wait3A, %dma_wait3A_73] : memref<2x10240x64xf32, #tpu.memory_space<hbm>> -> memref<1x10240x64xf32, #tpu.memory_space<hbm>>
      %dma_wait3A_75 = tpu.memref_squeeze %dma_wait3A_74 : memref<1x10240x64xf32, #tpu.memory_space<hbm>> -> memref<10240x64xf32, #tpu.memory_space<hbm>>
      %dma_wait3A_76 = arith.constant 0 : i32
      %dma_wait3A_77 = tpu.memref_slice %dma_wait3A_75[%add3A_57, %dma_wait3A_76] : memref<10240x64xf32, #tpu.memory_space<hbm>> -> memref<128x64xf32, #tpu.memory_space<hbm>>
      %dma_wait3A_78 = arith.constant 0 : i32
      %dma_wait3A_79 = arith.constant 0 : i32
      %dma_wait3A_80 = tpu.memref_slice %arg6[%arg0, %dma_wait3A_78, %dma_wait3A_79] : memref<2x10240x64xf32, #tpu.memory_space<hbm>> -> memref<1x10240x64xf32, #tpu.memory_space<hbm>>
      %dma_wait3A_81 = tpu.memref_squeeze %dma_wait3A_80 : memref<1x10240x64xf32, #tpu.memory_space<hbm>> -> memref<10240x64xf32, #tpu.memory_space<hbm>>
      %dma_wait3A_82 = arith.constant 0 : i32
      %dma_wait3A_83 = tpu.memref_slice %dma_wait3A_81[%add3A_57, %dma_wait3A_82] : memref<10240x64xf32, #tpu.memory_space<hbm>> -> memref<128x64xf32, #tpu.memory_space<hbm>>
      tpu.wait_dma2 semaphore(%run_scoped3A : memref<!tpu.dma_semaphore, #tpu.memory_space<semaphore_mem>>) src(%arg9 : memref<128x64xf32, #tpu.memory_space<vmem>>) dst(%dma_wait3A_83 : memref<128x64xf32, #tpu.memory_space<hbm>>)
      tpu.yield
    }) : () -> ()
    %mul3A_58 = arith.constant 640 : i32
    %mul3A_59 = arith.muli %arg1, %mul3A_58 : i32
    %add3A_60 = arith.constant 512 : i32
    %add3A_61 = arith.addi %mul3A_59, %add3A_60 : i32
    "tpu.region"() ({
      %run_scoped3A = tpu.sem_alloc : memref<!tpu.dma_semaphore, #tpu.memory_space<semaphore_mem>>
      %dma_start3A = arith.constant 0 : i32
      %dma_start3A_62 = tpu.memref_slice %arg13[%add3A_61, %dma_start3A] : memref<10240x64xf32, #tpu.memory_space<vmem_shared>> -> memref<128x64xf32, #tpu.memory_space<vmem_shared>>
      %dma_start3A_63 = arith.constant 0 : i32
      %dma_start3A_64 = tpu.memref_slice %arg13[%add3A_61, %dma_start3A_63] : memref<10240x64xf32, #tpu.memory_space<vmem_shared>> -> memref<128x64xf32, #tpu.memory_space<vmem_shared>>
      tpu.enqueue_dma source(%dma_start3A_64 : memref<128x64xf32, #tpu.memory_space<vmem_shared>>) target(%arg9 : memref<128x64xf32, #tpu.memory_space<vmem>>) target_semaphore(%run_scoped3A : memref<!tpu.dma_semaphore, #tpu.memory_space<semaphore_mem>>)
      %dma_wait3A = arith.constant 0 : i32
      %dma_wait3A_65 = tpu.memref_slice %arg13[%add3A_61, %dma_wait3A] : memref<10240x64xf32, #tpu.memory_space<vmem_shared>> -> memref<128x64xf32, #tpu.memory_space<vmem_shared>>
      %dma_wait3A_66 = arith.constant 0 : i32
      %dma_wait3A_67 = tpu.memref_slice %arg13[%add3A_61, %dma_wait3A_66] : memref<10240x64xf32, #tpu.memory_space<vmem_shared>> -> memref<128x64xf32, #tpu.memory_space<vmem_shared>>
      tpu.wait_dma2 semaphore(%run_scoped3A : memref<!tpu.dma_semaphore, #tpu.memory_space<semaphore_mem>>) src(%dma_wait3A_67 : memref<128x64xf32, #tpu.memory_space<vmem_shared>>) dst(%arg9 : memref<128x64xf32, #tpu.memory_space<vmem>>)
      tpu.yield
    }) : () -> ()
    "tpu.region"() ({
      %run_scoped3A = tpu.sem_alloc : memref<!tpu.dma_semaphore, #tpu.memory_space<semaphore_mem>>
      %dma_start3A = arith.constant 0 : i32
      %dma_start3A_62 = arith.constant 0 : i32
      %dma_start3A_63 = tpu.memref_slice %arg6[%arg0, %dma_start3A, %dma_start3A_62] : memref<2x10240x64xf32, #tpu.memory_space<hbm>> -> memref<1x10240x64xf32, #tpu.memory_space<hbm>>
      %dma_start3A_64 = tpu.memref_squeeze %dma_start3A_63 : memref<1x10240x64xf32, #tpu.memory_space<hbm>> -> memref<10240x64xf32, #tpu.memory_space<hbm>>
      %dma_start3A_65 = arith.constant 0 : i32
      %dma_start3A_66 = tpu.memref_slice %dma_start3A_64[%add3A_61, %dma_start3A_65] : memref<10240x64xf32, #tpu.memory_space<hbm>> -> memref<128x64xf32, #tpu.memory_space<hbm>>
      %dma_start3A_67 = arith.constant 0 : i32
      %dma_start3A_68 = arith.constant 0 : i32
      %dma_start3A_69 = tpu.memref_slice %arg6[%arg0, %dma_start3A_67, %dma_start3A_68] : memref<2x10240x64xf32, #tpu.memory_space<hbm>> -> memref<1x10240x64xf32, #tpu.memory_space<hbm>>
      %dma_start3A_70 = tpu.memref_squeeze %dma_start3A_69 : memref<1x10240x64xf32, #tpu.memory_space<hbm>> -> memref<10240x64xf32, #tpu.memory_space<hbm>>
      %dma_start3A_71 = arith.constant 0 : i32
      %dma_start3A_72 = tpu.memref_slice %dma_start3A_70[%add3A_61, %dma_start3A_71] : memref<10240x64xf32, #tpu.memory_space<hbm>> -> memref<128x64xf32, #tpu.memory_space<hbm>>
      tpu.enqueue_dma source(%arg9 : memref<128x64xf32, #tpu.memory_space<vmem>>) target(%dma_start3A_72 : memref<128x64xf32, #tpu.memory_space<hbm>>) target_semaphore(%run_scoped3A : memref<!tpu.dma_semaphore, #tpu.memory_space<semaphore_mem>>)
      %dma_wait3A = arith.constant 0 : i32
      %dma_wait3A_73 = arith.constant 0 : i32
      %dma_wait3A_74 = tpu.memref_slice %arg6[%arg0, %dma_wait3A, %dma_wait3A_73] : memref<2x10240x64xf32, #tpu.memory_space<hbm>> -> memref<1x10240x64xf32, #tpu.memory_space<hbm>>
      %dma_wait3A_75 = tpu.memref_squeeze %dma_wait3A_74 : memref<1x10240x64xf32, #tpu.memory_space<hbm>> -> memref<10240x64xf32, #tpu.memory_space<hbm>>
      %dma_wait3A_76 = arith.constant 0 : i32
      %dma_wait3A_77 = tpu.memref_slice %dma_wait3A_75[%add3A_61, %dma_wait3A_76] : memref<10240x64xf32, #tpu.memory_space<hbm>> -> memref<128x64xf32, #tpu.memory_space<hbm>>
      %dma_wait3A_78 = arith.constant 0 : i32
      %dma_wait3A_79 = arith.constant 0 : i32
      %dma_wait3A_80 = tpu.memref_slice %arg6[%arg0, %dma_wait3A_78, %dma_wait3A_79] : memref<2x10240x64xf32, #tpu.memory_space<hbm>> -> memref<1x10240x64xf32, #tpu.memory_space<hbm>>
      %dma_wait3A_81 = tpu.memref_squeeze %dma_wait3A_80 : memref<1x10240x64xf32, #tpu.memory_space<hbm>> -> memref<10240x64xf32, #tpu.memory_space<hbm>>
      %dma_wait3A_82 = arith.constant 0 : i32
      %dma_wait3A_83 = tpu.memref_slice %dma_wait3A_81[%add3A_61, %dma_wait3A_82] : memref<10240x64xf32, #tpu.memory_space<hbm>> -> memref<128x64xf32, #tpu.memory_space<hbm>>
      tpu.wait_dma2 semaphore(%run_scoped3A : memref<!tpu.dma_semaphore, #tpu.memory_space<semaphore_mem>>) src(%arg9 : memref<128x64xf32, #tpu.memory_space<vmem>>) dst(%dma_wait3A_83 : memref<128x64xf32, #tpu.memory_space<hbm>>)
      tpu.yield
    }) : () -> ()
    return
  }
}

module attributes {stable_mosaic.version = 14 : i64} {
  func.func @_tc1_body(%arg0: i32, %arg1: memref<2x256x16xf32, #tpu.memory_space<vmem>>, %arg2: memref<256x128xf32, #tpu.memory_space<vmem>>, %arg3: memref<128x128xf32, #tpu.memory_space<vmem>>, %arg4: memref<256x128xf32, #tpu.memory_space<vmem>>, %arg5: memref<256x128xf32, #tpu.memory_space<vmem>>) attributes {dimension_semantics = [#tpu.dimension_semantics<arbitrary>], iteration_bounds = array<i64: 40>, scalar_prefetch = 0 : i64, scratch_operands = 0 : i64, tpu.core_type = #tpu.core_type<tc>, window_params = [{transform_indices = @transform_0, window_bounds = array<i64: 2, 256, 16>}, {transform_indices = @transform_1, window_bounds = array<i64: 256, 128>}, {pipeline_mode = #tpu.pipeline_mode<synchronous>, transform_indices = @transform_2, window_bounds = array<i64: 128, 128>}, {transform_indices = @transform_3, window_bounds = array<i64: 256, 128>}, {transform_indices = @transform_4, window_bounds = array<i64: 256, 128>}]} {
    %get3A = arith.constant 0 : index
    %get3A_0 = arith.constant 0 : index
    %get3A_1 = arith.constant 0 : index
    %get3A_2 = vector.load %arg1[%get3A, %get3A_0, %get3A_1] : memref<2x256x16xf32, #tpu.memory_space<vmem>>, vector<1x256x1xf32>
    %get3A_3 = vector.shape_cast %get3A_2 : vector<1x256x1xf32> to vector<256x1xf32>
    %get3A_4 = arith.constant 1 : index
    %get3A_5 = arith.constant 0 : index
    %get3A_6 = arith.constant 0 : index
    %get3A_7 = vector.load %arg1[%get3A_4, %get3A_5, %get3A_6] : memref<2x256x16xf32, #tpu.memory_space<vmem>>, vector<1x256x1xf32>
    %get3A_8 = vector.shape_cast %get3A_7 : vector<1x256x1xf32> to vector<256x1xf32>
    %add3A = arith.addf %get3A_3, %get3A_8 : vector<256x1xf32>
    %add3A_9 = arith.constant 1.000000e+00 : f32
    %add3A_10 = vector.broadcast %add3A_9 : f32 to vector<256x1xf32>
    %add3A_11 = arith.addf %add3A, %add3A_10 : vector<256x1xf32>
    %rsqrt3A = math.rsqrt %add3A_11 : vector<256x1xf32>
    %mul3A = arith.constant 256 : i32
    %mul3A_12 = arith.muli %arg0, %mul3A : i32
    %iota3A = tpu.iota {dimensions = array<i32: 0>} : vector<256x1xi32>
    %add3A_13 = vector.broadcast %mul3A_12 : i32 to vector<256x1xi32>
    %add3A_14 = arith.addi %add3A_13, %iota3A : vector<256x1xi32>
    %lt3A = arith.constant 10000 : i32
    %lt3A_15 = vector.broadcast %lt3A : i32 to vector<256x1xi32>
    %lt3A_16 = arith.cmpi slt, %add3A_14, %lt3A_15 : vector<256x1xi32>
    %jit3A = arith.constant 0.000000e+00 : f32
    %broadcast_in_dim3A = vector.broadcast %jit3A : f32 to vector<256x1xf32>
    %select_n3A = arith.select %lt3A_16, %rsqrt3A, %broadcast_in_dim3A : vector<256x1xi1>, vector<256x1xf32>
    %get3A_17 = arith.constant 0 : index
    %get3A_18 = arith.constant 0 : index
    %get3A_19 = vector.load %arg2[%get3A_17, %get3A_18] : memref<256x128xf32, #tpu.memory_space<vmem>>, vector<256x128xf32>
    %get3A_20 = arith.constant 0 : index
    %get3A_21 = arith.constant 0 : index
    %get3A_22 = vector.load %arg3[%get3A_20, %get3A_21] : memref<128x128xf32, #tpu.memory_space<vmem>>, vector<128x128xf32>
    %dot_general3A = arith.constant dense<0.000000e+00> : vector<256x128xf32>
    %dot_general3A_23 = tpu.matmul %get3A_19, %get3A_22, %dot_general3A {dimension_numbers = #tpu.dot_dimension_numbers<[1], [0], [0], [1], [0, 0, 1, 1], [], []>, transpose_lhs_hint = false} : vector<256x128xf32>, vector<128x128xf32>, vector<256x128xf32> -> vector<256x128xf32>
    %mul3A_24 = vector.broadcast %select_n3A : vector<256x1xf32> to vector<256x128xf32>
    %mul3A_25 = arith.mulf %dot_general3A_23, %mul3A_24 : vector<256x128xf32>
    %swap3A = arith.constant 0 : index
    %swap3A_26 = arith.constant 0 : index
    %swap3A_27 = vector.load %arg4[%swap3A, %swap3A_26] : memref<256x128xf32, #tpu.memory_space<vmem>>, vector<256x128xf32>
    tpu.vector_store %arg4[%swap3A, %swap3A_26], %mul3A_25 {strides = array<i32>} : memref<256x128xf32, #tpu.memory_space<vmem>>, vector<256x128xf32>,
    %broadcast_in_dim3A_28 = vector.shape_cast %select_n3A : vector<256x1xf32> to vector<256x1xf32>
    %broadcast_in_dim3A_29 = vector.broadcast %broadcast_in_dim3A_28 : vector<256x1xf32> to vector<256x128xf32>
    %swap3A_30 = arith.constant 0 : index
    %swap3A_31 = arith.constant 0 : index
    %swap3A_32 = vector.load %arg5[%swap3A_30, %swap3A_31] : memref<256x128xf32, #tpu.memory_space<vmem>>, vector<256x128xf32>
    tpu.vector_store %arg5[%swap3A_30, %swap3A_31], %broadcast_in_dim3A_29 {strides = array<i32>} : memref<256x128xf32, #tpu.memory_space<vmem>>, vector<256x128xf32>,
    return
  }
  func.func @transform_0(%arg0: i32) -> (i32, i32, i32) {
    %c0_i32 = arith.constant 0 : i32
    %c0_i32_0 = arith.constant 0 : i32
    %c0_i32_1 = arith.constant 0 : i32
    return %c0_i32, %arg0, %c0_i32_0 : i32, i32, i32
  }
  func.func @transform_1(%arg0: i32) -> (i32, i32) {
    %c0_i32 = arith.constant 0 : i32
    %c0_i32_0 = arith.constant 0 : i32
    return %arg0, %c0_i32 : i32, i32
  }
  func.func @transform_2(%arg0: i32) -> (i32, i32) {
    %c0_i32 = arith.constant 0 : i32
    %c0_i32_0 = arith.constant 0 : i32
    %c0_i32_1 = arith.constant 0 : i32
    return %c0_i32, %c0_i32_0 : i32, i32
  }
  func.func @transform_3(%arg0: i32) -> (i32, i32) {
    %c0_i32 = arith.constant 0 : i32
    %c0_i32_0 = arith.constant 0 : i32
    return %arg0, %c0_i32 : i32, i32
  }
  func.func @transform_4(%arg0: i32) -> (i32, i32) {
    %c0_i32 = arith.constant 0 : i32
    %c0_i32_0 = arith.constant 0 : i32
    return %arg0, %c0_i32 : i32, i32
  }
}

module attributes {stable_mosaic.version = 14 : i64} {
  func.func @_tc2_body(%arg0: i32, %arg1: memref<1x256x64xf32, #tpu.memory_space<vmem>>, %arg2: memref<1x256x64xf32, #tpu.memory_space<vmem>>, %arg3: memref<256x128xf32, #tpu.memory_space<vmem>>, %arg4: memref<256x128xf32, #tpu.memory_space<vmem>>, %arg5: memref<128x128xf32, #tpu.memory_space<vmem>>, %arg6: memref<1x128xf32, #tpu.memory_space<vmem>>, %arg7: memref<256x128xf32, #tpu.memory_space<vmem>>) attributes {dimension_semantics = [#tpu.dimension_semantics<arbitrary>], iteration_bounds = array<i64: 40>, scalar_prefetch = 0 : i64, scratch_operands = 0 : i64, tpu.core_type = #tpu.core_type<tc>, window_params = [{transform_indices = @transform_0, window_bounds = array<i64: 1, 256, 64>}, {transform_indices = @transform_1, window_bounds = array<i64: 1, 256, 64>}, {transform_indices = @transform_2, window_bounds = array<i64: 256, 128>}, {transform_indices = @transform_3, window_bounds = array<i64: 256, 128>}, {pipeline_mode = #tpu.pipeline_mode<synchronous>, transform_indices = @transform_4, window_bounds = array<i64: 128, 128>}, {pipeline_mode = #tpu.pipeline_mode<synchronous>, transform_indices = @transform_5, window_bounds = array<i64: 1, 128>}, {transform_indices = @transform_6, window_bounds = array<i64: 256, 128>}]} {
    %get3A = arith.constant 0 : index
    %get3A_0 = arith.constant 0 : index
    %get3A_1 = arith.constant 0 : index
    %get3A_2 = vector.load %arg1[%get3A, %get3A_0, %get3A_1] : memref<1x256x64xf32, #tpu.memory_space<vmem>>, vector<1x256x64xf32>
    %get3A_3 = vector.shape_cast %get3A_2 : vector<1x256x64xf32> to vector<256x64xf32>
    %get3A_4 = arith.constant 0 : index
    %get3A_5 = arith.constant 0 : index
    %get3A_6 = arith.constant 0 : index
    %get3A_7 = vector.load %arg2[%get3A_4, %get3A_5, %get3A_6] : memref<1x256x64xf32, #tpu.memory_space<vmem>>, vector<1x256x64xf32>
    %get3A_8 = vector.shape_cast %get3A_7 : vector<1x256x64xf32> to vector<256x64xf32>
    %concatenate3A = tpu.concatenate %get3A_3, %get3A_8 in 1 : vector<256x64xf32>, vector<256x64xf32> -> vector<256x128xf32>
    %get3A_9 = arith.constant 0 : index
    %get3A_10 = arith.constant 0 : index
    %get3A_11 = vector.load %arg4[%get3A_9, %get3A_10] : memref<256x128xf32, #tpu.memory_space<vmem>>, vector<256x128xf32>
    %get3A_12 = arith.constant 0 : index
    %get3A_13 = arith.constant 0 : index
    %get3A_14 = vector.load %arg3[%get3A_12, %get3A_13] : memref<256x128xf32, #tpu.memory_space<vmem>>, vector<256x128xf32>
    %add3A = arith.addf %concatenate3A, %get3A_14 : vector<256x128xf32>
    %mul3A = arith.mulf %get3A_11, %add3A : vector<256x128xf32>
    %get3A_15 = arith.constant 0 : index
    %get3A_16 = arith.constant 0 : index
    %get3A_17 = vector.load %arg6[%get3A_15, %get3A_16] : memref<1x128xf32, #tpu.memory_space<vmem>>, vector<1x128xf32>
    %add3A_18 = vector.broadcast %get3A_17 : vector<1x128xf32> to vector<256x128xf32>
    %add3A_19 = arith.addf %mul3A, %add3A_18 : vector<256x128xf32>
    %get3A_20 = arith.constant 0 : index
    %get3A_21 = arith.constant 0 : index
    %get3A_22 = vector.load %arg5[%get3A_20, %get3A_21] : memref<128x128xf32, #tpu.memory_space<vmem>>, vector<128x128xf32>
    %dot_general3A = arith.constant dense<0.000000e+00> : vector<256x128xf32>
    %dot_general3A_23 = tpu.matmul %add3A_19, %get3A_22, %dot_general3A {dimension_numbers = #tpu.dot_dimension_numbers<[1], [0], [0], [1], [0, 0, 1, 1], [], []>, transpose_lhs_hint = false} : vector<256x128xf32>, vector<128x128xf32>, vector<256x128xf32> -> vector<256x128xf32>
    %get3A_24 = arith.constant 0 : index
    %get3A_25 = arith.constant 0 : index
    %get3A_26 = vector.load %arg4[%get3A_24, %get3A_25] : memref<256x128xf32, #tpu.memory_space<vmem>>, vector<256x128xf32>
    %mul3A_27 = arith.mulf %dot_general3A_23, %get3A_26 : vector<256x128xf32>
    %swap3A = arith.constant 0 : index
    %swap3A_28 = arith.constant 0 : index
    %swap3A_29 = vector.load %arg7[%swap3A, %swap3A_28] : memref<256x128xf32, #tpu.memory_space<vmem>>, vector<256x128xf32>
    tpu.vector_store %arg7[%swap3A, %swap3A_28], %mul3A_27 {strides = array<i32>} : memref<256x128xf32, #tpu.memory_space<vmem>>, vector<256x128xf32>,
    return
  }
  func.func @transform_0(%arg0: i32) -> (i32, i32, i32) {
    %c0_i32 = arith.constant 0 : i32
    %c0_i32_0 = arith.constant 0 : i32
    %c0_i32_1 = arith.constant 0 : i32
    return %c0_i32, %arg0, %c0_i32_0 : i32, i32, i32
  }
  func.func @transform_1(%arg0: i32) -> (i32, i32, i32) {
    %c0_i32 = arith.constant 0 : i32
    %c0_i32_0 = arith.constant 0 : i32
    %c0_i32_1 = arith.constant 0 : i32
    return %c0_i32, %arg0, %c0_i32_0 : i32, i32, i32
  }
  func.func @transform_2(%arg0: i32) -> (i32, i32) {
    %c0_i32 = arith.constant 0 : i32
    %c0_i32_0 = arith.constant 0 : i32
    return %arg0, %c0_i32 : i32, i32
  }
  func.func @transform_3(%arg0: i32) -> (i32, i32) {
    %c0_i32 = arith.constant 0 : i32
    %c0_i32_0 = arith.constant 0 : i32
    return %arg0, %c0_i32 : i32, i32
  }
  func.func @transform_4(%arg0: i32) -> (i32, i32) {
    %c0_i32 = arith.constant 0 : i32
    %c0_i32_0 = arith.constant 0 : i32
    %c0_i32_1 = arith.constant 0 : i32
    return %c0_i32, %c0_i32_0 : i32, i32
  }
  func.func @transform_5(%arg0: i32) -> (i32, i32) {
    %c0_i32 = arith.constant 0 : i32
    %c0_i32_0 = arith.constant 0 : i32
    %c0_i32_1 = arith.constant 0 : i32
    return %c0_i32, %c0_i32_0 : i32, i32
  }
  func.func @transform_6(%arg0: i32) -> (i32, i32) {
    %c0_i32 = arith.constant 0 : i32
    %c0_i32_0 = arith.constant 0 : i32
    return %arg0, %c0_i32 : i32, i32
  }
}

module attributes {stable_mosaic.version = 14 : i64} {
  func.func @_tc3_body(%arg0: i32, %arg1: memref<1x256x64xf32, #tpu.memory_space<vmem>>, %arg2: memref<1x256x64xf32, #tpu.memory_space<vmem>>, %arg3: memref<256x128xf32, #tpu.memory_space<vmem>>, %arg4: memref<256x128xf32, #tpu.memory_space<vmem>>, %arg5: memref<1x128xf32, #tpu.memory_space<vmem>>, %arg6: memref<128x128xf32, #tpu.memory_space<vmem>>, %arg7: memref<1x128xf32, #tpu.memory_space<vmem>>, %arg8: memref<256x128xf32, #tpu.memory_space<vmem>>) attributes {dimension_semantics = [#tpu.dimension_semantics<arbitrary>], iteration_bounds = array<i64: 40>, scalar_prefetch = 0 : i64, scratch_operands = 0 : i64, tpu.core_type = #tpu.core_type<tc>, window_params = [{transform_indices = @transform_0, window_bounds = array<i64: 1, 256, 64>}, {transform_indices = @transform_1, window_bounds = array<i64: 1, 256, 64>}, {transform_indices = @transform_2, window_bounds = array<i64: 256, 128>}, {transform_indices = @transform_3, window_bounds = array<i64: 256, 128>}, {pipeline_mode = #tpu.pipeline_mode<synchronous>, transform_indices = @transform_4, window_bounds = array<i64: 1, 128>}, {pipeline_mode = #tpu.pipeline_mode<synchronous>, transform_indices = @transform_5, window_bounds = array<i64: 128, 128>}, {pipeline_mode = #tpu.pipeline_mode<synchronous>, transform_indices = @transform_6, window_bounds = array<i64: 1, 128>}, {transform_indices = @transform_7, window_bounds = array<i64: 256, 128>}]} {
    %get3A = arith.constant 0 : index
    %get3A_0 = arith.constant 0 : index
    %get3A_1 = arith.constant 0 : index
    %get3A_2 = vector.load %arg1[%get3A, %get3A_0, %get3A_1] : memref<1x256x64xf32, #tpu.memory_space<vmem>>, vector<1x256x64xf32>
    %get3A_3 = vector.shape_cast %get3A_2 : vector<1x256x64xf32> to vector<256x64xf32>
    %get3A_4 = arith.constant 0 : index
    %get3A_5 = arith.constant 0 : index
    %get3A_6 = arith.constant 0 : index
    %get3A_7 = vector.load %arg2[%get3A_4, %get3A_5, %get3A_6] : memref<1x256x64xf32, #tpu.memory_space<vmem>>, vector<1x256x64xf32>
    %get3A_8 = vector.shape_cast %get3A_7 : vector<1x256x64xf32> to vector<256x64xf32>
    %concatenate3A = tpu.concatenate %get3A_3, %get3A_8 in 1 : vector<256x64xf32>, vector<256x64xf32> -> vector<256x128xf32>
    %get3A_9 = arith.constant 0 : index
    %get3A_10 = arith.constant 0 : index
    %get3A_11 = vector.load %arg4[%get3A_9, %get3A_10] : memref<256x128xf32, #tpu.memory_space<vmem>>, vector<256x128xf32>
    %get3A_12 = arith.constant 0 : index
    %get3A_13 = arith.constant 0 : index
    %get3A_14 = vector.load %arg3[%get3A_12, %get3A_13] : memref<256x128xf32, #tpu.memory_space<vmem>>, vector<256x128xf32>
    %add3A = arith.addf %concatenate3A, %get3A_14 : vector<256x128xf32>
    %mul3A = arith.mulf %get3A_11, %add3A : vector<256x128xf32>
    %get3A_15 = arith.constant 0 : index
    %get3A_16 = arith.constant 0 : index
    %get3A_17 = vector.load %arg5[%get3A_15, %get3A_16] : memref<1x128xf32, #tpu.memory_space<vmem>>, vector<1x128xf32>
    %add3A_18 = vector.broadcast %get3A_17 : vector<1x128xf32> to vector<256x128xf32>
    %add3A_19 = arith.addf %mul3A, %add3A_18 : vector<256x128xf32>
    %get3A_20 = arith.constant 0 : index
    %get3A_21 = arith.constant 0 : index
    %get3A_22 = vector.load %arg6[%get3A_20, %get3A_21] : memref<128x128xf32, #tpu.memory_space<vmem>>, vector<128x128xf32>
    %dot_general3A = arith.constant dense<0.000000e+00> : vector<256x128xf32>
    %dot_general3A_23 = tpu.matmul %add3A_19, %get3A_22, %dot_general3A {dimension_numbers = #tpu.dot_dimension_numbers<[1], [0], [0], [1], [0, 0, 1, 1], [], []>, transpose_lhs_hint = false} : vector<256x128xf32>, vector<128x128xf32>, vector<256x128xf32> -> vector<256x128xf32>
    %get3A_24 = arith.constant 0 : index
    %get3A_25 = arith.constant 0 : index
    %get3A_26 = vector.load %arg7[%get3A_24, %get3A_25] : memref<1x128xf32, #tpu.memory_space<vmem>>, vector<1x128xf32>
    %add3A_27 = vector.broadcast %get3A_26 : vector<1x128xf32> to vector<256x128xf32>
    %add3A_28 = arith.addf %dot_general3A_23, %add3A_27 : vector<256x128xf32>
    %jit3A = arith.constant -4.000000e+00 : f32
    %jit3A_29 = arith.constant 4.000000e+00 : f32
    %max3A = vector.broadcast %jit3A : f32 to vector<256x128xf32>
    %max3A_30 = arith.maximumf %max3A, %add3A_28 : vector<256x128xf32>
    %min3A = vector.broadcast %jit3A_29 : f32 to vector<256x128xf32>
    %min3A_31 = arith.minimumf %min3A, %max3A_30 : vector<256x128xf32>
    %swap3A = arith.constant 0 : index
    %swap3A_32 = arith.constant 0 : index
    %swap3A_33 = vector.load %arg8[%swap3A, %swap3A_32] : memref<256x128xf32, #tpu.memory_space<vmem>>, vector<256x128xf32>
    tpu.vector_store %arg8[%swap3A, %swap3A_32], %min3A_31 {strides = array<i32>} : memref<256x128xf32, #tpu.memory_space<vmem>>, vector<256x128xf32>,
    return
  }
  func.func @transform_0(%arg0: i32) -> (i32, i32, i32) {
    %c0_i32 = arith.constant 0 : i32
    %c0_i32_0 = arith.constant 0 : i32
    %c0_i32_1 = arith.constant 0 : i32
    return %c0_i32, %arg0, %c0_i32_0 : i32, i32, i32
  }
  func.func @transform_1(%arg0: i32) -> (i32, i32, i32) {
    %c0_i32 = arith.constant 0 : i32
    %c0_i32_0 = arith.constant 0 : i32
    %c0_i32_1 = arith.constant 0 : i32
    return %c0_i32, %arg0, %c0_i32_0 : i32, i32, i32
  }
  func.func @transform_2(%arg0: i32) -> (i32, i32) {
    %c0_i32 = arith.constant 0 : i32
    %c0_i32_0 = arith.constant 0 : i32
    return %arg0, %c0_i32 : i32, i32
  }
  func.func @transform_3(%arg0: i32) -> (i32, i32) {
    %c0_i32 = arith.constant 0 : i32
    %c0_i32_0 = arith.constant 0 : i32
    return %arg0, %c0_i32 : i32, i32
  }
  func.func @transform_4(%arg0: i32) -> (i32, i32) {
    %c0_i32 = arith.constant 0 : i32
    %c0_i32_0 = arith.constant 0 : i32
    %c0_i32_1 = arith.constant 0 : i32
    return %c0_i32, %c0_i32_0 : i32, i32
  }
  func.func @transform_5(%arg0: i32) -> (i32, i32) {
    %c0_i32 = arith.constant 0 : i32
    %c0_i32_0 = arith.constant 0 : i32
    %c0_i32_1 = arith.constant 0 : i32
    return %c0_i32, %c0_i32_0 : i32, i32
  }
  func.func @transform_6(%arg0: i32) -> (i32, i32) {
    %c0_i32 = arith.constant 0 : i32
    %c0_i32_0 = arith.constant 0 : i32
    %c0_i32_1 = arith.constant 0 : i32
    return %c0_i32, %c0_i32_0 : i32, i32
  }
  func.func @transform_7(%arg0: i32) -> (i32, i32) {
    %c0_i32 = arith.constant 0 : i32
    %c0_i32_0 = arith.constant 0 : i32
    return %arg0, %c0_i32 : i32, i32
  }
}

</mosaic_0001>

<sc_bundles>
// kernel: kernel.11.cloned.1.call-start
scs
__scs_entry_jumppad:
0x0: {  	(pc) =	sbr.rel $0x88, $3  }
0x1: {  	(tag) =	ssettag $0x0;
	lr =	simm.s32 $0x1  }
0x2: {  	[smem:$0x3F99] =	sst lr;
	_ =	strace $0xD0000000  }
0x3: {  	_ = 	snop  }
0x4: {  	_ = 	snop  }
0x5: {  	_ = 	snop  }
0x6: {  	_ = 	snop  }
0x7: {  	_ = 	snop  }
__scs_overlays_trampoline_lowered:
0x8: {  	[smem:$0x3FA8] =	sst s0  }
0x9: {  	[smem:$0x3FA9] =	sst s1  }
0xa: {  	[smem:$0x3FAA] =	sst s2  }
0xb: {  	[smem:$0x3FAB] =	sst s3  }
0xc: {  	[smem:$0x3FAC] =	sst s4  }
0xd: {  	[smem:$0x3FAD] =	sst s5  }
0xe: {  	[smem:$0x3FAE] =	sst s6  }
0xf: {  	[smem:$0x3FAF] =	sst s7  }
0x10: {  	[smem:$0x3FB0] =	sst s8  }
0x11: {  	[smem:$0x3FB1] =	sst s9;
	s0 =	simm.s32 @!p0 $0x0  }
0x12: {  	s1 =	sld [smem:$0x3F97];
	s0 =	simm.s32 @p0 $0x1  }
0x13: {  	[smem:$0x3FB2] =	sst s0;
	s0 =	simm.s32 @!p1 $0x0  }
0x14: {  	s2 =	sld [smem:$0x3F96];
	s0 =	simm.s32 @p1 $0x1  }
0x15: {  	[smem:$0x3FB3] =	sst s0;
	s0 =	simm.s32 @!p2 $0x0  }
0x16: {  	s3 =	sld [smem:$0x3FDB];
	s0 =	simm.s32 @p2 $0x1  }
0x17: {  	s4 =	simm.s32 $0x1BF5;
	[smem:$0x3FB5] =	sst s0  }
0x18: {  	s0 =	sld [smem:$0x3F98];
	_ =	swait.ge [sflag:s4], $0x0  }
0x19: {  	s7 =	sld [smem:$0x3F99]  }
0x1a: {  	s8 =	sadd.s32 $0xFFFFE003, lr  }
0x1b: {  	s9 =	sadd.s32 $0xFFFFFEF7, lr;
	s5 =	simm.s32 $0xFFFFFFFF;
	p2 =	slt.u32 s8, $0xFFFFF086  }
0x1c: {  	p1 =	slt.u32 s9, $0xF7A;
	s5 =	simm.s32 @!p2 $0x0  }
0x1d: {  	s5 =	simm.s32 @p1 $0x1;
	p0 =	seq.s32 s7, s2  }
0x1e: {  	s7 =	smul.u32 @!p0 $0xF7A, s2;
	p2 =	seq.s32 @!p0 s5, $0x0  }
0x1f: {  	s9 =	smul.u32 $0xF7A, s1;
	s8 =	simm.s32 @!p0 $0x1BF5;
	p2 =	por !p2, p0  }
0x20: {  	[sflag:s8] =	ssyncset.s32 @!p0 $0xFFFFF086;
	s6 =	sadd.s32 @!p0 s3, s7;
	s7 =	simm.s32 @!p0 $0x108  }
0x21: {  	s3 =	sadd.s32 s3, s9;
	s6 =	sadd.s32 @!p0 $0x88, s6;
	s7 =	simm.s32 @p2 $0x1082  }
0x22: {  	[simem:s7], [sflag:s8] =	dma.local @!p0 [hbm:s6], $0xF7A  }
0x23: {  	s9 =	sor.u32 $0xD0000000, s2;
	s6 =	simm.s32 $0x108;
	_ =	swait.ge @!p0 [sflag:s8], $0x0  }
0x24: {  	s3 =	sadd.s32 $0x88, s3;
	s6 =	simm.s32 @!p1 $0x1082;
	[sflag:s4] =	ssyncset.s32 $0xFFFFF086  }
0x25: {  	[simem:s6], [sflag:s4] =	dma.local [hbm:s3], $0xF7A  }
0x26: {  	[smem:$0x3F99] =	sst s1;
	(tag) =	ssettag s2;
	_ =	strace s9  }
0x27: {  	s1 =	sld [smem:$0x3FA9]  }
0x28: {  	s2 =	sld [smem:$0x3FAA]  }
0x29: {  	s4 =	sld [smem:$0x3FAC]  }
0x2a: {  	p0 =	seq.s32 s5, $0x0;
	s5 =	sld [smem:$0x3FAD]  }
0x2b: {  	s6 =	sld [smem:$0x3FAE]  }
0x2c: {  	s7 =	sld [smem:$0x3FAF]  }
0x2d: {  	s3 =	simm.s32 $0x108;
	s8 =	sld [smem:$0x3FB0]  }
0x2e: {  	s3 =	simm.s32 @!p0 $0x1082;
	s9 =	sld [smem:$0x3FB1]  }
0x2f: {  	lr =	sadd.s32 s0, s3;
	s0 =	sld [smem:$0x3FA8]  }
0x30: {  	s3 =	sld [smem:$0x3FAB]  }
0x31: {  	[smem:$0x3FB4] =	sst s10  }
0x32: {  	s10 =	sld [smem:$0x3FB2];
	_ =	sdelay $0x3  }
0x33: {  	p0 =	seq.s32 s10, $0x1;
	s10 =	sld [smem:$0x3FB4];
	_ =	sdelay $0x3  }
0x34: {  	[smem:$0x3FB4] =	sst s10  }
0x35: {  	s10 =	sld [smem:$0x3FB3];
	_ =	sdelay $0x3  }
0x36: {  	p1 =	seq.s32 s10, $0x1;
	s10 =	sld [smem:$0x3FB4];
	_ =	sdelay $0x3  }
0x37: {  	[smem:$0x3FB4] =	sst s10  }
0x38: {  	s10 =	sld [smem:$0x3FB5]  }
0x39: {  	_ = 	snop;
	(pc) =	sbr.ind lr, $3  }
0x3a: {  	_ = 	snop  }
0x3b: {  	_ = 	snop  }
0x3c: {  	p2 =	seq.s32 s10, $0x1;
	s10 =	sld [smem:$0x3FB4]  }
0x3d: {  	_ =	shalt  }
0x3e: {  	_ =	shalt  }
0x3f: {  	_ =	shalt  }
0x40: {  	_ =	shalt  }
0x41: {  	_ =	shalt  }
0x42: {  	_ =	shalt  }
0x43: {  	_ =	shalt  }
0x44: {  	_ =	shalt  }
0x45: {  	_ =	shalt  }
0x46: {  	_ =	shalt  }
0x47: {  	_ =	shalt  }
0x48: {  	_ =	shalt  }
0x49: {  	_ =	shalt  }
0x4a: {  	_ =	shalt  }
0x4b: {  	_ =	shalt  }
0x4c: {  	_ =	shalt  }
0x4d: {  	_ =	shalt  }
0x4e: {  	_ =	shalt  }
0x4f: {  	_ =	shalt  }
0x50: {  	_ =	shalt  }
0x51: {  	_ =	shalt  }
0x52: {  	_ =	shalt  }
0x53: {  	_ =	shalt  }
0x54: {  	_ =	shalt  }
0x55: {  	_ =	shalt  }
0x56: {  	_ =	shalt  }
0x57: {  	_ =	shalt  }
0x58: {  	_ =	shalt  }
0x59: {  	_ =	shalt  }
0x5a: {  	_ =	shalt  }
0x5b: {  	_ =	shalt  }
0x5c: {  	_ =	shalt  }
0x5d: {  	_ =	shalt  }
0x5e: {  	_ =	shalt  }
0x5f: {  	_ =	shalt  }
0x60: {  	_ =	shalt  }
0x61: {  	_ =	shalt  }
0x62: {  	_ =	shalt  }
0x63: {  	_ =	shalt  }
0x64: {  	_ =	shalt  }
0x65: {  	_ =	shalt  }
0x66: {  	_ =	shalt  }
0x67: {  	_ =	shalt  }
0x68: {  	_ =	shalt  }
0x69: {  	_ =	shalt  }
0x6a: {  	_ =	shalt  }
0x6b: {  	_ =	shalt  }
0x6c: {  	_ =	shalt  }
0x6d: {  	_ =	shalt  }
0x6e: {  	_ =	shalt  }
0x6f: {  	_ =	shalt  }
0x70: {  	_ =	shalt  }
0x71: {  	_ =	shalt  }
0x72: {  	_ =	shalt  }
0x73: {  	_ =	shalt  }
0x74: {  	_ =	shalt  }
0x75: {  	_ =	shalt  }
0x76: {  	_ =	shalt  }
0x77: {  	_ =	shalt  }
0x78: {  	_ =	shalt  }
0x79: {  	_ =	shalt  }
0x7a: {  	_ =	shalt  }
0x7b: {  	_ =	shalt  }
0x7c: {  	_ =	shalt  }
0x7d: {  	_ =	shalt  }
0x7e: {  	_ =	shalt  }
0x7f: {  	_ =	shalt  }
0x80: {  	_ =	shalt  }
0x81: {  	_ =	shalt  }
0x82: {  	_ =	shalt  }
0x83: {  	_ =	shalt  }
0x84: {  	_ =	shalt  }
0x85: {  	_ =	shalt  }
0x86: {  	_ =	shalt  }
0x87: {  	_ =	shalt  }
.Lfunc_end0:
.L_simem_size_0:
called_computation.1_lowered:
.L_overlay_start_0:
0x88: {  	s2 =	sld [smem:$0x3FD9]  }
0x89: {  	s3 =	sld [smem:$0x3FFE];
	_ =	sdelay $0x1  }
0x8a: {  	s1 =	srdreg.scid  }
0x8b: {  	s0 =	sand.u32 $0x1, s1  }
0x8c: {  	s17 =	sshll.u32 s0, $0xA;
	s2 =	sadd.s32 s3, s2  }
0x8d: {  	s2 =	sadd.s32 s2, s17  }
0x8e: {  	[smem:$0x3FC0] =	sst s2  }
0x8f: {  	_ = 	snop  }
0x90: {  	s2 =	sld [smem:$0x3FD0];
	(tm) =	ssettm $0x1  }
0x91: {  	s18 =	sld [smem:$0x3FFB];
	_ =	sdelay $0x3  }
0x92: {  	_ =	strace s18  }
0x93: {  	s3 =	sld [smem:$0x3FFC];
	_ =	sdelay $0x3  }
0x94: {  	_ =	strace s3  }
0x95: {  	s3 =	sld [smem:$0x3FFD];
	_ =	sdelay $0x3  }
0x96: {  	_ =	strace s3  }
0x97: {  	_ =	strace $0x8FFFFFFF  }
0x98: {  	s19 =	sld [smem:$0x3FDB];
	_ =	sdelay $0x1  }
0x99: {  	s4 =	simm.s32 $_scs_section_size  }
0x9a: {  	s5 =	simm.s32 $_size__tile_overlayer_lowered;
	s6 =	simm.s32 $_tile_overlayer_lowered  }
0x9b: {  	s22 =	simm.s32 $0x1BFF;
	s21 =	sshll.u32 s6, $0x1;
	s3 =	sadd.s32 s4, s19  }
0x9c: {  	s7 =	simm.s32 $0x0;
	s20 =	sshll.u32 s5, $0x1;
	s5 =	sadd.s32 s21, s3  }
0x9d: {  	[timem:s7], [sflag:s22] =	dma.local [hbm:s5], s20  }
0x9e: {  	_ =	swait.ge [sflag:s22], s20  }
0x9f: {  	s4 =	ssub.s32 $0x0, s20;
	[sflag:s22] =	ssyncset.done $0x0  }
0xa0: {  	[sflag:s22] =	ssyncadd.s32 s4;
	_ =	sdelay $0x1  }
0xa1: {  	s23 =	simm.s32 $0x1B8B  }
0xa2: {  	_ =	swait.ge [sflag:s23], $0x1  }
0xa3: {  	[sflag:s23] =	ssyncset.done $0x0  }
0xa4: {  	s25 =	simm.s32 $0x1B8E;
	s24 =	sld [smem:$0x3FFE];
	[sflag:s23] =	ssyncadd.s32 $0xFFFFFFFF  }
0xa5: {  	s26 =	simm.s32 $execute0_lowered;
	[smem:$0x3FD2] =	sst s25  }
0xa6: {  	s5 =	sshll.u32 s26, $0x1;
	_ =	strace $0x80000049;
	[dreg:$0x1] =	wrdreg $0xFFFFFFFF  }
0xa7: {  	s28 =	simm.s32 $_size_execute0_lowered;
	s3 =	sadd.s32 s3, s5;
	[dreg:$0x0] =	wrdreg $0x0  }
0xa8: {  	s5 =	sshll.u32 s28, $0x1;
	[dreg:$0x2] =	wrdreg s3  }
0xa9: {  	[dreg:$0x3] =	wrdreg s5  }
0xaa: {  	[dreg:$0x4] =	wrdreg $0xC0  }
0xab: {  	_ =	task [dreg:s7], $0x5FFFF  }
0xac: {  	[dreg:$0x1] =	wrdreg $0xFFFFFFFF  }
0xad: {  	[dreg:$0x0] =	wrdreg $0x60  }
0xae: {  	[dreg:$0x2] =	wrdreg s2  }
0xaf: {  	[dreg:$0x3] =	wrdreg s24  }
0xb0: {  	[dreg:$0x4] =	wrdreg $0x121000  }
0xb1: {  	[dreg:$0x5] =	wrdreg $0x9  }
0xb2: {  	_ =	task.clear_ibuf [dreg:s7], $0x6FFFF;
	_ =	strace $0x90000049  }
0xb3: {  	s29 =	simm.s32 $0x9;
	_ =	strace $0x8000004B  }
0xb4: {  	_ =	swait.ge [sflag:s29], $0x1  }
0xb5: {  	[sflag:s29] =	ssyncadd.s32 $0xFFFFFFFF  }
0xb6: {  	_ =	strace $0x9000004B  }
0xb7: {  	_ =	sfence  }
0xb8: {  	s30 =	sld [smem:$0x0];
	_ =	sdelay $0x2  }
0xb9: {  	s31 =	sshll.u32 s1, $0xD;
	s1 =	sshrl.u32 s1, $0x2  }
0xba: {  	s3 =	sand.u32 $0x4000, s31;
	s1 =	sadd.s32 s1, s30  }
0xbb: {  	s0 =	sor.u32 s3, s0;
	s1 =	sshll.u32 s1, $0x11  }
0xbc: {  	s0 =	sor.u32 s1, s0  }
0xbd: {  	s0 =	sadd.s32 $0x8F2B, s0  }
0xbe: {  	[sflag:s0] =	ssyncadd.remote.s32 $0x1  }
0xbf: {  	_ =	sfence.sel $0xFFFF  }
0xc0: {  	[dreg:$0x0] =	wrdreg $0xFFFFFFFF;
	(pc) =	sbr.abs _section_cstart, $3  }
0xc1: {  	[dreg:$0x1] =	wrdreg $0xFFFFFFFF  }
0xc2: {  	_ =	task.clear_ibuf [dreg:s7], $0x2FFFF;
	_ =	strace $0x9FFFFFFF  }
0xc3: {  	(tm) =	ssettm $0x7FFFFFFF  }
tec
execute0_lowered:
.L_overlay_start_1:
0x0: {  	(tag) =	ssettag $0x1  }
0x1: {  	s0 =	rddreg [dreg:$0x0]  }
0x2: {  	s1 =	rddreg [dreg:$0x1]  }
0x3: {  	s2 =	rddreg [dreg:$0x2];
	s11 =	stileid.u32;
	s3 =	simm.s32 $0x0  }
0x4: {  	s4 =	srdreg.scid;
	s19 =	simm.s32 $0xE100;
	s25 =	simm.s32 $0x10100  }
0x5: {  	s26 =	simm.s32 $0x1;
	s28 =	simm.s32 $0x2;
	s29 =	simm.s32 $0x0  }
0x6: {  	s6 =	smul.u32 $0xA00, s11;
	[smem:$0x7FF] =	sst s3;
	s13 =	sand.u32 $0x1, s4  }
0x7: {  	s4 =	sadd.s32 $0x48400, s1;
	s5 =	sadd.s32 $0x34400, s1;
	s14 =	smul.u32 $0xA000, s11  }
0x8: {  	_ =	strace $0x8000004A;
	s8 =	smul.u32 $0x14000, s13;
	s9 =	ssub.s32 $0x2, s13  }
0x9: {  	p0 =	seq.s32 s13, $0x1;
	s7 =	sadd.s32 s6, s1;
	s10 =	sshrl.u32 s9, $0x1  }
0xa: {  	s6 =	sadd.s32 s0, s6;
	s31 =	sadd.s32 $0x2000, s14;
	s16 =	sadd.s32 $0x4000, s14  }
0xb: {  	s17 =	sadd.s32 $0x6000, s14;
	s18 =	sadd.s32 $0x8000, s14;
	s20 =	sshrl.u32 s14, $0x3  }
0xc: {  	s1 =	sadd.s32 s8, s1;
	s15 =	ssub.s32 s9, s10;
	s7 =	sadd.s32 $0x2400, s7  }
0xd: {  	s8 =	sadd.s32 s14, s2;
	s9 =	sadd.s32 s31, s2;
	s10 =	sadd.s32 s16, s2  }
0xe: {  	s11 =	sadd.s32 s17, s2;
	s12 =	sadd.s32 s18, s2;
	s0 =	sshrl.u32 s31, $0x3  }
.Ltmp0:
0xf: {  	s22 =	sshrl.u32 s16, $0x3;
	s23 =	sshrl.u32 s17, $0x3;
	(pc) =	sbr.rel .LBB2_1-.Ltmp0, $4  }
0x10: {  	s24 =	sshrl.u32 s18, $0x3;
	s14 =	simm.s32 $0x3;
	s16 =	simm.s32 $0xA100  }
0x11: {  	s17 =	simm.s32 $0x80;
	s18 =	simm.s32 $0xC100;
	s1 =	sadd.s32 $0x5C400, s1  }
0x12: {  	s13 =	smax.u32 s15, $0x1;
	s20 =	sadd.s32 s20, s1;
	s21 =	sadd.s32 s0, s1  }
0x13: {  	v0 =	vimm.s32 $0x0;
	v1 =	vimm.f32 $0.0e+00;
	s22 =	sadd.s32 s22, s1;
	s23 =	sadd.s32 s23, s1;
	s24 =	sadd.s32 s24, s1  }
.LBB2_6:
0x14: {  	s0 =	sadd.s32 $0x100, s30;
	[sflag:s14] =	ssyncadd.s32 $0xFFFFE000  }
0x15: {  	[tilespmem:s19], [sflag:$0x2] =	stream.indirect.gather [hbm4b:s4+s17], $0x40, s0, s17, $0xb8;
	[tilespmem:$0x1C100] =	vst v63  }
0x16: {  	s31 =	sadd.s32 $0x180, s30  }
0x17: {  	[tilespmem:s25], [sflag:$0x2] =	stream.indirect.gather [hbm4b:s4+s17], $0x40, s31, s17, $0xb8;
	[tilespmem:$0x1C100] =	vst v63  }
0x18: {  	_ =	swait.ge [sflag:s26], $0x2000  }
0x19: {  	[sflag:s26] =	ssyncset.done $0x0  }
0x1a: {  	[sflag:s26] =	ssyncadd.s32 $0xFFFFE000  }
0x1b: {  	_ =	swait.ge [sflag:s26], $0x2000  }
0x1c: {  	[sflag:s26] =	ssyncset.done $0x0  }
0x1d: {  	s1 =	sadd.s32 $0x5100, s30;
	[sflag:s26] =	ssyncadd.s32 $0xFFFFE000  }
0x1e: {  	[spmem:s2] =	stream.indirect.scatter.add.f32 [tilespmem:s16], [sflag:$0x3], $0x40, s1, s17, $0xb8;
	[tilespmem:$0x1C100] =	vst v63  }
0x1f: {  	_ =	swait.ge [sflag:s14], $0x2000  }
0x20: {  	[sflag:s14] =	ssyncset.done $0x0  }
0x21: {  	s15 =	sadd.s32 $0x5180, s30;
	[sflag:s14] =	ssyncadd.s32 $0xFFFFE000  }
0x22: {  	[spmem:s2] =	stream.indirect.scatter.add.f32 [tilespmem:s18], [sflag:$0x3], $0x40, s15, s17, $0xb8;
	[tilespmem:$0x1C100] =	vst v63  }
0x23: {  	_ =	swait.ge [sflag:s14], $0x2000  }
0x24: {  	[sflag:s14] =	ssyncset.done $0x0  }
0x25: {  	s31 =	sadd.s32 $0x200, s30;
	[sflag:s14] =	ssyncadd.s32 $0xFFFFE000  }
0x26: {  	[tilespmem:s16], [sflag:$0x1] =	stream.indirect.gather [hbm4b:s4+s17], $0x40, s31, s17, $0xb8;
	[tilespmem:$0x1C100] =	vst v63  }
0x27: {  	s1 =	sadd.s32 $0x280, s30  }
0x28: {  	[tilespmem:s18], [sflag:$0x1] =	stream.indirect.gather [hbm4b:s4+s17], $0x40, s1, s17, $0xb8;
	[tilespmem:$0x1C100] =	vst v63  }
0x29: {  	_ =	swait.ge [sflag:s28], $0x2000  }
0x2a: {  	[sflag:s28] =	ssyncset.done $0x0  }
0x2b: {  	[sflag:s28] =	ssyncadd.s32 $0xFFFFE000  }
0x2c: {  	_ =	swait.ge [sflag:s28], $0x2000  }
0x2d: {  	[sflag:s28] =	ssyncset.done $0x0  }
0x2e: {  	s15 =	sadd.s32 $0x5200, s30;
	[sflag:s28] =	ssyncadd.s32 $0xFFFFE000  }
0x2f: {  	[spmem:s2] =	stream.indirect.scatter.add.f32 [tilespmem:s19], [sflag:$0x3], $0x40, s15, s17, $0xb8;
	[tilespmem:$0x1C100] =	vst v63  }
0x30: {  	_ =	swait.ge [sflag:s14], $0x2000  }
0x31: {  	[sflag:s14] =	ssyncset.done $0x0  }
0x32: {  	s31 =	sadd.s32 $0x5280, s30;
	[sflag:s14] =	ssyncadd.s32 $0xFFFFE000  }
0x33: {  	[spmem:s2] =	stream.indirect.scatter.add.f32 [tilespmem:s25], [sflag:$0x3], $0x40, s31, s17, $0xb8;
	[tilespmem:$0x1C100] =	vst v63  }
0x34: {  	_ =	swait.ge [sflag:s14], $0x2000  }
0x35: {  	[sflag:s14] =	ssyncset.done $0x0  }
0x36: {  	[sflag:s14] =	ssyncadd.s32 $0xFFFFE000  }
.LBB2_10:
0x37: {  	_ =	swait.ge [sflag:s26], $0x2000  }
0x38: {  	[sflag:s26] =	ssyncset.done $0x0  }
0x39: {  	[sflag:s26] =	ssyncadd.s32 $0xFFFFE000  }
0x3a: {  	_ =	swait.ge [sflag:s26], $0x2000  }
0x3b: {  	[sflag:s26] =	ssyncset.done $0x0  }
0x3c: {  	[sflag:s26] =	ssyncadd.s32 $0xFFFFE000  }
0x3d: {  	[bflag:$0x0] =	sbarrier.arrive $0xFFFF  }
0x3e: {  	[tilespmem:s16], [sflag:$0x3] =	stream.linear.gather [spmem:s8], $0x2000, $0x38;
	[tilespmem:$0x1C100] =	vst v63  }
0x3f: {  	_ =	swait.ge [sflag:s14], $0x2000  }
0x40: {  	[sflag:s14] =	ssyncset.done $0x0  }
0x41: {  	[sflag:s14] =	ssyncadd.s32 $0xFFFFE000  }
0x42: {  	[hbm4b:s20+s3] =	stream.linear.scatter [tilespmem:s16], [sflag:$0x3], $0x2000, $0x38;
	[tilespmem:$0x1C100] =	vst v63  }
0x43: {  	_ =	swait.ge [sflag:s14], $0x2000  }
0x44: {  	[sflag:s14] =	ssyncset.done $0x0  }
0x45: {  	[sflag:s14] =	ssyncadd.s32 $0xFFFFE000  }
0x46: {  	[tilespmem:s16], [sflag:$0x3] =	stream.linear.gather [spmem:s9], $0x2000, $0x38;
	[tilespmem:$0x1C100] =	vst v63  }
0x47: {  	_ =	swait.ge [sflag:s14], $0x2000  }
0x48: {  	[sflag:s14] =	ssyncset.done $0x0  }
0x49: {  	[sflag:s14] =	ssyncadd.s32 $0xFFFFE000  }
0x4a: {  	[hbm4b:s21+s3] =	stream.linear.scatter [tilespmem:s16], [sflag:$0x3], $0x2000, $0x38;
	[tilespmem:$0x1C100] =	vst v63  }
0x4b: {  	_ =	swait.ge [sflag:s14], $0x2000  }
0x4c: {  	[sflag:s14] =	ssyncset.done $0x0  }
0x4d: {  	[sflag:s14] =	ssyncadd.s32 $0xFFFFE000  }
0x4e: {  	[tilespmem:s16], [sflag:$0x3] =	stream.linear.gather [spmem:s10], $0x2000, $0x38;
	[tilespmem:$0x1C100] =	vst v63  }
0x4f: {  	_ =	swait.ge [sflag:s14], $0x2000  }
0x50: {  	[sflag:s14] =	ssyncset.done $0x0  }
0x51: {  	[sflag:s14] =	ssyncadd.s32 $0xFFFFE000  }
0x52: {  	[hbm4b:s22+s3] =	stream.linear.scatter [tilespmem:s16], [sflag:$0x3], $0x2000, $0x38;
	[tilespmem:$0x1C100] =	vst v63  }
0x53: {  	_ =	swait.ge [sflag:s14], $0x2000  }
0x54: {  	[sflag:s14] =	ssyncset.done $0x0  }
0x55: {  	[sflag:s14] =	ssyncadd.s32 $0xFFFFE000  }
0x56: {  	[tilespmem:s16], [sflag:$0x3] =	stream.linear.gather [spmem:s11], $0x2000, $0x38;
	[tilespmem:$0x1C100] =	vst v63  }
0x57: {  	_ =	swait.ge [sflag:s14], $0x2000  }
0x58: {  	[sflag:s14] =	ssyncset.done $0x0  }
0x59: {  	[sflag:s14] =	ssyncadd.s32 $0xFFFFE000  }
0x5a: {  	[hbm4b:s23+s3] =	stream.linear.scatter [tilespmem:s16], [sflag:$0x3], $0x2000, $0x38;
	[tilespmem:$0x1C100] =	vst v63  }
0x5b: {  	_ =	swait.ge [sflag:s14], $0x2000  }
0x5c: {  	[sflag:s14] =	ssyncset.done $0x0  }
0x5d: {  	[sflag:s14] =	ssyncadd.s32 $0xFFFFE000  }
0x5e: {  	[tilespmem:s16], [sflag:$0x3] =	stream.linear.gather [spmem:s12], $0x2000, $0x38;
	[tilespmem:$0x1C100] =	vst v63  }
0x5f: {  	s29 =	sadd.s32 $0x1, s29;
	_ =	swait.ge [sflag:s14], $0x2000  }
0x60: {  	p1 =	sne.s32 s29, s13;
	[sflag:s14] =	ssyncset.done $0x0  }
.Ltmp1:
0x61: {  	[sflag:s14] =	ssyncadd.s32 $0xFFFFE000;
	(pc) =	sbr.rel @!p1 .LBB2_11-.Ltmp1, $4  }
0x62: {  	[hbm4b:s24+s3] =	stream.linear.scatter [tilespmem:s16], [sflag:$0x3], $0x2000, $0x38;
	[tilespmem:$0x1C100] =	vst v63  }
0x63: {  	_ =	swait.ge [sflag:s14], $0x2000  }
0x64: {  	[sflag:s14] =	ssyncset.done $0x0  }
0x65: {  	[sflag:s14] =	ssyncadd.s32 $0xFFFFE000  }
.LBB2_1:
0x66: {  	[tilespmem:s3], [sflag:$0x3] =	stream.linear.gather [hbm4b:s6+s3], $0x5000, $0x38;
	[tilespmem:$0x1C100] =	vst v63  }
0x67: {  	_ =	swait.ge [sflag:s14], $0x5000  }
0x68: {  	[sflag:s14] =	ssyncset.done $0x0  }
0x69: {  	s0 =	simm.s32 $0x5100;
	[sflag:s14] =	ssyncadd.s32 $0xFFFFB000  }
0x6a: {  	[tilespmem:s0], [sflag:$0x3] =	stream.linear.gather [hbm4b:s7+s3], $0x5000, $0x38;
	[tilespmem:$0x1C100] =	vst v63  }
0x6b: {  	_ =	swait.ge [sflag:s14], $0x5000  }
0x6c: {  	[sflag:s14] =	ssyncset.done $0x0  }
0x6d: {  	[sflag:s14] =	ssyncadd.s32 $0xFFFFB000  }
0x6e: {  	[tilespmem:$0x5000] =	vst v0  }
0x6f: {  	[tilespmem:$0x5010] =	vst v0  }
0x70: {  	[tilespmem:$0x5020] =	vst v0  }
0x71: {  	[tilespmem:$0x5030] =	vst v0  }
0x72: {  	[tilespmem:$0x5040] =	vst v0  }
0x73: {  	[tilespmem:$0x5050] =	vst v0  }
0x74: {  	[tilespmem:$0x5060] =	vst v0  }
0x75: {  	[tilespmem:$0x5070] =	vst v0  }
0x76: {  	[tilespmem:$0x5080] =	vst v0  }
0x77: {  	[tilespmem:$0x5090] =	vst v0  }
0x78: {  	[tilespmem:$0x50A0] =	vst v0  }
0x79: {  	[tilespmem:$0x50B0] =	vst v0  }
0x7a: {  	[tilespmem:$0x50C0] =	vst v0  }
0x7b: {  	[tilespmem:$0x50D0] =	vst v0  }
0x7c: {  	[tilespmem:$0x50E0] =	vst v0  }
0x7d: {  	s30 =	simm.s32 $0x100;
	s0 =	simm.s32 $0x0;
	[tilespmem:$0x50F0] =	vst v0  }
.LBB2_2:
0x7e: {  	p1 =	sne.s32 s30, $0x7F00;
	[tilespmem:s0+$0xA130] =	vst v1;
	s1 =	smov.u32 s30;
	s30 =	sadd.s32 $0x100, s30  }
.Ltmp2:
0x7f: {  	[tilespmem:s0+$0xA120] =	vst v1;
	(pc) =	sbr.rel @p1 .LBB2_2-.Ltmp2, $3  }
0x80: {  	[tilespmem:s0+$0xA100] =	vst v1  }
0x81: {  	[tilespmem:s0+$0xA110] =	vst v1;
	_ =	sdelay $0x1  }
0x82: {  	s0 =	sshra.s32 s1, $0x2  }
0x83: {  	[tilespmem:s0+$0xA130] =	vst v1  }
0x84: {  	[tilespmem:s0+$0xA120] =	vst v1  }
0x85: {  	[tilespmem:s0+$0xA100] =	vst v1  }
0x86: {  	[tilespmem:s0+$0xA110] =	vst v1  }
0x87: {  	[spmem:s8] =	stream.linear.scatter [tilespmem:s16], [sflag:$0x3], $0x2000, $0x38;
	[tilespmem:$0x1C100] =	vst v63  }
0x88: {  	_ =	swait.ge [sflag:s14], $0x2000  }
0x89: {  	[sflag:s14] =	ssyncset.done $0x0  }
0x8a: {  	[sflag:s14] =	ssyncadd.s32 $0xFFFFE000  }
0x8b: {  	[spmem:s9] =	stream.linear.scatter [tilespmem:s16], [sflag:$0x3], $0x2000, $0x38;
	[tilespmem:$0x1C100] =	vst v63  }
0x8c: {  	_ =	swait.ge [sflag:s14], $0x2000  }
0x8d: {  	[sflag:s14] =	ssyncset.done $0x0  }
0x8e: {  	[sflag:s14] =	ssyncadd.s32 $0xFFFFE000  }
0x8f: {  	[spmem:s10] =	stream.linear.scatter [tilespmem:s16], [sflag:$0x3], $0x2000, $0x38;
	[tilespmem:$0x1C100] =	vst v63  }
0x90: {  	_ =	swait.ge [sflag:s14], $0x2000  }
0x91: {  	[sflag:s14] =	ssyncset.done $0x0  }
0x92: {  	[sflag:s14] =	ssyncadd.s32 $0xFFFFE000  }
0x93: {  	[spmem:s11] =	stream.linear.scatter [tilespmem:s16], [sflag:$0x3], $0x2000, $0x38;
	[tilespmem:$0x1C100] =	vst v63  }
0x94: {  	_ =	swait.ge [sflag:s14], $0x2000  }
0x95: {  	[sflag:s14] =	ssyncset.done $0x0  }
0x96: {  	[sflag:s14] =	ssyncadd.s32 $0xFFFFE000  }
0x97: {  	[spmem:s12] =	stream.linear.scatter [tilespmem:s16], [sflag:$0x3], $0x2000, $0x38;
	[tilespmem:$0x1C100] =	vst v63  }
.Ltmp3:
0x98: {  	_ =	swait.ge [sflag:s14], $0x2000;
	(pc) =	sbr.rel @!p0 .LBB2_4-.Ltmp3, $4  }
0x99: {  	[sflag:s14] =	ssyncset.done $0x0  }
0x9a: {  	[sflag:s14] =	ssyncadd.s32 $0xFFFFE000  }
0x9b: {  	[bflag:$0x0] =	sbarrier.arrive $0xFFFF  }
0x9c: {  	s0 =	simm.s32 $0x0  }
0x9d: {  	[tilespmem:s16], [sflag:$0x1] =	stream.indirect.gather [hbm4b:s5+s17], $0x40, s0, s17, $0xb8;
	[tilespmem:$0x1C100] =	vst v63  }
0x9e: {  	_ = 	snop  }
0x9f: {  	[tilespmem:s18], [sflag:$0x1] =	stream.indirect.gather [hbm4b:s5+s17], $0x40, s17, s17, $0xb8;
	[tilespmem:$0x1C100] =	vst v63  }
0xa0: {  	s15 =	simm.s32 $0x100  }
0xa1: {  	[tilespmem:s19], [sflag:$0x2] =	stream.indirect.gather [hbm4b:s5+s17], $0x40, s15, s17, $0xb8;
	[tilespmem:$0x1C100] =	vst v63  }
0xa2: {  	s31 =	simm.s32 $0x180  }
0xa3: {  	[tilespmem:s25], [sflag:$0x2] =	stream.indirect.gather [hbm4b:s5+s17], $0x40, s31, s17, $0xb8;
	[tilespmem:$0x1C100] =	vst v63  }
0xa4: {  	_ =	swait.ge [sflag:s26], $0x2000  }
0xa5: {  	[sflag:s26] =	ssyncset.done $0x0  }
0xa6: {  	[sflag:s26] =	ssyncadd.s32 $0xFFFFE000  }
0xa7: {  	_ =	swait.ge [sflag:s26], $0x2000  }
0xa8: {  	[sflag:s26] =	ssyncset.done $0x0  }
0xa9: {  	s1 =	simm.s32 $0x5100;
	[sflag:s26] =	ssyncadd.s32 $0xFFFFE000  }
0xaa: {  	[spmem:s2] =	stream.indirect.scatter.add.f32 [tilespmem:s16], [sflag:$0x3], $0x40, s1, s17, $0xb8;
	[tilespmem:$0x1C100] =	vst v63  }
0xab: {  	_ =	swait.ge [sflag:s14], $0x2000  }
0xac: {  	[sflag:s14] =	ssyncset.done $0x0  }
0xad: {  	s15 =	simm.s32 $0x5180;
	[sflag:s14] =	ssyncadd.s32 $0xFFFFE000  }
0xae: {  	[spmem:s2] =	stream.indirect.scatter.add.f32 [tilespmem:s18], [sflag:$0x3], $0x40, s15, s17, $0xb8;
	[tilespmem:$0x1C100] =	vst v63  }
0xaf: {  	_ =	swait.ge [sflag:s14], $0x2000  }
0xb0: {  	[sflag:s14] =	ssyncset.done $0x0  }
0xb1: {  	s31 =	simm.s32 $0x200;
	[sflag:s14] =	ssyncadd.s32 $0xFFFFE000  }
0xb2: {  	[tilespmem:s16], [sflag:$0x1] =	stream.indirect.gather [hbm4b:s5+s17], $0x40, s31, s17, $0xb8;
	[tilespmem:$0x1C100] =	vst v63  }
0xb3: {  	s1 =	simm.s32 $0x280  }
0xb4: {  	[tilespmem:s18], [sflag:$0x1] =	stream.indirect.gather [hbm4b:s5+s17], $0x40, s1, s17, $0xb8;
	[tilespmem:$0x1C100] =	vst v63  }
0xb5: {  	_ =	swait.ge [sflag:s28], $0x2000  }
0xb6: {  	[sflag:s28] =	ssyncset.done $0x0  }
0xb7: {  	[sflag:s28] =	ssyncadd.s32 $0xFFFFE000  }
0xb8: {  	_ =	swait.ge [sflag:s28], $0x2000  }
0xb9: {  	[sflag:s28] =	ssyncset.done $0x0  }
0xba: {  	s15 =	simm.s32 $0x5200;
	[sflag:s28] =	ssyncadd.s32 $0xFFFFE000  }
0xbb: {  	[spmem:s2] =	stream.indirect.scatter.add.f32 [tilespmem:s19], [sflag:$0x3], $0x40, s15, s17, $0xb8;
	[tilespmem:$0x1C100] =	vst v63  }
0xbc: {  	_ =	swait.ge [sflag:s14], $0x2000  }
0xbd: {  	[sflag:s14] =	ssyncset.done $0x0  }
0xbe: {  	s31 =	simm.s32 $0x5280;
	[sflag:s14] =	ssyncadd.s32 $0xFFFFE000  }
0xbf: {  	[spmem:s2] =	stream.indirect.scatter.add.f32 [tilespmem:s25], [sflag:$0x3], $0x40, s31, s17, $0xb8;
	[tilespmem:$0x1C100] =	vst v63  }
0xc0: {  	_ =	swait.ge [sflag:s14], $0x2000  }
0xc1: {  	s30 =	simm.s32 $0x200;
	s1 =	simm.s32 $0x1000;
	[sflag:s14] =	ssyncset.done $0x0  }
.LBB2_8:
0xc2: {  	s15 =	sadd.s32 $0x100, s30  }
0xc3: {  	[sflag:s14] =	ssyncadd.s32 $0xFFFFE000;
	s0 =	smov.u32 s1;
	s31 =	sadd.s32 $0x800, s1  }
0xc4: {  	[tilespmem:s19], [sflag:$0x2] =	stream.indirect.gather [hbm4b:s5+s17], $0x40, s15, s17, $0xb8;
	[tilespmem:$0x1C100] =	vst v63  }
0xc5: {  	p1 =	sne.s32 s1, $0x13800;
	s1 =	sadd.s32 $0x180, s30  }
0xc6: {  	[tilespmem:s25], [sflag:$0x2] =	stream.indirect.gather [hbm4b:s5+s17], $0x40, s1, s17, $0xb8;
	[tilespmem:$0x1C100] =	vst v63  }
0xc7: {  	_ =	swait.ge [sflag:s26], $0x2000  }
0xc8: {  	[sflag:s26] =	ssyncset.done $0x0  }
0xc9: {  	[sflag:s26] =	ssyncadd.s32 $0xFFFFE000  }
0xca: {  	_ =	swait.ge [sflag:s26], $0x2000  }
0xcb: {  	[sflag:s26] =	ssyncset.done $0x0  }
0xcc: {  	s1 =	sadd.s32 $0x5100, s30;
	[sflag:s26] =	ssyncadd.s32 $0xFFFFE000  }
0xcd: {  	[spmem:s2] =	stream.indirect.scatter.add.f32 [tilespmem:s16], [sflag:$0x3], $0x40, s1, s17, $0xb8;
	[tilespmem:$0x1C100] =	vst v63  }
0xce: {  	_ =	swait.ge [sflag:s14], $0x2000  }
0xcf: {  	[sflag:s14] =	ssyncset.done $0x0  }
0xd0: {  	s1 =	sadd.s32 $0x5180, s30;
	[sflag:s14] =	ssyncadd.s32 $0xFFFFE000  }
0xd1: {  	[spmem:s2] =	stream.indirect.scatter.add.f32 [tilespmem:s18], [sflag:$0x3], $0x40, s1, s17, $0xb8;
	[tilespmem:$0x1C100] =	vst v63  }
0xd2: {  	_ =	swait.ge [sflag:s14], $0x2000  }
0xd3: {  	[sflag:s14] =	ssyncset.done $0x0  }
0xd4: {  	s1 =	sadd.s32 $0x200, s30;
	[sflag:s14] =	ssyncadd.s32 $0xFFFFE000  }
0xd5: {  	[tilespmem:s16], [sflag:$0x1] =	stream.indirect.gather [hbm4b:s5+s17], $0x40, s1, s17, $0xb8;
	[tilespmem:$0x1C100] =	vst v63  }
0xd6: {  	s1 =	sadd.s32 $0x280, s30  }
0xd7: {  	[tilespmem:s18], [sflag:$0x1] =	stream.indirect.gather [hbm4b:s5+s17], $0x40, s1, s17, $0xb8;
	[tilespmem:$0x1C100] =	vst v63  }
0xd8: {  	_ =	swait.ge [sflag:s28], $0x2000  }
0xd9: {  	[sflag:s28] =	ssyncset.done $0x0  }
0xda: {  	[sflag:s28] =	ssyncadd.s32 $0xFFFFE000  }
0xdb: {  	_ =	swait.ge [sflag:s28], $0x2000  }
0xdc: {  	[sflag:s28] =	ssyncset.done $0x0  }
0xdd: {  	s1 =	sadd.s32 $0x5200, s30;
	[sflag:s28] =	ssyncadd.s32 $0xFFFFE000  }
0xde: {  	[spmem:s2] =	stream.indirect.scatter.add.f32 [tilespmem:s19], [sflag:$0x3], $0x40, s1, s17, $0xb8;
	[tilespmem:$0x1C100] =	vst v63  }
0xdf: {  	_ =	swait.ge [sflag:s14], $0x2000  }
.Ltmp4:
0xe0: {  	[sflag:s14] =	ssyncset.done $0x0;
	(pc) =	sbr.rel @p1 .LBB2_8-.Ltmp4, $4  }
0xe1: {  	s1 =	sadd.s32 $0x5280, s30;
	[sflag:s14] =	ssyncadd.s32 $0xFFFFE000  }
0xe2: {  	[spmem:s2] =	stream.indirect.scatter.add.f32 [tilespmem:s25], [sflag:$0x3], $0x40, s1, s17, $0xb8;
	[tilespmem:$0x1C100] =	vst v63  }
0xe3: {  	_ =	swait.ge [sflag:s14], $0x2000  }
0xe4: {  	s30 =	sshra.s32 s0, $0x2;
	s1 =	smov.u32 s31;
	[sflag:s14] =	ssyncset.done $0x0  }
0xe5: {  	s0 =	sadd.s32 $0x100, s30;
	[sflag:s14] =	ssyncadd.s32 $0xFFFFE000  }
0xe6: {  	[tilespmem:s19], [sflag:$0x2] =	stream.indirect.gather [hbm4b:s5+s17], $0x40, s0, s17, $0xb8;
	[tilespmem:$0x1C100] =	vst v63  }
0xe7: {  	s31 =	sadd.s32 $0x180, s30  }
0xe8: {  	[tilespmem:s25], [sflag:$0x2] =	stream.indirect.gather [hbm4b:s5+s17], $0x40, s31, s17, $0xb8;
	[tilespmem:$0x1C100] =	vst v63  }
0xe9: {  	_ =	swait.ge [sflag:s26], $0x2000  }
0xea: {  	[sflag:s26] =	ssyncset.done $0x0  }
0xeb: {  	[sflag:s26] =	ssyncadd.s32 $0xFFFFE000  }
0xec: {  	_ =	swait.ge [sflag:s26], $0x2000  }
0xed: {  	[sflag:s26] =	ssyncset.done $0x0  }
0xee: {  	s1 =	sadd.s32 $0x5100, s30;
	[sflag:s26] =	ssyncadd.s32 $0xFFFFE000  }
0xef: {  	[spmem:s2] =	stream.indirect.scatter.add.f32 [tilespmem:s16], [sflag:$0x3], $0x40, s1, s17, $0xb8;
	[tilespmem:$0x1C100] =	vst v63  }
0xf0: {  	_ =	swait.ge [sflag:s14], $0x2000  }
0xf1: {  	[sflag:s14] =	ssyncset.done $0x0  }
0xf2: {  	s15 =	sadd.s32 $0x5180, s30;
	[sflag:s14] =	ssyncadd.s32 $0xFFFFE000  }
0xf3: {  	[spmem:s2] =	stream.indirect.scatter.add.f32 [tilespmem:s18], [sflag:$0x3], $0x40, s15, s17, $0xb8;
	[tilespmem:$0x1C100] =	vst v63  }
0xf4: {  	_ =	swait.ge [sflag:s14], $0x2000  }
0xf5: {  	[sflag:s14] =	ssyncset.done $0x0  }
0xf6: {  	s31 =	sadd.s32 $0x200, s30;
	[sflag:s14] =	ssyncadd.s32 $0xFFFFE000  }
0xf7: {  	[tilespmem:s16], [sflag:$0x1] =	stream.indirect.gather [hbm4b:s5+s17], $0x40, s31, s17, $0xb8;
	[tilespmem:$0x1C100] =	vst v63  }
0xf8: {  	s1 =	sadd.s32 $0x280, s30  }
0xf9: {  	[tilespmem:s18], [sflag:$0x1] =	stream.indirect.gather [hbm4b:s5+s17], $0x40, s1, s17, $0xb8;
	[tilespmem:$0x1C100] =	vst v63  }
0xfa: {  	_ =	swait.ge [sflag:s28], $0x2000  }
0xfb: {  	[sflag:s28] =	ssyncset.done $0x0  }
0xfc: {  	[sflag:s28] =	ssyncadd.s32 $0xFFFFE000  }
0xfd: {  	_ =	swait.ge [sflag:s28], $0x2000  }
0xfe: {  	[sflag:s28] =	ssyncset.done $0x0  }
0xff: {  	s15 =	sadd.s32 $0x5200, s30;
	[sflag:s28] =	ssyncadd.s32 $0xFFFFE000  }
0x100: {  	[spmem:s2] =	stream.indirect.scatter.add.f32 [tilespmem:s19], [sflag:$0x3], $0x40, s15, s17, $0xb8;
	[tilespmem:$0x1C100] =	vst v63  }
0x101: {  	_ =	swait.ge [sflag:s14], $0x2000  }
0x102: {  	[sflag:s14] =	ssyncset.done $0x0  }
.Ltmp5:
0x103: {  	s31 =	sadd.s32 $0x5280, s30;
	[sflag:s14] =	ssyncadd.s32 $0xFFFFE000;
	(pc) =	sbr.rel .LBB2_10-.Ltmp5, $4  }
0x104: {  	[spmem:s2] =	stream.indirect.scatter.add.f32 [tilespmem:s25], [sflag:$0x3], $0x40, s31, s17, $0xb8;
	[tilespmem:$0x1C100] =	vst v63  }
0x105: {  	_ =	swait.ge [sflag:s14], $0x2000  }
0x106: {  	[sflag:s14] =	ssyncset.done $0x0  }
0x107: {  	[sflag:s14] =	ssyncadd.s32 $0xFFFFE000  }
.LBB2_4:
0x108: {  	[tilespmem:s16], [sflag:$0x1] =	stream.indirect.gather [hbm4b:s4+s17], $0x40, s0, s17, $0xb8;
	[tilespmem:$0x1C100] =	vst v63  }
0x109: {  	_ = 	snop  }
0x10a: {  	[tilespmem:s18], [sflag:$0x1] =	stream.indirect.gather [hbm4b:s4+s17], $0x40, s17, s17, $0xb8;
	[tilespmem:$0x1C100] =	vst v63  }
0x10b: {  	s1 =	simm.s32 $0x100  }
0x10c: {  	[tilespmem:s19], [sflag:$0x2] =	stream.indirect.gather [hbm4b:s4+s17], $0x40, s1, s17, $0xb8;
	[tilespmem:$0x1C100] =	vst v63  }
0x10d: {  	s15 =	simm.s32 $0x180  }
0x10e: {  	[tilespmem:s25], [sflag:$0x2] =	stream.indirect.gather [hbm4b:s4+s17], $0x40, s15, s17, $0xb8;
	[tilespmem:$0x1C100] =	vst v63  }
0x10f: {  	_ =	swait.ge [sflag:s26], $0x2000  }
0x110: {  	[sflag:s26] =	ssyncset.done $0x0  }
0x111: {  	[sflag:s26] =	ssyncadd.s32 $0xFFFFE000  }
0x112: {  	_ =	swait.ge [sflag:s26], $0x2000  }
0x113: {  	[sflag:s26] =	ssyncset.done $0x0  }
0x114: {  	s1 =	simm.s32 $0x5100;
	[sflag:s26] =	ssyncadd.s32 $0xFFFFE000  }
0x115: {  	[spmem:s2] =	stream.indirect.scatter.add.f32 [tilespmem:s16], [sflag:$0x3], $0x40, s1, s17, $0xb8;
	[tilespmem:$0x1C100] =	vst v63  }
0x116: {  	_ =	swait.ge [sflag:s14], $0x2000  }
0x117: {  	[sflag:s14] =	ssyncset.done $0x0  }
0x118: {  	s15 =	simm.s32 $0x5180;
	[sflag:s14] =	ssyncadd.s32 $0xFFFFE000  }
0x119: {  	[spmem:s2] =	stream.indirect.scatter.add.f32 [tilespmem:s18], [sflag:$0x3], $0x40, s15, s17, $0xb8;
	[tilespmem:$0x1C100] =	vst v63  }
0x11a: {  	_ =	swait.ge [sflag:s14], $0x2000  }
0x11b: {  	[sflag:s14] =	ssyncset.done $0x0  }
0x11c: {  	s1 =	simm.s32 $0x200;
	[sflag:s14] =	ssyncadd.s32 $0xFFFFE000  }
0x11d: {  	[tilespmem:s16], [sflag:$0x1] =	stream.indirect.gather [hbm4b:s4+s17], $0x40, s1, s17, $0xb8;
	[tilespmem:$0x1C100] =	vst v63  }
0x11e: {  	s15 =	simm.s32 $0x280  }
0x11f: {  	[tilespmem:s18], [sflag:$0x1] =	stream.indirect.gather [hbm4b:s4+s17], $0x40, s15, s17, $0xb8;
	[tilespmem:$0x1C100] =	vst v63  }
0x120: {  	_ =	swait.ge [sflag:s28], $0x2000  }
0x121: {  	[sflag:s28] =	ssyncset.done $0x0  }
0x122: {  	[sflag:s28] =	ssyncadd.s32 $0xFFFFE000  }
0x123: {  	_ =	swait.ge [sflag:s28], $0x2000  }
0x124: {  	[sflag:s28] =	ssyncset.done $0x0  }
0x125: {  	s1 =	simm.s32 $0x5200;
	[sflag:s28] =	ssyncadd.s32 $0xFFFFE000  }
0x126: {  	[spmem:s2] =	stream.indirect.scatter.add.f32 [tilespmem:s19], [sflag:$0x3], $0x40, s1, s17, $0xb8;
	[tilespmem:$0x1C100] =	vst v63  }
0x127: {  	_ =	swait.ge [sflag:s14], $0x2000  }
0x128: {  	[sflag:s14] =	ssyncset.done $0x0  }
0x129: {  	s15 =	simm.s32 $0x5280;
	[sflag:s14] =	ssyncadd.s32 $0xFFFFE000  }
0x12a: {  	[spmem:s2] =	stream.indirect.scatter.add.f32 [tilespmem:s25], [sflag:$0x3], $0x40, s15, s17, $0xb8;
	[tilespmem:$0x1C100] =	vst v63  }
0x12b: {  	_ =	swait.ge [sflag:s14], $0x2000  }
0x12c: {  	s31 =	simm.s32 $0x1000;
	s30 =	simm.s32 $0x200;
	[sflag:s14] =	ssyncset.done $0x0  }
.LBB2_5:
0x12d: {  	s15 =	sadd.s32 $0x100, s30  }
0x12e: {  	[sflag:s14] =	ssyncadd.s32 $0xFFFFE000;
	s0 =	smov.u32 s31;
	s1 =	sadd.s32 $0x800, s31  }
0x12f: {  	[tilespmem:s19], [sflag:$0x2] =	stream.indirect.gather [hbm4b:s4+s17], $0x40, s15, s17, $0xb8;
	[tilespmem:$0x1C100] =	vst v63  }
0x130: {  	p1 =	seq.s32 s31, $0x13800;
	s15 =	sadd.s32 $0x180, s30  }
0x131: {  	[tilespmem:s25], [sflag:$0x2] =	stream.indirect.gather [hbm4b:s4+s17], $0x40, s15, s17, $0xb8;
	[tilespmem:$0x1C100] =	vst v63  }
0x132: {  	_ =	swait.ge [sflag:s26], $0x2000  }
0x133: {  	[sflag:s26] =	ssyncset.done $0x0  }
0x134: {  	[sflag:s26] =	ssyncadd.s32 $0xFFFFE000  }
0x135: {  	_ =	swait.ge [sflag:s26], $0x2000  }
0x136: {  	[sflag:s26] =	ssyncset.done $0x0  }
0x137: {  	s15 =	sadd.s32 $0x5100, s30;
	[sflag:s26] =	ssyncadd.s32 $0xFFFFE000  }
0x138: {  	[spmem:s2] =	stream.indirect.scatter.add.f32 [tilespmem:s16], [sflag:$0x3], $0x40, s15, s17, $0xb8;
	[tilespmem:$0x1C100] =	vst v63  }
0x139: {  	_ =	swait.ge [sflag:s14], $0x2000  }
0x13a: {  	[sflag:s14] =	ssyncset.done $0x0  }
0x13b: {  	s15 =	sadd.s32 $0x5180, s30;
	[sflag:s14] =	ssyncadd.s32 $0xFFFFE000  }
0x13c: {  	[spmem:s2] =	stream.indirect.scatter.add.f32 [tilespmem:s18], [sflag:$0x3], $0x40, s15, s17, $0xb8;
	[tilespmem:$0x1C100] =	vst v63  }
0x13d: {  	_ =	swait.ge [sflag:s14], $0x2000  }
0x13e: {  	[sflag:s14] =	ssyncset.done $0x0  }
0x13f: {  	s15 =	sadd.s32 $0x200, s30;
	[sflag:s14] =	ssyncadd.s32 $0xFFFFE000  }
0x140: {  	[tilespmem:s16], [sflag:$0x1] =	stream.indirect.gather [hbm4b:s4+s17], $0x40, s15, s17, $0xb8;
	[tilespmem:$0x1C100] =	vst v63  }
0x141: {  	s15 =	sadd.s32 $0x280, s30  }
0x142: {  	[tilespmem:s18], [sflag:$0x1] =	stream.indirect.gather [hbm4b:s4+s17], $0x40, s15, s17, $0xb8;
	[tilespmem:$0x1C100] =	vst v63  }
0x143: {  	_ =	swait.ge [sflag:s28], $0x2000  }
0x144: {  	[sflag:s28] =	ssyncset.done $0x0  }
0x145: {  	[sflag:s28] =	ssyncadd.s32 $0xFFFFE000  }
0x146: {  	_ =	swait.ge [sflag:s28], $0x2000  }
0x147: {  	[sflag:s28] =	ssyncset.done $0x0  }
0x148: {  	s15 =	sadd.s32 $0x5200, s30;
	[sflag:s28] =	ssyncadd.s32 $0xFFFFE000  }
0x149: {  	[spmem:s2] =	stream.indirect.scatter.add.f32 [tilespmem:s19], [sflag:$0x3], $0x40, s15, s17, $0xb8;
	[tilespmem:$0x1C100] =	vst v63  }
0x14a: {  	_ =	swait.ge [sflag:s14], $0x2000  }
.Ltmp6:
0x14b: {  	[sflag:s14] =	ssyncset.done $0x0;
	(pc) =	sbr.rel @!p1 .LBB2_5-.Ltmp6, $4  }
0x14c: {  	s15 =	sadd.s32 $0x5280, s30;
	[sflag:s14] =	ssyncadd.s32 $0xFFFFE000  }
0x14d: {  	[spmem:s2] =	stream.indirect.scatter.add.f32 [tilespmem:s25], [sflag:$0x3], $0x40, s15, s17, $0xb8;
	[tilespmem:$0x1C100] =	vst v63  }
0x14e: {  	_ =	swait.ge [sflag:s14], $0x2000  }
0x14f: {  	s31 =	smov.u32 s1;
	s30 =	sshra.s32 s0, $0x2;
	[sflag:s14] =	ssyncset.done $0x0  }
.Ltmp7:
0x150: {  	_ = 	snop;
	(pc) =	sbr.rel .LBB2_6-.Ltmp7, $1  }
0x151: {  	_ =	sdelay $0x3  }
.LBB2_11:
0x152: {  	_ =	sfence.sel $0x180000  }
0x153: {  	[bflag:$0x0] =	sbarrier.arrive $0xFFFF  }
0x154: {  	_ =	strace $0x9000004A  }
0x155: {  	s0 =	stileid.u32;
	[bflag:$0x2] =	sbarrier.arrive $0xFFFF  }
0x156: {  	p0 =	sne.s32 s0, $0x0;
	s0 =	rddreg [dreg:$0x3]  }
0x157: {  	s0 =	sadd.s32 @!p0 $0x100000, s0  }
0x158: {  	[sflag:s0] =	ssyncadd.tile.s32 @!p0 $0x1;
	_ =	shalt  }
.Lfunc_end2:
_tile_overlayer_lowered:
.L_overlay_start_2:
0x159: {  	(tag) =	ssettag $0x2  }
0x15a: {  	s0 =	rddreg [dreg:$0x0];
	s2 =	stileid.u32  }
0x15b: {  	s1 =	rddreg [dreg:$0x1];
	p0 =	sne.s32 s2, $0x0  }
0x15c: {  	s3 =	rddreg [dreg:$0x2];
	[bflag:$0x3] =	sbarrier.arrive $0xFFFF;
	s2 =	simm.s32 @!p0 $0x1C03  }
0x15d: {  	[timem:s3], [sflag:s2] =	dma.local @!p0 [hbm:s0], s1  }
0x15e: {  	s0 =	simm.s32 @!p0 $0x3  }
0x15f: {  	_ =	swait.ge @!p0 [sflag:s0], s1  }
0x160: {  	s1 =	ssub.s32 @!p0 $0x0, s1;
	[sflag:s0] =	ssyncset.done @!p0 $0x0  }
0x161: {  	[sflag:s0] =	ssyncadd.s32 @!p0 s1  }
0x162: {  	[bflag:$0x3] =	sbarrier.arrive $0xFFFF  }
0x163: {  	_ =	shalt  }

// kernel: kernel.14.cloned.1.call-start
scs
__scs_entry_jumppad:
0x0: {  	(pc) =	sbr.rel $0x88, $3  }
0x1: {  	(tag) =	ssettag $0x0;
	lr =	simm.s32 $0x1  }
0x2: {  	[smem:$0x3F99] =	sst lr;
	_ =	strace $0xD0000000  }
0x3: {  	_ = 	snop  }
0x4: {  	_ = 	snop  }
0x5: {  	_ = 	snop  }
0x6: {  	_ = 	snop  }
0x7: {  	_ = 	snop  }
__scs_overlays_trampoline_lowered:
0x8: {  	[smem:$0x3FA8] =	sst s0  }
0x9: {  	[smem:$0x3FA9] =	sst s1  }
0xa: {  	[smem:$0x3FAA] =	sst s2  }
0xb: {  	[smem:$0x3FAB] =	sst s3  }
0xc: {  	[smem:$0x3FAC] =	sst s4  }
0xd: {  	[smem:$0x3FAD] =	sst s5  }
0xe: {  	[smem:$0x3FAE] =	sst s6  }
0xf: {  	[smem:$0x3FAF] =	sst s7  }
0x10: {  	[smem:$0x3FB0] =	sst s8  }
0x11: {  	[smem:$0x3FB1] =	sst s9;
	s0 =	simm.s32 @!p0 $0x0  }
0x12: {  	s1 =	sld [smem:$0x3F97];
	s0 =	simm.s32 @p0 $0x1  }
0x13: {  	[smem:$0x3FB2] =	sst s0;
	s0 =	simm.s32 @!p1 $0x0  }
0x14: {  	s2 =	sld [smem:$0x3F96];
	s0 =	simm.s32 @p1 $0x1  }
0x15: {  	[smem:$0x3FB3] =	sst s0;
	s0 =	simm.s32 @!p2 $0x0  }
0x16: {  	s3 =	sld [smem:$0x3FDB];
	s0 =	simm.s32 @p2 $0x1  }
0x17: {  	s4 =	simm.s32 $0x1BF5;
	[smem:$0x3FB5] =	sst s0  }
0x18: {  	s0 =	sld [smem:$0x3F98];
	_ =	swait.ge [sflag:s4], $0x0  }
0x19: {  	s7 =	sld [smem:$0x3F99]  }
0x1a: {  	s8 =	sadd.s32 $0xFFFFE003, lr  }
0x1b: {  	s9 =	sadd.s32 $0xFFFFFEF7, lr;
	s5 =	simm.s32 $0xFFFFFFFF;
	p2 =	slt.u32 s8, $0xFFFFF086  }
0x1c: {  	p1 =	slt.u32 s9, $0xF7A;
	s5 =	simm.s32 @!p2 $0x0  }
0x1d: {  	s5 =	simm.s32 @p1 $0x1;
	p0 =	seq.s32 s7, s2  }
0x1e: {  	s7 =	smul.u32 @!p0 $0xF7A, s2;
	p2 =	seq.s32 @!p0 s5, $0x0  }
0x1f: {  	s9 =	smul.u32 $0xF7A, s1;
	s8 =	simm.s32 @!p0 $0x1BF5;
	p2 =	por !p2, p0  }
0x20: {  	[sflag:s8] =	ssyncset.s32 @!p0 $0xFFFFF086;
	s6 =	sadd.s32 @!p0 s3, s7;
	s7 =	simm.s32 @!p0 $0x108  }
0x21: {  	s3 =	sadd.s32 s3, s9;
	s6 =	sadd.s32 @!p0 $0x88, s6;
	s7 =	simm.s32 @p2 $0x1082  }
0x22: {  	[simem:s7], [sflag:s8] =	dma.local @!p0 [hbm:s6], $0xF7A  }
0x23: {  	s9 =	sor.u32 $0xD0000000, s2;
	s6 =	simm.s32 $0x108;
	_ =	swait.ge @!p0 [sflag:s8], $0x0  }
0x24: {  	s3 =	sadd.s32 $0x88, s3;
	s6 =	simm.s32 @!p1 $0x1082;
	[sflag:s4] =	ssyncset.s32 $0xFFFFF086  }
0x25: {  	[simem:s6], [sflag:s4] =	dma.local [hbm:s3], $0xF7A  }
0x26: {  	[smem:$0x3F99] =	sst s1;
	(tag) =	ssettag s2;
	_ =	strace s9  }
0x27: {  	s1 =	sld [smem:$0x3FA9]  }
0x28: {  	s2 =	sld [smem:$0x3FAA]  }
0x29: {  	s4 =	sld [smem:$0x3FAC]  }
0x2a: {  	p0 =	seq.s32 s5, $0x0;
	s5 =	sld [smem:$0x3FAD]  }
0x2b: {  	s6 =	sld [smem:$0x3FAE]  }
0x2c: {  	s7 =	sld [smem:$0x3FAF]  }
0x2d: {  	s3 =	simm.s32 $0x108;
	s8 =	sld [smem:$0x3FB0]  }
0x2e: {  	s3 =	simm.s32 @!p0 $0x1082;
	s9 =	sld [smem:$0x3FB1]  }
0x2f: {  	lr =	sadd.s32 s0, s3;
	s0 =	sld [smem:$0x3FA8]  }
0x30: {  	s3 =	sld [smem:$0x3FAB]  }
0x31: {  	[smem:$0x3FB4] =	sst s10  }
0x32: {  	s10 =	sld [smem:$0x3FB2];
	_ =	sdelay $0x3  }
0x33: {  	p0 =	seq.s32 s10, $0x1;
	s10 =	sld [smem:$0x3FB4];
	_ =	sdelay $0x3  }
0x34: {  	[smem:$0x3FB4] =	sst s10  }
0x35: {  	s10 =	sld [smem:$0x3FB3];
	_ =	sdelay $0x3  }
0x36: {  	p1 =	seq.s32 s10, $0x1;
	s10 =	sld [smem:$0x3FB4];
	_ =	sdelay $0x3  }
0x37: {  	[smem:$0x3FB4] =	sst s10  }
0x38: {  	s10 =	sld [smem:$0x3FB5]  }
0x39: {  	_ = 	snop;
	(pc) =	sbr.ind lr, $3  }
0x3a: {  	_ = 	snop  }
0x3b: {  	_ = 	snop  }
0x3c: {  	p2 =	seq.s32 s10, $0x1;
	s10 =	sld [smem:$0x3FB4]  }
0x3d: {  	_ =	shalt  }
0x3e: {  	_ =	shalt  }
0x3f: {  	_ =	shalt  }
0x40: {  	_ =	shalt  }
0x41: {  	_ =	shalt  }
0x42: {  	_ =	shalt  }
0x43: {  	_ =	shalt  }
0x44: {  	_ =	shalt  }
0x45: {  	_ =	shalt  }
0x46: {  	_ =	shalt  }
0x47: {  	_ =	shalt  }
0x48: {  	_ =	shalt  }
0x49: {  	_ =	shalt  }
0x4a: {  	_ =	shalt  }
0x4b: {  	_ =	shalt  }
0x4c: {  	_ =	shalt  }
0x4d: {  	_ =	shalt  }
0x4e: {  	_ =	shalt  }
0x4f: {  	_ =	shalt  }
0x50: {  	_ =	shalt  }
0x51: {  	_ =	shalt  }
0x52: {  	_ =	shalt  }
0x53: {  	_ =	shalt  }
0x54: {  	_ =	shalt  }
0x55: {  	_ =	shalt  }
0x56: {  	_ =	shalt  }
0x57: {  	_ =	shalt  }
0x58: {  	_ =	shalt  }
0x59: {  	_ =	shalt  }
0x5a: {  	_ =	shalt  }
0x5b: {  	_ =	shalt  }
0x5c: {  	_ =	shalt  }
0x5d: {  	_ =	shalt  }
0x5e: {  	_ =	shalt  }
0x5f: {  	_ =	shalt  }
0x60: {  	_ =	shalt  }
0x61: {  	_ =	shalt  }
0x62: {  	_ =	shalt  }
0x63: {  	_ =	shalt  }
0x64: {  	_ =	shalt  }
0x65: {  	_ =	shalt  }
0x66: {  	_ =	shalt  }
0x67: {  	_ =	shalt  }
0x68: {  	_ =	shalt  }
0x69: {  	_ =	shalt  }
0x6a: {  	_ =	shalt  }
0x6b: {  	_ =	shalt  }
0x6c: {  	_ =	shalt  }
0x6d: {  	_ =	shalt  }
0x6e: {  	_ =	shalt  }
0x6f: {  	_ =	shalt  }
0x70: {  	_ =	shalt  }
0x71: {  	_ =	shalt  }
0x72: {  	_ =	shalt  }
0x73: {  	_ =	shalt  }
0x74: {  	_ =	shalt  }
0x75: {  	_ =	shalt  }
0x76: {  	_ =	shalt  }
0x77: {  	_ =	shalt  }
0x78: {  	_ =	shalt  }
0x79: {  	_ =	shalt  }
0x7a: {  	_ =	shalt  }
0x7b: {  	_ =	shalt  }
0x7c: {  	_ =	shalt  }
0x7d: {  	_ =	shalt  }
0x7e: {  	_ =	shalt  }
0x7f: {  	_ =	shalt  }
0x80: {  	_ =	shalt  }
0x81: {  	_ =	shalt  }
0x82: {  	_ =	shalt  }
0x83: {  	_ =	shalt  }
0x84: {  	_ =	shalt  }
0x85: {  	_ =	shalt  }
0x86: {  	_ =	shalt  }
0x87: {  	_ =	shalt  }
.Lfunc_end0:
.L_simem_size_0:
called_computation.2_lowered:
.L_overlay_start_0:
0x88: {  	s2 =	sld [smem:$0x3FD9]  }
0x89: {  	s3 =	sld [smem:$0x3FFE];
	_ =	sdelay $0x1  }
0x8a: {  	s1 =	srdreg.scid  }
0x8b: {  	s0 =	sand.u32 $0x1, s1  }
0x8c: {  	s17 =	sshll.u32 s0, $0xA;
	s2 =	sadd.s32 s3, s2  }
0x8d: {  	s2 =	sadd.s32 s2, s17  }
0x8e: {  	[smem:$0x3FC0] =	sst s2  }
0x8f: {  	_ = 	snop  }
0x90: {  	s2 =	sld [smem:$0x3FD0];
	(tm) =	ssettm $0x1  }
0x91: {  	s18 =	sld [smem:$0x3FFB];
	_ =	sdelay $0x3  }
0x92: {  	_ =	strace s18  }
0x93: {  	s3 =	sld [smem:$0x3FFC];
	_ =	sdelay $0x3  }
0x94: {  	_ =	strace s3  }
0x95: {  	s3 =	sld [smem:$0x3FFD];
	_ =	sdelay $0x3  }
0x96: {  	_ =	strace s3  }
0x97: {  	_ =	strace $0x8FFFFFFF  }
0x98: {  	s19 =	sld [smem:$0x3FDB];
	_ =	sdelay $0x1  }
0x99: {  	s4 =	simm.s32 $_scs_section_size  }
0x9a: {  	s5 =	simm.s32 $_size__tile_overlayer_lowered;
	s6 =	simm.s32 $_tile_overlayer_lowered  }
0x9b: {  	s22 =	simm.s32 $0x1BFF;
	s21 =	sshll.u32 s6, $0x1;
	s3 =	sadd.s32 s4, s19  }
0x9c: {  	s7 =	simm.s32 $0x0;
	s20 =	sshll.u32 s5, $0x1;
	s5 =	sadd.s32 s21, s3  }
0x9d: {  	[timem:s7], [sflag:s22] =	dma.local [hbm:s5], s20  }
0x9e: {  	_ =	swait.ge [sflag:s22], s20  }
0x9f: {  	s4 =	ssub.s32 $0x0, s20;
	[sflag:s22] =	ssyncset.done $0x0  }
0xa0: {  	[sflag:s22] =	ssyncadd.s32 s4;
	_ =	sdelay $0x1  }
0xa1: {  	s23 =	simm.s32 $0x1B8B  }
0xa2: {  	_ =	swait.ge [sflag:s23], $0x1  }
0xa3: {  	[sflag:s23] =	ssyncset.done $0x0  }
0xa4: {  	s25 =	simm.s32 $0x1B8E;
	s24 =	sld [smem:$0x3FFE];
	[sflag:s23] =	ssyncadd.s32 $0xFFFFFFFF  }
0xa5: {  	s26 =	simm.s32 $execute0_lowered;
	[smem:$0x3FD2] =	sst s25  }
0xa6: {  	s5 =	sshll.u32 s26, $0x1;
	_ =	strace $0x8000004C;
	[dreg:$0x1] =	wrdreg $0xFFFFFFFF  }
0xa7: {  	s28 =	simm.s32 $_size_execute0_lowered;
	s3 =	sadd.s32 s3, s5;
	[dreg:$0x0] =	wrdreg $0x0  }
0xa8: {  	s5 =	sshll.u32 s28, $0x1;
	[dreg:$0x2] =	wrdreg s3  }
0xa9: {  	[dreg:$0x3] =	wrdreg s5  }
0xaa: {  	[dreg:$0x4] =	wrdreg $0xC0  }
0xab: {  	_ =	task [dreg:s7], $0x5FFFF  }
0xac: {  	[dreg:$0x1] =	wrdreg $0xFFFFFFFF  }
0xad: {  	[dreg:$0x0] =	wrdreg $0x60  }
0xae: {  	[dreg:$0x2] =	wrdreg s2  }
0xaf: {  	[dreg:$0x3] =	wrdreg s24  }
0xb0: {  	[dreg:$0x4] =	wrdreg $0x121000  }
0xb1: {  	[dreg:$0x5] =	wrdreg $0x9  }
0xb2: {  	_ =	task.clear_ibuf [dreg:s7], $0x6FFFF;
	_ =	strace $0x9000004C  }
0xb3: {  	s29 =	simm.s32 $0x9;
	_ =	strace $0x8000004E  }
0xb4: {  	_ =	swait.ge [sflag:s29], $0x1  }
0xb5: {  	[sflag:s29] =	ssyncadd.s32 $0xFFFFFFFF  }
0xb6: {  	_ =	strace $0x9000004E  }
0xb7: {  	_ =	sfence  }
0xb8: {  	s30 =	sld [smem:$0x0];
	_ =	sdelay $0x2  }
0xb9: {  	s31 =	sshll.u32 s1, $0xD;
	s1 =	sshrl.u32 s1, $0x2  }
0xba: {  	s3 =	sand.u32 $0x4000, s31;
	s1 =	sadd.s32 s1, s30  }
0xbb: {  	s0 =	sor.u32 s3, s0;
	s1 =	sshll.u32 s1, $0x11  }
0xbc: {  	s0 =	sor.u32 s1, s0  }
0xbd: {  	s0 =	sadd.s32 $0x8F2B, s0  }
0xbe: {  	[sflag:s0] =	ssyncadd.remote.s32 $0x1  }
0xbf: {  	_ =	sfence.sel $0xFFFF  }
0xc0: {  	[dreg:$0x0] =	wrdreg $0xFFFFFFFF;
	(pc) =	sbr.abs _section_cstart, $3  }
0xc1: {  	[dreg:$0x1] =	wrdreg $0xFFFFFFFF  }
0xc2: {  	_ =	task.clear_ibuf [dreg:s7], $0x2FFFF;
	_ =	strace $0x9FFFFFFF  }
0xc3: {  	(tm) =	ssettm $0x7FFFFFFF  }
tec
execute0_lowered:
.L_overlay_start_1:
0x0: {  	(tag) =	ssettag $0x1  }
0x1: {  	s0 =	rddreg [dreg:$0x0]  }
0x2: {  	s1 =	rddreg [dreg:$0x1]  }
0x3: {  	s2 =	rddreg [dreg:$0x2];
	s11 =	stileid.u32;
	s3 =	simm.s32 $0x0  }
0x4: {  	s4 =	srdreg.scid;
	s19 =	simm.s32 $0xE100;
	s25 =	simm.s32 $0x10100  }
0x5: {  	s26 =	simm.s32 $0x1;
	s28 =	simm.s32 $0x2;
	s29 =	simm.s32 $0x0  }
0x6: {  	s6 =	smul.u32 $0xA00, s11;
	[smem:$0x7FF] =	sst s3;
	s13 =	sand.u32 $0x1, s4  }
0x7: {  	s4 =	sadd.s32 $0x48400, s1;
	s5 =	sadd.s32 $0x34400, s1;
	s14 =	smul.u32 $0xA000, s11  }
0x8: {  	_ =	strace $0x8000004D;
	s8 =	smul.u32 $0x14000, s13;
	s9 =	ssub.s32 $0x2, s13  }
0x9: {  	p0 =	seq.s32 s13, $0x1;
	s7 =	sadd.s32 s6, s1;
	s10 =	sshrl.u32 s9, $0x1  }
0xa: {  	s6 =	sadd.s32 s0, s6;
	s31 =	sadd.s32 $0x2000, s14;
	s16 =	sadd.s32 $0x4000, s14  }
0xb: {  	s17 =	sadd.s32 $0x6000, s14;
	s18 =	sadd.s32 $0x8000, s14;
	s20 =	sshrl.u32 s14, $0x3  }
0xc: {  	s1 =	sadd.s32 s8, s1;
	s15 =	ssub.s32 s9, s10;
	s7 =	sadd.s32 $0x2400, s7  }
0xd: {  	s8 =	sadd.s32 s14, s2;
	s9 =	sadd.s32 s31, s2;
	s10 =	sadd.s32 s16, s2  }
0xe: {  	s11 =	sadd.s32 s17, s2;
	s12 =	sadd.s32 s18, s2;
	s0 =	sshrl.u32 s31, $0x3  }
.Ltmp0:
0xf: {  	s22 =	sshrl.u32 s16, $0x3;
	s23 =	sshrl.u32 s17, $0x3;
	(pc) =	sbr.rel .LBB2_1-.Ltmp0, $4  }
0x10: {  	s24 =	sshrl.u32 s18, $0x3;
	s14 =	simm.s32 $0x3;
	s16 =	simm.s32 $0xA100  }
0x11: {  	s17 =	simm.s32 $0x80;
	s18 =	simm.s32 $0xC100;
	s1 =	sadd.s32 $0x5C400, s1  }
0x12: {  	s13 =	smax.u32 s15, $0x1;
	s20 =	sadd.s32 s20, s1;
	s21 =	sadd.s32 s0, s1  }
0x13: {  	v0 =	vimm.s32 $0x0;
	v1 =	vimm.f32 $0.0e+00;
	s22 =	sadd.s32 s22, s1;
	s23 =	sadd.s32 s23, s1;
	s24 =	sadd.s32 s24, s1  }
.LBB2_6:
0x14: {  	s0 =	sadd.s32 $0x100, s30;
	[sflag:s14] =	ssyncadd.s32 $0xFFFFE000  }
0x15: {  	[tilespmem:s19], [sflag:$0x2] =	stream.indirect.gather [hbm4b:s4+s17], $0x40, s0, s17, $0xb8;
	[tilespmem:$0x1C100] =	vst v63  }
0x16: {  	s31 =	sadd.s32 $0x180, s30  }
0x17: {  	[tilespmem:s25], [sflag:$0x2] =	stream.indirect.gather [hbm4b:s4+s17], $0x40, s31, s17, $0xb8;
	[tilespmem:$0x1C100] =	vst v63  }
0x18: {  	_ =	swait.ge [sflag:s26], $0x2000  }
0x19: {  	[sflag:s26] =	ssyncset.done $0x0  }
0x1a: {  	[sflag:s26] =	ssyncadd.s32 $0xFFFFE000  }
0x1b: {  	_ =	swait.ge [sflag:s26], $0x2000  }
0x1c: {  	[sflag:s26] =	ssyncset.done $0x0  }
0x1d: {  	s1 =	sadd.s32 $0x5100, s30;
	[sflag:s26] =	ssyncadd.s32 $0xFFFFE000  }
0x1e: {  	[spmem:s2] =	stream.indirect.scatter.add.f32 [tilespmem:s16], [sflag:$0x3], $0x40, s1, s17, $0xb8;
	[tilespmem:$0x1C100] =	vst v63  }
0x1f: {  	_ =	swait.ge [sflag:s14], $0x2000  }
0x20: {  	[sflag:s14] =	ssyncset.done $0x0  }
0x21: {  	s15 =	sadd.s32 $0x5180, s30;
	[sflag:s14] =	ssyncadd.s32 $0xFFFFE000  }
0x22: {  	[spmem:s2] =	stream.indirect.scatter.add.f32 [tilespmem:s18], [sflag:$0x3], $0x40, s15, s17, $0xb8;
	[tilespmem:$0x1C100] =	vst v63  }
0x23: {  	_ =	swait.ge [sflag:s14], $0x2000  }
0x24: {  	[sflag:s14] =	ssyncset.done $0x0  }
0x25: {  	s31 =	sadd.s32 $0x200, s30;
	[sflag:s14] =	ssyncadd.s32 $0xFFFFE000  }
0x26: {  	[tilespmem:s16], [sflag:$0x1] =	stream.indirect.gather [hbm4b:s4+s17], $0x40, s31, s17, $0xb8;
	[tilespmem:$0x1C100] =	vst v63  }
0x27: {  	s1 =	sadd.s32 $0x280, s30  }
0x28: {  	[tilespmem:s18], [sflag:$0x1] =	stream.indirect.gather [hbm4b:s4+s17], $0x40, s1, s17, $0xb8;
	[tilespmem:$0x1C100] =	vst v63  }
0x29: {  	_ =	swait.ge [sflag:s28], $0x2000  }
0x2a: {  	[sflag:s28] =	ssyncset.done $0x0  }
0x2b: {  	[sflag:s28] =	ssyncadd.s32 $0xFFFFE000  }
0x2c: {  	_ =	swait.ge [sflag:s28], $0x2000  }
0x2d: {  	[sflag:s28] =	ssyncset.done $0x0  }
0x2e: {  	s15 =	sadd.s32 $0x5200, s30;
	[sflag:s28] =	ssyncadd.s32 $0xFFFFE000  }
0x2f: {  	[spmem:s2] =	stream.indirect.scatter.add.f32 [tilespmem:s19], [sflag:$0x3], $0x40, s15, s17, $0xb8;
	[tilespmem:$0x1C100] =	vst v63  }
0x30: {  	_ =	swait.ge [sflag:s14], $0x2000  }
0x31: {  	[sflag:s14] =	ssyncset.done $0x0  }
0x32: {  	s31 =	sadd.s32 $0x5280, s30;
	[sflag:s14] =	ssyncadd.s32 $0xFFFFE000  }
0x33: {  	[spmem:s2] =	stream.indirect.scatter.add.f32 [tilespmem:s25], [sflag:$0x3], $0x40, s31, s17, $0xb8;
	[tilespmem:$0x1C100] =	vst v63  }
0x34: {  	_ =	swait.ge [sflag:s14], $0x2000  }
0x35: {  	[sflag:s14] =	ssyncset.done $0x0  }
0x36: {  	[sflag:s14] =	ssyncadd.s32 $0xFFFFE000  }
.LBB2_10:
0x37: {  	_ =	swait.ge [sflag:s26], $0x2000  }
0x38: {  	[sflag:s26] =	ssyncset.done $0x0  }
0x39: {  	[sflag:s26] =	ssyncadd.s32 $0xFFFFE000  }
0x3a: {  	_ =	swait.ge [sflag:s26], $0x2000  }
0x3b: {  	[sflag:s26] =	ssyncset.done $0x0  }
0x3c: {  	[sflag:s26] =	ssyncadd.s32 $0xFFFFE000  }
0x3d: {  	[bflag:$0x0] =	sbarrier.arrive $0xFFFF  }
0x3e: {  	[tilespmem:s16], [sflag:$0x3] =	stream.linear.gather [spmem:s8], $0x2000, $0x38;
	[tilespmem:$0x1C100] =	vst v63  }
0x3f: {  	_ =	swait.ge [sflag:s14], $0x2000  }
0x40: {  	[sflag:s14] =	ssyncset.done $0x0  }
0x41: {  	[sflag:s14] =	ssyncadd.s32 $0xFFFFE000  }
0x42: {  	[hbm4b:s20+s3] =	stream.linear.scatter [tilespmem:s16], [sflag:$0x3], $0x2000, $0x38;
	[tilespmem:$0x1C100] =	vst v63  }
0x43: {  	_ =	swait.ge [sflag:s14], $0x2000  }
0x44: {  	[sflag:s14] =	ssyncset.done $0x0  }
0x45: {  	[sflag:s14] =	ssyncadd.s32 $0xFFFFE000  }
0x46: {  	[tilespmem:s16], [sflag:$0x3] =	stream.linear.gather [spmem:s9], $0x2000, $0x38;
	[tilespmem:$0x1C100] =	vst v63  }
0x47: {  	_ =	swait.ge [sflag:s14], $0x2000  }
0x48: {  	[sflag:s14] =	ssyncset.done $0x0  }
0x49: {  	[sflag:s14] =	ssyncadd.s32 $0xFFFFE000  }
0x4a: {  	[hbm4b:s21+s3] =	stream.linear.scatter [tilespmem:s16], [sflag:$0x3], $0x2000, $0x38;
	[tilespmem:$0x1C100] =	vst v63  }
0x4b: {  	_ =	swait.ge [sflag:s14], $0x2000  }
0x4c: {  	[sflag:s14] =	ssyncset.done $0x0  }
0x4d: {  	[sflag:s14] =	ssyncadd.s32 $0xFFFFE000  }
0x4e: {  	[tilespmem:s16], [sflag:$0x3] =	stream.linear.gather [spmem:s10], $0x2000, $0x38;
	[tilespmem:$0x1C100] =	vst v63  }
0x4f: {  	_ =	swait.ge [sflag:s14], $0x2000  }
0x50: {  	[sflag:s14] =	ssyncset.done $0x0  }
0x51: {  	[sflag:s14] =	ssyncadd.s32 $0xFFFFE000  }
0x52: {  	[hbm4b:s22+s3] =	stream.linear.scatter [tilespmem:s16], [sflag:$0x3], $0x2000, $0x38;
	[tilespmem:$0x1C100] =	vst v63  }
0x53: {  	_ =	swait.ge [sflag:s14], $0x2000  }
0x54: {  	[sflag:s14] =	ssyncset.done $0x0  }
0x55: {  	[sflag:s14] =	ssyncadd.s32 $0xFFFFE000  }
0x56: {  	[tilespmem:s16], [sflag:$0x3] =	stream.linear.gather [spmem:s11], $0x2000, $0x38;
	[tilespmem:$0x1C100] =	vst v63  }
0x57: {  	_ =	swait.ge [sflag:s14], $0x2000  }
0x58: {  	[sflag:s14] =	ssyncset.done $0x0  }
0x59: {  	[sflag:s14] =	ssyncadd.s32 $0xFFFFE000  }
0x5a: {  	[hbm4b:s23+s3] =	stream.linear.scatter [tilespmem:s16], [sflag:$0x3], $0x2000, $0x38;
	[tilespmem:$0x1C100] =	vst v63  }
0x5b: {  	_ =	swait.ge [sflag:s14], $0x2000  }
0x5c: {  	[sflag:s14] =	ssyncset.done $0x0  }
0x5d: {  	[sflag:s14] =	ssyncadd.s32 $0xFFFFE000  }
0x5e: {  	[tilespmem:s16], [sflag:$0x3] =	stream.linear.gather [spmem:s12], $0x2000, $0x38;
	[tilespmem:$0x1C100] =	vst v63  }
0x5f: {  	s29 =	sadd.s32 $0x1, s29;
	_ =	swait.ge [sflag:s14], $0x2000  }
0x60: {  	p1 =	sne.s32 s29, s13;
	[sflag:s14] =	ssyncset.done $0x0  }
.Ltmp1:
0x61: {  	[sflag:s14] =	ssyncadd.s32 $0xFFFFE000;
	(pc) =	sbr.rel @!p1 .LBB2_11-.Ltmp1, $4  }
0x62: {  	[hbm4b:s24+s3] =	stream.linear.scatter [tilespmem:s16], [sflag:$0x3], $0x2000, $0x38;
	[tilespmem:$0x1C100] =	vst v63  }
0x63: {  	_ =	swait.ge [sflag:s14], $0x2000  }
0x64: {  	[sflag:s14] =	ssyncset.done $0x0  }
0x65: {  	[sflag:s14] =	ssyncadd.s32 $0xFFFFE000  }
.LBB2_1:
0x66: {  	[tilespmem:s3], [sflag:$0x3] =	stream.linear.gather [hbm4b:s6+s3], $0x5000, $0x38;
	[tilespmem:$0x1C100] =	vst v63  }
0x67: {  	_ =	swait.ge [sflag:s14], $0x5000  }
0x68: {  	[sflag:s14] =	ssyncset.done $0x0  }
0x69: {  	s0 =	simm.s32 $0x5100;
	[sflag:s14] =	ssyncadd.s32 $0xFFFFB000  }
0x6a: {  	[tilespmem:s0], [sflag:$0x3] =	stream.linear.gather [hbm4b:s7+s3], $0x5000, $0x38;
	[tilespmem:$0x1C100] =	vst v63  }
0x6b: {  	_ =	swait.ge [sflag:s14], $0x5000  }
0x6c: {  	[sflag:s14] =	ssyncset.done $0x0  }
0x6d: {  	[sflag:s14] =	ssyncadd.s32 $0xFFFFB000  }
0x6e: {  	[tilespmem:$0x5000] =	vst v0  }
0x6f: {  	[tilespmem:$0x5010] =	vst v0  }
0x70: {  	[tilespmem:$0x5020] =	vst v0  }
0x71: {  	[tilespmem:$0x5030] =	vst v0  }
0x72: {  	[tilespmem:$0x5040] =	vst v0  }
0x73: {  	[tilespmem:$0x5050] =	vst v0  }
0x74: {  	[tilespmem:$0x5060] =	vst v0  }
0x75: {  	[tilespmem:$0x5070] =	vst v0  }
0x76: {  	[tilespmem:$0x5080] =	vst v0  }
0x77: {  	[tilespmem:$0x5090] =	vst v0  }
0x78: {  	[tilespmem:$0x50A0] =	vst v0  }
0x79: {  	[tilespmem:$0x50B0] =	vst v0  }
0x7a: {  	[tilespmem:$0x50C0] =	vst v0  }
0x7b: {  	[tilespmem:$0x50D0] =	vst v0  }
0x7c: {  	[tilespmem:$0x50E0] =	vst v0  }
0x7d: {  	s30 =	simm.s32 $0x100;
	s0 =	simm.s32 $0x0;
	[tilespmem:$0x50F0] =	vst v0  }
.LBB2_2:
0x7e: {  	p1 =	sne.s32 s30, $0x7F00;
	[tilespmem:s0+$0xA130] =	vst v1;
	s1 =	smov.u32 s30;
	s30 =	sadd.s32 $0x100, s30  }
.Ltmp2:
0x7f: {  	[tilespmem:s0+$0xA120] =	vst v1;
	(pc) =	sbr.rel @p1 .LBB2_2-.Ltmp2, $3  }
0x80: {  	[tilespmem:s0+$0xA100] =	vst v1  }
0x81: {  	[tilespmem:s0+$0xA110] =	vst v1;
	_ =	sdelay $0x1  }
0x82: {  	s0 =	sshra.s32 s1, $0x2  }
0x83: {  	[tilespmem:s0+$0xA130] =	vst v1  }
0x84: {  	[tilespmem:s0+$0xA120] =	vst v1  }
0x85: {  	[tilespmem:s0+$0xA100] =	vst v1  }
0x86: {  	[tilespmem:s0+$0xA110] =	vst v1  }
0x87: {  	[spmem:s8] =	stream.linear.scatter [tilespmem:s16], [sflag:$0x3], $0x2000, $0x38;
	[tilespmem:$0x1C100] =	vst v63  }
0x88: {  	_ =	swait.ge [sflag:s14], $0x2000  }
0x89: {  	[sflag:s14] =	ssyncset.done $0x0  }
0x8a: {  	[sflag:s14] =	ssyncadd.s32 $0xFFFFE000  }
0x8b: {  	[spmem:s9] =	stream.linear.scatter [tilespmem:s16], [sflag:$0x3], $0x2000, $0x38;
	[tilespmem:$0x1C100] =	vst v63  }
0x8c: {  	_ =	swait.ge [sflag:s14], $0x2000  }
0x8d: {  	[sflag:s14] =	ssyncset.done $0x0  }
0x8e: {  	[sflag:s14] =	ssyncadd.s32 $0xFFFFE000  }
0x8f: {  	[spmem:s10] =	stream.linear.scatter [tilespmem:s16], [sflag:$0x3], $0x2000, $0x38;
	[tilespmem:$0x1C100] =	vst v63  }
0x90: {  	_ =	swait.ge [sflag:s14], $0x2000  }
0x91: {  	[sflag:s14] =	ssyncset.done $0x0  }
0x92: {  	[sflag:s14] =	ssyncadd.s32 $0xFFFFE000  }
0x93: {  	[spmem:s11] =	stream.linear.scatter [tilespmem:s16], [sflag:$0x3], $0x2000, $0x38;
	[tilespmem:$0x1C100] =	vst v63  }
0x94: {  	_ =	swait.ge [sflag:s14], $0x2000  }
0x95: {  	[sflag:s14] =	ssyncset.done $0x0  }
0x96: {  	[sflag:s14] =	ssyncadd.s32 $0xFFFFE000  }
0x97: {  	[spmem:s12] =	stream.linear.scatter [tilespmem:s16], [sflag:$0x3], $0x2000, $0x38;
	[tilespmem:$0x1C100] =	vst v63  }
.Ltmp3:
0x98: {  	_ =	swait.ge [sflag:s14], $0x2000;
	(pc) =	sbr.rel @!p0 .LBB2_4-.Ltmp3, $4  }
0x99: {  	[sflag:s14] =	ssyncset.done $0x0  }
0x9a: {  	[sflag:s14] =	ssyncadd.s32 $0xFFFFE000  }
0x9b: {  	[bflag:$0x0] =	sbarrier.arrive $0xFFFF  }
0x9c: {  	s0 =	simm.s32 $0x0  }
0x9d: {  	[tilespmem:s16], [sflag:$0x1] =	stream.indirect.gather [hbm4b:s5+s17], $0x40, s0, s17, $0xb8;
	[tilespmem:$0x1C100] =	vst v63  }
0x9e: {  	_ = 	snop  }
0x9f: {  	[tilespmem:s18], [sflag:$0x1] =	stream.indirect.gather [hbm4b:s5+s17], $0x40, s17, s17, $0xb8;
	[tilespmem:$0x1C100] =	vst v63  }
0xa0: {  	s15 =	simm.s32 $0x100  }
0xa1: {  	[tilespmem:s19], [sflag:$0x2] =	stream.indirect.gather [hbm4b:s5+s17], $0x40, s15, s17, $0xb8;
	[tilespmem:$0x1C100] =	vst v63  }
0xa2: {  	s31 =	simm.s32 $0x180  }
0xa3: {  	[tilespmem:s25], [sflag:$0x2] =	stream.indirect.gather [hbm4b:s5+s17], $0x40, s31, s17, $0xb8;
	[tilespmem:$0x1C100] =	vst v63  }
0xa4: {  	_ =	swait.ge [sflag:s26], $0x2000  }
0xa5: {  	[sflag:s26] =	ssyncset.done $0x0  }
0xa6: {  	[sflag:s26] =	ssyncadd.s32 $0xFFFFE000  }
0xa7: {  	_ =	swait.ge [sflag:s26], $0x2000  }
0xa8: {  	[sflag:s26] =	ssyncset.done $0x0  }
0xa9: {  	s1 =	simm.s32 $0x5100;
	[sflag:s26] =	ssyncadd.s32 $0xFFFFE000  }
0xaa: {  	[spmem:s2] =	stream.indirect.scatter.add.f32 [tilespmem:s16], [sflag:$0x3], $0x40, s1, s17, $0xb8;
	[tilespmem:$0x1C100] =	vst v63  }
0xab: {  	_ =	swait.ge [sflag:s14], $0x2000  }
0xac: {  	[sflag:s14] =	ssyncset.done $0x0  }
0xad: {  	s15 =	simm.s32 $0x5180;
	[sflag:s14] =	ssyncadd.s32 $0xFFFFE000  }
0xae: {  	[spmem:s2] =	stream.indirect.scatter.add.f32 [tilespmem:s18], [sflag:$0x3], $0x40, s15, s17, $0xb8;
	[tilespmem:$0x1C100] =	vst v63  }
0xaf: {  	_ =	swait.ge [sflag:s14], $0x2000  }
0xb0: {  	[sflag:s14] =	ssyncset.done $0x0  }
0xb1: {  	s31 =	simm.s32 $0x200;
	[sflag:s14] =	ssyncadd.s32 $0xFFFFE000  }
0xb2: {  	[tilespmem:s16], [sflag:$0x1] =	stream.indirect.gather [hbm4b:s5+s17], $0x40, s31, s17, $0xb8;
	[tilespmem:$0x1C100] =	vst v63  }
0xb3: {  	s1 =	simm.s32 $0x280  }
0xb4: {  	[tilespmem:s18], [sflag:$0x1] =	stream.indirect.gather [hbm4b:s5+s17], $0x40, s1, s17, $0xb8;
	[tilespmem:$0x1C100] =	vst v63  }
0xb5: {  	_ =	swait.ge [sflag:s28], $0x2000  }
0xb6: {  	[sflag:s28] =	ssyncset.done $0x0  }
0xb7: {  	[sflag:s28] =	ssyncadd.s32 $0xFFFFE000  }
0xb8: {  	_ =	swait.ge [sflag:s28], $0x2000  }
0xb9: {  	[sflag:s28] =	ssyncset.done $0x0  }
0xba: {  	s15 =	simm.s32 $0x5200;
	[sflag:s28] =	ssyncadd.s32 $0xFFFFE000  }
0xbb: {  	[spmem:s2] =	stream.indirect.scatter.add.f32 [tilespmem:s19], [sflag:$0x3], $0x40, s15, s17, $0xb8;
	[tilespmem:$0x1C100] =	vst v63  }
0xbc: {  	_ =	swait.ge [sflag:s14], $0x2000  }
0xbd: {  	[sflag:s14] =	ssyncset.done $0x0  }
0xbe: {  	s31 =	simm.s32 $0x5280;
	[sflag:s14] =	ssyncadd.s32 $0xFFFFE000  }
0xbf: {  	[spmem:s2] =	stream.indirect.scatter.add.f32 [tilespmem:s25], [sflag:$0x3], $0x40, s31, s17, $0xb8;
	[tilespmem:$0x1C100] =	vst v63  }
0xc0: {  	_ =	swait.ge [sflag:s14], $0x2000  }
0xc1: {  	s30 =	simm.s32 $0x200;
	s1 =	simm.s32 $0x1000;
	[sflag:s14] =	ssyncset.done $0x0  }
.LBB2_8:
0xc2: {  	s15 =	sadd.s32 $0x100, s30  }
0xc3: {  	[sflag:s14] =	ssyncadd.s32 $0xFFFFE000;
	s0 =	smov.u32 s1;
	s31 =	sadd.s32 $0x800, s1  }
0xc4: {  	[tilespmem:s19], [sflag:$0x2] =	stream.indirect.gather [hbm4b:s5+s17], $0x40, s15, s17, $0xb8;
	[tilespmem:$0x1C100] =	vst v63  }
0xc5: {  	p1 =	sne.s32 s1, $0x13800;
	s1 =	sadd.s32 $0x180, s30  }
0xc6: {  	[tilespmem:s25], [sflag:$0x2] =	stream.indirect.gather [hbm4b:s5+s17], $0x40, s1, s17, $0xb8;
	[tilespmem:$0x1C100] =	vst v63  }
0xc7: {  	_ =	swait.ge [sflag:s26], $0x2000  }
0xc8: {  	[sflag:s26] =	ssyncset.done $0x0  }
0xc9: {  	[sflag:s26] =	ssyncadd.s32 $0xFFFFE000  }
0xca: {  	_ =	swait.ge [sflag:s26], $0x2000  }
0xcb: {  	[sflag:s26] =	ssyncset.done $0x0  }
0xcc: {  	s1 =	sadd.s32 $0x5100, s30;
	[sflag:s26] =	ssyncadd.s32 $0xFFFFE000  }
0xcd: {  	[spmem:s2] =	stream.indirect.scatter.add.f32 [tilespmem:s16], [sflag:$0x3], $0x40, s1, s17, $0xb8;
	[tilespmem:$0x1C100] =	vst v63  }
0xce: {  	_ =	swait.ge [sflag:s14], $0x2000  }
0xcf: {  	[sflag:s14] =	ssyncset.done $0x0  }
0xd0: {  	s1 =	sadd.s32 $0x5180, s30;
	[sflag:s14] =	ssyncadd.s32 $0xFFFFE000  }
0xd1: {  	[spmem:s2] =	stream.indirect.scatter.add.f32 [tilespmem:s18], [sflag:$0x3], $0x40, s1, s17, $0xb8;
	[tilespmem:$0x1C100] =	vst v63  }
0xd2: {  	_ =	swait.ge [sflag:s14], $0x2000  }
0xd3: {  	[sflag:s14] =	ssyncset.done $0x0  }
0xd4: {  	s1 =	sadd.s32 $0x200, s30;
	[sflag:s14] =	ssyncadd.s32 $0xFFFFE000  }
0xd5: {  	[tilespmem:s16], [sflag:$0x1] =	stream.indirect.gather [hbm4b:s5+s17], $0x40, s1, s17, $0xb8;
	[tilespmem:$0x1C100] =	vst v63  }
0xd6: {  	s1 =	sadd.s32 $0x280, s30  }
0xd7: {  	[tilespmem:s18], [sflag:$0x1] =	stream.indirect.gather [hbm4b:s5+s17], $0x40, s1, s17, $0xb8;
	[tilespmem:$0x1C100] =	vst v63  }
0xd8: {  	_ =	swait.ge [sflag:s28], $0x2000  }
0xd9: {  	[sflag:s28] =	ssyncset.done $0x0  }
0xda: {  	[sflag:s28] =	ssyncadd.s32 $0xFFFFE000  }
0xdb: {  	_ =	swait.ge [sflag:s28], $0x2000  }
0xdc: {  	[sflag:s28] =	ssyncset.done $0x0  }
0xdd: {  	s1 =	sadd.s32 $0x5200, s30;
	[sflag:s28] =	ssyncadd.s32 $0xFFFFE000  }
0xde: {  	[spmem:s2] =	stream.indirect.scatter.add.f32 [tilespmem:s19], [sflag:$0x3], $0x40, s1, s17, $0xb8;
	[tilespmem:$0x1C100] =	vst v63  }
0xdf: {  	_ =	swait.ge [sflag:s14], $0x2000  }
.Ltmp4:
0xe0: {  	[sflag:s14] =	ssyncset.done $0x0;
	(pc) =	sbr.rel @p1 .LBB2_8-.Ltmp4, $4  }
0xe1: {  	s1 =	sadd.s32 $0x5280, s30;
	[sflag:s14] =	ssyncadd.s32 $0xFFFFE000  }
0xe2: {  	[spmem:s2] =	stream.indirect.scatter.add.f32 [tilespmem:s25], [sflag:$0x3], $0x40, s1, s17, $0xb8;
	[tilespmem:$0x1C100] =	vst v63  }
0xe3: {  	_ =	swait.ge [sflag:s14], $0x2000  }
0xe4: {  	s30 =	sshra.s32 s0, $0x2;
	s1 =	smov.u32 s31;
	[sflag:s14] =	ssyncset.done $0x0  }
0xe5: {  	s0 =	sadd.s32 $0x100, s30;
	[sflag:s14] =	ssyncadd.s32 $0xFFFFE000  }
0xe6: {  	[tilespmem:s19], [sflag:$0x2] =	stream.indirect.gather [hbm4b:s5+s17], $0x40, s0, s17, $0xb8;
	[tilespmem:$0x1C100] =	vst v63  }
0xe7: {  	s31 =	sadd.s32 $0x180, s30  }
0xe8: {  	[tilespmem:s25], [sflag:$0x2] =	stream.indirect.gather [hbm4b:s5+s17], $0x40, s31, s17, $0xb8;
	[tilespmem:$0x1C100] =	vst v63  }
0xe9: {  	_ =	swait.ge [sflag:s26], $0x2000  }
0xea: {  	[sflag:s26] =	ssyncset.done $0x0  }
0xeb: {  	[sflag:s26] =	ssyncadd.s32 $0xFFFFE000  }
0xec: {  	_ =	swait.ge [sflag:s26], $0x2000  }
0xed: {  	[sflag:s26] =	ssyncset.done $0x0  }
0xee: {  	s1 =	sadd.s32 $0x5100, s30;
	[sflag:s26] =	ssyncadd.s32 $0xFFFFE000  }
0xef: {  	[spmem:s2] =	stream.indirect.scatter.add.f32 [tilespmem:s16], [sflag:$0x3], $0x40, s1, s17, $0xb8;
	[tilespmem:$0x1C100] =	vst v63  }
0xf0: {  	_ =	swait.ge [sflag:s14], $0x2000  }
0xf1: {  	[sflag:s14] =	ssyncset.done $0x0  }
0xf2: {  	s15 =	sadd.s32 $0x5180, s30;
	[sflag:s14] =	ssyncadd.s32 $0xFFFFE000  }
0xf3: {  	[spmem:s2] =	stream.indirect.scatter.add.f32 [tilespmem:s18], [sflag:$0x3], $0x40, s15, s17, $0xb8;
	[tilespmem:$0x1C100] =	vst v63  }
0xf4: {  	_ =	swait.ge [sflag:s14], $0x2000  }
0xf5: {  	[sflag:s14] =	ssyncset.done $0x0  }
0xf6: {  	s31 =	sadd.s32 $0x200, s30;
	[sflag:s14] =	ssyncadd.s32 $0xFFFFE000  }
0xf7: {  	[tilespmem:s16], [sflag:$0x1] =	stream.indirect.gather [hbm4b:s5+s17], $0x40, s31, s17, $0xb8;
	[tilespmem:$0x1C100] =	vst v63  }
0xf8: {  	s1 =	sadd.s32 $0x280, s30  }
0xf9: {  	[tilespmem:s18], [sflag:$0x1] =	stream.indirect.gather [hbm4b:s5+s17], $0x40, s1, s17, $0xb8;
	[tilespmem:$0x1C100] =	vst v63  }
0xfa: {  	_ =	swait.ge [sflag:s28], $0x2000  }
0xfb: {  	[sflag:s28] =	ssyncset.done $0x0  }
0xfc: {  	[sflag:s28] =	ssyncadd.s32 $0xFFFFE000  }
0xfd: {  	_ =	swait.ge [sflag:s28], $0x2000  }
0xfe: {  	[sflag:s28] =	ssyncset.done $0x0  }
0xff: {  	s15 =	sadd.s32 $0x5200, s30;
	[sflag:s28] =	ssyncadd.s32 $0xFFFFE000  }
0x100: {  	[spmem:s2] =	stream.indirect.scatter.add.f32 [tilespmem:s19], [sflag:$0x3], $0x40, s15, s17, $0xb8;
	[tilespmem:$0x1C100] =	vst v63  }
0x101: {  	_ =	swait.ge [sflag:s14], $0x2000  }
0x102: {  	[sflag:s14] =	ssyncset.done $0x0  }
.Ltmp5:
0x103: {  	s31 =	sadd.s32 $0x5280, s30;
	[sflag:s14] =	ssyncadd.s32 $0xFFFFE000;
	(pc) =	sbr.rel .LBB2_10-.Ltmp5, $4  }
0x104: {  	[spmem:s2] =	stream.indirect.scatter.add.f32 [tilespmem:s25], [sflag:$0x3], $0x40, s31, s17, $0xb8;
	[tilespmem:$0x1C100] =	vst v63  }
0x105: {  	_ =	swait.ge [sflag:s14], $0x2000  }
0x106: {  	[sflag:s14] =	ssyncset.done $0x0  }
0x107: {  	[sflag:s14] =	ssyncadd.s32 $0xFFFFE000  }
.LBB2_4:
0x108: {  	[tilespmem:s16], [sflag:$0x1] =	stream.indirect.gather [hbm4b:s4+s17], $0x40, s0, s17, $0xb8;
	[tilespmem:$0x1C100] =	vst v63  }
0x109: {  	_ = 	snop  }
0x10a: {  	[tilespmem:s18], [sflag:$0x1] =	stream.indirect.gather [hbm4b:s4+s17], $0x40, s17, s17, $0xb8;
	[tilespmem:$0x1C100] =	vst v63  }
0x10b: {  	s1 =	simm.s32 $0x100  }
0x10c: {  	[tilespmem:s19], [sflag:$0x2] =	stream.indirect.gather [hbm4b:s4+s17], $0x40, s1, s17, $0xb8;
	[tilespmem:$0x1C100] =	vst v63  }
0x10d: {  	s15 =	simm.s32 $0x180  }
0x10e: {  	[tilespmem:s25], [sflag:$0x2] =	stream.indirect.gather [hbm4b:s4+s17], $0x40, s15, s17, $0xb8;
	[tilespmem:$0x1C100] =	vst v63  }
0x10f: {  	_ =	swait.ge [sflag:s26], $0x2000  }
0x110: {  	[sflag:s26] =	ssyncset.done $0x0  }
0x111: {  	[sflag:s26] =	ssyncadd.s32 $0xFFFFE000  }
0x112: {  	_ =	swait.ge [sflag:s26], $0x2000  }
0x113: {  	[sflag:s26] =	ssyncset.done $0x0  }
0x114: {  	s1 =	simm.s32 $0x5100;
	[sflag:s26] =	ssyncadd.s32 $0xFFFFE000  }
0x115: {  	[spmem:s2] =	stream.indirect.scatter.add.f32 [tilespmem:s16], [sflag:$0x3], $0x40, s1, s17, $0xb8;
	[tilespmem:$0x1C100] =	vst v63  }
0x116: {  	_ =	swait.ge [sflag:s14], $0x2000  }
0x117: {  	[sflag:s14] =	ssyncset.done $0x0  }
0x118: {  	s15 =	simm.s32 $0x5180;
	[sflag:s14] =	ssyncadd.s32 $0xFFFFE000  }
0x119: {  	[spmem:s2] =	stream.indirect.scatter.add.f32 [tilespmem:s18], [sflag:$0x3], $0x40, s15, s17, $0xb8;
	[tilespmem:$0x1C100] =	vst v63  }
0x11a: {  	_ =	swait.ge [sflag:s14], $0x2000  }
0x11b: {  	[sflag:s14] =	ssyncset.done $0x0  }
0x11c: {  	s1 =	simm.s32 $0x200;
	[sflag:s14] =	ssyncadd.s32 $0xFFFFE000  }
0x11d: {  	[tilespmem:s16], [sflag:$0x1] =	stream.indirect.gather [hbm4b:s4+s17], $0x40, s1, s17, $0xb8;
	[tilespmem:$0x1C100] =	vst v63  }
0x11e: {  	s15 =	simm.s32 $0x280  }
0x11f: {  	[tilespmem:s18], [sflag:$0x1] =	stream.indirect.gather [hbm4b:s4+s17], $0x40, s15, s17, $0xb8;
	[tilespmem:$0x1C100] =	vst v63  }
0x120: {  	_ =	swait.ge [sflag:s28], $0x2000  }
0x121: {  	[sflag:s28] =	ssyncset.done $0x0  }
0x122: {  	[sflag:s28] =	ssyncadd.s32 $0xFFFFE000  }
0x123: {  	_ =	swait.ge [sflag:s28], $0x2000  }
0x124: {  	[sflag:s28] =	ssyncset.done $0x0  }
0x125: {  	s1 =	simm.s32 $0x5200;
	[sflag:s28] =	ssyncadd.s32 $0xFFFFE000  }
0x126: {  	[spmem:s2] =	stream.indirect.scatter.add.f32 [tilespmem:s19], [sflag:$0x3], $0x40, s1, s17, $0xb8;
	[tilespmem:$0x1C100] =	vst v63  }
0x127: {  	_ =	swait.ge [sflag:s14], $0x2000  }
0x128: {  	[sflag:s14] =	ssyncset.done $0x0  }
0x129: {  	s15 =	simm.s32 $0x5280;
	[sflag:s14] =	ssyncadd.s32 $0xFFFFE000  }
0x12a: {  	[spmem:s2] =	stream.indirect.scatter.add.f32 [tilespmem:s25], [sflag:$0x3], $0x40, s15, s17, $0xb8;
	[tilespmem:$0x1C100] =	vst v63  }
0x12b: {  	_ =	swait.ge [sflag:s14], $0x2000  }
0x12c: {  	s31 =	simm.s32 $0x1000;
	s30 =	simm.s32 $0x200;
	[sflag:s14] =	ssyncset.done $0x0  }
.LBB2_5:
0x12d: {  	s15 =	sadd.s32 $0x100, s30  }
0x12e: {  	[sflag:s14] =	ssyncadd.s32 $0xFFFFE000;
	s0 =	smov.u32 s31;
	s1 =	sadd.s32 $0x800, s31  }
0x12f: {  	[tilespmem:s19], [sflag:$0x2] =	stream.indirect.gather [hbm4b:s4+s17], $0x40, s15, s17, $0xb8;
	[tilespmem:$0x1C100] =	vst v63  }
0x130: {  	p1 =	seq.s32 s31, $0x13800;
	s15 =	sadd.s32 $0x180, s30  }
0x131: {  	[tilespmem:s25], [sflag:$0x2] =	stream.indirect.gather [hbm4b:s4+s17], $0x40, s15, s17, $0xb8;
	[tilespmem:$0x1C100] =	vst v63  }
0x132: {  	_ =	swait.ge [sflag:s26], $0x2000  }
0x133: {  	[sflag:s26] =	ssyncset.done $0x0  }
0x134: {  	[sflag:s26] =	ssyncadd.s32 $0xFFFFE000  }
0x135: {  	_ =	swait.ge [sflag:s26], $0x2000  }
0x136: {  	[sflag:s26] =	ssyncset.done $0x0  }
0x137: {  	s15 =	sadd.s32 $0x5100, s30;
	[sflag:s26] =	ssyncadd.s32 $0xFFFFE000  }
0x138: {  	[spmem:s2] =	stream.indirect.scatter.add.f32 [tilespmem:s16], [sflag:$0x3], $0x40, s15, s17, $0xb8;
	[tilespmem:$0x1C100] =	vst v63  }
0x139: {  	_ =	swait.ge [sflag:s14], $0x2000  }
0x13a: {  	[sflag:s14] =	ssyncset.done $0x0  }
0x13b: {  	s15 =	sadd.s32 $0x5180, s30;
	[sflag:s14] =	ssyncadd.s32 $0xFFFFE000  }
0x13c: {  	[spmem:s2] =	stream.indirect.scatter.add.f32 [tilespmem:s18], [sflag:$0x3], $0x40, s15, s17, $0xb8;
	[tilespmem:$0x1C100] =	vst v63  }
0x13d: {  	_ =	swait.ge [sflag:s14], $0x2000  }
0x13e: {  	[sflag:s14] =	ssyncset.done $0x0  }
0x13f: {  	s15 =	sadd.s32 $0x200, s30;
	[sflag:s14] =	ssyncadd.s32 $0xFFFFE000  }
0x140: {  	[tilespmem:s16], [sflag:$0x1] =	stream.indirect.gather [hbm4b:s4+s17], $0x40, s15, s17, $0xb8;
	[tilespmem:$0x1C100] =	vst v63  }
0x141: {  	s15 =	sadd.s32 $0x280, s30  }
0x142: {  	[tilespmem:s18], [sflag:$0x1] =	stream.indirect.gather [hbm4b:s4+s17], $0x40, s15, s17, $0xb8;
	[tilespmem:$0x1C100] =	vst v63  }
0x143: {  	_ =	swait.ge [sflag:s28], $0x2000  }
0x144: {  	[sflag:s28] =	ssyncset.done $0x0  }
0x145: {  	[sflag:s28] =	ssyncadd.s32 $0xFFFFE000  }
0x146: {  	_ =	swait.ge [sflag:s28], $0x2000  }
0x147: {  	[sflag:s28] =	ssyncset.done $0x0  }
0x148: {  	s15 =	sadd.s32 $0x5200, s30;
	[sflag:s28] =	ssyncadd.s32 $0xFFFFE000  }
0x149: {  	[spmem:s2] =	stream.indirect.scatter.add.f32 [tilespmem:s19], [sflag:$0x3], $0x40, s15, s17, $0xb8;
	[tilespmem:$0x1C100] =	vst v63  }
0x14a: {  	_ =	swait.ge [sflag:s14], $0x2000  }
.Ltmp6:
0x14b: {  	[sflag:s14] =	ssyncset.done $0x0;
	(pc) =	sbr.rel @!p1 .LBB2_5-.Ltmp6, $4  }
0x14c: {  	s15 =	sadd.s32 $0x5280, s30;
	[sflag:s14] =	ssyncadd.s32 $0xFFFFE000  }
0x14d: {  	[spmem:s2] =	stream.indirect.scatter.add.f32 [tilespmem:s25], [sflag:$0x3], $0x40, s15, s17, $0xb8;
	[tilespmem:$0x1C100] =	vst v63  }
0x14e: {  	_ =	swait.ge [sflag:s14], $0x2000  }
0x14f: {  	s31 =	smov.u32 s1;
	s30 =	sshra.s32 s0, $0x2;
	[sflag:s14] =	ssyncset.done $0x0  }
.Ltmp7:
0x150: {  	_ = 	snop;
	(pc) =	sbr.rel .LBB2_6-.Ltmp7, $1  }
0x151: {  	_ =	sdelay $0x3  }
.LBB2_11:
0x152: {  	_ =	sfence.sel $0x180000  }
0x153: {  	[bflag:$0x0] =	sbarrier.arrive $0xFFFF  }
0x154: {  	_ =	strace $0x9000004D  }
0x155: {  	s0 =	stileid.u32;
	[bflag:$0x2] =	sbarrier.arrive $0xFFFF  }
0x156: {  	p0 =	sne.s32 s0, $0x0;
	s0 =	rddreg [dreg:$0x3]  }
0x157: {  	s0 =	sadd.s32 @!p0 $0x100000, s0  }
0x158: {  	[sflag:s0] =	ssyncadd.tile.s32 @!p0 $0x1;
	_ =	shalt  }
.Lfunc_end2:
_tile_overlayer_lowered:
.L_overlay_start_2:
0x159: {  	(tag) =	ssettag $0x2  }
0x15a: {  	s0 =	rddreg [dreg:$0x0];
	s2 =	stileid.u32  }
0x15b: {  	s1 =	rddreg [dreg:$0x1];
	p0 =	sne.s32 s2, $0x0  }
0x15c: {  	s3 =	rddreg [dreg:$0x2];
	[bflag:$0x3] =	sbarrier.arrive $0xFFFF;
	s2 =	simm.s32 @!p0 $0x1C03  }
0x15d: {  	[timem:s3], [sflag:s2] =	dma.local @!p0 [hbm:s0], s1  }
0x15e: {  	s0 =	simm.s32 @!p0 $0x3  }
0x15f: {  	_ =	swait.ge @!p0 [sflag:s0], s1  }
0x160: {  	s1 =	ssub.s32 @!p0 $0x0, s1;
	[sflag:s0] =	ssyncset.done @!p0 $0x0  }
0x161: {  	[sflag:s0] =	ssyncadd.s32 @!p0 s1  }
0x162: {  	[bflag:$0x3] =	sbarrier.arrive $0xFFFF  }
0x163: {  	_ =	shalt  }

// kernel: kernel.8.cloned.1.call-start
scs
__scs_entry_jumppad:
0x0: {  	(pc) =	sbr.rel $0x88, $3  }
0x1: {  	(tag) =	ssettag $0x0;
	lr =	simm.s32 $0x1  }
0x2: {  	[smem:$0x3F99] =	sst lr;
	_ =	strace $0xD0000000  }
0x3: {  	_ = 	snop  }
0x4: {  	_ = 	snop  }
0x5: {  	_ = 	snop  }
0x6: {  	_ = 	snop  }
0x7: {  	_ = 	snop  }
__scs_overlays_trampoline_lowered:
0x8: {  	[smem:$0x3FA8] =	sst s0  }
0x9: {  	[smem:$0x3FA9] =	sst s1  }
0xa: {  	[smem:$0x3FAA] =	sst s2  }
0xb: {  	[smem:$0x3FAB] =	sst s3  }
0xc: {  	[smem:$0x3FAC] =	sst s4  }
0xd: {  	[smem:$0x3FAD] =	sst s5  }
0xe: {  	[smem:$0x3FAE] =	sst s6  }
0xf: {  	[smem:$0x3FAF] =	sst s7  }
0x10: {  	[smem:$0x3FB0] =	sst s8  }
0x11: {  	[smem:$0x3FB1] =	sst s9;
	s0 =	simm.s32 @!p0 $0x0  }
0x12: {  	s1 =	sld [smem:$0x3F97];
	s0 =	simm.s32 @p0 $0x1  }
0x13: {  	[smem:$0x3FB2] =	sst s0;
	s0 =	simm.s32 @!p1 $0x0  }
0x14: {  	s2 =	sld [smem:$0x3F96];
	s0 =	simm.s32 @p1 $0x1  }
0x15: {  	[smem:$0x3FB3] =	sst s0;
	s0 =	simm.s32 @!p2 $0x0  }
0x16: {  	s3 =	sld [smem:$0x3FDB];
	s0 =	simm.s32 @p2 $0x1  }
0x17: {  	s4 =	simm.s32 $0x1BF5;
	[smem:$0x3FB5] =	sst s0  }
0x18: {  	s0 =	sld [smem:$0x3F98];
	_ =	swait.ge [sflag:s4], $0x0  }
0x19: {  	s7 =	sld [smem:$0x3F99]  }
0x1a: {  	s8 =	sadd.s32 $0xFFFFE003, lr  }
0x1b: {  	s9 =	sadd.s32 $0xFFFFFEF7, lr;
	s5 =	simm.s32 $0xFFFFFFFF;
	p2 =	slt.u32 s8, $0xFFFFF086  }
0x1c: {  	p1 =	slt.u32 s9, $0xF7A;
	s5 =	simm.s32 @!p2 $0x0  }
0x1d: {  	s5 =	simm.s32 @p1 $0x1;
	p0 =	seq.s32 s7, s2  }
0x1e: {  	s7 =	smul.u32 @!p0 $0xF7A, s2;
	p2 =	seq.s32 @!p0 s5, $0x0  }
0x1f: {  	s9 =	smul.u32 $0xF7A, s1;
	s8 =	simm.s32 @!p0 $0x1BF5;
	p2 =	por !p2, p0  }
0x20: {  	[sflag:s8] =	ssyncset.s32 @!p0 $0xFFFFF086;
	s6 =	sadd.s32 @!p0 s3, s7;
	s7 =	simm.s32 @!p0 $0x108  }
0x21: {  	s3 =	sadd.s32 s3, s9;
	s6 =	sadd.s32 @!p0 $0x88, s6;
	s7 =	simm.s32 @p2 $0x1082  }
0x22: {  	[simem:s7], [sflag:s8] =	dma.local @!p0 [hbm:s6], $0xF7A  }
0x23: {  	s9 =	sor.u32 $0xD0000000, s2;
	s6 =	simm.s32 $0x108;
	_ =	swait.ge @!p0 [sflag:s8], $0x0  }
0x24: {  	s3 =	sadd.s32 $0x88, s3;
	s6 =	simm.s32 @!p1 $0x1082;
	[sflag:s4] =	ssyncset.s32 $0xFFFFF086  }
0x25: {  	[simem:s6], [sflag:s4] =	dma.local [hbm:s3], $0xF7A  }
0x26: {  	[smem:$0x3F99] =	sst s1;
	(tag) =	ssettag s2;
	_ =	strace s9  }
0x27: {  	s1 =	sld [smem:$0x3FA9]  }
0x28: {  	s2 =	sld [smem:$0x3FAA]  }
0x29: {  	s4 =	sld [smem:$0x3FAC]  }
0x2a: {  	p0 =	seq.s32 s5, $0x0;
	s5 =	sld [smem:$0x3FAD]  }
0x2b: {  	s6 =	sld [smem:$0x3FAE]  }
0x2c: {  	s7 =	sld [smem:$0x3FAF]  }
0x2d: {  	s3 =	simm.s32 $0x108;
	s8 =	sld [smem:$0x3FB0]  }
0x2e: {  	s3 =	simm.s32 @!p0 $0x1082;
	s9 =	sld [smem:$0x3FB1]  }
0x2f: {  	lr =	sadd.s32 s0, s3;
	s0 =	sld [smem:$0x3FA8]  }
0x30: {  	s3 =	sld [smem:$0x3FAB]  }
0x31: {  	[smem:$0x3FB4] =	sst s10  }
0x32: {  	s10 =	sld [smem:$0x3FB2];
	_ =	sdelay $0x3  }
0x33: {  	p0 =	seq.s32 s10, $0x1;
	s10 =	sld [smem:$0x3FB4];
	_ =	sdelay $0x3  }
0x34: {  	[smem:$0x3FB4] =	sst s10  }
0x35: {  	s10 =	sld [smem:$0x3FB3];
	_ =	sdelay $0x3  }
0x36: {  	p1 =	seq.s32 s10, $0x1;
	s10 =	sld [smem:$0x3FB4];
	_ =	sdelay $0x3  }
0x37: {  	[smem:$0x3FB4] =	sst s10  }
0x38: {  	s10 =	sld [smem:$0x3FB5]  }
0x39: {  	_ = 	snop;
	(pc) =	sbr.ind lr, $3  }
0x3a: {  	_ = 	snop  }
0x3b: {  	_ = 	snop  }
0x3c: {  	p2 =	seq.s32 s10, $0x1;
	s10 =	sld [smem:$0x3FB4]  }
0x3d: {  	_ =	shalt  }
0x3e: {  	_ =	shalt  }
0x3f: {  	_ =	shalt  }
0x40: {  	_ =	shalt  }
0x41: {  	_ =	shalt  }
0x42: {  	_ =	shalt  }
0x43: {  	_ =	shalt  }
0x44: {  	_ =	shalt  }
0x45: {  	_ =	shalt  }
0x46: {  	_ =	shalt  }
0x47: {  	_ =	shalt  }
0x48: {  	_ =	shalt  }
0x49: {  	_ =	shalt  }
0x4a: {  	_ =	shalt  }
0x4b: {  	_ =	shalt  }
0x4c: {  	_ =	shalt  }
0x4d: {  	_ =	shalt  }
0x4e: {  	_ =	shalt  }
0x4f: {  	_ =	shalt  }
0x50: {  	_ =	shalt  }
0x51: {  	_ =	shalt  }
0x52: {  	_ =	shalt  }
0x53: {  	_ =	shalt  }
0x54: {  	_ =	shalt  }
0x55: {  	_ =	shalt  }
0x56: {  	_ =	shalt  }
0x57: {  	_ =	shalt  }
0x58: {  	_ =	shalt  }
0x59: {  	_ =	shalt  }
0x5a: {  	_ =	shalt  }
0x5b: {  	_ =	shalt  }
0x5c: {  	_ =	shalt  }
0x5d: {  	_ =	shalt  }
0x5e: {  	_ =	shalt  }
0x5f: {  	_ =	shalt  }
0x60: {  	_ =	shalt  }
0x61: {  	_ =	shalt  }
0x62: {  	_ =	shalt  }
0x63: {  	_ =	shalt  }
0x64: {  	_ =	shalt  }
0x65: {  	_ =	shalt  }
0x66: {  	_ =	shalt  }
0x67: {  	_ =	shalt  }
0x68: {  	_ =	shalt  }
0x69: {  	_ =	shalt  }
0x6a: {  	_ =	shalt  }
0x6b: {  	_ =	shalt  }
0x6c: {  	_ =	shalt  }
0x6d: {  	_ =	shalt  }
0x6e: {  	_ =	shalt  }
0x6f: {  	_ =	shalt  }
0x70: {  	_ =	shalt  }
0x71: {  	_ =	shalt  }
0x72: {  	_ =	shalt  }
0x73: {  	_ =	shalt  }
0x74: {  	_ =	shalt  }
0x75: {  	_ =	shalt  }
0x76: {  	_ =	shalt  }
0x77: {  	_ =	shalt  }
0x78: {  	_ =	shalt  }
0x79: {  	_ =	shalt  }
0x7a: {  	_ =	shalt  }
0x7b: {  	_ =	shalt  }
0x7c: {  	_ =	shalt  }
0x7d: {  	_ =	shalt  }
0x7e: {  	_ =	shalt  }
0x7f: {  	_ =	shalt  }
0x80: {  	_ =	shalt  }
0x81: {  	_ =	shalt  }
0x82: {  	_ =	shalt  }
0x83: {  	_ =	shalt  }
0x84: {  	_ =	shalt  }
0x85: {  	_ =	shalt  }
0x86: {  	_ =	shalt  }
0x87: {  	_ =	shalt  }
.Lfunc_end0:
.L_simem_size_0:
called_computation_lowered:
.L_overlay_start_0:
0x88: {  	s2 =	sld [smem:$0x3FD9]  }
0x89: {  	s3 =	sld [smem:$0x3FFE];
	_ =	sdelay $0x1  }
0x8a: {  	s1 =	srdreg.scid  }
0x8b: {  	s0 =	sand.u32 $0x1, s1  }
0x8c: {  	s16 =	sshll.u32 s0, $0xA;
	s2 =	sadd.s32 s3, s2  }
0x8d: {  	s2 =	sadd.s32 s2, s16  }
0x8e: {  	[smem:$0x3FC0] =	sst s2  }
0x8f: {  	_ = 	snop  }
0x90: {  	(tm) =	ssettm $0x1  }
0x91: {  	s17 =	sld [smem:$0x3FFB];
	_ =	sdelay $0x3  }
0x92: {  	_ =	strace s17  }
0x93: {  	s2 =	sld [smem:$0x3FFC];
	_ =	sdelay $0x3  }
0x94: {  	_ =	strace s2  }
0x95: {  	s2 =	sld [smem:$0x3FFD];
	_ =	sdelay $0x3  }
0x96: {  	_ =	strace s2  }
0x97: {  	_ =	strace $0x8FFFFFFF  }
0x98: {  	s18 =	sld [smem:$0x3FDB];
	_ =	sdelay $0x1  }
0x99: {  	s19 =	simm.s32 $_scs_section_size  }
0x9a: {  	s4 =	simm.s32 $_size__tile_overlayer_lowered;
	s5 =	simm.s32 $_tile_overlayer_lowered  }
0x9b: {  	s22 =	simm.s32 $0x1BFF;
	s21 =	sshll.u32 s5, $0x1;
	s2 =	sadd.s32 s19, s18  }
0x9c: {  	s6 =	simm.s32 $0x0;
	s20 =	sshll.u32 s4, $0x1;
	s4 =	sadd.s32 s21, s2  }
0x9d: {  	[timem:s6], [sflag:s22] =	dma.local [hbm:s4], s20  }
0x9e: {  	_ =	swait.ge [sflag:s22], s20  }
0x9f: {  	s3 =	ssub.s32 $0x0, s20;
	[sflag:s22] =	ssyncset.done $0x0  }
0xa0: {  	[sflag:s22] =	ssyncadd.s32 s3;
	_ =	sdelay $0x1  }
0xa1: {  	s23 =	simm.s32 $0x1B8B  }
0xa2: {  	_ =	swait.ge [sflag:s23], $0x1  }
0xa3: {  	[sflag:s23] =	ssyncset.done $0x0  }
0xa4: {  	s25 =	simm.s32 $0x1B8E;
	s24 =	sld [smem:$0x3FFE];
	[sflag:s23] =	ssyncadd.s32 $0xFFFFFFFF  }
0xa5: {  	s26 =	simm.s32 $execute0_lowered;
	[smem:$0x3FD2] =	sst s25  }
0xa6: {  	s4 =	sshll.u32 s26, $0x1;
	_ =	strace $0x80000046;
	[dreg:$0x1] =	wrdreg $0xFFFFFFFF  }
0xa7: {  	s28 =	simm.s32 $_size_execute0_lowered;
	s2 =	sadd.s32 s2, s4;
	[dreg:$0x0] =	wrdreg $0x0  }
0xa8: {  	s4 =	sshll.u32 s28, $0x1;
	[dreg:$0x2] =	wrdreg s2  }
0xa9: {  	[dreg:$0x3] =	wrdreg s4  }
0xaa: {  	[dreg:$0x4] =	wrdreg $0xC0  }
0xab: {  	_ =	task [dreg:s6], $0x5FFFF  }
0xac: {  	[dreg:$0x1] =	wrdreg $0xFFFFFFFF  }
0xad: {  	[dreg:$0x0] =	wrdreg $0x60  }
0xae: {  	[dreg:$0x2] =	wrdreg s24  }
0xaf: {  	[dreg:$0x3] =	wrdreg $0xA8000  }
0xb0: {  	[dreg:$0x4] =	wrdreg $0x9  }
0xb1: {  	_ =	task.clear_ibuf [dreg:s6], $0x5FFFF;
	_ =	strace $0x90000046  }
0xb2: {  	s29 =	simm.s32 $0x9;
	_ =	strace $0x80000048  }
0xb3: {  	_ =	swait.ge [sflag:s29], $0x1  }
0xb4: {  	[sflag:s29] =	ssyncadd.s32 $0xFFFFFFFF  }
0xb5: {  	_ =	strace $0x90000048  }
0xb6: {  	_ =	sfence  }
0xb7: {  	s30 =	sld [smem:$0x0];
	_ =	sdelay $0x2  }
0xb8: {  	s31 =	sshll.u32 s1, $0xD;
	s1 =	sshrl.u32 s1, $0x2  }
0xb9: {  	s3 =	sand.u32 $0x4000, s31;
	s1 =	sadd.s32 s1, s30  }
0xba: {  	s0 =	sor.u32 s3, s0;
	s1 =	sshll.u32 s1, $0x11  }
0xbb: {  	s0 =	sor.u32 s1, s0  }
0xbc: {  	s0 =	sadd.s32 $0x8F2B, s0  }
0xbd: {  	[sflag:s0] =	ssyncadd.remote.s32 $0x1  }
0xbe: {  	_ =	sfence.sel $0xFFFF  }
0xbf: {  	[dreg:$0x0] =	wrdreg $0xFFFFFFFF;
	(pc) =	sbr.abs _section_cstart, $3  }
0xc0: {  	[dreg:$0x1] =	wrdreg $0xFFFFFFFF  }
0xc1: {  	_ =	task.clear_ibuf [dreg:s6], $0x2FFFF;
	_ =	strace $0x9FFFFFFF  }
0xc2: {  	(tm) =	ssettm $0x7FFFFFFF  }
0xc3: {  	_ =	shalt  }
tec
execute0_lowered:
.L_overlay_start_1:
0x0: {  	(tag) =	ssettag $0x1  }
0x1: {  	s0 =	stileid.u32  }
0x2: {  	s1 =	srdreg.scid;
	s5 =	smul.u32 $0xA00, s0  }
0x3: {  	s4 =	rddreg [dreg:$0x0];
	s9 =	smul.u32 $0x280, s0  }
0x4: {  	s2 =	rddreg [dreg:$0x1];
	s3 =	simm.s32 $0x0;
	s11 =	smul.u32 $0x50000, s0  }
0x5: {  	s6 =	sand.u32 $0x1, s1;
	s1 =	rddreg [dreg:$0x2];
	s16 =	smul.u32 $0x2800, s0  }
0x6: {  	[smem:$0x7FF] =	sst s3;
	s7 =	smul.u32 $0x28000, s6  }
0x7: {  	s8 =	smul.u32 $0x500, s6;
	s6 =	ssub.s32 $0x2, s6;
	_ =	strace $0x80000047  }
0x8: {  	s10 =	sshrl.u32 s6, $0x1;
	s5 =	sadd.s32 s5, s4;
	s26 =	sshrl.u32 s11, $0x2  }
0x9: {  	s28 =	sadd.s32 $0x80, s9;
	s13 =	sadd.s32 $0x100, s9;
	s14 =	sadd.s32 $0x180, s9  }
0xa: {  	s15 =	sadd.s32 $0x200, s9;
	s11 =	simm.s32 $0x1;
	s12 =	sadd.s32 s7, s4  }
0xb: {  	s10 =	ssub.s32 s6, s10;
	s25 =	sadd.s32 s8, s5;
	s5 =	sadd.s32 s26, s2  }
0xc: {  	s29 =	sshll.u32 s28, $0x7;
	s30 =	sshll.u32 s13, $0x7;
	s31 =	sshll.u32 s14, $0x7  }
0xd: {  	s9 =	sshll.u32 s15, $0x7;
	s17 =	sshll.u32 s28, $0x4;
	s18 =	sshll.u32 s13, $0x4  }
0xe: {  	s20 =	sshll.u32 s14, $0x4;
	s21 =	sshll.u32 s15, $0x4;
	s13 =	simm.s32 $0x80  }
0xf: {  	s14 =	simm.s32 $0x2800;
	s4 =	sadd.s32 $0x2400, s25;
	s6 =	sadd.s32 s29, s2  }
0x10: {  	s7 =	sadd.s32 s30, s2;
	s8 =	sadd.s32 s31, s2;
	s9 =	sadd.s32 s9, s2  }
0x11: {  	s19 =	sadd.s32 $0xC400, s12;
	s10 =	smax.u32 s10, $0x1;
	s12 =	simm.s32 $0x6800  }
0x12: {  	s15 =	sadd.s32 s16, s19;
	s16 =	sadd.s32 s17, s19;
	s17 =	sadd.s32 s18, s19  }
0x13: {  	v0 =	vimm.f32 $1.000000000e+00;
	v1 =	vimm.f32 $0.0e+00;
	s18 =	sadd.s32 s20, s19;
	s19 =	sadd.s32 s21, s19;
	s20 =	simm.s32 $0x0  }
.LBB2_1:
0x14: {  	[tilespmem:s3], [sflag:$0x1] =	stream.linear.gather [hbm4b:s4+s3], $0x2800, $0x38;
	[tilespmem:$0xD000] =	vst v63  }
0x15: {  	_ =	swait.ge [sflag:s11], $0x2800  }
0x16: {  	[sflag:s11] =	ssyncset.done $0x0  }
0x17: {  	s21 =	simm.s32 $0x0;
	[sflag:s11] =	ssyncadd.s32 $0xFFFFD800  }
.LBB2_2:
0x18: {  	p0 =	sne.s32 s21, $0xFE00  }
.Ltmp0:
0x19: {  	_ = 	snop;
	(pc) =	sbr.rel @p0 .LBB2_2-.Ltmp0, $3  }
0x1a: {  	_ =	sdelay $0x1  }
0x1b: {  	s22 =	sshra.s32 s21, $0x2  }
0x1c: {  	s21 =	sadd.s32 $0x200, s21;
	[tilespmem:s22+$0x2800] =	vst v0  }
0x1d: {  	s21 =	simm.s32 $0x200;
	s22 =	simm.s32 $0x0  }
.LBB2_4:
0x1e: {  	p0 =	sne.s32 s21, $0xFE00;
	[tilespmem:s22+$0x6800] =	vst v1;
	s22 =	smov.u32 s21;
	s21 =	sadd.s32 $0x200, s21  }
.Ltmp1:
0x1f: {  	(pc) =	sbr.rel @p0 .LBB2_4-.Ltmp1, $2  }
0x20: {  	_ =	sdelay $0x2  }
0x21: {  	s22 =	sshra.s32 s22, $0x2  }
0x22: {  	[tilespmem:s22+$0x6800] =	vst v1  }
0x23: {  	[spmem:s5] =	stream.linear.scatter [tilespmem:s12], [sflag:$0x1], $0x4000, $0x38;
	[tilespmem:$0xD000] =	vst v63  }
0x24: {  	_ =	swait.ge [sflag:s11], $0x4000  }
0x25: {  	[sflag:s11] =	ssyncset.done $0x0  }
0x26: {  	[sflag:s11] =	ssyncadd.s32 $0xFFFFC000  }
0x27: {  	[spmem:s6] =	stream.linear.scatter [tilespmem:s12], [sflag:$0x1], $0x4000, $0x38;
	[tilespmem:$0xD000] =	vst v63  }
0x28: {  	_ =	swait.ge [sflag:s11], $0x4000  }
0x29: {  	[sflag:s11] =	ssyncset.done $0x0  }
0x2a: {  	[sflag:s11] =	ssyncadd.s32 $0xFFFFC000  }
0x2b: {  	[spmem:s7] =	stream.linear.scatter [tilespmem:s12], [sflag:$0x1], $0x4000, $0x38;
	[tilespmem:$0xD000] =	vst v63  }
0x2c: {  	_ =	swait.ge [sflag:s11], $0x4000  }
0x2d: {  	[sflag:s11] =	ssyncset.done $0x0  }
0x2e: {  	[sflag:s11] =	ssyncadd.s32 $0xFFFFC000  }
0x2f: {  	[spmem:s8] =	stream.linear.scatter [tilespmem:s12], [sflag:$0x1], $0x4000, $0x38;
	[tilespmem:$0xD000] =	vst v63  }
0x30: {  	_ =	swait.ge [sflag:s11], $0x4000  }
0x31: {  	[sflag:s11] =	ssyncset.done $0x0  }
0x32: {  	[sflag:s11] =	ssyncadd.s32 $0xFFFFC000  }
0x33: {  	[spmem:s9] =	stream.linear.scatter [tilespmem:s12], [sflag:$0x1], $0x4000, $0x38;
	[tilespmem:$0xD000] =	vst v63  }
0x34: {  	_ =	swait.ge [sflag:s11], $0x4000  }
0x35: {  	[sflag:s11] =	ssyncset.done $0x0  }
0x36: {  	[sflag:s11] =	ssyncadd.s32 $0xFFFFC000  }
0x37: {  	s21 =	simm.s32 $0x0;
	[bflag:$0x0] =	sbarrier.arrive $0xFFFF  }
0x38: {  	[spmem:s2] =	stream.indirect.scatter.add.f32 [tilespmem:s14], [sflag:$0x1], $0x10, s21, s13, $0xb8;
	[tilespmem:$0xD000] =	vst v63  }
0x39: {  	_ =	swait.ge [sflag:s11], $0x800  }
0x3a: {  	s21 =	simm.s32 $0x200;
	[sflag:s11] =	ssyncset.done $0x0  }
.LBB2_6:
0x3b: {  	s22 =	sshra.s32 s21, $0x2;
	[sflag:s11] =	ssyncadd.s32 $0xFFFFF800;
	p0 =	sne.s32 s21, $0x9E00  }
0x3c: {  	[spmem:s2] =	stream.indirect.scatter.add.f32 [tilespmem:s14], [sflag:$0x1], $0x10, s22, s13, $0xb8;
	[tilespmem:$0xD000] =	vst v63  }
.Ltmp2:
0x3d: {  	_ = 	snop;
	(pc) =	sbr.rel @p0 .LBB2_6-.Ltmp2, $4  }
0x3e: {  	_ = 	snop  }
0x3f: {  	s21 =	sadd.s32 $0x200, s21  }
0x40: {  	_ =	swait.ge [sflag:s11], $0x800  }
0x41: {  	[sflag:s11] =	ssyncset.done $0x0  }
0x42: {  	[sflag:s11] =	ssyncadd.s32 $0xFFFFF800  }
0x43: {  	[bflag:$0x0] =	sbarrier.arrive $0xFFFF  }
0x44: {  	[tilespmem:s12], [sflag:$0x1] =	stream.linear.gather [spmem:s5], $0x4000, $0x38;
	[tilespmem:$0xD000] =	vst v63  }
0x45: {  	_ =	swait.ge [sflag:s11], $0x4000  }
0x46: {  	[sflag:s11] =	ssyncset.done $0x0  }
0x47: {  	[sflag:s11] =	ssyncadd.s32 $0xFFFFC000  }
0x48: {  	[hbm4b:s15+s3] =	stream.linear.scatter [tilespmem:s12], [sflag:$0x1], $0x4000, $0x38;
	[tilespmem:$0xD000] =	vst v63  }
0x49: {  	_ =	swait.ge [sflag:s11], $0x4000  }
0x4a: {  	[sflag:s11] =	ssyncset.done $0x0  }
0x4b: {  	[sflag:s11] =	ssyncadd.s32 $0xFFFFC000  }
0x4c: {  	[tilespmem:s12], [sflag:$0x1] =	stream.linear.gather [spmem:s6], $0x4000, $0x38;
	[tilespmem:$0xD000] =	vst v63  }
0x4d: {  	_ =	swait.ge [sflag:s11], $0x4000  }
0x4e: {  	[sflag:s11] =	ssyncset.done $0x0  }
0x4f: {  	[sflag:s11] =	ssyncadd.s32 $0xFFFFC000  }
0x50: {  	[hbm4b:s16+s3] =	stream.linear.scatter [tilespmem:s12], [sflag:$0x1], $0x4000, $0x38;
	[tilespmem:$0xD000] =	vst v63  }
0x51: {  	_ =	swait.ge [sflag:s11], $0x4000  }
0x52: {  	[sflag:s11] =	ssyncset.done $0x0  }
0x53: {  	[sflag:s11] =	ssyncadd.s32 $0xFFFFC000  }
0x54: {  	[tilespmem:s12], [sflag:$0x1] =	stream.linear.gather [spmem:s7], $0x4000, $0x38;
	[tilespmem:$0xD000] =	vst v63  }
0x55: {  	_ =	swait.ge [sflag:s11], $0x4000  }
0x56: {  	[sflag:s11] =	ssyncset.done $0x0  }
0x57: {  	[sflag:s11] =	ssyncadd.s32 $0xFFFFC000  }
0x58: {  	[hbm4b:s17+s3] =	stream.linear.scatter [tilespmem:s12], [sflag:$0x1], $0x4000, $0x38;
	[tilespmem:$0xD000] =	vst v63  }
0x59: {  	_ =	swait.ge [sflag:s11], $0x4000  }
0x5a: {  	[sflag:s11] =	ssyncset.done $0x0  }
0x5b: {  	[sflag:s11] =	ssyncadd.s32 $0xFFFFC000  }
0x5c: {  	[tilespmem:s12], [sflag:$0x1] =	stream.linear.gather [spmem:s8], $0x4000, $0x38;
	[tilespmem:$0xD000] =	vst v63  }
0x5d: {  	_ =	swait.ge [sflag:s11], $0x4000  }
0x5e: {  	[sflag:s11] =	ssyncset.done $0x0  }
0x5f: {  	[sflag:s11] =	ssyncadd.s32 $0xFFFFC000  }
0x60: {  	[hbm4b:s18+s3] =	stream.linear.scatter [tilespmem:s12], [sflag:$0x1], $0x4000, $0x38;
	[tilespmem:$0xD000] =	vst v63  }
0x61: {  	_ =	swait.ge [sflag:s11], $0x4000  }
0x62: {  	[sflag:s11] =	ssyncset.done $0x0  }
0x63: {  	[sflag:s11] =	ssyncadd.s32 $0xFFFFC000  }
0x64: {  	[tilespmem:s12], [sflag:$0x1] =	stream.linear.gather [spmem:s9], $0x4000, $0x38;
	[tilespmem:$0xD000] =	vst v63  }
0x65: {  	s20 =	sadd.s32 $0x1, s20;
	_ =	swait.ge [sflag:s11], $0x4000  }
0x66: {  	p0 =	sne.s32 s20, s10;
	[sflag:s11] =	ssyncset.done $0x0  }
.Ltmp3:
0x67: {  	[sflag:s11] =	ssyncadd.s32 $0xFFFFC000;
	(pc) =	sbr.rel @p0 .LBB2_1-.Ltmp3, $4  }
0x68: {  	[hbm4b:s19+s3] =	stream.linear.scatter [tilespmem:s12], [sflag:$0x1], $0x4000, $0x38;
	[tilespmem:$0xD000] =	vst v63  }
0x69: {  	_ =	swait.ge [sflag:s11], $0x4000  }
0x6a: {  	[sflag:s11] =	ssyncset.done $0x0  }
0x6b: {  	[sflag:s11] =	ssyncadd.s32 $0xFFFFC000  }
0x6c: {  	_ =	sfence.sel $0x180000  }
0x6d: {  	[bflag:$0x0] =	sbarrier.arrive $0xFFFF  }
0x6e: {  	p0 =	sne.s32 s0, $0x0;
	_ =	strace $0x90000047  }
0x6f: {  	s0 =	sadd.s32 @!p0 $0x100000, s1;
	[bflag:$0x2] =	sbarrier.arrive $0xFFFF  }
0x70: {  	[sflag:s0] =	ssyncadd.tile.s32 @!p0 $0x1;
	_ =	shalt  }
.Lfunc_end2:
_tile_overlayer_lowered:
.L_overlay_start_2:
0x71: {  	(tag) =	ssettag $0x2  }
0x72: {  	s0 =	rddreg [dreg:$0x0];
	s2 =	stileid.u32  }
0x73: {  	s1 =	rddreg [dreg:$0x1];
	p0 =	sne.s32 s2, $0x0  }
0x74: {  	s3 =	rddreg [dreg:$0x2];
	[bflag:$0x3] =	sbarrier.arrive $0xFFFF;
	s2 =	simm.s32 @!p0 $0x1C01  }
0x75: {  	[timem:s3], [sflag:s2] =	dma.local @!p0 [hbm:s0], s1  }
0x76: {  	s0 =	simm.s32 @!p0 $0x1  }
0x77: {  	_ =	swait.ge @!p0 [sflag:s0], s1  }
0x78: {  	s1 =	ssub.s32 @!p0 $0x0, s1;
	[sflag:s0] =	ssyncset.done @!p0 $0x0  }
0x79: {  	[sflag:s0] =	ssyncadd.s32 @!p0 s1  }
0x7a: {  	[bflag:$0x3] =	sbarrier.arrive $0xFFFF  }
0x7b: {  	_ =	shalt  }

</sc_bundles>
